<compile_context>
chip_gen: v7x
topology: tpu7x:2x2x1
jax: 0.10.2.dev20260603
libtpu: 0.0.44.dev20260713+nightly
codegen_flags: <defaults>
</compile_context>

<pallas_src>
import jax
import jax.numpy as jnp
from jax import lax
from jax.experimental import pallas as pl
from jax.experimental.pallas import tpu as pltpu
from jax.experimental.pallas import tpu_sc as plsc

_NC = 2
_NS = 16
_NW = _NC * _NS
_BLK = 128
_SCHUNK = 8
_NSETS = 3


def _ceil_to(x, m):
    return (x + m - 1) // m * m


def _mesh():
    return plsc.VectorSubcoreMesh(core_axis_name="c", subcore_axis_name="s")


_SC_PARAMS = pltpu.CompilerParams(use_tc_tiling_on_sc=False)


def _make_deg_kernel(n_pad, ebm, ebx):
    ns = _NSETS
    bpt = (ebm + ebx) // _NW
    wpt = bpt // _SCHUNK
    rpt = n_pad // _NS

    def body(main_hbm, extra_hbm, zeros_hbm, out_hbm, acc, idx, ones, zb,
             semS, semI):
        cid = lax.axis_index("c")
        sid = lax.axis_index("s")
        wid = cid * _NS + sid
        base = wid * bpt

        def load_idx(blk, buf, sem):
            @pl.when(blk < ebm)
            def _():
                pltpu.async_copy(main_hbm.at[1, pl.ds(blk, _SCHUNK)], buf,
                                 sem)

            @pl.when(blk >= ebm)
            def _():
                pltpu.async_copy(extra_hbm.at[pl.ds(blk - ebm, _SCHUNK)],
                                 buf, sem)

        for i in range(_BLK // 16):
            ones[pl.ds(i * 16, 16)] = jnp.full((16,), 1.0, jnp.float32)

        pltpu.sync_copy(zeros_hbm.at[pl.ds(sid * rpt, rpt)], zb)
        pltpu.sync_copy(zb, acc.at[pl.ds(sid * rpt, rpt)])
        plsc.subcore_barrier()

        load_idx(base, idx.at[0], semI)
        pltpu.make_async_copy(main_hbm.at[0, pl.ds(0, _SCHUNK)],
                              idx.at[0], semI).wait()
        if wpt > 1:
            load_idx(base + _SCHUNK, idx.at[1], semI)

        def wave(w, _):
            prv = (w + ns - 1) % ns
            cur = w % ns
            nxt = (w + 1) % ns
            nn = (w + 2) % ns

            @pl.when(w > 0)
            def _():
                pltpu.make_async_copy(main_hbm.at[0, pl.ds(0, _SCHUNK)],
                                      idx.at[prv], semS).wait()

            for j in range(_SCHUNK):
                pltpu.async_copy(ones, acc.at[idx.at[cur, j]], semS,
                                 add=True)

            @pl.when(w < wpt - 1)
            def _():
                pltpu.make_async_copy(main_hbm.at[0, pl.ds(0, _SCHUNK)],
                                      idx.at[nxt], semI).wait()

            @pl.when(w < wpt - 2)
            def _():
                load_idx(base + (w + 2) * _SCHUNK, idx.at[nn], semI)

            return ()

        lax.fori_loop(0, wpt, wave, (), unroll=False)

        pltpu.make_async_copy(main_hbm.at[0, pl.ds(0, _SCHUNK)],
                              idx.at[(wpt - 1) % ns], semS).wait()
        plsc.subcore_barrier()
        pltpu.sync_copy(acc.at[pl.ds(sid * rpt, rpt)], zb)
        pltpu.sync_copy(zb, out_hbm.at[pl.ds(cid * n_pad + sid * rpt, rpt)])

    return pl.kernel(
        body,
        out_type=jax.ShapeDtypeStruct((_NC * n_pad,), jnp.float32),
        mesh=_mesh(),
        compiler_params=_SC_PARAMS,
        scratch_types=[
            pltpu.VMEM_SHARED((n_pad,), jnp.float32),
            pltpu.VMEM((_NSETS, _SCHUNK, _BLK), jnp.int32),
            pltpu.VMEM((_BLK,), jnp.float32),
            pltpu.VMEM((n_pad // _NS,), jnp.float32),
            pltpu.SemaphoreType.DMA,
            pltpu.SemaphoreType.DMA,
        ],
    )


def _make_agg_kernel(n_pad, ebm, ebx, width):
    schunk = _SCHUNK if width <= 8 else _SCHUNK // 2
    ns = _NSETS
    bpt = (ebm + ebx) // _NW
    wpt = bpt // schunk
    rpt = n_pad // _NS
    stage = ns * schunk * _BLK

    def body(g_hbm, main_hbm, xsrc_hbm, xdst_hbm, zeros_hbm, dummy_hbm,
             out_hbm, acc, sidx, didx, rows, semG, semS, semI):
        cid = lax.axis_index("c")
        sid = lax.axis_index("s")
        wid = cid * _NS + sid
        base = wid * bpt

        def load_idx2(blk, sbuf, dbuf, sem):
            @pl.when(blk < ebm)
            def _():
                pltpu.async_copy(main_hbm.at[0, pl.ds(blk, schunk)], sbuf,
                                 sem)
                pltpu.async_copy(main_hbm.at[1, pl.ds(blk, schunk)], dbuf,
                                 sem)

            @pl.when(blk >= ebm)
            def _():
                pltpu.async_copy(xsrc_hbm.at[pl.ds(blk - ebm, schunk)],
                                 sbuf, sem)
                pltpu.async_copy(xdst_hbm.at[pl.ds(blk - ebm, schunk)],
                                 dbuf, sem)

        def rowbuf(b):
            return rows.at[pl.ds(b * _BLK, _BLK)]

        def rowset(s):
            return rows.at[pl.ds(s * schunk * _BLK, schunk * _BLK)]

        pos = 0
        while pos < rpt:
            sz = min(stage, rpt - pos)
            pltpu.sync_copy(zeros_hbm.at[pl.ds(sid * rpt + pos, sz)],
                            rows.at[pl.ds(0, sz)])
            pltpu.sync_copy(rows.at[pl.ds(0, sz)],
                            acc.at[pl.ds(sid * rpt + pos, sz)])
            pos += sz
        plsc.subcore_barrier()

        load_idx2(base, sidx.at[0], didx.at[0], semI)
        pltpu.make_async_copy(main_hbm.at[0, pl.ds(0, schunk)], sidx.at[0],
                              semI).wait()
        pltpu.make_async_copy(main_hbm.at[0, pl.ds(0, schunk)], didx.at[0],
                              semI).wait()
        if wpt > 1:
            load_idx2(base + schunk, sidx.at[1], didx.at[1], semI)
        for j in range(schunk):
            pltpu.async_copy(g_hbm.at[sidx.at[0, j]], rowbuf(j), semG)

        def wave(w, _):
            prv = (w + ns - 1) % ns
            cur = w % ns
            nxt = (w + 1) % ns
            nn = (w + 2) % ns

            @pl.when(w > 0)
            def _():
                pltpu.make_async_copy(dummy_hbm, rowset(prv), semS).wait()

            pltpu.make_async_copy(dummy_hbm, rowset(cur), semG).wait()
            for j in range(schunk):
                pltpu.async_copy(rowbuf(cur * schunk + j),
                                 acc.at[didx.at[cur, j]], semS, add=True)

            @pl.when(w < wpt - 1)
            def _():
                pltpu.make_async_copy(main_hbm.at[0, pl.ds(0, schunk)],
                                      sidx.at[nxt], semI).wait()
                pltpu.make_async_copy(main_hbm.at[0, pl.ds(0, schunk)],
                                      didx.at[nxt], semI).wait()

            @pl.when(w < wpt - 2)
            def _():
                load_idx2(base + (w + 2) * schunk, sidx.at[nn],
                          didx.at[nn], semI)

            @pl.when(w < wpt - 1)
            def _():
                for j in range(schunk):
                    pltpu.async_copy(g_hbm.at[sidx.at[nxt, j]],
                                     rowbuf(nxt * schunk + j), semG)

            return ()

        lax.fori_loop(0, wpt, wave, (), unroll=False)

        pltpu.make_async_copy(dummy_hbm, rowset((wpt - 1) % ns),
                              semS).wait()
        plsc.subcore_barrier()
        pos = 0
        while pos < rpt:
            sz = min(stage, rpt - pos)
            pltpu.sync_copy(acc.at[pl.ds(sid * rpt + pos, sz)],
                            rows.at[pl.ds(0, sz)])
            pltpu.sync_copy(rows.at[pl.ds(0, sz)],
                            out_hbm.at[pl.ds(cid * n_pad + sid * rpt + pos,
                                             sz)])
            pos += sz

    return pl.kernel(
        body,
        out_type=jax.ShapeDtypeStruct((_NC * n_pad, width), jnp.float32),
        mesh=_mesh(),
        compiler_params=_SC_PARAMS,
        scratch_types=[
            pltpu.VMEM_SHARED((n_pad, width), jnp.float32),
            pltpu.VMEM((ns, schunk, _BLK), jnp.int32),
            pltpu.VMEM((ns, schunk, _BLK), jnp.int32),
            pltpu.VMEM((ns * schunk * _BLK, width), jnp.float32),
            pltpu.SemaphoreType.DMA,
            pltpu.SemaphoreType.DMA,
            pltpu.SemaphoreType.DMA,
        ],
    )




def _lin1_body(xw_ref, p0_ref, p1_ref, w1bd_ref, e8_ref, g_ref):
    dis = lax.rsqrt(jnp.maximum(p0_ref[...] + p1_ref[...], 1.0))
    disg = jnp.dot(dis, e8_ref[...], preferred_element_type=jnp.float32)
    h = jnp.dot(xw_ref[...], w1bd_ref[...],
                preferred_element_type=jnp.float32)
    g_ref[...] = h * disg


def _lin2_body(p0w_ref, p1w_ref, p0d_ref, p1d_ref, w2bd_ref, e8a_ref,
               e8b_ref, b1g_ref, g2_ref):
    dis = lax.rsqrt(jnp.maximum(p0d_ref[...] + p1d_ref[...], 1.0))
    disg = jnp.dot(dis, e8a_ref[...], preferred_element_type=jnp.float32)
    s = p0w_ref[...] + p1w_ref[...]
    f = jnp.maximum(s * disg + b1g_ref[...], 0.0)
    z = jnp.dot(f, w2bd_ref[...], preferred_element_type=jnp.float32)
    g2_ref[...] = z * jnp.dot(dis, e8b_ref[...],
                              preferred_element_type=jnp.float32)


def _out_body(p0w_ref, p1w_ref, p0d_ref, p1d_ref, e16_ref, gsum_ref,
              swp_ref, b2g_ref, sel_ref, o_ref):
    dis = lax.rsqrt(jnp.maximum(p0d_ref[...] + p1d_ref[...], 1.0))
    disg = jnp.dot(dis, e16_ref[...], preferred_element_type=jnp.float32)
    o = (p0w_ref[...] + p1w_ref[...]) * disg + b2g_ref[...]
    m = jnp.maximum(o, jnp.dot(o, swp_ref[...],
                               preferred_element_type=jnp.float32))
    e = jnp.exp(o - m) * sel_ref[...]
    lse = jnp.log(jnp.dot(e, gsum_ref[...],
                          preferred_element_type=jnp.float32))
    o_ref[...] = o - m - lse


def kernel(x, edge_index, W1, b1, W2, b2):
    n, d_in = x.shape
    e = edge_index.shape[1]
    d_hid = W1.shape[1]
    d_out = W2.shape[1]
    f32 = jnp.float32

    n_pad = _ceil_to(n + 1, 2048)
    rw1 = n_pad * d_hid // 128
    rw2 = n_pad * 8 // 128
    rdeg = n_pad // 8

    em = e - e % (_BLK * _SCHUNK)
    ep = _ceil_to(e + n, _NW * _SCHUNK * _BLK)
    npad_e = ep - (e + n)
    ebm = em // _BLK
    ebx = (ep - em) // _BLK
    loop = jnp.arange(n, dtype=jnp.int32)
    pad_src = jnp.arange(npad_e, dtype=jnp.int32) % 1024
    pad_dst = n + jnp.arange(npad_e, dtype=jnp.int32) % (n_pad - n)
    main = edge_index[:, :em].reshape(2, ebm, _BLK)
    xsrc = jnp.concatenate([edge_index[0, em:], loop, pad_src]).reshape(
        ebx, _BLK)
    xdst = jnp.concatenate([edge_index[1, em:], loop, pad_dst]).reshape(
        ebx, _BLK)

    zeros1 = jnp.zeros((n_pad,), f32)
    zeros_h = jnp.zeros((n_pad, d_hid), f32)
    zeros_o = jnp.zeros((n_pad, 8), f32)
    dummy_h = jnp.zeros((_SCHUNK // 2 * _BLK, d_hid), f32)
    dummy_o = jnp.zeros((_SCHUNK * _BLK, 8), f32)

    W1bd = jax.scipy.linalg.block_diag(*([W1] * 8))
    W2p = jnp.concatenate([W2, jnp.zeros((d_hid, 8 - d_out), f32)], axis=1)
    W2bd = jax.scipy.linalg.block_diag(*([W2p] * 8))
    E8_128 = jnp.repeat(jnp.eye(8, dtype=f32), d_hid, axis=1)
    E8_64 = jnp.repeat(jnp.eye(8, dtype=f32), 8, axis=1)
    E16_128 = jnp.repeat(jnp.eye(16, dtype=f32), 8, axis=1)
    b1g = jnp.tile(b1, 8).reshape(1, 128)
    b2g = jnp.tile(jnp.concatenate([b2, jnp.zeros((8 - d_out,), f32)]),
                   16).reshape(1, 128)
    col = jnp.arange(128)
    sel = (col % 8 < d_out).astype(f32).reshape(1, 128)
    gsum = ((col[:, None] // 8 == col[None, :] // 8)
            & (col[:, None] % 8 < d_out)).astype(f32)
    swap_idx = jnp.where(col % 8 < d_out, col ^ 1, col)
    swp = (col[:, None] == swap_idx[None, :]).astype(f32)

    degp = _make_deg_kernel(n_pad, ebm, ebx)(main, xdst, zeros1)
    p0d8 = degp.reshape(2 * rdeg, 8)
    p0d16 = degp.reshape(rdeg, 16)

    xw = jnp.pad(x.reshape(n // 8, 8 * d_in),
                 ((0, (n_pad - n) // 8), (0, 0)))

    bw = n_pad // 8 // 8
    bf = n_pad // 16 // 8

    g1w = pl.pallas_call(
        _lin1_body,
        grid=(8,),
        in_specs=[
            pl.BlockSpec((bw, 8 * d_in), lambda i: (i, 0)),
            pl.BlockSpec((bw, 8), lambda i: (i, 0)),
            pl.BlockSpec((bw, 8), lambda i: (i + 8, 0)),
            pl.BlockSpec((8 * d_in, 128), lambda i: (0, 0)),
            pl.BlockSpec((8, 128), lambda i: (0, 0)),
        ],
        out_specs=pl.BlockSpec((bw, 128), lambda i: (i, 0)),
        out_shape=jax.ShapeDtypeStruct((n_pad // 8, 128), f32),
    )(xw, p0d8, p0d8, W1bd, E8_128)
    g1 = g1w.reshape(n_pad, d_hid)

    aggp1 = _make_agg_kernel(n_pad, ebm, ebx, d_hid)(
        g1, main, xsrc, xdst, zeros_h, dummy_h)
    ap1w = aggp1.reshape(2 * n_pad * d_hid // 128, 128)

    g2w = pl.pallas_call(
        _lin2_body,
        grid=(8,),
        in_specs=[
            pl.BlockSpec((bw, 128), lambda i: (i, 0)),
            pl.BlockSpec((bw, 128), lambda i: (i + 8, 0)),
            pl.BlockSpec((bw, 8), lambda i: (i, 0)),
            pl.BlockSpec((bw, 8), lambda i: (i + 8, 0)),
            pl.BlockSpec((128, 64), lambda i: (0, 0)),
            pl.BlockSpec((8, 128), lambda i: (0, 0)),
            pl.BlockSpec((8, 64), lambda i: (0, 0)),
            pl.BlockSpec((1, 128), lambda i: (0, 0)),
        ],
        out_specs=pl.BlockSpec((bw, 64), lambda i: (i, 0)),
        out_shape=jax.ShapeDtypeStruct((n_pad // 8, 64), f32),
    )(ap1w, ap1w, p0d8, p0d8, W2bd, E8_128, E8_64, b1g)
    g2 = g2w.reshape(n_pad, 8)

    aggp2 = _make_agg_kernel(n_pad, ebm, ebx, 8)(
        g2, main, xsrc, xdst, zeros_o, dummy_o)
    ap2w = aggp2.reshape(2 * n_pad * 8 // 128, 128)

    outw = pl.pallas_call(
        _out_body,
        grid=(8,),
        in_specs=[
            pl.BlockSpec((bf, 128), lambda i: (i, 0)),
            pl.BlockSpec((bf, 128), lambda i: (i + 8, 0)),
            pl.BlockSpec((bf, 16), lambda i: (i, 0)),
            pl.BlockSpec((bf, 16), lambda i: (i + 8, 0)),
            pl.BlockSpec((16, 128), lambda i: (0, 0)),
            pl.BlockSpec((128, 128), lambda i: (0, 0)),
            pl.BlockSpec((128, 128), lambda i: (0, 0)),
            pl.BlockSpec((1, 128), lambda i: (0, 0)),
            pl.BlockSpec((1, 128), lambda i: (0, 0)),
        ],
        out_specs=pl.BlockSpec((bf, 128), lambda i: (i, 0)),
        out_shape=jax.ShapeDtypeStruct((n_pad // 16, 128), f32),
    )(ap2w, ap2w, p0d16, p0d16, E16_128, gsum, swp, b2g, sel)

    flat = outw.reshape(n_pad * 8)
    cols = [lax.slice(flat, (c,), (n * 8,), (8,)) for c in range(d_out)]
    return jnp.stack(cols, axis=1)

# --- scband reference (transcript-rebuilt; emitter-appended) ---
"""Pipeline reference for scband-gcn-47614007443467 (READ-ONLY COPY).

The authoritative reference and input builder live on the scoring server;
editing this copy changes nothing except your own understanding.
"""

import jax, jax.numpy as jnp
import numpy as np

N = 100000
E = 3200000
D_IN, D_HID, D_OUT = 18, 16, 2


def setup_inputs(seed: int = 0) -> dict:
    key = jax.random.key(seed)
    k1, k2, k3, k4, k5, k6 = jax.random.split(key, 6)
    x = jax.random.normal(k1, (N, D_IN), dtype=jnp.float32)
    edge_index = jax.random.randint(k2, (2, E), 0, N, dtype=jnp.int32)
    W1 = jax.random.normal(k3, (D_IN, D_HID), dtype=jnp.float32) * (1.0 / np.sqrt(D_IN))
    b1 = jnp.zeros((D_HID,), dtype=jnp.float32)
    W2 = jax.random.normal(k4, (D_HID, D_OUT), dtype=jnp.float32) * (1.0 / np.sqrt(D_HID))
    b2 = jnp.zeros((D_OUT,), dtype=jnp.float32)
    return {"x": x, "edge_index": edge_index, "W1": W1, "b1": b1, "W2": W2, "b2": b2}


def _gcn_conv(x, edge_index, W, b):
    # PyG GCNConv: add self-loops, symmetric normalization, linear transform, scatter-add aggregate, bias.
    n = x.shape[0]
    loop = jnp.arange(n, dtype=edge_index.dtype)
    src = jnp.concatenate([edge_index[0], loop])
    dst = jnp.concatenate([edge_index[1], loop])
    deg = jnp.zeros((n,), dtype=x.dtype).at[dst].add(1.0)
    deg_inv_sqrt = jnp.where(deg > 0, jax.lax.rsqrt(jnp.maximum(deg, 1e-12)), 0.0)
    norm = deg_inv_sqrt[src] * deg_inv_sqrt[dst]
    h = x @ W
    msg = h[src] * norm[:, None]
    out = jnp.zeros((n, W.shape[1]), dtype=x.dtype).at[dst].add(msg)
    return out + b


def reference(x, edge_index, W1, b1, W2, b2):
    h = _gcn_conv(x, edge_index, W1, b1)
    h = jax.nn.relu(h)
    # F.dropout(x, training=self.training) is identity in eval mode
    h = _gcn_conv(h, edge_index, W2, b2)
    return jax.nn.log_softmax(h, axis=1)

if __name__ == "__main__":
    import jax
    _d = setup_inputs()
    print(jax.jit(kernel)(*tuple(_d.values())))

</pallas_src>

<mosaic_0001>
#map = affine_map<(d0, d1) -> (0, 0)>
#map1 = affine_map<(d0, d1) -> (0, 0, 0)>
module attributes {stable_mosaic.version = 14 : i64} {
  func.func @body(%arg0: i32, %arg1: i32, %arg2: memref<100352x8xf32, #tpu.memory_space<hbm>>, %arg3: memref<2x25000x128xi32, #tpu.memory_space<hbm>>, %arg4: memref<856x128xi32, #tpu.memory_space<hbm>>, %arg5: memref<856x128xi32, #tpu.memory_space<hbm>>, %arg6: memref<100352x8xf32, #tpu.memory_space<hbm>>, %arg7: memref<1024x8xf32, #tpu.memory_space<hbm>>, %arg8: memref<200704x8xf32, #tpu.memory_space<hbm>>, %arg9: memref<100352x8xf32, #tpu.memory_space<vmem_shared>>, %arg10: memref<3x8x128xi32, #tpu.memory_space<vmem>>, %arg11: memref<3x8x128xi32, #tpu.memory_space<vmem>>, %arg12: memref<3072x8xf32, #tpu.memory_space<vmem>>, %arg13: memref<!tpu.dma_semaphore, #tpu.memory_space<semaphore_mem>>, %arg14: memref<!tpu.dma_semaphore, #tpu.memory_space<semaphore_mem>>, %arg15: memref<!tpu.dma_semaphore, #tpu.memory_space<semaphore_mem>>) attributes {dimension_semantics = [#tpu.dimension_semantics<core_parallel>, #tpu.dimension_semantics<subcore_parallel>], iteration_bounds = array<i64: 2, 16>, scalar_prefetch = 0 : i64, scratch_operands = 7 : i64, tpu.core_type = #tpu.core_type<sc_vector_subcore>, window_params = [{transform_indices = #map}, {transform_indices = #map1}, {transform_indices = #map}, {transform_indices = #map}, {transform_indices = #map}, {transform_indices = #map}, {transform_indices = #map}]} {
    %mul3A = arith.constant 16 : i32
    %mul3A_0 = arith.muli %arg0, %mul3A : i32
    %add3A = arith.addi %mul3A_0, %arg1 : i32
    %mul3A_1 = arith.constant 808 : i32
    %mul3A_2 = arith.muli %add3A, %mul3A_1 : i32
    %mul3A_3 = arith.constant 6272 : i32
    %mul3A_4 = arith.muli %arg1, %mul3A_3 : i32
    %add3A_5 = arith.constant 0 : i32
    %add3A_6 = arith.addi %mul3A_4, %add3A_5 : i32
    "tpu.region"() ({
      %run_scoped3A = tpu.sem_alloc : memref<!tpu.dma_semaphore, #tpu.memory_space<semaphore_mem>>
      %dma_start3A_219 = arith.constant 0 : i32
      %dma_start3A_220 = arith.constant 0 : i32
      %dma_start3A_221 = tpu.memref_slice %arg12[%dma_start3A_219, %dma_start3A_220] : memref<3072x8xf32, #tpu.memory_space<vmem>> -> memref<3072x8xf32, #tpu.memory_space<vmem>>
      %dma_start3A_222 = arith.constant 0 : i32
      %dma_start3A_223 = tpu.memref_slice %arg6[%add3A_6, %dma_start3A_222] : memref<100352x8xf32, #tpu.memory_space<hbm>> -> memref<3072x8xf32, #tpu.memory_space<hbm>>
      %dma_start3A_224 = arith.constant 0 : i32
      %dma_start3A_225 = arith.constant 0 : i32
      %dma_start3A_226 = tpu.memref_slice %arg12[%dma_start3A_224, %dma_start3A_225] : memref<3072x8xf32, #tpu.memory_space<vmem>> -> memref<3072x8xf32, #tpu.memory_space<vmem>>
      %dma_start3A_227 = arith.constant 0 : i32
      %dma_start3A_228 = tpu.memref_slice %arg6[%add3A_6, %dma_start3A_227] : memref<100352x8xf32, #tpu.memory_space<hbm>> -> memref<3072x8xf32, #tpu.memory_space<hbm>>
      tpu.enqueue_dma source(%dma_start3A_228 : memref<3072x8xf32, #tpu.memory_space<hbm>>) target(%dma_start3A_226 : memref<3072x8xf32, #tpu.memory_space<vmem>>) target_semaphore(%run_scoped3A : memref<!tpu.dma_semaphore, #tpu.memory_space<semaphore_mem>>)
      %dma_wait3A_229 = arith.constant 0 : i32
      %dma_wait3A_230 = arith.constant 0 : i32
      %dma_wait3A_231 = tpu.memref_slice %arg12[%dma_wait3A_229, %dma_wait3A_230] : memref<3072x8xf32, #tpu.memory_space<vmem>> -> memref<3072x8xf32, #tpu.memory_space<vmem>>
      %dma_wait3A_232 = arith.constant 0 : i32
      %dma_wait3A_233 = tpu.memref_slice %arg6[%add3A_6, %dma_wait3A_232] : memref<100352x8xf32, #tpu.memory_space<hbm>> -> memref<3072x8xf32, #tpu.memory_space<hbm>>
      %dma_wait3A_234 = arith.constant 0 : i32
      %dma_wait3A_235 = arith.constant 0 : i32
      %dma_wait3A_236 = tpu.memref_slice %arg12[%dma_wait3A_234, %dma_wait3A_235] : memref<3072x8xf32, #tpu.memory_space<vmem>> -> memref<3072x8xf32, #tpu.memory_space<vmem>>
      %dma_wait3A_237 = arith.constant 0 : i32
      %dma_wait3A_238 = tpu.memref_slice %arg6[%add3A_6, %dma_wait3A_237] : memref<100352x8xf32, #tpu.memory_space<hbm>> -> memref<3072x8xf32, #tpu.memory_space<hbm>>
      tpu.wait_dma2 semaphore(%run_scoped3A : memref<!tpu.dma_semaphore, #tpu.memory_space<semaphore_mem>>) src(%dma_wait3A_238 : memref<3072x8xf32, #tpu.memory_space<hbm>>) dst(%dma_wait3A_236 : memref<3072x8xf32, #tpu.memory_space<vmem>>)
      tpu.yield
    }) : () -> ()
    %mul3A_7 = arith.constant 6272 : i32
    %mul3A_8 = arith.muli %arg1, %mul3A_7 : i32
    %add3A_9 = arith.constant 0 : i32
    %add3A_10 = arith.addi %mul3A_8, %add3A_9 : i32
    "tpu.region"() ({
      %run_scoped3A = tpu.sem_alloc : memref<!tpu.dma_semaphore, #tpu.memory_space<semaphore_mem>>
      %dma_start3A_219 = arith.constant 0 : i32
      %dma_start3A_220 = arith.constant 0 : i32
      %dma_start3A_221 = tpu.memref_slice %arg12[%dma_start3A_219, %dma_start3A_220] : memref<3072x8xf32, #tpu.memory_space<vmem>> -> memref<3072x8xf32, #tpu.memory_space<vmem>>
      %dma_start3A_222 = arith.constant 0 : i32
      %dma_start3A_223 = tpu.memref_slice %arg9[%add3A_10, %dma_start3A_222] : memref<100352x8xf32, #tpu.memory_space<vmem_shared>> -> memref<3072x8xf32, #tpu.memory_space<vmem_shared>>
      %dma_start3A_224 = arith.constant 0 : i32
      %dma_start3A_225 = tpu.memref_slice %arg9[%add3A_10, %dma_start3A_224] : memref<100352x8xf32, #tpu.memory_space<vmem_shared>> -> memref<3072x8xf32, #tpu.memory_space<vmem_shared>>
      %dma_start3A_226 = arith.constant 0 : i32
      %dma_start3A_227 = arith.constant 0 : i32
      %dma_start3A_228 = tpu.memref_slice %arg12[%dma_start3A_226, %dma_start3A_227] : memref<3072x8xf32, #tpu.memory_space<vmem>> -> memref<3072x8xf32, #tpu.memory_space<vmem>>
      tpu.enqueue_dma source(%dma_start3A_228 : memref<3072x8xf32, #tpu.memory_space<vmem>>) target(%dma_start3A_225 : memref<3072x8xf32, #tpu.memory_space<vmem_shared>>) target_semaphore(%run_scoped3A : memref<!tpu.dma_semaphore, #tpu.memory_space<semaphore_mem>>)
      %dma_wait3A_229 = arith.constant 0 : i32
      %dma_wait3A_230 = arith.constant 0 : i32
      %dma_wait3A_231 = tpu.memref_slice %arg12[%dma_wait3A_229, %dma_wait3A_230] : memref<3072x8xf32, #tpu.memory_space<vmem>> -> memref<3072x8xf32, #tpu.memory_space<vmem>>
      %dma_wait3A_232 = arith.constant 0 : i32
      %dma_wait3A_233 = tpu.memref_slice %arg9[%add3A_10, %dma_wait3A_232] : memref<100352x8xf32, #tpu.memory_space<vmem_shared>> -> memref<3072x8xf32, #tpu.memory_space<vmem_shared>>
      %dma_wait3A_234 = arith.constant 0 : i32
      %dma_wait3A_235 = tpu.memref_slice %arg9[%add3A_10, %dma_wait3A_234] : memref<100352x8xf32, #tpu.memory_space<vmem_shared>> -> memref<3072x8xf32, #tpu.memory_space<vmem_shared>>
      %dma_wait3A_236 = arith.constant 0 : i32
      %dma_wait3A_237 = arith.constant 0 : i32
      %dma_wait3A_238 = tpu.memref_slice %arg12[%dma_wait3A_236, %dma_wait3A_237] : memref<3072x8xf32, #tpu.memory_space<vmem>> -> memref<3072x8xf32, #tpu.memory_space<vmem>>
      tpu.wait_dma2 semaphore(%run_scoped3A : memref<!tpu.dma_semaphore, #tpu.memory_space<semaphore_mem>>) src(%dma_wait3A_238 : memref<3072x8xf32, #tpu.memory_space<vmem>>) dst(%dma_wait3A_235 : memref<3072x8xf32, #tpu.memory_space<vmem_shared>>)
      tpu.yield
    }) : () -> ()
    %mul3A_11 = arith.constant 6272 : i32
    %mul3A_12 = arith.muli %arg1, %mul3A_11 : i32
    %add3A_13 = arith.constant 3072 : i32
    %add3A_14 = arith.addi %mul3A_12, %add3A_13 : i32
    "tpu.region"() ({
      %run_scoped3A = tpu.sem_alloc : memref<!tpu.dma_semaphore, #tpu.memory_space<semaphore_mem>>
      %dma_start3A_219 = arith.constant 0 : i32
      %dma_start3A_220 = arith.constant 0 : i32
      %dma_start3A_221 = tpu.memref_slice %arg12[%dma_start3A_219, %dma_start3A_220] : memref<3072x8xf32, #tpu.memory_space<vmem>> -> memref<3072x8xf32, #tpu.memory_space<vmem>>
      %dma_start3A_222 = arith.constant 0 : i32
      %dma_start3A_223 = tpu.memref_slice %arg6[%add3A_14, %dma_start3A_222] : memref<100352x8xf32, #tpu.memory_space<hbm>> -> memref<3072x8xf32, #tpu.memory_space<hbm>>
      %dma_start3A_224 = arith.constant 0 : i32
      %dma_start3A_225 = arith.constant 0 : i32
      %dma_start3A_226 = tpu.memref_slice %arg12[%dma_start3A_224, %dma_start3A_225] : memref<3072x8xf32, #tpu.memory_space<vmem>> -> memref<3072x8xf32, #tpu.memory_space<vmem>>
      %dma_start3A_227 = arith.constant 0 : i32
      %dma_start3A_228 = tpu.memref_slice %arg6[%add3A_14, %dma_start3A_227] : memref<100352x8xf32, #tpu.memory_space<hbm>> -> memref<3072x8xf32, #tpu.memory_space<hbm>>
      tpu.enqueue_dma source(%dma_start3A_228 : memref<3072x8xf32, #tpu.memory_space<hbm>>) target(%dma_start3A_226 : memref<3072x8xf32, #tpu.memory_space<vmem>>) target_semaphore(%run_scoped3A : memref<!tpu.dma_semaphore, #tpu.memory_space<semaphore_mem>>)
      %dma_wait3A_229 = arith.constant 0 : i32
      %dma_wait3A_230 = arith.constant 0 : i32
      %dma_wait3A_231 = tpu.memref_slice %arg12[%dma_wait3A_229, %dma_wait3A_230] : memref<3072x8xf32, #tpu.memory_space<vmem>> -> memref<3072x8xf32, #tpu.memory_space<vmem>>
      %dma_wait3A_232 = arith.constant 0 : i32
      %dma_wait3A_233 = tpu.memref_slice %arg6[%add3A_14, %dma_wait3A_232] : memref<100352x8xf32, #tpu.memory_space<hbm>> -> memref<3072x8xf32, #tpu.memory_space<hbm>>
      %dma_wait3A_234 = arith.constant 0 : i32
      %dma_wait3A_235 = arith.constant 0 : i32
      %dma_wait3A_236 = tpu.memref_slice %arg12[%dma_wait3A_234, %dma_wait3A_235] : memref<3072x8xf32, #tpu.memory_space<vmem>> -> memref<3072x8xf32, #tpu.memory_space<vmem>>
      %dma_wait3A_237 = arith.constant 0 : i32
      %dma_wait3A_238 = tpu.memref_slice %arg6[%add3A_14, %dma_wait3A_237] : memref<100352x8xf32, #tpu.memory_space<hbm>> -> memref<3072x8xf32, #tpu.memory_space<hbm>>
      tpu.wait_dma2 semaphore(%run_scoped3A : memref<!tpu.dma_semaphore, #tpu.memory_space<semaphore_mem>>) src(%dma_wait3A_238 : memref<3072x8xf32, #tpu.memory_space<hbm>>) dst(%dma_wait3A_236 : memref<3072x8xf32, #tpu.memory_space<vmem>>)
      tpu.yield
    }) : () -> ()
    %mul3A_15 = arith.constant 6272 : i32
    %mul3A_16 = arith.muli %arg1, %mul3A_15 : i32
    %add3A_17 = arith.constant 3072 : i32
    %add3A_18 = arith.addi %mul3A_16, %add3A_17 : i32
    "tpu.region"() ({
      %run_scoped3A = tpu.sem_alloc : memref<!tpu.dma_semaphore, #tpu.memory_space<semaphore_mem>>
      %dma_start3A_219 = arith.constant 0 : i32
      %dma_start3A_220 = arith.constant 0 : i32
      %dma_start3A_221 = tpu.memref_slice %arg12[%dma_start3A_219, %dma_start3A_220] : memref<3072x8xf32, #tpu.memory_space<vmem>> -> memref<3072x8xf32, #tpu.memory_space<vmem>>
      %dma_start3A_222 = arith.constant 0 : i32
      %dma_start3A_223 = tpu.memref_slice %arg9[%add3A_18, %dma_start3A_222] : memref<100352x8xf32, #tpu.memory_space<vmem_shared>> -> memref<3072x8xf32, #tpu.memory_space<vmem_shared>>
      %dma_start3A_224 = arith.constant 0 : i32
      %dma_start3A_225 = tpu.memref_slice %arg9[%add3A_18, %dma_start3A_224] : memref<100352x8xf32, #tpu.memory_space<vmem_shared>> -> memref<3072x8xf32, #tpu.memory_space<vmem_shared>>
      %dma_start3A_226 = arith.constant 0 : i32
      %dma_start3A_227 = arith.constant 0 : i32
      %dma_start3A_228 = tpu.memref_slice %arg12[%dma_start3A_226, %dma_start3A_227] : memref<3072x8xf32, #tpu.memory_space<vmem>> -> memref<3072x8xf32, #tpu.memory_space<vmem>>
      tpu.enqueue_dma source(%dma_start3A_228 : memref<3072x8xf32, #tpu.memory_space<vmem>>) target(%dma_start3A_225 : memref<3072x8xf32, #tpu.memory_space<vmem_shared>>) target_semaphore(%run_scoped3A : memref<!tpu.dma_semaphore, #tpu.memory_space<semaphore_mem>>)
      %dma_wait3A_229 = arith.constant 0 : i32
      %dma_wait3A_230 = arith.constant 0 : i32
      %dma_wait3A_231 = tpu.memref_slice %arg12[%dma_wait3A_229, %dma_wait3A_230] : memref<3072x8xf32, #tpu.memory_space<vmem>> -> memref<3072x8xf32, #tpu.memory_space<vmem>>
      %dma_wait3A_232 = arith.constant 0 : i32
      %dma_wait3A_233 = tpu.memref_slice %arg9[%add3A_18, %dma_wait3A_232] : memref<100352x8xf32, #tpu.memory_space<vmem_shared>> -> memref<3072x8xf32, #tpu.memory_space<vmem_shared>>
      %dma_wait3A_234 = arith.constant 0 : i32
      %dma_wait3A_235 = tpu.memref_slice %arg9[%add3A_18, %dma_wait3A_234] : memref<100352x8xf32, #tpu.memory_space<vmem_shared>> -> memref<3072x8xf32, #tpu.memory_space<vmem_shared>>
      %dma_wait3A_236 = arith.constant 0 : i32
      %dma_wait3A_237 = arith.constant 0 : i32
      %dma_wait3A_238 = tpu.memref_slice %arg12[%dma_wait3A_236, %dma_wait3A_237] : memref<3072x8xf32, #tpu.memory_space<vmem>> -> memref<3072x8xf32, #tpu.memory_space<vmem>>
      tpu.wait_dma2 semaphore(%run_scoped3A : memref<!tpu.dma_semaphore, #tpu.memory_space<semaphore_mem>>) src(%dma_wait3A_238 : memref<3072x8xf32, #tpu.memory_space<vmem>>) dst(%dma_wait3A_235 : memref<3072x8xf32, #tpu.memory_space<vmem_shared>>)
      tpu.yield
    }) : () -> ()
    %mul3A_19 = arith.constant 6272 : i32
    %mul3A_20 = arith.muli %arg1, %mul3A_19 : i32
    %add3A_21 = arith.constant 6144 : i32
    %add3A_22 = arith.addi %mul3A_20, %add3A_21 : i32
    "tpu.region"() ({
      %run_scoped3A = tpu.sem_alloc : memref<!tpu.dma_semaphore, #tpu.memory_space<semaphore_mem>>
      %dma_start3A_219 = arith.constant 0 : i32
      %dma_start3A_220 = arith.constant 0 : i32
      %dma_start3A_221 = tpu.memref_slice %arg12[%dma_start3A_219, %dma_start3A_220] : memref<3072x8xf32, #tpu.memory_space<vmem>> -> memref<128x8xf32, #tpu.memory_space<vmem>>
      %dma_start3A_222 = arith.constant 0 : i32
      %dma_start3A_223 = tpu.memref_slice %arg6[%add3A_22, %dma_start3A_222] : memref<100352x8xf32, #tpu.memory_space<hbm>> -> memref<128x8xf32, #tpu.memory_space<hbm>>
      %dma_start3A_224 = arith.constant 0 : i32
      %dma_start3A_225 = arith.constant 0 : i32
      %dma_start3A_226 = tpu.memref_slice %arg12[%dma_start3A_224, %dma_start3A_225] : memref<3072x8xf32, #tpu.memory_space<vmem>> -> memref<128x8xf32, #tpu.memory_space<vmem>>
      %dma_start3A_227 = arith.constant 0 : i32
      %dma_start3A_228 = tpu.memref_slice %arg6[%add3A_22, %dma_start3A_227] : memref<100352x8xf32, #tpu.memory_space<hbm>> -> memref<128x8xf32, #tpu.memory_space<hbm>>
      tpu.enqueue_dma source(%dma_start3A_228 : memref<128x8xf32, #tpu.memory_space<hbm>>) target(%dma_start3A_226 : memref<128x8xf32, #tpu.memory_space<vmem>>) target_semaphore(%run_scoped3A : memref<!tpu.dma_semaphore, #tpu.memory_space<semaphore_mem>>)
      %dma_wait3A_229 = arith.constant 0 : i32
      %dma_wait3A_230 = arith.constant 0 : i32
      %dma_wait3A_231 = tpu.memref_slice %arg12[%dma_wait3A_229, %dma_wait3A_230] : memref<3072x8xf32, #tpu.memory_space<vmem>> -> memref<128x8xf32, #tpu.memory_space<vmem>>
      %dma_wait3A_232 = arith.constant 0 : i32
      %dma_wait3A_233 = tpu.memref_slice %arg6[%add3A_22, %dma_wait3A_232] : memref<100352x8xf32, #tpu.memory_space<hbm>> -> memref<128x8xf32, #tpu.memory_space<hbm>>
      %dma_wait3A_234 = arith.constant 0 : i32
      %dma_wait3A_235 = arith.constant 0 : i32
      %dma_wait3A_236 = tpu.memref_slice %arg12[%dma_wait3A_234, %dma_wait3A_235] : memref<3072x8xf32, #tpu.memory_space<vmem>> -> memref<128x8xf32, #tpu.memory_space<vmem>>
      %dma_wait3A_237 = arith.constant 0 : i32
      %dma_wait3A_238 = tpu.memref_slice %arg6[%add3A_22, %dma_wait3A_237] : memref<100352x8xf32, #tpu.memory_space<hbm>> -> memref<128x8xf32, #tpu.memory_space<hbm>>
      tpu.wait_dma2 semaphore(%run_scoped3A : memref<!tpu.dma_semaphore, #tpu.memory_space<semaphore_mem>>) src(%dma_wait3A_238 : memref<128x8xf32, #tpu.memory_space<hbm>>) dst(%dma_wait3A_236 : memref<128x8xf32, #tpu.memory_space<vmem>>)
      tpu.yield
    }) : () -> ()
    %mul3A_23 = arith.constant 6272 : i32
    %mul3A_24 = arith.muli %arg1, %mul3A_23 : i32
    %add3A_25 = arith.constant 6144 : i32
    %add3A_26 = arith.addi %mul3A_24, %add3A_25 : i32
    "tpu.region"() ({
      %run_scoped3A = tpu.sem_alloc : memref<!tpu.dma_semaphore, #tpu.memory_space<semaphore_mem>>
      %dma_start3A_219 = arith.constant 0 : i32
      %dma_start3A_220 = arith.constant 0 : i32
      %dma_start3A_221 = tpu.memref_slice %arg12[%dma_start3A_219, %dma_start3A_220] : memref<3072x8xf32, #tpu.memory_space<vmem>> -> memref<128x8xf32, #tpu.memory_space<vmem>>
      %dma_start3A_222 = arith.constant 0 : i32
      %dma_start3A_223 = tpu.memref_slice %arg9[%add3A_26, %dma_start3A_222] : memref<100352x8xf32, #tpu.memory_space<vmem_shared>> -> memref<128x8xf32, #tpu.memory_space<vmem_shared>>
      %dma_start3A_224 = arith.constant 0 : i32
      %dma_start3A_225 = tpu.memref_slice %arg9[%add3A_26, %dma_start3A_224] : memref<100352x8xf32, #tpu.memory_space<vmem_shared>> -> memref<128x8xf32, #tpu.memory_space<vmem_shared>>
      %dma_start3A_226 = arith.constant 0 : i32
      %dma_start3A_227 = arith.constant 0 : i32
      %dma_start3A_228 = tpu.memref_slice %arg12[%dma_start3A_226, %dma_start3A_227] : memref<3072x8xf32, #tpu.memory_space<vmem>> -> memref<128x8xf32, #tpu.memory_space<vmem>>
      tpu.enqueue_dma source(%dma_start3A_228 : memref<128x8xf32, #tpu.memory_space<vmem>>) target(%dma_start3A_225 : memref<128x8xf32, #tpu.memory_space<vmem_shared>>) target_semaphore(%run_scoped3A : memref<!tpu.dma_semaphore, #tpu.memory_space<semaphore_mem>>)
      %dma_wait3A_229 = arith.constant 0 : i32
      %dma_wait3A_230 = arith.constant 0 : i32
      %dma_wait3A_231 = tpu.memref_slice %arg12[%dma_wait3A_229, %dma_wait3A_230] : memref<3072x8xf32, #tpu.memory_space<vmem>> -> memref<128x8xf32, #tpu.memory_space<vmem>>
      %dma_wait3A_232 = arith.constant 0 : i32
      %dma_wait3A_233 = tpu.memref_slice %arg9[%add3A_26, %dma_wait3A_232] : memref<100352x8xf32, #tpu.memory_space<vmem_shared>> -> memref<128x8xf32, #tpu.memory_space<vmem_shared>>
      %dma_wait3A_234 = arith.constant 0 : i32
      %dma_wait3A_235 = tpu.memref_slice %arg9[%add3A_26, %dma_wait3A_234] : memref<100352x8xf32, #tpu.memory_space<vmem_shared>> -> memref<128x8xf32, #tpu.memory_space<vmem_shared>>
      %dma_wait3A_236 = arith.constant 0 : i32
      %dma_wait3A_237 = arith.constant 0 : i32
      %dma_wait3A_238 = tpu.memref_slice %arg12[%dma_wait3A_236, %dma_wait3A_237] : memref<3072x8xf32, #tpu.memory_space<vmem>> -> memref<128x8xf32, #tpu.memory_space<vmem>>
      tpu.wait_dma2 semaphore(%run_scoped3A : memref<!tpu.dma_semaphore, #tpu.memory_space<semaphore_mem>>) src(%dma_wait3A_238 : memref<128x8xf32, #tpu.memory_space<vmem>>) dst(%dma_wait3A_235 : memref<128x8xf32, #tpu.memory_space<vmem_shared>>)
      tpu.yield
    }) : () -> ()
    %barrier3A = arith.constant 0 : index
    tpu.barrier barrier_id(%barrier3A)
    %lt3A = arith.constant 25000 : i32
    %lt3A_27 = arith.cmpi slt, %mul3A_2, %lt3A : i32
    %convert_element_type3A = arith.extui %lt3A_27 : i1 to i32
    %cond3A = arith.constant 0 : i32
    %cond3A_28 = arith.constant 0 : i32
    %cond3A_29 = arith.constant 0 : i32
    %cond3A_30 = arith.cmpi ne, %convert_element_type3A, %cond3A_29 : i32
    scf.if %cond3A_30 {
      %dma_start3A_219 = arith.constant 0 : i32
      %dma_start3A_220 = arith.constant 0 : i32
      %dma_start3A_221 = arith.constant 0 : i32
      %dma_start3A_222 = tpu.memref_slice %arg10[%cond3A, %dma_start3A_220, %dma_start3A_221] : memref<3x8x128xi32, #tpu.memory_space<vmem>> -> memref<1x8x128xi32, #tpu.memory_space<vmem>>
      %dma_start3A_223 = tpu.memref_squeeze %dma_start3A_222 : memref<1x8x128xi32, #tpu.memory_space<vmem>> -> memref<8x128xi32, #tpu.memory_space<vmem>>
      %dma_start3A_224 = arith.constant 0 : i32
      %dma_start3A_225 = tpu.memref_slice %arg3[%dma_start3A_219, %mul3A_2, %dma_start3A_224] : memref<2x25000x128xi32, #tpu.memory_space<hbm>> -> memref<1x8x128xi32, #tpu.memory_space<hbm>>
      %dma_start3A_226 = tpu.memref_squeeze %dma_start3A_225 : memref<1x8x128xi32, #tpu.memory_space<hbm>> -> memref<8x128xi32, #tpu.memory_space<hbm>>
      %dma_start3A_227 = arith.constant 0 : i32
      %dma_start3A_228 = arith.constant 0 : i32
      %dma_start3A_229 = tpu.memref_slice %arg10[%cond3A, %dma_start3A_227, %dma_start3A_228] : memref<3x8x128xi32, #tpu.memory_space<vmem>> -> memref<1x8x128xi32, #tpu.memory_space<vmem>>
      %dma_start3A_230 = tpu.memref_squeeze %dma_start3A_229 : memref<1x8x128xi32, #tpu.memory_space<vmem>> -> memref<8x128xi32, #tpu.memory_space<vmem>>
      %dma_start3A_231 = arith.constant 0 : i32
      %dma_start3A_232 = tpu.memref_slice %arg3[%dma_start3A_219, %mul3A_2, %dma_start3A_231] : memref<2x25000x128xi32, #tpu.memory_space<hbm>> -> memref<1x8x128xi32, #tpu.memory_space<hbm>>
      %dma_start3A_233 = tpu.memref_squeeze %dma_start3A_232 : memref<1x8x128xi32, #tpu.memory_space<hbm>> -> memref<8x128xi32, #tpu.memory_space<hbm>>
      tpu.enqueue_dma source(%dma_start3A_233 : memref<8x128xi32, #tpu.memory_space<hbm>>) target(%dma_start3A_230 : memref<8x128xi32, #tpu.memory_space<vmem>>) target_semaphore(%arg15 : memref<!tpu.dma_semaphore, #tpu.memory_space<semaphore_mem>>)
      %dma_start3A_234 = arith.constant 1 : i32
      %dma_start3A_235 = arith.constant 0 : i32
      %dma_start3A_236 = arith.constant 0 : i32
      %dma_start3A_237 = tpu.memref_slice %arg11[%cond3A_28, %dma_start3A_235, %dma_start3A_236] : memref<3x8x128xi32, #tpu.memory_space<vmem>> -> memref<1x8x128xi32, #tpu.memory_space<vmem>>
      %dma_start3A_238 = tpu.memref_squeeze %dma_start3A_237 : memref<1x8x128xi32, #tpu.memory_space<vmem>> -> memref<8x128xi32, #tpu.memory_space<vmem>>
      %dma_start3A_239 = arith.constant 0 : i32
      %dma_start3A_240 = tpu.memref_slice %arg3[%dma_start3A_234, %mul3A_2, %dma_start3A_239] : memref<2x25000x128xi32, #tpu.memory_space<hbm>> -> memref<1x8x128xi32, #tpu.memory_space<hbm>>
      %dma_start3A_241 = tpu.memref_squeeze %dma_start3A_240 : memref<1x8x128xi32, #tpu.memory_space<hbm>> -> memref<8x128xi32, #tpu.memory_space<hbm>>
      %dma_start3A_242 = arith.constant 0 : i32
      %dma_start3A_243 = arith.constant 0 : i32
      %dma_start3A_244 = tpu.memref_slice %arg11[%cond3A_28, %dma_start3A_242, %dma_start3A_243] : memref<3x8x128xi32, #tpu.memory_space<vmem>> -> memref<1x8x128xi32, #tpu.memory_space<vmem>>
      %dma_start3A_245 = tpu.memref_squeeze %dma_start3A_244 : memref<1x8x128xi32, #tpu.memory_space<vmem>> -> memref<8x128xi32, #tpu.memory_space<vmem>>
      %dma_start3A_246 = arith.constant 0 : i32
      %dma_start3A_247 = tpu.memref_slice %arg3[%dma_start3A_234, %mul3A_2, %dma_start3A_246] : memref<2x25000x128xi32, #tpu.memory_space<hbm>> -> memref<1x8x128xi32, #tpu.memory_space<hbm>>
      %dma_start3A_248 = tpu.memref_squeeze %dma_start3A_247 : memref<1x8x128xi32, #tpu.memory_space<hbm>> -> memref<8x128xi32, #tpu.memory_space<hbm>>
      tpu.enqueue_dma source(%dma_start3A_248 : memref<8x128xi32, #tpu.memory_space<hbm>>) target(%dma_start3A_245 : memref<8x128xi32, #tpu.memory_space<vmem>>) target_semaphore(%arg15 : memref<!tpu.dma_semaphore, #tpu.memory_space<semaphore_mem>>)
    } else {
    }
    %ge3A = arith.constant 25000 : i32
    %ge3A_31 = arith.cmpi sge, %mul3A_2, %ge3A : i32
    %convert_element_type3A_32 = arith.extui %ge3A_31 : i1 to i32
    %cond3A_33 = arith.constant 0 : i32
    %cond3A_34 = arith.constant 0 : i32
    %cond3A_35 = arith.constant 0 : i32
    %cond3A_36 = arith.cmpi ne, %convert_element_type3A_32, %cond3A_35 : i32
    scf.if %cond3A_36 {
      %sub3A = arith.constant 25000 : i32
      %sub3A_219 = arith.subi %mul3A_2, %sub3A : i32
      %dma_start3A_220 = arith.constant 0 : i32
      %dma_start3A_221 = arith.constant 0 : i32
      %dma_start3A_222 = tpu.memref_slice %arg10[%cond3A_33, %dma_start3A_220, %dma_start3A_221] : memref<3x8x128xi32, #tpu.memory_space<vmem>> -> memref<1x8x128xi32, #tpu.memory_space<vmem>>
      %dma_start3A_223 = tpu.memref_squeeze %dma_start3A_222 : memref<1x8x128xi32, #tpu.memory_space<vmem>> -> memref<8x128xi32, #tpu.memory_space<vmem>>
      %dma_start3A_224 = arith.constant 0 : i32
      %dma_start3A_225 = tpu.memref_slice %arg4[%sub3A_219, %dma_start3A_224] : memref<856x128xi32, #tpu.memory_space<hbm>> -> memref<8x128xi32, #tpu.memory_space<hbm>>
      %dma_start3A_226 = arith.constant 0 : i32
      %dma_start3A_227 = arith.constant 0 : i32
      %dma_start3A_228 = tpu.memref_slice %arg10[%cond3A_33, %dma_start3A_226, %dma_start3A_227] : memref<3x8x128xi32, #tpu.memory_space<vmem>> -> memref<1x8x128xi32, #tpu.memory_space<vmem>>
      %dma_start3A_229 = tpu.memref_squeeze %dma_start3A_228 : memref<1x8x128xi32, #tpu.memory_space<vmem>> -> memref<8x128xi32, #tpu.memory_space<vmem>>
      %dma_start3A_230 = arith.constant 0 : i32
      %dma_start3A_231 = tpu.memref_slice %arg4[%sub3A_219, %dma_start3A_230] : memref<856x128xi32, #tpu.memory_space<hbm>> -> memref<8x128xi32, #tpu.memory_space<hbm>>
      tpu.enqueue_dma source(%dma_start3A_231 : memref<8x128xi32, #tpu.memory_space<hbm>>) target(%dma_start3A_229 : memref<8x128xi32, #tpu.memory_space<vmem>>) target_semaphore(%arg15 : memref<!tpu.dma_semaphore, #tpu.memory_space<semaphore_mem>>)
      %sub3A_232 = arith.constant 25000 : i32
      %sub3A_233 = arith.subi %mul3A_2, %sub3A_232 : i32
      %dma_start3A_234 = arith.constant 0 : i32
      %dma_start3A_235 = arith.constant 0 : i32
      %dma_start3A_236 = tpu.memref_slice %arg11[%cond3A_34, %dma_start3A_234, %dma_start3A_235] : memref<3x8x128xi32, #tpu.memory_space<vmem>> -> memref<1x8x128xi32, #tpu.memory_space<vmem>>
      %dma_start3A_237 = tpu.memref_squeeze %dma_start3A_236 : memref<1x8x128xi32, #tpu.memory_space<vmem>> -> memref<8x128xi32, #tpu.memory_space<vmem>>
      %dma_start3A_238 = arith.constant 0 : i32
      %dma_start3A_239 = tpu.memref_slice %arg5[%sub3A_233, %dma_start3A_238] : memref<856x128xi32, #tpu.memory_space<hbm>> -> memref<8x128xi32, #tpu.memory_space<hbm>>
      %dma_start3A_240 = arith.constant 0 : i32
      %dma_start3A_241 = arith.constant 0 : i32
      %dma_start3A_242 = tpu.memref_slice %arg11[%cond3A_34, %dma_start3A_240, %dma_start3A_241] : memref<3x8x128xi32, #tpu.memory_space<vmem>> -> memref<1x8x128xi32, #tpu.memory_space<vmem>>
      %dma_start3A_243 = tpu.memref_squeeze %dma_start3A_242 : memref<1x8x128xi32, #tpu.memory_space<vmem>> -> memref<8x128xi32, #tpu.memory_space<vmem>>
      %dma_start3A_244 = arith.constant 0 : i32
      %dma_start3A_245 = tpu.memref_slice %arg5[%sub3A_233, %dma_start3A_244] : memref<856x128xi32, #tpu.memory_space<hbm>> -> memref<8x128xi32, #tpu.memory_space<hbm>>
      tpu.enqueue_dma source(%dma_start3A_245 : memref<8x128xi32, #tpu.memory_space<hbm>>) target(%dma_start3A_243 : memref<8x128xi32, #tpu.memory_space<vmem>>) target_semaphore(%arg15 : memref<!tpu.dma_semaphore, #tpu.memory_space<semaphore_mem>>)
    } else {
    }
    %dma_wait3A = arith.constant 0 : i32
    %dma_wait3A_37 = arith.constant 0 : i32
    %dma_wait3A_38 = arith.constant 0 : i32
    %dma_wait3A_39 = arith.constant 0 : i32
    %dma_wait3A_40 = tpu.memref_slice %arg10[%dma_wait3A_37, %dma_wait3A_38, %dma_wait3A_39] : memref<3x8x128xi32, #tpu.memory_space<vmem>> -> memref<1x8x128xi32, #tpu.memory_space<vmem>>
    %dma_wait3A_41 = tpu.memref_squeeze %dma_wait3A_40 : memref<1x8x128xi32, #tpu.memory_space<vmem>> -> memref<8x128xi32, #tpu.memory_space<vmem>>
    %dma_wait3A_42 = arith.constant 0 : i32
    %dma_wait3A_43 = arith.constant 0 : i32
    %dma_wait3A_44 = tpu.memref_slice %arg3[%dma_wait3A, %dma_wait3A_42, %dma_wait3A_43] : memref<2x25000x128xi32, #tpu.memory_space<hbm>> -> memref<1x8x128xi32, #tpu.memory_space<hbm>>
    %dma_wait3A_45 = tpu.memref_squeeze %dma_wait3A_44 : memref<1x8x128xi32, #tpu.memory_space<hbm>> -> memref<8x128xi32, #tpu.memory_space<hbm>>
    %dma_wait3A_46 = arith.constant 0 : i32
    %dma_wait3A_47 = arith.constant 0 : i32
    %dma_wait3A_48 = tpu.memref_slice %arg10[%dma_wait3A_37, %dma_wait3A_46, %dma_wait3A_47] : memref<3x8x128xi32, #tpu.memory_space<vmem>> -> memref<1x8x128xi32, #tpu.memory_space<vmem>>
    %dma_wait3A_49 = tpu.memref_squeeze %dma_wait3A_48 : memref<1x8x128xi32, #tpu.memory_space<vmem>> -> memref<8x128xi32, #tpu.memory_space<vmem>>
    %dma_wait3A_50 = arith.constant 0 : i32
    %dma_wait3A_51 = arith.constant 0 : i32
    %dma_wait3A_52 = tpu.memref_slice %arg3[%dma_wait3A, %dma_wait3A_50, %dma_wait3A_51] : memref<2x25000x128xi32, #tpu.memory_space<hbm>> -> memref<1x8x128xi32, #tpu.memory_space<hbm>>
    %dma_wait3A_53 = tpu.memref_squeeze %dma_wait3A_52 : memref<1x8x128xi32, #tpu.memory_space<hbm>> -> memref<8x128xi32, #tpu.memory_space<hbm>>
    tpu.wait_dma2 semaphore(%arg15 : memref<!tpu.dma_semaphore, #tpu.memory_space<semaphore_mem>>) src(%dma_wait3A_53 : memref<8x128xi32, #tpu.memory_space<hbm>>) dst(%dma_wait3A_49 : memref<8x128xi32, #tpu.memory_space<vmem>>)
    %dma_wait3A_54 = arith.constant 0 : i32
    %dma_wait3A_55 = arith.constant 0 : i32
    %dma_wait3A_56 = arith.constant 0 : i32
    %dma_wait3A_57 = arith.constant 0 : i32
    %dma_wait3A_58 = tpu.memref_slice %arg11[%dma_wait3A_55, %dma_wait3A_56, %dma_wait3A_57] : memref<3x8x128xi32, #tpu.memory_space<vmem>> -> memref<1x8x128xi32, #tpu.memory_space<vmem>>
    %dma_wait3A_59 = tpu.memref_squeeze %dma_wait3A_58 : memref<1x8x128xi32, #tpu.memory_space<vmem>> -> memref<8x128xi32, #tpu.memory_space<vmem>>
    %dma_wait3A_60 = arith.constant 0 : i32
    %dma_wait3A_61 = arith.constant 0 : i32
    %dma_wait3A_62 = tpu.memref_slice %arg3[%dma_wait3A_54, %dma_wait3A_60, %dma_wait3A_61] : memref<2x25000x128xi32, #tpu.memory_space<hbm>> -> memref<1x8x128xi32, #tpu.memory_space<hbm>>
    %dma_wait3A_63 = tpu.memref_squeeze %dma_wait3A_62 : memref<1x8x128xi32, #tpu.memory_space<hbm>> -> memref<8x128xi32, #tpu.memory_space<hbm>>
    %dma_wait3A_64 = arith.constant 0 : i32
    %dma_wait3A_65 = arith.constant 0 : i32
    %dma_wait3A_66 = tpu.memref_slice %arg11[%dma_wait3A_55, %dma_wait3A_64, %dma_wait3A_65] : memref<3x8x128xi32, #tpu.memory_space<vmem>> -> memref<1x8x128xi32, #tpu.memory_space<vmem>>
    %dma_wait3A_67 = tpu.memref_squeeze %dma_wait3A_66 : memref<1x8x128xi32, #tpu.memory_space<vmem>> -> memref<8x128xi32, #tpu.memory_space<vmem>>
    %dma_wait3A_68 = arith.constant 0 : i32
    %dma_wait3A_69 = arith.constant 0 : i32
    %dma_wait3A_70 = tpu.memref_slice %arg3[%dma_wait3A_54, %dma_wait3A_68, %dma_wait3A_69] : memref<2x25000x128xi32, #tpu.memory_space<hbm>> -> memref<1x8x128xi32, #tpu.memory_space<hbm>>
    %dma_wait3A_71 = tpu.memref_squeeze %dma_wait3A_70 : memref<1x8x128xi32, #tpu.memory_space<hbm>> -> memref<8x128xi32, #tpu.memory_space<hbm>>
    tpu.wait_dma2 semaphore(%arg15 : memref<!tpu.dma_semaphore, #tpu.memory_space<semaphore_mem>>) src(%dma_wait3A_71 : memref<8x128xi32, #tpu.memory_space<hbm>>) dst(%dma_wait3A_67 : memref<8x128xi32, #tpu.memory_space<vmem>>)
    %add3A_72 = arith.constant 8 : i32
    %add3A_73 = arith.addi %mul3A_2, %add3A_72 : i32
    %lt3A_74 = arith.constant 25000 : i32
    %lt3A_75 = arith.cmpi slt, %add3A_73, %lt3A_74 : i32
    %convert_element_type3A_76 = arith.extui %lt3A_75 : i1 to i32
    %cond3A_77 = arith.constant 1 : i32
    %cond3A_78 = arith.constant 1 : i32
    %cond3A_79 = arith.constant 0 : i32
    %cond3A_80 = arith.cmpi ne, %convert_element_type3A_76, %cond3A_79 : i32
    scf.if %cond3A_80 {
      %dma_start3A_219 = arith.constant 0 : i32
      %dma_start3A_220 = arith.constant 0 : i32
      %dma_start3A_221 = arith.constant 0 : i32
      %dma_start3A_222 = tpu.memref_slice %arg10[%cond3A_77, %dma_start3A_220, %dma_start3A_221] : memref<3x8x128xi32, #tpu.memory_space<vmem>> -> memref<1x8x128xi32, #tpu.memory_space<vmem>>
      %dma_start3A_223 = tpu.memref_squeeze %dma_start3A_222 : memref<1x8x128xi32, #tpu.memory_space<vmem>> -> memref<8x128xi32, #tpu.memory_space<vmem>>
      %dma_start3A_224 = arith.constant 0 : i32
      %dma_start3A_225 = tpu.memref_slice %arg3[%dma_start3A_219, %add3A_73, %dma_start3A_224] : memref<2x25000x128xi32, #tpu.memory_space<hbm>> -> memref<1x8x128xi32, #tpu.memory_space<hbm>>
      %dma_start3A_226 = tpu.memref_squeeze %dma_start3A_225 : memref<1x8x128xi32, #tpu.memory_space<hbm>> -> memref<8x128xi32, #tpu.memory_space<hbm>>
      %dma_start3A_227 = arith.constant 0 : i32
      %dma_start3A_228 = arith.constant 0 : i32
      %dma_start3A_229 = tpu.memref_slice %arg10[%cond3A_77, %dma_start3A_227, %dma_start3A_228] : memref<3x8x128xi32, #tpu.memory_space<vmem>> -> memref<1x8x128xi32, #tpu.memory_space<vmem>>
      %dma_start3A_230 = tpu.memref_squeeze %dma_start3A_229 : memref<1x8x128xi32, #tpu.memory_space<vmem>> -> memref<8x128xi32, #tpu.memory_space<vmem>>
      %dma_start3A_231 = arith.constant 0 : i32
      %dma_start3A_232 = tpu.memref_slice %arg3[%dma_start3A_219, %add3A_73, %dma_start3A_231] : memref<2x25000x128xi32, #tpu.memory_space<hbm>> -> memref<1x8x128xi32, #tpu.memory_space<hbm>>
      %dma_start3A_233 = tpu.memref_squeeze %dma_start3A_232 : memref<1x8x128xi32, #tpu.memory_space<hbm>> -> memref<8x128xi32, #tpu.memory_space<hbm>>
      tpu.enqueue_dma source(%dma_start3A_233 : memref<8x128xi32, #tpu.memory_space<hbm>>) target(%dma_start3A_230 : memref<8x128xi32, #tpu.memory_space<vmem>>) target_semaphore(%arg15 : memref<!tpu.dma_semaphore, #tpu.memory_space<semaphore_mem>>)
      %dma_start3A_234 = arith.constant 1 : i32
      %dma_start3A_235 = arith.constant 0 : i32
      %dma_start3A_236 = arith.constant 0 : i32
      %dma_start3A_237 = tpu.memref_slice %arg11[%cond3A_78, %dma_start3A_235, %dma_start3A_236] : memref<3x8x128xi32, #tpu.memory_space<vmem>> -> memref<1x8x128xi32, #tpu.memory_space<vmem>>
      %dma_start3A_238 = tpu.memref_squeeze %dma_start3A_237 : memref<1x8x128xi32, #tpu.memory_space<vmem>> -> memref<8x128xi32, #tpu.memory_space<vmem>>
      %dma_start3A_239 = arith.constant 0 : i32
      %dma_start3A_240 = tpu.memref_slice %arg3[%dma_start3A_234, %add3A_73, %dma_start3A_239] : memref<2x25000x128xi32, #tpu.memory_space<hbm>> -> memref<1x8x128xi32, #tpu.memory_space<hbm>>
      %dma_start3A_241 = tpu.memref_squeeze %dma_start3A_240 : memref<1x8x128xi32, #tpu.memory_space<hbm>> -> memref<8x128xi32, #tpu.memory_space<hbm>>
      %dma_start3A_242 = arith.constant 0 : i32
      %dma_start3A_243 = arith.constant 0 : i32
      %dma_start3A_244 = tpu.memref_slice %arg11[%cond3A_78, %dma_start3A_242, %dma_start3A_243] : memref<3x8x128xi32, #tpu.memory_space<vmem>> -> memref<1x8x128xi32, #tpu.memory_space<vmem>>
      %dma_start3A_245 = tpu.memref_squeeze %dma_start3A_244 : memref<1x8x128xi32, #tpu.memory_space<vmem>> -> memref<8x128xi32, #tpu.memory_space<vmem>>
      %dma_start3A_246 = arith.constant 0 : i32
      %dma_start3A_247 = tpu.memref_slice %arg3[%dma_start3A_234, %add3A_73, %dma_start3A_246] : memref<2x25000x128xi32, #tpu.memory_space<hbm>> -> memref<1x8x128xi32, #tpu.memory_space<hbm>>
      %dma_start3A_248 = tpu.memref_squeeze %dma_start3A_247 : memref<1x8x128xi32, #tpu.memory_space<hbm>> -> memref<8x128xi32, #tpu.memory_space<hbm>>
      tpu.enqueue_dma source(%dma_start3A_248 : memref<8x128xi32, #tpu.memory_space<hbm>>) target(%dma_start3A_245 : memref<8x128xi32, #tpu.memory_space<vmem>>) target_semaphore(%arg15 : memref<!tpu.dma_semaphore, #tpu.memory_space<semaphore_mem>>)
    } else {
    }
    %ge3A_81 = arith.constant 25000 : i32
    %ge3A_82 = arith.cmpi sge, %add3A_73, %ge3A_81 : i32
    %convert_element_type3A_83 = arith.extui %ge3A_82 : i1 to i32
    %cond3A_84 = arith.constant 1 : i32
    %cond3A_85 = arith.constant 1 : i32
    %cond3A_86 = arith.constant 0 : i32
    %cond3A_87 = arith.cmpi ne, %convert_element_type3A_83, %cond3A_86 : i32
    scf.if %cond3A_87 {
      %sub3A = arith.constant 25000 : i32
      %sub3A_219 = arith.subi %add3A_73, %sub3A : i32
      %dma_start3A_220 = arith.constant 0 : i32
      %dma_start3A_221 = arith.constant 0 : i32
      %dma_start3A_222 = tpu.memref_slice %arg10[%cond3A_84, %dma_start3A_220, %dma_start3A_221] : memref<3x8x128xi32, #tpu.memory_space<vmem>> -> memref<1x8x128xi32, #tpu.memory_space<vmem>>
      %dma_start3A_223 = tpu.memref_squeeze %dma_start3A_222 : memref<1x8x128xi32, #tpu.memory_space<vmem>> -> memref<8x128xi32, #tpu.memory_space<vmem>>
      %dma_start3A_224 = arith.constant 0 : i32
      %dma_start3A_225 = tpu.memref_slice %arg4[%sub3A_219, %dma_start3A_224] : memref<856x128xi32, #tpu.memory_space<hbm>> -> memref<8x128xi32, #tpu.memory_space<hbm>>
      %dma_start3A_226 = arith.constant 0 : i32
      %dma_start3A_227 = arith.constant 0 : i32
      %dma_start3A_228 = tpu.memref_slice %arg10[%cond3A_84, %dma_start3A_226, %dma_start3A_227] : memref<3x8x128xi32, #tpu.memory_space<vmem>> -> memref<1x8x128xi32, #tpu.memory_space<vmem>>
      %dma_start3A_229 = tpu.memref_squeeze %dma_start3A_228 : memref<1x8x128xi32, #tpu.memory_space<vmem>> -> memref<8x128xi32, #tpu.memory_space<vmem>>
      %dma_start3A_230 = arith.constant 0 : i32
      %dma_start3A_231 = tpu.memref_slice %arg4[%sub3A_219, %dma_start3A_230] : memref<856x128xi32, #tpu.memory_space<hbm>> -> memref<8x128xi32, #tpu.memory_space<hbm>>
      tpu.enqueue_dma source(%dma_start3A_231 : memref<8x128xi32, #tpu.memory_space<hbm>>) target(%dma_start3A_229 : memref<8x128xi32, #tpu.memory_space<vmem>>) target_semaphore(%arg15 : memref<!tpu.dma_semaphore, #tpu.memory_space<semaphore_mem>>)
      %sub3A_232 = arith.constant 25000 : i32
      %sub3A_233 = arith.subi %add3A_73, %sub3A_232 : i32
      %dma_start3A_234 = arith.constant 0 : i32
      %dma_start3A_235 = arith.constant 0 : i32
      %dma_start3A_236 = tpu.memref_slice %arg11[%cond3A_85, %dma_start3A_234, %dma_start3A_235] : memref<3x8x128xi32, #tpu.memory_space<vmem>> -> memref<1x8x128xi32, #tpu.memory_space<vmem>>
      %dma_start3A_237 = tpu.memref_squeeze %dma_start3A_236 : memref<1x8x128xi32, #tpu.memory_space<vmem>> -> memref<8x128xi32, #tpu.memory_space<vmem>>
      %dma_start3A_238 = arith.constant 0 : i32
      %dma_start3A_239 = tpu.memref_slice %arg5[%sub3A_233, %dma_start3A_238] : memref<856x128xi32, #tpu.memory_space<hbm>> -> memref<8x128xi32, #tpu.memory_space<hbm>>
      %dma_start3A_240 = arith.constant 0 : i32
      %dma_start3A_241 = arith.constant 0 : i32
      %dma_start3A_242 = tpu.memref_slice %arg11[%cond3A_85, %dma_start3A_240, %dma_start3A_241] : memref<3x8x128xi32, #tpu.memory_space<vmem>> -> memref<1x8x128xi32, #tpu.memory_space<vmem>>
      %dma_start3A_243 = tpu.memref_squeeze %dma_start3A_242 : memref<1x8x128xi32, #tpu.memory_space<vmem>> -> memref<8x128xi32, #tpu.memory_space<vmem>>
      %dma_start3A_244 = arith.constant 0 : i32
      %dma_start3A_245 = tpu.memref_slice %arg5[%sub3A_233, %dma_start3A_244] : memref<856x128xi32, #tpu.memory_space<hbm>> -> memref<8x128xi32, #tpu.memory_space<hbm>>
      tpu.enqueue_dma source(%dma_start3A_245 : memref<8x128xi32, #tpu.memory_space<hbm>>) target(%dma_start3A_243 : memref<8x128xi32, #tpu.memory_space<vmem>>) target_semaphore(%arg15 : memref<!tpu.dma_semaphore, #tpu.memory_space<semaphore_mem>>)
    } else {
    }
    %dma_start3A = arith.constant 0 : i32
    %dma_start3A_88 = arith.constant 0 : i32
    %dma_start3A_89 = arith.constant 0 : i32
    %dma_start3A_90 = arith.constant 0 : i32
    %dma_start3A_91 = tpu.memref_slice %arg12[%dma_start3A_89, %dma_start3A_90] : memref<3072x8xf32, #tpu.memory_space<vmem>> -> memref<128x8xf32, #tpu.memory_space<vmem>>
    %dma_start3A_92 = arith.constant 0 : i32
    %dma_start3A_93 = tpu.memref_slice %arg10[%dma_start3A, %dma_start3A_88, %dma_start3A_92] : memref<3x8x128xi32, #tpu.memory_space<vmem>> -> memref<1x1x128xi32, #tpu.memory_space<vmem>>
    %dma_start3A_94 = tpu.memref_squeeze %dma_start3A_93 : memref<1x1x128xi32, #tpu.memory_space<vmem>> -> memref<128xi32, #tpu.memory_space<vmem>>
    %dma_start3A_95 = arith.constant 0 : i32
    %dma_start3A_96 = arith.constant 0 : i32
    %dma_start3A_97 = tpu.memref_slice %arg2[%dma_start3A_95, %dma_start3A_96] : memref<100352x8xf32, #tpu.memory_space<hbm>> -> memref<100352x8xf32, #tpu.memory_space<hbm>>
    tpu.enqueue_indirect_dma source(%dma_start3A_97 : memref<100352x8xf32, #tpu.memory_space<hbm>>) target(%dma_start3A_91 : memref<128x8xf32, #tpu.memory_space<vmem>>) offsets(%dma_start3A_94 : memref<128xi32, #tpu.memory_space<vmem>>) semaphore(%arg13 : memref<!tpu.dma_semaphore, #tpu.memory_space<semaphore_mem>>)
    %dma_start3A_98 = arith.constant 0 : i32
    %dma_start3A_99 = arith.constant 1 : i32
    %dma_start3A_100 = arith.constant 128 : i32
    %dma_start3A_101 = arith.constant 0 : i32
    %dma_start3A_102 = tpu.memref_slice %arg12[%dma_start3A_100, %dma_start3A_101] : memref<3072x8xf32, #tpu.memory_space<vmem>> -> memref<128x8xf32, #tpu.memory_space<vmem>>
    %dma_start3A_103 = arith.constant 0 : i32
    %dma_start3A_104 = tpu.memref_slice %arg10[%dma_start3A_98, %dma_start3A_99, %dma_start3A_103] : memref<3x8x128xi32, #tpu.memory_space<vmem>> -> memref<1x1x128xi32, #tpu.memory_space<vmem>>
    %dma_start3A_105 = tpu.memref_squeeze %dma_start3A_104 : memref<1x1x128xi32, #tpu.memory_space<vmem>> -> memref<128xi32, #tpu.memory_space<vmem>>
    %dma_start3A_106 = arith.constant 0 : i32
    %dma_start3A_107 = arith.constant 0 : i32
    %dma_start3A_108 = tpu.memref_slice %arg2[%dma_start3A_106, %dma_start3A_107] : memref<100352x8xf32, #tpu.memory_space<hbm>> -> memref<100352x8xf32, #tpu.memory_space<hbm>>
    tpu.enqueue_indirect_dma source(%dma_start3A_108 : memref<100352x8xf32, #tpu.memory_space<hbm>>) target(%dma_start3A_102 : memref<128x8xf32, #tpu.memory_space<vmem>>) offsets(%dma_start3A_105 : memref<128xi32, #tpu.memory_space<vmem>>) semaphore(%arg13 : memref<!tpu.dma_semaphore, #tpu.memory_space<semaphore_mem>>)
    %dma_start3A_109 = arith.constant 0 : i32
    %dma_start3A_110 = arith.constant 2 : i32
    %dma_start3A_111 = arith.constant 256 : i32
    %dma_start3A_112 = arith.constant 0 : i32
    %dma_start3A_113 = tpu.memref_slice %arg12[%dma_start3A_111, %dma_start3A_112] : memref<3072x8xf32, #tpu.memory_space<vmem>> -> memref<128x8xf32, #tpu.memory_space<vmem>>
    %dma_start3A_114 = arith.constant 0 : i32
    %dma_start3A_115 = tpu.memref_slice %arg10[%dma_start3A_109, %dma_start3A_110, %dma_start3A_114] : memref<3x8x128xi32, #tpu.memory_space<vmem>> -> memref<1x1x128xi32, #tpu.memory_space<vmem>>
    %dma_start3A_116 = tpu.memref_squeeze %dma_start3A_115 : memref<1x1x128xi32, #tpu.memory_space<vmem>> -> memref<128xi32, #tpu.memory_space<vmem>>
    %dma_start3A_117 = arith.constant 0 : i32
    %dma_start3A_118 = arith.constant 0 : i32
    %dma_start3A_119 = tpu.memref_slice %arg2[%dma_start3A_117, %dma_start3A_118] : memref<100352x8xf32, #tpu.memory_space<hbm>> -> memref<100352x8xf32, #tpu.memory_space<hbm>>
    tpu.enqueue_indirect_dma source(%dma_start3A_119 : memref<100352x8xf32, #tpu.memory_space<hbm>>) target(%dma_start3A_113 : memref<128x8xf32, #tpu.memory_space<vmem>>) offsets(%dma_start3A_116 : memref<128xi32, #tpu.memory_space<vmem>>) semaphore(%arg13 : memref<!tpu.dma_semaphore, #tpu.memory_space<semaphore_mem>>)
    %dma_start3A_120 = arith.constant 0 : i32
    %dma_start3A_121 = arith.constant 3 : i32
    %dma_start3A_122 = arith.constant 384 : i32
    %dma_start3A_123 = arith.constant 0 : i32
    %dma_start3A_124 = tpu.memref_slice %arg12[%dma_start3A_122, %dma_start3A_123] : memref<3072x8xf32, #tpu.memory_space<vmem>> -> memref<128x8xf32, #tpu.memory_space<vmem>>
    %dma_start3A_125 = arith.constant 0 : i32
    %dma_start3A_126 = tpu.memref_slice %arg10[%dma_start3A_120, %dma_start3A_121, %dma_start3A_125] : memref<3x8x128xi32, #tpu.memory_space<vmem>> -> memref<1x1x128xi32, #tpu.memory_space<vmem>>
    %dma_start3A_127 = tpu.memref_squeeze %dma_start3A_126 : memref<1x1x128xi32, #tpu.memory_space<vmem>> -> memref<128xi32, #tpu.memory_space<vmem>>
    %dma_start3A_128 = arith.constant 0 : i32
    %dma_start3A_129 = arith.constant 0 : i32
    %dma_start3A_130 = tpu.memref_slice %arg2[%dma_start3A_128, %dma_start3A_129] : memref<100352x8xf32, #tpu.memory_space<hbm>> -> memref<100352x8xf32, #tpu.memory_space<hbm>>
    tpu.enqueue_indirect_dma source(%dma_start3A_130 : memref<100352x8xf32, #tpu.memory_space<hbm>>) target(%dma_start3A_124 : memref<128x8xf32, #tpu.memory_space<vmem>>) offsets(%dma_start3A_127 : memref<128xi32, #tpu.memory_space<vmem>>) semaphore(%arg13 : memref<!tpu.dma_semaphore, #tpu.memory_space<semaphore_mem>>)
    %dma_start3A_131 = arith.constant 0 : i32
    %dma_start3A_132 = arith.constant 4 : i32
    %dma_start3A_133 = arith.constant 512 : i32
    %dma_start3A_134 = arith.constant 0 : i32
    %dma_start3A_135 = tpu.memref_slice %arg12[%dma_start3A_133, %dma_start3A_134] : memref<3072x8xf32, #tpu.memory_space<vmem>> -> memref<128x8xf32, #tpu.memory_space<vmem>>
    %dma_start3A_136 = arith.constant 0 : i32
    %dma_start3A_137 = tpu.memref_slice %arg10[%dma_start3A_131, %dma_start3A_132, %dma_start3A_136] : memref<3x8x128xi32, #tpu.memory_space<vmem>> -> memref<1x1x128xi32, #tpu.memory_space<vmem>>
    %dma_start3A_138 = tpu.memref_squeeze %dma_start3A_137 : memref<1x1x128xi32, #tpu.memory_space<vmem>> -> memref<128xi32, #tpu.memory_space<vmem>>
    %dma_start3A_139 = arith.constant 0 : i32
    %dma_start3A_140 = arith.constant 0 : i32
    %dma_start3A_141 = tpu.memref_slice %arg2[%dma_start3A_139, %dma_start3A_140] : memref<100352x8xf32, #tpu.memory_space<hbm>> -> memref<100352x8xf32, #tpu.memory_space<hbm>>
    tpu.enqueue_indirect_dma source(%dma_start3A_141 : memref<100352x8xf32, #tpu.memory_space<hbm>>) target(%dma_start3A_135 : memref<128x8xf32, #tpu.memory_space<vmem>>) offsets(%dma_start3A_138 : memref<128xi32, #tpu.memory_space<vmem>>) semaphore(%arg13 : memref<!tpu.dma_semaphore, #tpu.memory_space<semaphore_mem>>)
    %dma_start3A_142 = arith.constant 0 : i32
    %dma_start3A_143 = arith.constant 5 : i32
    %dma_start3A_144 = arith.constant 640 : i32
    %dma_start3A_145 = arith.constant 0 : i32
    %dma_start3A_146 = tpu.memref_slice %arg12[%dma_start3A_144, %dma_start3A_145] : memref<3072x8xf32, #tpu.memory_space<vmem>> -> memref<128x8xf32, #tpu.memory_space<vmem>>
    %dma_start3A_147 = arith.constant 0 : i32
    %dma_start3A_148 = tpu.memref_slice %arg10[%dma_start3A_142, %dma_start3A_143, %dma_start3A_147] : memref<3x8x128xi32, #tpu.memory_space<vmem>> -> memref<1x1x128xi32, #tpu.memory_space<vmem>>
    %dma_start3A_149 = tpu.memref_squeeze %dma_start3A_148 : memref<1x1x128xi32, #tpu.memory_space<vmem>> -> memref<128xi32, #tpu.memory_space<vmem>>
    %dma_start3A_150 = arith.constant 0 : i32
    %dma_start3A_151 = arith.constant 0 : i32
    %dma_start3A_152 = tpu.memref_slice %arg2[%dma_start3A_150, %dma_start3A_151] : memref<100352x8xf32, #tpu.memory_space<hbm>> -> memref<100352x8xf32, #tpu.memory_space<hbm>>
    tpu.enqueue_indirect_dma source(%dma_start3A_152 : memref<100352x8xf32, #tpu.memory_space<hbm>>) target(%dma_start3A_146 : memref<128x8xf32, #tpu.memory_space<vmem>>) offsets(%dma_start3A_149 : memref<128xi32, #tpu.memory_space<vmem>>) semaphore(%arg13 : memref<!tpu.dma_semaphore, #tpu.memory_space<semaphore_mem>>)
    %dma_start3A_153 = arith.constant 0 : i32
    %dma_start3A_154 = arith.constant 6 : i32
    %dma_start3A_155 = arith.constant 768 : i32
    %dma_start3A_156 = arith.constant 0 : i32
    %dma_start3A_157 = tpu.memref_slice %arg12[%dma_start3A_155, %dma_start3A_156] : memref<3072x8xf32, #tpu.memory_space<vmem>> -> memref<128x8xf32, #tpu.memory_space<vmem>>
    %dma_start3A_158 = arith.constant 0 : i32
    %dma_start3A_159 = tpu.memref_slice %arg10[%dma_start3A_153, %dma_start3A_154, %dma_start3A_158] : memref<3x8x128xi32, #tpu.memory_space<vmem>> -> memref<1x1x128xi32, #tpu.memory_space<vmem>>
    %dma_start3A_160 = tpu.memref_squeeze %dma_start3A_159 : memref<1x1x128xi32, #tpu.memory_space<vmem>> -> memref<128xi32, #tpu.memory_space<vmem>>
    %dma_start3A_161 = arith.constant 0 : i32
    %dma_start3A_162 = arith.constant 0 : i32
    %dma_start3A_163 = tpu.memref_slice %arg2[%dma_start3A_161, %dma_start3A_162] : memref<100352x8xf32, #tpu.memory_space<hbm>> -> memref<100352x8xf32, #tpu.memory_space<hbm>>
    tpu.enqueue_indirect_dma source(%dma_start3A_163 : memref<100352x8xf32, #tpu.memory_space<hbm>>) target(%dma_start3A_157 : memref<128x8xf32, #tpu.memory_space<vmem>>) offsets(%dma_start3A_160 : memref<128xi32, #tpu.memory_space<vmem>>) semaphore(%arg13 : memref<!tpu.dma_semaphore, #tpu.memory_space<semaphore_mem>>)
    %dma_start3A_164 = arith.constant 0 : i32
    %dma_start3A_165 = arith.constant 7 : i32
    %dma_start3A_166 = arith.constant 896 : i32
    %dma_start3A_167 = arith.constant 0 : i32
    %dma_start3A_168 = tpu.memref_slice %arg12[%dma_start3A_166, %dma_start3A_167] : memref<3072x8xf32, #tpu.memory_space<vmem>> -> memref<128x8xf32, #tpu.memory_space<vmem>>
    %dma_start3A_169 = arith.constant 0 : i32
    %dma_start3A_170 = tpu.memref_slice %arg10[%dma_start3A_164, %dma_start3A_165, %dma_start3A_169] : memref<3x8x128xi32, #tpu.memory_space<vmem>> -> memref<1x1x128xi32, #tpu.memory_space<vmem>>
    %dma_start3A_171 = tpu.memref_squeeze %dma_start3A_170 : memref<1x1x128xi32, #tpu.memory_space<vmem>> -> memref<128xi32, #tpu.memory_space<vmem>>
    %dma_start3A_172 = arith.constant 0 : i32
    %dma_start3A_173 = arith.constant 0 : i32
    %dma_start3A_174 = tpu.memref_slice %arg2[%dma_start3A_172, %dma_start3A_173] : memref<100352x8xf32, #tpu.memory_space<hbm>> -> memref<100352x8xf32, #tpu.memory_space<hbm>>
    tpu.enqueue_indirect_dma source(%dma_start3A_174 : memref<100352x8xf32, #tpu.memory_space<hbm>>) target(%dma_start3A_168 : memref<128x8xf32, #tpu.memory_space<vmem>>) offsets(%dma_start3A_171 : memref<128xi32, #tpu.memory_space<vmem>>) semaphore(%arg13 : memref<!tpu.dma_semaphore, #tpu.memory_space<semaphore_mem>>)
    %scan3A = arith.constant 0 : i32
    %scan3A_175 = arith.constant 101 : i32
    %scan3A_176 = arith.addi %scan3A, %scan3A_175 : i32
    %scan3A_177 = arith.constant 1 : i32
    scf.for %scan3A_219 = %scan3A to %scan3A_176 step %scan3A_177  : i32 {
      %add3A_220 = arith.constant 3 : i32
      %add3A_221 = arith.addi %scan3A_219, %add3A_220 : i32
      %sub3A = arith.constant 1 : i32
      %sub3A_222 = arith.subi %add3A_221, %sub3A : i32
      %jit3A = arith.constant 3 : i32
      %eq3A = arith.constant 0 : i32
      %eq3A_223 = arith.cmpi eq, %jit3A, %eq3A : i32
      %jit3A_224 = arith.constant 1 : i32
      %select_n3A = arith.select %eq3A_223, %jit3A_224, %jit3A : i32
      %rem3A = arith.remsi %sub3A_222, %select_n3A : i32
      %ne3A = arith.constant 0 : i32
      %ne3A_225 = arith.cmpi ne, %rem3A, %ne3A : i32
      %lt3A_226 = arith.constant 0 : i32
      %lt3A_227 = arith.cmpi slt, %rem3A, %lt3A_226 : i32
      %lt3A_228 = arith.constant 0 : i32
      %lt3A_229 = arith.cmpi slt, %select_n3A, %lt3A_228 : i32
      %ne3A_230 = arith.xori %lt3A_227, %lt3A_229 : i1
      %and3A = arith.andi %ne3A_230, %ne3A_225 : i1
      %add3A_231 = arith.addi %rem3A, %select_n3A : i32
      %select_n3A_232 = arith.select %and3A, %add3A_231, %rem3A : i32
      %jit3A_233 = arith.constant 3 : i32
      %eq3A_234 = arith.constant 0 : i32
      %eq3A_235 = arith.cmpi eq, %jit3A_233, %eq3A_234 : i32
      %jit3A_236 = arith.constant 1 : i32
      %select_n3A_237 = arith.select %eq3A_235, %jit3A_236, %jit3A_233 : i32
      %rem3A_238 = arith.remsi %scan3A_219, %select_n3A_237 : i32
      %ne3A_239 = arith.constant 0 : i32
      %ne3A_240 = arith.cmpi ne, %rem3A_238, %ne3A_239 : i32
      %lt3A_241 = arith.constant 0 : i32
      %lt3A_242 = arith.cmpi slt, %rem3A_238, %lt3A_241 : i32
      %lt3A_243 = arith.constant 0 : i32
      %lt3A_244 = arith.cmpi slt, %select_n3A_237, %lt3A_243 : i32
      %ne3A_245 = arith.xori %lt3A_242, %lt3A_244 : i1
      %and3A_246 = arith.andi %ne3A_245, %ne3A_240 : i1
      %add3A_247 = arith.addi %rem3A_238, %select_n3A_237 : i32
      %select_n3A_248 = arith.select %and3A_246, %add3A_247, %rem3A_238 : i32
      %add3A_249 = arith.constant 1 : i32
      %add3A_250 = arith.addi %scan3A_219, %add3A_249 : i32
      %jit3A_251 = arith.constant 3 : i32
      %eq3A_252 = arith.constant 0 : i32
      %eq3A_253 = arith.cmpi eq, %jit3A_251, %eq3A_252 : i32
      %jit3A_254 = arith.constant 1 : i32
      %select_n3A_255 = arith.select %eq3A_253, %jit3A_254, %jit3A_251 : i32
      %rem3A_256 = arith.remsi %add3A_250, %select_n3A_255 : i32
      %ne3A_257 = arith.constant 0 : i32
      %ne3A_258 = arith.cmpi ne, %rem3A_256, %ne3A_257 : i32
      %lt3A_259 = arith.constant 0 : i32
      %lt3A_260 = arith.cmpi slt, %rem3A_256, %lt3A_259 : i32
      %lt3A_261 = arith.constant 0 : i32
      %lt3A_262 = arith.cmpi slt, %select_n3A_255, %lt3A_261 : i32
      %ne3A_263 = arith.xori %lt3A_260, %lt3A_262 : i1
      %and3A_264 = arith.andi %ne3A_263, %ne3A_258 : i1
      %add3A_265 = arith.addi %rem3A_256, %select_n3A_255 : i32
      %select_n3A_266 = arith.select %and3A_264, %add3A_265, %rem3A_256 : i32
      %add3A_267 = arith.constant 2 : i32
      %add3A_268 = arith.addi %scan3A_219, %add3A_267 : i32
      %jit3A_269 = arith.constant 3 : i32
      %eq3A_270 = arith.constant 0 : i32
      %eq3A_271 = arith.cmpi eq, %jit3A_269, %eq3A_270 : i32
      %jit3A_272 = arith.constant 1 : i32
      %select_n3A_273 = arith.select %eq3A_271, %jit3A_272, %jit3A_269 : i32
      %rem3A_274 = arith.remsi %add3A_268, %select_n3A_273 : i32
      %ne3A_275 = arith.constant 0 : i32
      %ne3A_276 = arith.cmpi ne, %rem3A_274, %ne3A_275 : i32
      %lt3A_277 = arith.constant 0 : i32
      %lt3A_278 = arith.cmpi slt, %rem3A_274, %lt3A_277 : i32
      %lt3A_279 = arith.constant 0 : i32
      %lt3A_280 = arith.cmpi slt, %select_n3A_273, %lt3A_279 : i32
      %ne3A_281 = arith.xori %lt3A_278, %lt3A_280 : i1
      %and3A_282 = arith.andi %ne3A_281, %ne3A_276 : i1
      %add3A_283 = arith.addi %rem3A_274, %select_n3A_273 : i32
      %select_n3A_284 = arith.select %and3A_282, %add3A_283, %rem3A_274 : i32
      %gt3A = arith.constant 0 : i32
      %gt3A_285 = arith.cmpi sgt, %scan3A_219, %gt3A : i32
      %convert_element_type3A_286 = arith.extui %gt3A_285 : i1 to i32
      %cond3A_287 = arith.constant 0 : i32
      %cond3A_288 = arith.cmpi ne, %convert_element_type3A_286, %cond3A_287 : i32
      scf.if %cond3A_288 {
        %mul3A_432 = arith.constant 8 : i32
        %mul3A_433 = arith.muli %select_n3A_232, %mul3A_432 : i32
        %mul3A_434 = arith.constant 128 : i32
        %mul3A_435 = arith.muli %mul3A_433, %mul3A_434 : i32
        %dma_wait3A_436 = arith.constant 0 : i32
        %dma_wait3A_437 = tpu.memref_slice %arg12[%mul3A_435, %dma_wait3A_436] : memref<3072x8xf32, #tpu.memory_space<vmem>> -> memref<1024x8xf32, #tpu.memory_space<vmem>>
        %dma_wait3A_438 = arith.constant 0 : i32
        %dma_wait3A_439 = tpu.memref_slice %arg12[%mul3A_435, %dma_wait3A_438] : memref<3072x8xf32, #tpu.memory_space<vmem>> -> memref<1024x8xf32, #tpu.memory_space<vmem>>
        tpu.wait_dma2 semaphore(%arg14 : memref<!tpu.dma_semaphore, #tpu.memory_space<semaphore_mem>>) src(%arg7 : memref<1024x8xf32, #tpu.memory_space<hbm>>) dst(%dma_wait3A_439 : memref<1024x8xf32, #tpu.memory_space<vmem>>)
      } else {
      }
      %mul3A_289 = arith.constant 8 : i32
      %mul3A_290 = arith.muli %select_n3A_248, %mul3A_289 : i32
      %mul3A_291 = arith.constant 128 : i32
      %mul3A_292 = arith.muli %mul3A_290, %mul3A_291 : i32
      %dma_wait3A_293 = arith.constant 0 : i32
      %dma_wait3A_294 = tpu.memref_slice %arg12[%mul3A_292, %dma_wait3A_293] : memref<3072x8xf32, #tpu.memory_space<vmem>> -> memref<1024x8xf32, #tpu.memory_space<vmem>>
      %dma_wait3A_295 = arith.constant 0 : i32
      %dma_wait3A_296 = tpu.memref_slice %arg12[%mul3A_292, %dma_wait3A_295] : memref<3072x8xf32, #tpu.memory_space<vmem>> -> memref<1024x8xf32, #tpu.memory_space<vmem>>
      tpu.wait_dma2 semaphore(%arg13 : memref<!tpu.dma_semaphore, #tpu.memory_space<semaphore_mem>>) src(%arg7 : memref<1024x8xf32, #tpu.memory_space<hbm>>) dst(%dma_wait3A_296 : memref<1024x8xf32, #tpu.memory_space<vmem>>)
      %mul3A_297 = arith.constant 8 : i32
      %mul3A_298 = arith.muli %select_n3A_248, %mul3A_297 : i32
      %add3A_299 = arith.constant 0 : i32
      %add3A_300 = arith.addi %mul3A_298, %add3A_299 : i32
      %mul3A_301 = arith.constant 128 : i32
      %mul3A_302 = arith.muli %add3A_300, %mul3A_301 : i32
      %dma_start3A_303 = arith.constant 0 : i32
      %dma_start3A_304 = arith.constant 0 : i32
      %dma_start3A_305 = tpu.memref_slice %arg12[%mul3A_302, %dma_start3A_304] : memref<3072x8xf32, #tpu.memory_space<vmem>> -> memref<128x8xf32, #tpu.memory_space<vmem>>
      %dma_start3A_306 = arith.constant 0 : i32
      %dma_start3A_307 = tpu.memref_slice %arg11[%select_n3A_248, %dma_start3A_303, %dma_start3A_306] : memref<3x8x128xi32, #tpu.memory_space<vmem>> -> memref<1x1x128xi32, #tpu.memory_space<vmem>>
      %dma_start3A_308 = tpu.memref_squeeze %dma_start3A_307 : memref<1x1x128xi32, #tpu.memory_space<vmem>> -> memref<128xi32, #tpu.memory_space<vmem>>
      %dma_start3A_309 = arith.constant 0 : i32
      %dma_start3A_310 = arith.constant 0 : i32
      %dma_start3A_311 = tpu.memref_slice %arg9[%dma_start3A_309, %dma_start3A_310] : memref<100352x8xf32, #tpu.memory_space<vmem_shared>> -> memref<100352x8xf32, #tpu.memory_space<vmem_shared>>
      tpu.enqueue_indirect_dma source(%dma_start3A_305 : memref<128x8xf32, #tpu.memory_space<vmem>>) target(%dma_start3A_311 : memref<100352x8xf32, #tpu.memory_space<vmem_shared>>) offsets(%dma_start3A_308 : memref<128xi32, #tpu.memory_space<vmem>>) semaphore(%arg14 : memref<!tpu.dma_semaphore, #tpu.memory_space<semaphore_mem>>) {add = true}
      %mul3A_312 = arith.constant 8 : i32
      %mul3A_313 = arith.muli %select_n3A_248, %mul3A_312 : i32
      %add3A_314 = arith.constant 1 : i32
      %add3A_315 = arith.addi %mul3A_313, %add3A_314 : i32
      %mul3A_316 = arith.constant 128 : i32
      %mul3A_317 = arith.muli %add3A_315, %mul3A_316 : i32
      %dma_start3A_318 = arith.constant 1 : i32
      %dma_start3A_319 = arith.constant 0 : i32
      %dma_start3A_320 = tpu.memref_slice %arg12[%mul3A_317, %dma_start3A_319] : memref<3072x8xf32, #tpu.memory_space<vmem>> -> memref<128x8xf32, #tpu.memory_space<vmem>>
      %dma_start3A_321 = arith.constant 0 : i32
      %dma_start3A_322 = tpu.memref_slice %arg11[%select_n3A_248, %dma_start3A_318, %dma_start3A_321] : memref<3x8x128xi32, #tpu.memory_space<vmem>> -> memref<1x1x128xi32, #tpu.memory_space<vmem>>
      %dma_start3A_323 = tpu.memref_squeeze %dma_start3A_322 : memref<1x1x128xi32, #tpu.memory_space<vmem>> -> memref<128xi32, #tpu.memory_space<vmem>>
      %dma_start3A_324 = arith.constant 0 : i32
      %dma_start3A_325 = arith.constant 0 : i32
      %dma_start3A_326 = tpu.memref_slice %arg9[%dma_start3A_324, %dma_start3A_325] : memref<100352x8xf32, #tpu.memory_space<vmem_shared>> -> memref<100352x8xf32, #tpu.memory_space<vmem_shared>>
      tpu.enqueue_indirect_dma source(%dma_start3A_320 : memref<128x8xf32, #tpu.memory_space<vmem>>) target(%dma_start3A_326 : memref<100352x8xf32, #tpu.memory_space<vmem_shared>>) offsets(%dma_start3A_323 : memref<128xi32, #tpu.memory_space<vmem>>) semaphore(%arg14 : memref<!tpu.dma_semaphore, #tpu.memory_space<semaphore_mem>>) {add = true}
      %mul3A_327 = arith.constant 8 : i32
      %mul3A_328 = arith.muli %select_n3A_248, %mul3A_327 : i32
      %add3A_329 = arith.constant 2 : i32
      %add3A_330 = arith.addi %mul3A_328, %add3A_329 : i32
      %mul3A_331 = arith.constant 128 : i32
      %mul3A_332 = arith.muli %add3A_330, %mul3A_331 : i32
      %dma_start3A_333 = arith.constant 2 : i32
      %dma_start3A_334 = arith.constant 0 : i32
      %dma_start3A_335 = tpu.memref_slice %arg12[%mul3A_332, %dma_start3A_334] : memref<3072x8xf32, #tpu.memory_space<vmem>> -> memref<128x8xf32, #tpu.memory_space<vmem>>
      %dma_start3A_336 = arith.constant 0 : i32
      %dma_start3A_337 = tpu.memref_slice %arg11[%select_n3A_248, %dma_start3A_333, %dma_start3A_336] : memref<3x8x128xi32, #tpu.memory_space<vmem>> -> memref<1x1x128xi32, #tpu.memory_space<vmem>>
      %dma_start3A_338 = tpu.memref_squeeze %dma_start3A_337 : memref<1x1x128xi32, #tpu.memory_space<vmem>> -> memref<128xi32, #tpu.memory_space<vmem>>
      %dma_start3A_339 = arith.constant 0 : i32
      %dma_start3A_340 = arith.constant 0 : i32
      %dma_start3A_341 = tpu.memref_slice %arg9[%dma_start3A_339, %dma_start3A_340] : memref<100352x8xf32, #tpu.memory_space<vmem_shared>> -> memref<100352x8xf32, #tpu.memory_space<vmem_shared>>
      tpu.enqueue_indirect_dma source(%dma_start3A_335 : memref<128x8xf32, #tpu.memory_space<vmem>>) target(%dma_start3A_341 : memref<100352x8xf32, #tpu.memory_space<vmem_shared>>) offsets(%dma_start3A_338 : memref<128xi32, #tpu.memory_space<vmem>>) semaphore(%arg14 : memref<!tpu.dma_semaphore, #tpu.memory_space<semaphore_mem>>) {add = true}
      %mul3A_342 = arith.constant 8 : i32
      %mul3A_343 = arith.muli %select_n3A_248, %mul3A_342 : i32
      %add3A_344 = arith.constant 3 : i32
      %add3A_345 = arith.addi %mul3A_343, %add3A_344 : i32
      %mul3A_346 = arith.constant 128 : i32
      %mul3A_347 = arith.muli %add3A_345, %mul3A_346 : i32
      %dma_start3A_348 = arith.constant 3 : i32
      %dma_start3A_349 = arith.constant 0 : i32
      %dma_start3A_350 = tpu.memref_slice %arg12[%mul3A_347, %dma_start3A_349] : memref<3072x8xf32, #tpu.memory_space<vmem>> -> memref<128x8xf32, #tpu.memory_space<vmem>>
      %dma_start3A_351 = arith.constant 0 : i32
      %dma_start3A_352 = tpu.memref_slice %arg11[%select_n3A_248, %dma_start3A_348, %dma_start3A_351] : memref<3x8x128xi32, #tpu.memory_space<vmem>> -> memref<1x1x128xi32, #tpu.memory_space<vmem>>
      %dma_start3A_353 = tpu.memref_squeeze %dma_start3A_352 : memref<1x1x128xi32, #tpu.memory_space<vmem>> -> memref<128xi32, #tpu.memory_space<vmem>>
      %dma_start3A_354 = arith.constant 0 : i32
      %dma_start3A_355 = arith.constant 0 : i32
      %dma_start3A_356 = tpu.memref_slice %arg9[%dma_start3A_354, %dma_start3A_355] : memref<100352x8xf32, #tpu.memory_space<vmem_shared>> -> memref<100352x8xf32, #tpu.memory_space<vmem_shared>>
      tpu.enqueue_indirect_dma source(%dma_start3A_350 : memref<128x8xf32, #tpu.memory_space<vmem>>) target(%dma_start3A_356 : memref<100352x8xf32, #tpu.memory_space<vmem_shared>>) offsets(%dma_start3A_353 : memref<128xi32, #tpu.memory_space<vmem>>) semaphore(%arg14 : memref<!tpu.dma_semaphore, #tpu.memory_space<semaphore_mem>>) {add = true}
      %mul3A_357 = arith.constant 8 : i32
      %mul3A_358 = arith.muli %select_n3A_248, %mul3A_357 : i32
      %add3A_359 = arith.constant 4 : i32
      %add3A_360 = arith.addi %mul3A_358, %add3A_359 : i32
      %mul3A_361 = arith.constant 128 : i32
      %mul3A_362 = arith.muli %add3A_360, %mul3A_361 : i32
      %dma_start3A_363 = arith.constant 4 : i32
      %dma_start3A_364 = arith.constant 0 : i32
      %dma_start3A_365 = tpu.memref_slice %arg12[%mul3A_362, %dma_start3A_364] : memref<3072x8xf32, #tpu.memory_space<vmem>> -> memref<128x8xf32, #tpu.memory_space<vmem>>
      %dma_start3A_366 = arith.constant 0 : i32
      %dma_start3A_367 = tpu.memref_slice %arg11[%select_n3A_248, %dma_start3A_363, %dma_start3A_366] : memref<3x8x128xi32, #tpu.memory_space<vmem>> -> memref<1x1x128xi32, #tpu.memory_space<vmem>>
      %dma_start3A_368 = tpu.memref_squeeze %dma_start3A_367 : memref<1x1x128xi32, #tpu.memory_space<vmem>> -> memref<128xi32, #tpu.memory_space<vmem>>
      %dma_start3A_369 = arith.constant 0 : i32
      %dma_start3A_370 = arith.constant 0 : i32
      %dma_start3A_371 = tpu.memref_slice %arg9[%dma_start3A_369, %dma_start3A_370] : memref<100352x8xf32, #tpu.memory_space<vmem_shared>> -> memref<100352x8xf32, #tpu.memory_space<vmem_shared>>
      tpu.enqueue_indirect_dma source(%dma_start3A_365 : memref<128x8xf32, #tpu.memory_space<vmem>>) target(%dma_start3A_371 : memref<100352x8xf32, #tpu.memory_space<vmem_shared>>) offsets(%dma_start3A_368 : memref<128xi32, #tpu.memory_space<vmem>>) semaphore(%arg14 : memref<!tpu.dma_semaphore, #tpu.memory_space<semaphore_mem>>) {add = true}
      %mul3A_372 = arith.constant 8 : i32
      %mul3A_373 = arith.muli %select_n3A_248, %mul3A_372 : i32
      %add3A_374 = arith.constant 5 : i32
      %add3A_375 = arith.addi %mul3A_373, %add3A_374 : i32
      %mul3A_376 = arith.constant 128 : i32
      %mul3A_377 = arith.muli %add3A_375, %mul3A_376 : i32
      %dma_start3A_378 = arith.constant 5 : i32
      %dma_start3A_379 = arith.constant 0 : i32
      %dma_start3A_380 = tpu.memref_slice %arg12[%mul3A_377, %dma_start3A_379] : memref<3072x8xf32, #tpu.memory_space<vmem>> -> memref<128x8xf32, #tpu.memory_space<vmem>>
      %dma_start3A_381 = arith.constant 0 : i32
      %dma_start3A_382 = tpu.memref_slice %arg11[%select_n3A_248, %dma_start3A_378, %dma_start3A_381] : memref<3x8x128xi32, #tpu.memory_space<vmem>> -> memref<1x1x128xi32, #tpu.memory_space<vmem>>
      %dma_start3A_383 = tpu.memref_squeeze %dma_start3A_382 : memref<1x1x128xi32, #tpu.memory_space<vmem>> -> memref<128xi32, #tpu.memory_space<vmem>>
      %dma_start3A_384 = arith.constant 0 : i32
      %dma_start3A_385 = arith.constant 0 : i32
      %dma_start3A_386 = tpu.memref_slice %arg9[%dma_start3A_384, %dma_start3A_385] : memref<100352x8xf32, #tpu.memory_space<vmem_shared>> -> memref<100352x8xf32, #tpu.memory_space<vmem_shared>>
      tpu.enqueue_indirect_dma source(%dma_start3A_380 : memref<128x8xf32, #tpu.memory_space<vmem>>) target(%dma_start3A_386 : memref<100352x8xf32, #tpu.memory_space<vmem_shared>>) offsets(%dma_start3A_383 : memref<128xi32, #tpu.memory_space<vmem>>) semaphore(%arg14 : memref<!tpu.dma_semaphore, #tpu.memory_space<semaphore_mem>>) {add = true}
      %mul3A_387 = arith.constant 8 : i32
      %mul3A_388 = arith.muli %select_n3A_248, %mul3A_387 : i32
      %add3A_389 = arith.constant 6 : i32
      %add3A_390 = arith.addi %mul3A_388, %add3A_389 : i32
      %mul3A_391 = arith.constant 128 : i32
      %mul3A_392 = arith.muli %add3A_390, %mul3A_391 : i32
      %dma_start3A_393 = arith.constant 6 : i32
      %dma_start3A_394 = arith.constant 0 : i32
      %dma_start3A_395 = tpu.memref_slice %arg12[%mul3A_392, %dma_start3A_394] : memref<3072x8xf32, #tpu.memory_space<vmem>> -> memref<128x8xf32, #tpu.memory_space<vmem>>
      %dma_start3A_396 = arith.constant 0 : i32
      %dma_start3A_397 = tpu.memref_slice %arg11[%select_n3A_248, %dma_start3A_393, %dma_start3A_396] : memref<3x8x128xi32, #tpu.memory_space<vmem>> -> memref<1x1x128xi32, #tpu.memory_space<vmem>>
      %dma_start3A_398 = tpu.memref_squeeze %dma_start3A_397 : memref<1x1x128xi32, #tpu.memory_space<vmem>> -> memref<128xi32, #tpu.memory_space<vmem>>
      %dma_start3A_399 = arith.constant 0 : i32
      %dma_start3A_400 = arith.constant 0 : i32
      %dma_start3A_401 = tpu.memref_slice %arg9[%dma_start3A_399, %dma_start3A_400] : memref<100352x8xf32, #tpu.memory_space<vmem_shared>> -> memref<100352x8xf32, #tpu.memory_space<vmem_shared>>
      tpu.enqueue_indirect_dma source(%dma_start3A_395 : memref<128x8xf32, #tpu.memory_space<vmem>>) target(%dma_start3A_401 : memref<100352x8xf32, #tpu.memory_space<vmem_shared>>) offsets(%dma_start3A_398 : memref<128xi32, #tpu.memory_space<vmem>>) semaphore(%arg14 : memref<!tpu.dma_semaphore, #tpu.memory_space<semaphore_mem>>) {add = true}
      %mul3A_402 = arith.constant 8 : i32
      %mul3A_403 = arith.muli %select_n3A_248, %mul3A_402 : i32
      %add3A_404 = arith.constant 7 : i32
      %add3A_405 = arith.addi %mul3A_403, %add3A_404 : i32
      %mul3A_406 = arith.constant 128 : i32
      %mul3A_407 = arith.muli %add3A_405, %mul3A_406 : i32
      %dma_start3A_408 = arith.constant 7 : i32
      %dma_start3A_409 = arith.constant 0 : i32
      %dma_start3A_410 = tpu.memref_slice %arg12[%mul3A_407, %dma_start3A_409] : memref<3072x8xf32, #tpu.memory_space<vmem>> -> memref<128x8xf32, #tpu.memory_space<vmem>>
      %dma_start3A_411 = arith.constant 0 : i32
      %dma_start3A_412 = tpu.memref_slice %arg11[%select_n3A_248, %dma_start3A_408, %dma_start3A_411] : memref<3x8x128xi32, #tpu.memory_space<vmem>> -> memref<1x1x128xi32, #tpu.memory_space<vmem>>
      %dma_start3A_413 = tpu.memref_squeeze %dma_start3A_412 : memref<1x1x128xi32, #tpu.memory_space<vmem>> -> memref<128xi32, #tpu.memory_space<vmem>>
      %dma_start3A_414 = arith.constant 0 : i32
      %dma_start3A_415 = arith.constant 0 : i32
      %dma_start3A_416 = tpu.memref_slice %arg9[%dma_start3A_414, %dma_start3A_415] : memref<100352x8xf32, #tpu.memory_space<vmem_shared>> -> memref<100352x8xf32, #tpu.memory_space<vmem_shared>>
      tpu.enqueue_indirect_dma source(%dma_start3A_410 : memref<128x8xf32, #tpu.memory_space<vmem>>) target(%dma_start3A_416 : memref<100352x8xf32, #tpu.memory_space<vmem_shared>>) offsets(%dma_start3A_413 : memref<128xi32, #tpu.memory_space<vmem>>) semaphore(%arg14 : memref<!tpu.dma_semaphore, #tpu.memory_space<semaphore_mem>>) {add = true}
      %lt3A_417 = arith.constant 100 : i32
      %lt3A_418 = arith.cmpi slt, %scan3A_219, %lt3A_417 : i32
      %convert_element_type3A_419 = arith.extui %lt3A_418 : i1 to i32
      %cond3A_420 = arith.constant 0 : i32
      %cond3A_421 = arith.cmpi ne, %convert_element_type3A_419, %cond3A_420 : i32
      scf.if %cond3A_421 {
        %dma_wait3A_432 = arith.constant 0 : i32
        %dma_wait3A_433 = arith.constant 0 : i32
        %dma_wait3A_434 = arith.constant 0 : i32
        %dma_wait3A_435 = tpu.memref_slice %arg10[%select_n3A_266, %dma_wait3A_433, %dma_wait3A_434] : memref<3x8x128xi32, #tpu.memory_space<vmem>> -> memref<1x8x128xi32, #tpu.memory_space<vmem>>
        %dma_wait3A_436 = tpu.memref_squeeze %dma_wait3A_435 : memref<1x8x128xi32, #tpu.memory_space<vmem>> -> memref<8x128xi32, #tpu.memory_space<vmem>>
        %dma_wait3A_437 = arith.constant 0 : i32
        %dma_wait3A_438 = arith.constant 0 : i32
        %dma_wait3A_439 = tpu.memref_slice %arg3[%dma_wait3A_432, %dma_wait3A_437, %dma_wait3A_438] : memref<2x25000x128xi32, #tpu.memory_space<hbm>> -> memref<1x8x128xi32, #tpu.memory_space<hbm>>
        %dma_wait3A_440 = tpu.memref_squeeze %dma_wait3A_439 : memref<1x8x128xi32, #tpu.memory_space<hbm>> -> memref<8x128xi32, #tpu.memory_space<hbm>>
        %dma_wait3A_441 = arith.constant 0 : i32
        %dma_wait3A_442 = arith.constant 0 : i32
        %dma_wait3A_443 = tpu.memref_slice %arg10[%select_n3A_266, %dma_wait3A_441, %dma_wait3A_442] : memref<3x8x128xi32, #tpu.memory_space<vmem>> -> memref<1x8x128xi32, #tpu.memory_space<vmem>>
        %dma_wait3A_444 = tpu.memref_squeeze %dma_wait3A_443 : memref<1x8x128xi32, #tpu.memory_space<vmem>> -> memref<8x128xi32, #tpu.memory_space<vmem>>
        %dma_wait3A_445 = arith.constant 0 : i32
        %dma_wait3A_446 = arith.constant 0 : i32
        %dma_wait3A_447 = tpu.memref_slice %arg3[%dma_wait3A_432, %dma_wait3A_445, %dma_wait3A_446] : memref<2x25000x128xi32, #tpu.memory_space<hbm>> -> memref<1x8x128xi32, #tpu.memory_space<hbm>>
        %dma_wait3A_448 = tpu.memref_squeeze %dma_wait3A_447 : memref<1x8x128xi32, #tpu.memory_space<hbm>> -> memref<8x128xi32, #tpu.memory_space<hbm>>
        tpu.wait_dma2 semaphore(%arg15 : memref<!tpu.dma_semaphore, #tpu.memory_space<semaphore_mem>>) src(%dma_wait3A_448 : memref<8x128xi32, #tpu.memory_space<hbm>>) dst(%dma_wait3A_444 : memref<8x128xi32, #tpu.memory_space<vmem>>)
        %dma_wait3A_449 = arith.constant 0 : i32
        %dma_wait3A_450 = arith.constant 0 : i32
        %dma_wait3A_451 = arith.constant 0 : i32
        %dma_wait3A_452 = tpu.memref_slice %arg11[%select_n3A_266, %dma_wait3A_450, %dma_wait3A_451] : memref<3x8x128xi32, #tpu.memory_space<vmem>> -> memref<1x8x128xi32, #tpu.memory_space<vmem>>
        %dma_wait3A_453 = tpu.memref_squeeze %dma_wait3A_452 : memref<1x8x128xi32, #tpu.memory_space<vmem>> -> memref<8x128xi32, #tpu.memory_space<vmem>>
        %dma_wait3A_454 = arith.constant 0 : i32
        %dma_wait3A_455 = arith.constant 0 : i32
        %dma_wait3A_456 = tpu.memref_slice %arg3[%dma_wait3A_449, %dma_wait3A_454, %dma_wait3A_455] : memref<2x25000x128xi32, #tpu.memory_space<hbm>> -> memref<1x8x128xi32, #tpu.memory_space<hbm>>
        %dma_wait3A_457 = tpu.memref_squeeze %dma_wait3A_456 : memref<1x8x128xi32, #tpu.memory_space<hbm>> -> memref<8x128xi32, #tpu.memory_space<hbm>>
        %dma_wait3A_458 = arith.constant 0 : i32
        %dma_wait3A_459 = arith.constant 0 : i32
        %dma_wait3A_460 = tpu.memref_slice %arg11[%select_n3A_266, %dma_wait3A_458, %dma_wait3A_459] : memref<3x8x128xi32, #tpu.memory_space<vmem>> -> memref<1x8x128xi32, #tpu.memory_space<vmem>>
        %dma_wait3A_461 = tpu.memref_squeeze %dma_wait3A_460 : memref<1x8x128xi32, #tpu.memory_space<vmem>> -> memref<8x128xi32, #tpu.memory_space<vmem>>
        %dma_wait3A_462 = arith.constant 0 : i32
        %dma_wait3A_463 = arith.constant 0 : i32
        %dma_wait3A_464 = tpu.memref_slice %arg3[%dma_wait3A_449, %dma_wait3A_462, %dma_wait3A_463] : memref<2x25000x128xi32, #tpu.memory_space<hbm>> -> memref<1x8x128xi32, #tpu.memory_space<hbm>>
        %dma_wait3A_465 = tpu.memref_squeeze %dma_wait3A_464 : memref<1x8x128xi32, #tpu.memory_space<hbm>> -> memref<8x128xi32, #tpu.memory_space<hbm>>
        tpu.wait_dma2 semaphore(%arg15 : memref<!tpu.dma_semaphore, #tpu.memory_space<semaphore_mem>>) src(%dma_wait3A_465 : memref<8x128xi32, #tpu.memory_space<hbm>>) dst(%dma_wait3A_461 : memref<8x128xi32, #tpu.memory_space<vmem>>)
      } else {
      }
      %lt3A_422 = arith.constant 99 : i32
      %lt3A_423 = arith.cmpi slt, %scan3A_219, %lt3A_422 : i32
      %convert_element_type3A_424 = arith.extui %lt3A_423 : i1 to i32
      %cond3A_425 = arith.constant 0 : i32
      %cond3A_426 = arith.cmpi ne, %convert_element_type3A_424, %cond3A_425 : i32
      scf.if %cond3A_426 {
        %add3A_432 = arith.constant 2 : i32
        %add3A_433 = arith.addi %scan3A_219, %add3A_432 : i32
        %mul3A_434 = arith.constant 8 : i32
        %mul3A_435 = arith.muli %add3A_433, %mul3A_434 : i32
        %add3A_436 = arith.addi %mul3A_2, %mul3A_435 : i32
        %lt3A_437 = arith.constant 25000 : i32
        %lt3A_438 = arith.cmpi slt, %add3A_436, %lt3A_437 : i32
        %convert_element_type3A_439 = arith.extui %lt3A_438 : i1 to i32
        %cond3A_440 = arith.constant 0 : i32
        %cond3A_441 = arith.cmpi ne, %convert_element_type3A_439, %cond3A_440 : i32
        scf.if %cond3A_441 {
          %dma_start3A_447 = arith.constant 0 : i32
          %dma_start3A_448 = arith.constant 0 : i32
          %dma_start3A_449 = arith.constant 0 : i32
          %dma_start3A_450 = tpu.memref_slice %arg10[%select_n3A_284, %dma_start3A_448, %dma_start3A_449] : memref<3x8x128xi32, #tpu.memory_space<vmem>> -> memref<1x8x128xi32, #tpu.memory_space<vmem>>
          %dma_start3A_451 = tpu.memref_squeeze %dma_start3A_450 : memref<1x8x128xi32, #tpu.memory_space<vmem>> -> memref<8x128xi32, #tpu.memory_space<vmem>>
          %dma_start3A_452 = arith.constant 0 : i32
          %dma_start3A_453 = tpu.memref_slice %arg3[%dma_start3A_447, %add3A_436, %dma_start3A_452] : memref<2x25000x128xi32, #tpu.memory_space<hbm>> -> memref<1x8x128xi32, #tpu.memory_space<hbm>>
          %dma_start3A_454 = tpu.memref_squeeze %dma_start3A_453 : memref<1x8x128xi32, #tpu.memory_space<hbm>> -> memref<8x128xi32, #tpu.memory_space<hbm>>
          %dma_start3A_455 = arith.constant 0 : i32
          %dma_start3A_456 = arith.constant 0 : i32
          %dma_start3A_457 = tpu.memref_slice %arg10[%select_n3A_284, %dma_start3A_455, %dma_start3A_456] : memref<3x8x128xi32, #tpu.memory_space<vmem>> -> memref<1x8x128xi32, #tpu.memory_space<vmem>>
          %dma_start3A_458 = tpu.memref_squeeze %dma_start3A_457 : memref<1x8x128xi32, #tpu.memory_space<vmem>> -> memref<8x128xi32, #tpu.memory_space<vmem>>
          %dma_start3A_459 = arith.constant 0 : i32
          %dma_start3A_460 = tpu.memref_slice %arg3[%dma_start3A_447, %add3A_436, %dma_start3A_459] : memref<2x25000x128xi32, #tpu.memory_space<hbm>> -> memref<1x8x128xi32, #tpu.memory_space<hbm>>
          %dma_start3A_461 = tpu.memref_squeeze %dma_start3A_460 : memref<1x8x128xi32, #tpu.memory_space<hbm>> -> memref<8x128xi32, #tpu.memory_space<hbm>>
          tpu.enqueue_dma source(%dma_start3A_461 : memref<8x128xi32, #tpu.memory_space<hbm>>) target(%dma_start3A_458 : memref<8x128xi32, #tpu.memory_space<vmem>>) target_semaphore(%arg15 : memref<!tpu.dma_semaphore, #tpu.memory_space<semaphore_mem>>)
          %dma_start3A_462 = arith.constant 1 : i32
          %dma_start3A_463 = arith.constant 0 : i32
          %dma_start3A_464 = arith.constant 0 : i32
          %dma_start3A_465 = tpu.memref_slice %arg11[%select_n3A_284, %dma_start3A_463, %dma_start3A_464] : memref<3x8x128xi32, #tpu.memory_space<vmem>> -> memref<1x8x128xi32, #tpu.memory_space<vmem>>
          %dma_start3A_466 = tpu.memref_squeeze %dma_start3A_465 : memref<1x8x128xi32, #tpu.memory_space<vmem>> -> memref<8x128xi32, #tpu.memory_space<vmem>>
          %dma_start3A_467 = arith.constant 0 : i32
          %dma_start3A_468 = tpu.memref_slice %arg3[%dma_start3A_462, %add3A_436, %dma_start3A_467] : memref<2x25000x128xi32, #tpu.memory_space<hbm>> -> memref<1x8x128xi32, #tpu.memory_space<hbm>>
          %dma_start3A_469 = tpu.memref_squeeze %dma_start3A_468 : memref<1x8x128xi32, #tpu.memory_space<hbm>> -> memref<8x128xi32, #tpu.memory_space<hbm>>
          %dma_start3A_470 = arith.constant 0 : i32
          %dma_start3A_471 = arith.constant 0 : i32
          %dma_start3A_472 = tpu.memref_slice %arg11[%select_n3A_284, %dma_start3A_470, %dma_start3A_471] : memref<3x8x128xi32, #tpu.memory_space<vmem>> -> memref<1x8x128xi32, #tpu.memory_space<vmem>>
          %dma_start3A_473 = tpu.memref_squeeze %dma_start3A_472 : memref<1x8x128xi32, #tpu.memory_space<vmem>> -> memref<8x128xi32, #tpu.memory_space<vmem>>
          %dma_start3A_474 = arith.constant 0 : i32
          %dma_start3A_475 = tpu.memref_slice %arg3[%dma_start3A_462, %add3A_436, %dma_start3A_474] : memref<2x25000x128xi32, #tpu.memory_space<hbm>> -> memref<1x8x128xi32, #tpu.memory_space<hbm>>
          %dma_start3A_476 = tpu.memref_squeeze %dma_start3A_475 : memref<1x8x128xi32, #tpu.memory_space<hbm>> -> memref<8x128xi32, #tpu.memory_space<hbm>>
          tpu.enqueue_dma source(%dma_start3A_476 : memref<8x128xi32, #tpu.memory_space<hbm>>) target(%dma_start3A_473 : memref<8x128xi32, #tpu.memory_space<vmem>>) target_semaphore(%arg15 : memref<!tpu.dma_semaphore, #tpu.memory_space<semaphore_mem>>)
        } else {
        }
        %ge3A_442 = arith.constant 25000 : i32
        %ge3A_443 = arith.cmpi sge, %add3A_436, %ge3A_442 : i32
        %convert_element_type3A_444 = arith.extui %ge3A_443 : i1 to i32
        %cond3A_445 = arith.constant 0 : i32
        %cond3A_446 = arith.cmpi ne, %convert_element_type3A_444, %cond3A_445 : i32
        scf.if %cond3A_446 {
          %sub3A_447 = arith.constant 25000 : i32
          %sub3A_448 = arith.subi %add3A_436, %sub3A_447 : i32
          %dma_start3A_449 = arith.constant 0 : i32
          %dma_start3A_450 = arith.constant 0 : i32
          %dma_start3A_451 = tpu.memref_slice %arg10[%select_n3A_284, %dma_start3A_449, %dma_start3A_450] : memref<3x8x128xi32, #tpu.memory_space<vmem>> -> memref<1x8x128xi32, #tpu.memory_space<vmem>>
          %dma_start3A_452 = tpu.memref_squeeze %dma_start3A_451 : memref<1x8x128xi32, #tpu.memory_space<vmem>> -> memref<8x128xi32, #tpu.memory_space<vmem>>
          %dma_start3A_453 = arith.constant 0 : i32
          %dma_start3A_454 = tpu.memref_slice %arg4[%sub3A_448, %dma_start3A_453] : memref<856x128xi32, #tpu.memory_space<hbm>> -> memref<8x128xi32, #tpu.memory_space<hbm>>
          %dma_start3A_455 = arith.constant 0 : i32
          %dma_start3A_456 = arith.constant 0 : i32
          %dma_start3A_457 = tpu.memref_slice %arg10[%select_n3A_284, %dma_start3A_455, %dma_start3A_456] : memref<3x8x128xi32, #tpu.memory_space<vmem>> -> memref<1x8x128xi32, #tpu.memory_space<vmem>>
          %dma_start3A_458 = tpu.memref_squeeze %dma_start3A_457 : memref<1x8x128xi32, #tpu.memory_space<vmem>> -> memref<8x128xi32, #tpu.memory_space<vmem>>
          %dma_start3A_459 = arith.constant 0 : i32
          %dma_start3A_460 = tpu.memref_slice %arg4[%sub3A_448, %dma_start3A_459] : memref<856x128xi32, #tpu.memory_space<hbm>> -> memref<8x128xi32, #tpu.memory_space<hbm>>
          tpu.enqueue_dma source(%dma_start3A_460 : memref<8x128xi32, #tpu.memory_space<hbm>>) target(%dma_start3A_458 : memref<8x128xi32, #tpu.memory_space<vmem>>) target_semaphore(%arg15 : memref<!tpu.dma_semaphore, #tpu.memory_space<semaphore_mem>>)
          %sub3A_461 = arith.constant 25000 : i32
          %sub3A_462 = arith.subi %add3A_436, %sub3A_461 : i32
          %dma_start3A_463 = arith.constant 0 : i32
          %dma_start3A_464 = arith.constant 0 : i32
          %dma_start3A_465 = tpu.memref_slice %arg11[%select_n3A_284, %dma_start3A_463, %dma_start3A_464] : memref<3x8x128xi32, #tpu.memory_space<vmem>> -> memref<1x8x128xi32, #tpu.memory_space<vmem>>
          %dma_start3A_466 = tpu.memref_squeeze %dma_start3A_465 : memref<1x8x128xi32, #tpu.memory_space<vmem>> -> memref<8x128xi32, #tpu.memory_space<vmem>>
          %dma_start3A_467 = arith.constant 0 : i32
          %dma_start3A_468 = tpu.memref_slice %arg5[%sub3A_462, %dma_start3A_467] : memref<856x128xi32, #tpu.memory_space<hbm>> -> memref<8x128xi32, #tpu.memory_space<hbm>>
          %dma_start3A_469 = arith.constant 0 : i32
          %dma_start3A_470 = arith.constant 0 : i32
          %dma_start3A_471 = tpu.memref_slice %arg11[%select_n3A_284, %dma_start3A_469, %dma_start3A_470] : memref<3x8x128xi32, #tpu.memory_space<vmem>> -> memref<1x8x128xi32, #tpu.memory_space<vmem>>
          %dma_start3A_472 = tpu.memref_squeeze %dma_start3A_471 : memref<1x8x128xi32, #tpu.memory_space<vmem>> -> memref<8x128xi32, #tpu.memory_space<vmem>>
          %dma_start3A_473 = arith.constant 0 : i32
          %dma_start3A_474 = tpu.memref_slice %arg5[%sub3A_462, %dma_start3A_473] : memref<856x128xi32, #tpu.memory_space<hbm>> -> memref<8x128xi32, #tpu.memory_space<hbm>>
          tpu.enqueue_dma source(%dma_start3A_474 : memref<8x128xi32, #tpu.memory_space<hbm>>) target(%dma_start3A_472 : memref<8x128xi32, #tpu.memory_space<vmem>>) target_semaphore(%arg15 : memref<!tpu.dma_semaphore, #tpu.memory_space<semaphore_mem>>)
        } else {
        }
      } else {
      }
      %lt3A_427 = arith.constant 100 : i32
      %lt3A_428 = arith.cmpi slt, %scan3A_219, %lt3A_427 : i32
      %convert_element_type3A_429 = arith.extui %lt3A_428 : i1 to i32
      %cond3A_430 = arith.constant 0 : i32
      %cond3A_431 = arith.cmpi ne, %convert_element_type3A_429, %cond3A_430 : i32
      scf.if %cond3A_431 {
        %mul3A_432 = arith.constant 8 : i32
        %mul3A_433 = arith.muli %select_n3A_266, %mul3A_432 : i32
        %add3A_434 = arith.constant 0 : i32
        %add3A_435 = arith.addi %mul3A_433, %add3A_434 : i32
        %mul3A_436 = arith.constant 128 : i32
        %mul3A_437 = arith.muli %add3A_435, %mul3A_436 : i32
        %dma_start3A_438 = arith.constant 0 : i32
        %dma_start3A_439 = arith.constant 0 : i32
        %dma_start3A_440 = tpu.memref_slice %arg12[%mul3A_437, %dma_start3A_439] : memref<3072x8xf32, #tpu.memory_space<vmem>> -> memref<128x8xf32, #tpu.memory_space<vmem>>
        %dma_start3A_441 = arith.constant 0 : i32
        %dma_start3A_442 = tpu.memref_slice %arg10[%select_n3A_266, %dma_start3A_438, %dma_start3A_441] : memref<3x8x128xi32, #tpu.memory_space<vmem>> -> memref<1x1x128xi32, #tpu.memory_space<vmem>>
        %dma_start3A_443 = tpu.memref_squeeze %dma_start3A_442 : memref<1x1x128xi32, #tpu.memory_space<vmem>> -> memref<128xi32, #tpu.memory_space<vmem>>
        %dma_start3A_444 = arith.constant 0 : i32
        %dma_start3A_445 = arith.constant 0 : i32
        %dma_start3A_446 = tpu.memref_slice %arg2[%dma_start3A_444, %dma_start3A_445] : memref<100352x8xf32, #tpu.memory_space<hbm>> -> memref<100352x8xf32, #tpu.memory_space<hbm>>
        tpu.enqueue_indirect_dma source(%dma_start3A_446 : memref<100352x8xf32, #tpu.memory_space<hbm>>) target(%dma_start3A_440 : memref<128x8xf32, #tpu.memory_space<vmem>>) offsets(%dma_start3A_443 : memref<128xi32, #tpu.memory_space<vmem>>) semaphore(%arg13 : memref<!tpu.dma_semaphore, #tpu.memory_space<semaphore_mem>>)
        %mul3A_447 = arith.constant 8 : i32
        %mul3A_448 = arith.muli %select_n3A_266, %mul3A_447 : i32
        %add3A_449 = arith.constant 1 : i32
        %add3A_450 = arith.addi %mul3A_448, %add3A_449 : i32
        %mul3A_451 = arith.constant 128 : i32
        %mul3A_452 = arith.muli %add3A_450, %mul3A_451 : i32
        %dma_start3A_453 = arith.constant 1 : i32
        %dma_start3A_454 = arith.constant 0 : i32
        %dma_start3A_455 = tpu.memref_slice %arg12[%mul3A_452, %dma_start3A_454] : memref<3072x8xf32, #tpu.memory_space<vmem>> -> memref<128x8xf32, #tpu.memory_space<vmem>>
        %dma_start3A_456 = arith.constant 0 : i32
        %dma_start3A_457 = tpu.memref_slice %arg10[%select_n3A_266, %dma_start3A_453, %dma_start3A_456] : memref<3x8x128xi32, #tpu.memory_space<vmem>> -> memref<1x1x128xi32, #tpu.memory_space<vmem>>
        %dma_start3A_458 = tpu.memref_squeeze %dma_start3A_457 : memref<1x1x128xi32, #tpu.memory_space<vmem>> -> memref<128xi32, #tpu.memory_space<vmem>>
        %dma_start3A_459 = arith.constant 0 : i32
        %dma_start3A_460 = arith.constant 0 : i32
        %dma_start3A_461 = tpu.memref_slice %arg2[%dma_start3A_459, %dma_start3A_460] : memref<100352x8xf32, #tpu.memory_space<hbm>> -> memref<100352x8xf32, #tpu.memory_space<hbm>>
        tpu.enqueue_indirect_dma source(%dma_start3A_461 : memref<100352x8xf32, #tpu.memory_space<hbm>>) target(%dma_start3A_455 : memref<128x8xf32, #tpu.memory_space<vmem>>) offsets(%dma_start3A_458 : memref<128xi32, #tpu.memory_space<vmem>>) semaphore(%arg13 : memref<!tpu.dma_semaphore, #tpu.memory_space<semaphore_mem>>)
        %mul3A_462 = arith.constant 8 : i32
        %mul3A_463 = arith.muli %select_n3A_266, %mul3A_462 : i32
        %add3A_464 = arith.constant 2 : i32
        %add3A_465 = arith.addi %mul3A_463, %add3A_464 : i32
        %mul3A_466 = arith.constant 128 : i32
        %mul3A_467 = arith.muli %add3A_465, %mul3A_466 : i32
        %dma_start3A_468 = arith.constant 2 : i32
        %dma_start3A_469 = arith.constant 0 : i32
        %dma_start3A_470 = tpu.memref_slice %arg12[%mul3A_467, %dma_start3A_469] : memref<3072x8xf32, #tpu.memory_space<vmem>> -> memref<128x8xf32, #tpu.memory_space<vmem>>
        %dma_start3A_471 = arith.constant 0 : i32
        %dma_start3A_472 = tpu.memref_slice %arg10[%select_n3A_266, %dma_start3A_468, %dma_start3A_471] : memref<3x8x128xi32, #tpu.memory_space<vmem>> -> memref<1x1x128xi32, #tpu.memory_space<vmem>>
        %dma_start3A_473 = tpu.memref_squeeze %dma_start3A_472 : memref<1x1x128xi32, #tpu.memory_space<vmem>> -> memref<128xi32, #tpu.memory_space<vmem>>
        %dma_start3A_474 = arith.constant 0 : i32
        %dma_start3A_475 = arith.constant 0 : i32
        %dma_start3A_476 = tpu.memref_slice %arg2[%dma_start3A_474, %dma_start3A_475] : memref<100352x8xf32, #tpu.memory_space<hbm>> -> memref<100352x8xf32, #tpu.memory_space<hbm>>
        tpu.enqueue_indirect_dma source(%dma_start3A_476 : memref<100352x8xf32, #tpu.memory_space<hbm>>) target(%dma_start3A_470 : memref<128x8xf32, #tpu.memory_space<vmem>>) offsets(%dma_start3A_473 : memref<128xi32, #tpu.memory_space<vmem>>) semaphore(%arg13 : memref<!tpu.dma_semaphore, #tpu.memory_space<semaphore_mem>>)
        %mul3A_477 = arith.constant 8 : i32
        %mul3A_478 = arith.muli %select_n3A_266, %mul3A_477 : i32
        %add3A_479 = arith.constant 3 : i32
        %add3A_480 = arith.addi %mul3A_478, %add3A_479 : i32
        %mul3A_481 = arith.constant 128 : i32
        %mul3A_482 = arith.muli %add3A_480, %mul3A_481 : i32
        %dma_start3A_483 = arith.constant 3 : i32
        %dma_start3A_484 = arith.constant 0 : i32
        %dma_start3A_485 = tpu.memref_slice %arg12[%mul3A_482, %dma_start3A_484] : memref<3072x8xf32, #tpu.memory_space<vmem>> -> memref<128x8xf32, #tpu.memory_space<vmem>>
        %dma_start3A_486 = arith.constant 0 : i32
        %dma_start3A_487 = tpu.memref_slice %arg10[%select_n3A_266, %dma_start3A_483, %dma_start3A_486] : memref<3x8x128xi32, #tpu.memory_space<vmem>> -> memref<1x1x128xi32, #tpu.memory_space<vmem>>
        %dma_start3A_488 = tpu.memref_squeeze %dma_start3A_487 : memref<1x1x128xi32, #tpu.memory_space<vmem>> -> memref<128xi32, #tpu.memory_space<vmem>>
        %dma_start3A_489 = arith.constant 0 : i32
        %dma_start3A_490 = arith.constant 0 : i32
        %dma_start3A_491 = tpu.memref_slice %arg2[%dma_start3A_489, %dma_start3A_490] : memref<100352x8xf32, #tpu.memory_space<hbm>> -> memref<100352x8xf32, #tpu.memory_space<hbm>>
        tpu.enqueue_indirect_dma source(%dma_start3A_491 : memref<100352x8xf32, #tpu.memory_space<hbm>>) target(%dma_start3A_485 : memref<128x8xf32, #tpu.memory_space<vmem>>) offsets(%dma_start3A_488 : memref<128xi32, #tpu.memory_space<vmem>>) semaphore(%arg13 : memref<!tpu.dma_semaphore, #tpu.memory_space<semaphore_mem>>)
        %mul3A_492 = arith.constant 8 : i32
        %mul3A_493 = arith.muli %select_n3A_266, %mul3A_492 : i32
        %add3A_494 = arith.constant 4 : i32
        %add3A_495 = arith.addi %mul3A_493, %add3A_494 : i32
        %mul3A_496 = arith.constant 128 : i32
        %mul3A_497 = arith.muli %add3A_495, %mul3A_496 : i32
        %dma_start3A_498 = arith.constant 4 : i32
        %dma_start3A_499 = arith.constant 0 : i32
        %dma_start3A_500 = tpu.memref_slice %arg12[%mul3A_497, %dma_start3A_499] : memref<3072x8xf32, #tpu.memory_space<vmem>> -> memref<128x8xf32, #tpu.memory_space<vmem>>
        %dma_start3A_501 = arith.constant 0 : i32
        %dma_start3A_502 = tpu.memref_slice %arg10[%select_n3A_266, %dma_start3A_498, %dma_start3A_501] : memref<3x8x128xi32, #tpu.memory_space<vmem>> -> memref<1x1x128xi32, #tpu.memory_space<vmem>>
        %dma_start3A_503 = tpu.memref_squeeze %dma_start3A_502 : memref<1x1x128xi32, #tpu.memory_space<vmem>> -> memref<128xi32, #tpu.memory_space<vmem>>
        %dma_start3A_504 = arith.constant 0 : i32
        %dma_start3A_505 = arith.constant 0 : i32
        %dma_start3A_506 = tpu.memref_slice %arg2[%dma_start3A_504, %dma_start3A_505] : memref<100352x8xf32, #tpu.memory_space<hbm>> -> memref<100352x8xf32, #tpu.memory_space<hbm>>
        tpu.enqueue_indirect_dma source(%dma_start3A_506 : memref<100352x8xf32, #tpu.memory_space<hbm>>) target(%dma_start3A_500 : memref<128x8xf32, #tpu.memory_space<vmem>>) offsets(%dma_start3A_503 : memref<128xi32, #tpu.memory_space<vmem>>) semaphore(%arg13 : memref<!tpu.dma_semaphore, #tpu.memory_space<semaphore_mem>>)
        %mul3A_507 = arith.constant 8 : i32
        %mul3A_508 = arith.muli %select_n3A_266, %mul3A_507 : i32
        %add3A_509 = arith.constant 5 : i32
        %add3A_510 = arith.addi %mul3A_508, %add3A_509 : i32
        %mul3A_511 = arith.constant 128 : i32
        %mul3A_512 = arith.muli %add3A_510, %mul3A_511 : i32
        %dma_start3A_513 = arith.constant 5 : i32
        %dma_start3A_514 = arith.constant 0 : i32
        %dma_start3A_515 = tpu.memref_slice %arg12[%mul3A_512, %dma_start3A_514] : memref<3072x8xf32, #tpu.memory_space<vmem>> -> memref<128x8xf32, #tpu.memory_space<vmem>>
        %dma_start3A_516 = arith.constant 0 : i32
        %dma_start3A_517 = tpu.memref_slice %arg10[%select_n3A_266, %dma_start3A_513, %dma_start3A_516] : memref<3x8x128xi32, #tpu.memory_space<vmem>> -> memref<1x1x128xi32, #tpu.memory_space<vmem>>
        %dma_start3A_518 = tpu.memref_squeeze %dma_start3A_517 : memref<1x1x128xi32, #tpu.memory_space<vmem>> -> memref<128xi32, #tpu.memory_space<vmem>>
        %dma_start3A_519 = arith.constant 0 : i32
        %dma_start3A_520 = arith.constant 0 : i32
        %dma_start3A_521 = tpu.memref_slice %arg2[%dma_start3A_519, %dma_start3A_520] : memref<100352x8xf32, #tpu.memory_space<hbm>> -> memref<100352x8xf32, #tpu.memory_space<hbm>>
        tpu.enqueue_indirect_dma source(%dma_start3A_521 : memref<100352x8xf32, #tpu.memory_space<hbm>>) target(%dma_start3A_515 : memref<128x8xf32, #tpu.memory_space<vmem>>) offsets(%dma_start3A_518 : memref<128xi32, #tpu.memory_space<vmem>>) semaphore(%arg13 : memref<!tpu.dma_semaphore, #tpu.memory_space<semaphore_mem>>)
        %mul3A_522 = arith.constant 8 : i32
        %mul3A_523 = arith.muli %select_n3A_266, %mul3A_522 : i32
        %add3A_524 = arith.constant 6 : i32
        %add3A_525 = arith.addi %mul3A_523, %add3A_524 : i32
        %mul3A_526 = arith.constant 128 : i32
        %mul3A_527 = arith.muli %add3A_525, %mul3A_526 : i32
        %dma_start3A_528 = arith.constant 6 : i32
        %dma_start3A_529 = arith.constant 0 : i32
        %dma_start3A_530 = tpu.memref_slice %arg12[%mul3A_527, %dma_start3A_529] : memref<3072x8xf32, #tpu.memory_space<vmem>> -> memref<128x8xf32, #tpu.memory_space<vmem>>
        %dma_start3A_531 = arith.constant 0 : i32
        %dma_start3A_532 = tpu.memref_slice %arg10[%select_n3A_266, %dma_start3A_528, %dma_start3A_531] : memref<3x8x128xi32, #tpu.memory_space<vmem>> -> memref<1x1x128xi32, #tpu.memory_space<vmem>>
        %dma_start3A_533 = tpu.memref_squeeze %dma_start3A_532 : memref<1x1x128xi32, #tpu.memory_space<vmem>> -> memref<128xi32, #tpu.memory_space<vmem>>
        %dma_start3A_534 = arith.constant 0 : i32
        %dma_start3A_535 = arith.constant 0 : i32
        %dma_start3A_536 = tpu.memref_slice %arg2[%dma_start3A_534, %dma_start3A_535] : memref<100352x8xf32, #tpu.memory_space<hbm>> -> memref<100352x8xf32, #tpu.memory_space<hbm>>
        tpu.enqueue_indirect_dma source(%dma_start3A_536 : memref<100352x8xf32, #tpu.memory_space<hbm>>) target(%dma_start3A_530 : memref<128x8xf32, #tpu.memory_space<vmem>>) offsets(%dma_start3A_533 : memref<128xi32, #tpu.memory_space<vmem>>) semaphore(%arg13 : memref<!tpu.dma_semaphore, #tpu.memory_space<semaphore_mem>>)
        %mul3A_537 = arith.constant 8 : i32
        %mul3A_538 = arith.muli %select_n3A_266, %mul3A_537 : i32
        %add3A_539 = arith.constant 7 : i32
        %add3A_540 = arith.addi %mul3A_538, %add3A_539 : i32
        %mul3A_541 = arith.constant 128 : i32
        %mul3A_542 = arith.muli %add3A_540, %mul3A_541 : i32
        %dma_start3A_543 = arith.constant 7 : i32
        %dma_start3A_544 = arith.constant 0 : i32
        %dma_start3A_545 = tpu.memref_slice %arg12[%mul3A_542, %dma_start3A_544] : memref<3072x8xf32, #tpu.memory_space<vmem>> -> memref<128x8xf32, #tpu.memory_space<vmem>>
        %dma_start3A_546 = arith.constant 0 : i32
        %dma_start3A_547 = tpu.memref_slice %arg10[%select_n3A_266, %dma_start3A_543, %dma_start3A_546] : memref<3x8x128xi32, #tpu.memory_space<vmem>> -> memref<1x1x128xi32, #tpu.memory_space<vmem>>
        %dma_start3A_548 = tpu.memref_squeeze %dma_start3A_547 : memref<1x1x128xi32, #tpu.memory_space<vmem>> -> memref<128xi32, #tpu.memory_space<vmem>>
        %dma_start3A_549 = arith.constant 0 : i32
        %dma_start3A_550 = arith.constant 0 : i32
        %dma_start3A_551 = tpu.memref_slice %arg2[%dma_start3A_549, %dma_start3A_550] : memref<100352x8xf32, #tpu.memory_space<hbm>> -> memref<100352x8xf32, #tpu.memory_space<hbm>>
        tpu.enqueue_indirect_dma source(%dma_start3A_551 : memref<100352x8xf32, #tpu.memory_space<hbm>>) target(%dma_start3A_545 : memref<128x8xf32, #tpu.memory_space<vmem>>) offsets(%dma_start3A_548 : memref<128xi32, #tpu.memory_space<vmem>>) semaphore(%arg13 : memref<!tpu.dma_semaphore, #tpu.memory_space<semaphore_mem>>)
      } else {
      }
    }
    %scan3A_178 = arith.constant 101 : i32
    %dma_wait3A_179 = arith.constant 1024 : i32
    %dma_wait3A_180 = arith.constant 0 : i32
    %dma_wait3A_181 = tpu.memref_slice %arg12[%dma_wait3A_179, %dma_wait3A_180] : memref<3072x8xf32, #tpu.memory_space<vmem>> -> memref<1024x8xf32, #tpu.memory_space<vmem>>
    %dma_wait3A_182 = arith.constant 1024 : i32
    %dma_wait3A_183 = arith.constant 0 : i32
    %dma_wait3A_184 = tpu.memref_slice %arg12[%dma_wait3A_182, %dma_wait3A_183] : memref<3072x8xf32, #tpu.memory_space<vmem>> -> memref<1024x8xf32, #tpu.memory_space<vmem>>
    tpu.wait_dma2 semaphore(%arg14 : memref<!tpu.dma_semaphore, #tpu.memory_space<semaphore_mem>>) src(%arg7 : memref<1024x8xf32, #tpu.memory_space<hbm>>) dst(%dma_wait3A_184 : memref<1024x8xf32, #tpu.memory_space<vmem>>)
    %barrier3A_185 = arith.constant 0 : index
    tpu.barrier barrier_id(%barrier3A_185)
    %mul3A_186 = arith.constant 6272 : i32
    %mul3A_187 = arith.muli %arg1, %mul3A_186 : i32
    %add3A_188 = arith.constant 0 : i32
    %add3A_189 = arith.addi %mul3A_187, %add3A_188 : i32
    "tpu.region"() ({
      %run_scoped3A = tpu.sem_alloc : memref<!tpu.dma_semaphore, #tpu.memory_space<semaphore_mem>>
      %dma_start3A_219 = arith.constant 0 : i32
      %dma_start3A_220 = arith.constant 0 : i32
      %dma_start3A_221 = tpu.memref_slice %arg12[%dma_start3A_219, %dma_start3A_220] : memref<3072x8xf32, #tpu.memory_space<vmem>> -> memref<3072x8xf32, #tpu.memory_space<vmem>>
      %dma_start3A_222 = arith.constant 0 : i32
      %dma_start3A_223 = tpu.memref_slice %arg9[%add3A_189, %dma_start3A_222] : memref<100352x8xf32, #tpu.memory_space<vmem_shared>> -> memref<3072x8xf32, #tpu.memory_space<vmem_shared>>
      %dma_start3A_224 = arith.constant 0 : i32
      %dma_start3A_225 = arith.constant 0 : i32
      %dma_start3A_226 = tpu.memref_slice %arg12[%dma_start3A_224, %dma_start3A_225] : memref<3072x8xf32, #tpu.memory_space<vmem>> -> memref<3072x8xf32, #tpu.memory_space<vmem>>
      %dma_start3A_227 = arith.constant 0 : i32
      %dma_start3A_228 = tpu.memref_slice %arg9[%add3A_189, %dma_start3A_227] : memref<100352x8xf32, #tpu.memory_space<vmem_shared>> -> memref<3072x8xf32, #tpu.memory_space<vmem_shared>>
      tpu.enqueue_dma source(%dma_start3A_228 : memref<3072x8xf32, #tpu.memory_space<vmem_shared>>) target(%dma_start3A_226 : memref<3072x8xf32, #tpu.memory_space<vmem>>) target_semaphore(%run_scoped3A : memref<!tpu.dma_semaphore, #tpu.memory_space<semaphore_mem>>)
      %dma_wait3A_229 = arith.constant 0 : i32
      %dma_wait3A_230 = arith.constant 0 : i32
      %dma_wait3A_231 = tpu.memref_slice %arg12[%dma_wait3A_229, %dma_wait3A_230] : memref<3072x8xf32, #tpu.memory_space<vmem>> -> memref<3072x8xf32, #tpu.memory_space<vmem>>
      %dma_wait3A_232 = arith.constant 0 : i32
      %dma_wait3A_233 = tpu.memref_slice %arg9[%add3A_189, %dma_wait3A_232] : memref<100352x8xf32, #tpu.memory_space<vmem_shared>> -> memref<3072x8xf32, #tpu.memory_space<vmem_shared>>
      %dma_wait3A_234 = arith.constant 0 : i32
      %dma_wait3A_235 = arith.constant 0 : i32
      %dma_wait3A_236 = tpu.memref_slice %arg12[%dma_wait3A_234, %dma_wait3A_235] : memref<3072x8xf32, #tpu.memory_space<vmem>> -> memref<3072x8xf32, #tpu.memory_space<vmem>>
      %dma_wait3A_237 = arith.constant 0 : i32
      %dma_wait3A_238 = tpu.memref_slice %arg9[%add3A_189, %dma_wait3A_237] : memref<100352x8xf32, #tpu.memory_space<vmem_shared>> -> memref<3072x8xf32, #tpu.memory_space<vmem_shared>>
      tpu.wait_dma2 semaphore(%run_scoped3A : memref<!tpu.dma_semaphore, #tpu.memory_space<semaphore_mem>>) src(%dma_wait3A_238 : memref<3072x8xf32, #tpu.memory_space<vmem_shared>>) dst(%dma_wait3A_236 : memref<3072x8xf32, #tpu.memory_space<vmem>>)
      tpu.yield
    }) : () -> ()
    %mul3A_190 = arith.constant 100352 : i32
    %mul3A_191 = arith.muli %arg0, %mul3A_190 : i32
    %mul3A_192 = arith.constant 6272 : i32
    %mul3A_193 = arith.muli %arg1, %mul3A_192 : i32
    %add3A_194 = arith.addi %mul3A_191, %mul3A_193 : i32
    %add3A_195 = arith.constant 0 : i32
    %add3A_196 = arith.addi %add3A_194, %add3A_195 : i32
    "tpu.region"() ({
      %run_scoped3A = tpu.sem_alloc : memref<!tpu.dma_semaphore, #tpu.memory_space<semaphore_mem>>
      %dma_start3A_219 = arith.constant 0 : i32
      %dma_start3A_220 = arith.constant 0 : i32
      %dma_start3A_221 = tpu.memref_slice %arg12[%dma_start3A_219, %dma_start3A_220] : memref<3072x8xf32, #tpu.memory_space<vmem>> -> memref<3072x8xf32, #tpu.memory_space<vmem>>
      %dma_start3A_222 = arith.constant 0 : i32
      %dma_start3A_223 = tpu.memref_slice %arg8[%add3A_196, %dma_start3A_222] : memref<200704x8xf32, #tpu.memory_space<hbm>> -> memref<3072x8xf32, #tpu.memory_space<hbm>>
      %dma_start3A_224 = arith.constant 0 : i32
      %dma_start3A_225 = tpu.memref_slice %arg8[%add3A_196, %dma_start3A_224] : memref<200704x8xf32, #tpu.memory_space<hbm>> -> memref<3072x8xf32, #tpu.memory_space<hbm>>
      %dma_start3A_226 = arith.constant 0 : i32
      %dma_start3A_227 = arith.constant 0 : i32
      %dma_start3A_228 = tpu.memref_slice %arg12[%dma_start3A_226, %dma_start3A_227] : memref<3072x8xf32, #tpu.memory_space<vmem>> -> memref<3072x8xf32, #tpu.memory_space<vmem>>
      tpu.enqueue_dma source(%dma_start3A_228 : memref<3072x8xf32, #tpu.memory_space<vmem>>) target(%dma_start3A_225 : memref<3072x8xf32, #tpu.memory_space<hbm>>) target_semaphore(%run_scoped3A : memref<!tpu.dma_semaphore, #tpu.memory_space<semaphore_mem>>)
      %dma_wait3A_229 = arith.constant 0 : i32
      %dma_wait3A_230 = arith.constant 0 : i32
      %dma_wait3A_231 = tpu.memref_slice %arg12[%dma_wait3A_229, %dma_wait3A_230] : memref<3072x8xf32, #tpu.memory_space<vmem>> -> memref<3072x8xf32, #tpu.memory_space<vmem>>
      %dma_wait3A_232 = arith.constant 0 : i32
      %dma_wait3A_233 = tpu.memref_slice %arg8[%add3A_196, %dma_wait3A_232] : memref<200704x8xf32, #tpu.memory_space<hbm>> -> memref<3072x8xf32, #tpu.memory_space<hbm>>
      %dma_wait3A_234 = arith.constant 0 : i32
      %dma_wait3A_235 = tpu.memref_slice %arg8[%add3A_196, %dma_wait3A_234] : memref<200704x8xf32, #tpu.memory_space<hbm>> -> memref<3072x8xf32, #tpu.memory_space<hbm>>
      %dma_wait3A_236 = arith.constant 0 : i32
      %dma_wait3A_237 = arith.constant 0 : i32
      %dma_wait3A_238 = tpu.memref_slice %arg12[%dma_wait3A_236, %dma_wait3A_237] : memref<3072x8xf32, #tpu.memory_space<vmem>> -> memref<3072x8xf32, #tpu.memory_space<vmem>>
      tpu.wait_dma2 semaphore(%run_scoped3A : memref<!tpu.dma_semaphore, #tpu.memory_space<semaphore_mem>>) src(%dma_wait3A_238 : memref<3072x8xf32, #tpu.memory_space<vmem>>) dst(%dma_wait3A_235 : memref<3072x8xf32, #tpu.memory_space<hbm>>)
      tpu.yield
    }) : () -> ()
    %mul3A_197 = arith.constant 6272 : i32
    %mul3A_198 = arith.muli %arg1, %mul3A_197 : i32
    %add3A_199 = arith.constant 3072 : i32
    %add3A_200 = arith.addi %mul3A_198, %add3A_199 : i32
    "tpu.region"() ({
      %run_scoped3A = tpu.sem_alloc : memref<!tpu.dma_semaphore, #tpu.memory_space<semaphore_mem>>
      %dma_start3A_219 = arith.constant 0 : i32
      %dma_start3A_220 = arith.constant 0 : i32
      %dma_start3A_221 = tpu.memref_slice %arg12[%dma_start3A_219, %dma_start3A_220] : memref<3072x8xf32, #tpu.memory_space<vmem>> -> memref<3072x8xf32, #tpu.memory_space<vmem>>
      %dma_start3A_222 = arith.constant 0 : i32
      %dma_start3A_223 = tpu.memref_slice %arg9[%add3A_200, %dma_start3A_222] : memref<100352x8xf32, #tpu.memory_space<vmem_shared>> -> memref<3072x8xf32, #tpu.memory_space<vmem_shared>>
      %dma_start3A_224 = arith.constant 0 : i32
      %dma_start3A_225 = arith.constant 0 : i32
      %dma_start3A_226 = tpu.memref_slice %arg12[%dma_start3A_224, %dma_start3A_225] : memref<3072x8xf32, #tpu.memory_space<vmem>> -> memref<3072x8xf32, #tpu.memory_space<vmem>>
      %dma_start3A_227 = arith.constant 0 : i32
      %dma_start3A_228 = tpu.memref_slice %arg9[%add3A_200, %dma_start3A_227] : memref<100352x8xf32, #tpu.memory_space<vmem_shared>> -> memref<3072x8xf32, #tpu.memory_space<vmem_shared>>
      tpu.enqueue_dma source(%dma_start3A_228 : memref<3072x8xf32, #tpu.memory_space<vmem_shared>>) target(%dma_start3A_226 : memref<3072x8xf32, #tpu.memory_space<vmem>>) target_semaphore(%run_scoped3A : memref<!tpu.dma_semaphore, #tpu.memory_space<semaphore_mem>>)
      %dma_wait3A_229 = arith.constant 0 : i32
      %dma_wait3A_230 = arith.constant 0 : i32
      %dma_wait3A_231 = tpu.memref_slice %arg12[%dma_wait3A_229, %dma_wait3A_230] : memref<3072x8xf32, #tpu.memory_space<vmem>> -> memref<3072x8xf32, #tpu.memory_space<vmem>>
      %dma_wait3A_232 = arith.constant 0 : i32
      %dma_wait3A_233 = tpu.memref_slice %arg9[%add3A_200, %dma_wait3A_232] : memref<100352x8xf32, #tpu.memory_space<vmem_shared>> -> memref<3072x8xf32, #tpu.memory_space<vmem_shared>>
      %dma_wait3A_234 = arith.constant 0 : i32
      %dma_wait3A_235 = arith.constant 0 : i32
      %dma_wait3A_236 = tpu.memref_slice %arg12[%dma_wait3A_234, %dma_wait3A_235] : memref<3072x8xf32, #tpu.memory_space<vmem>> -> memref<3072x8xf32, #tpu.memory_space<vmem>>
      %dma_wait3A_237 = arith.constant 0 : i32
      %dma_wait3A_238 = tpu.memref_slice %arg9[%add3A_200, %dma_wait3A_237] : memref<100352x8xf32, #tpu.memory_space<vmem_shared>> -> memref<3072x8xf32, #tpu.memory_space<vmem_shared>>
      tpu.wait_dma2 semaphore(%run_scoped3A : memref<!tpu.dma_semaphore, #tpu.memory_space<semaphore_mem>>) src(%dma_wait3A_238 : memref<3072x8xf32, #tpu.memory_space<vmem_shared>>) dst(%dma_wait3A_236 : memref<3072x8xf32, #tpu.memory_space<vmem>>)
      tpu.yield
    }) : () -> ()
    %mul3A_201 = arith.constant 100352 : i32
    %mul3A_202 = arith.muli %arg0, %mul3A_201 : i32
    %mul3A_203 = arith.constant 6272 : i32
    %mul3A_204 = arith.muli %arg1, %mul3A_203 : i32
    %add3A_205 = arith.addi %mul3A_202, %mul3A_204 : i32
    %add3A_206 = arith.constant 3072 : i32
    %add3A_207 = arith.addi %add3A_205, %add3A_206 : i32
    "tpu.region"() ({
      %run_scoped3A = tpu.sem_alloc : memref<!tpu.dma_semaphore, #tpu.memory_space<semaphore_mem>>
      %dma_start3A_219 = arith.constant 0 : i32
      %dma_start3A_220 = arith.constant 0 : i32
      %dma_start3A_221 = tpu.memref_slice %arg12[%dma_start3A_219, %dma_start3A_220] : memref<3072x8xf32, #tpu.memory_space<vmem>> -> memref<3072x8xf32, #tpu.memory_space<vmem>>
      %dma_start3A_222 = arith.constant 0 : i32
      %dma_start3A_223 = tpu.memref_slice %arg8[%add3A_207, %dma_start3A_222] : memref<200704x8xf32, #tpu.memory_space<hbm>> -> memref<3072x8xf32, #tpu.memory_space<hbm>>
      %dma_start3A_224 = arith.constant 0 : i32
      %dma_start3A_225 = tpu.memref_slice %arg8[%add3A_207, %dma_start3A_224] : memref<200704x8xf32, #tpu.memory_space<hbm>> -> memref<3072x8xf32, #tpu.memory_space<hbm>>
      %dma_start3A_226 = arith.constant 0 : i32
      %dma_start3A_227 = arith.constant 0 : i32
      %dma_start3A_228 = tpu.memref_slice %arg12[%dma_start3A_226, %dma_start3A_227] : memref<3072x8xf32, #tpu.memory_space<vmem>> -> memref<3072x8xf32, #tpu.memory_space<vmem>>
      tpu.enqueue_dma source(%dma_start3A_228 : memref<3072x8xf32, #tpu.memory_space<vmem>>) target(%dma_start3A_225 : memref<3072x8xf32, #tpu.memory_space<hbm>>) target_semaphore(%run_scoped3A : memref<!tpu.dma_semaphore, #tpu.memory_space<semaphore_mem>>)
      %dma_wait3A_229 = arith.constant 0 : i32
      %dma_wait3A_230 = arith.constant 0 : i32
      %dma_wait3A_231 = tpu.memref_slice %arg12[%dma_wait3A_229, %dma_wait3A_230] : memref<3072x8xf32, #tpu.memory_space<vmem>> -> memref<3072x8xf32, #tpu.memory_space<vmem>>
      %dma_wait3A_232 = arith.constant 0 : i32
      %dma_wait3A_233 = tpu.memref_slice %arg8[%add3A_207, %dma_wait3A_232] : memref<200704x8xf32, #tpu.memory_space<hbm>> -> memref<3072x8xf32, #tpu.memory_space<hbm>>
      %dma_wait3A_234 = arith.constant 0 : i32
      %dma_wait3A_235 = tpu.memref_slice %arg8[%add3A_207, %dma_wait3A_234] : memref<200704x8xf32, #tpu.memory_space<hbm>> -> memref<3072x8xf32, #tpu.memory_space<hbm>>
      %dma_wait3A_236 = arith.constant 0 : i32
      %dma_wait3A_237 = arith.constant 0 : i32
      %dma_wait3A_238 = tpu.memref_slice %arg12[%dma_wait3A_236, %dma_wait3A_237] : memref<3072x8xf32, #tpu.memory_space<vmem>> -> memref<3072x8xf32, #tpu.memory_space<vmem>>
      tpu.wait_dma2 semaphore(%run_scoped3A : memref<!tpu.dma_semaphore, #tpu.memory_space<semaphore_mem>>) src(%dma_wait3A_238 : memref<3072x8xf32, #tpu.memory_space<vmem>>) dst(%dma_wait3A_235 : memref<3072x8xf32, #tpu.memory_space<hbm>>)
      tpu.yield
    }) : () -> ()
    %mul3A_208 = arith.constant 6272 : i32
    %mul3A_209 = arith.muli %arg1, %mul3A_208 : i32
    %add3A_210 = arith.constant 6144 : i32
    %add3A_211 = arith.addi %mul3A_209, %add3A_210 : i32
    "tpu.region"() ({
      %run_scoped3A = tpu.sem_alloc : memref<!tpu.dma_semaphore, #tpu.memory_space<semaphore_mem>>
      %dma_start3A_219 = arith.constant 0 : i32
      %dma_start3A_220 = arith.constant 0 : i32
      %dma_start3A_221 = tpu.memref_slice %arg12[%dma_start3A_219, %dma_start3A_220] : memref<3072x8xf32, #tpu.memory_space<vmem>> -> memref<128x8xf32, #tpu.memory_space<vmem>>
      %dma_start3A_222 = arith.constant 0 : i32
      %dma_start3A_223 = tpu.memref_slice %arg9[%add3A_211, %dma_start3A_222] : memref<100352x8xf32, #tpu.memory_space<vmem_shared>> -> memref<128x8xf32, #tpu.memory_space<vmem_shared>>
      %dma_start3A_224 = arith.constant 0 : i32
      %dma_start3A_225 = arith.constant 0 : i32
      %dma_start3A_226 = tpu.memref_slice %arg12[%dma_start3A_224, %dma_start3A_225] : memref<3072x8xf32, #tpu.memory_space<vmem>> -> memref<128x8xf32, #tpu.memory_space<vmem>>
      %dma_start3A_227 = arith.constant 0 : i32
      %dma_start3A_228 = tpu.memref_slice %arg9[%add3A_211, %dma_start3A_227] : memref<100352x8xf32, #tpu.memory_space<vmem_shared>> -> memref<128x8xf32, #tpu.memory_space<vmem_shared>>
      tpu.enqueue_dma source(%dma_start3A_228 : memref<128x8xf32, #tpu.memory_space<vmem_shared>>) target(%dma_start3A_226 : memref<128x8xf32, #tpu.memory_space<vmem>>) target_semaphore(%run_scoped3A : memref<!tpu.dma_semaphore, #tpu.memory_space<semaphore_mem>>)
      %dma_wait3A_229 = arith.constant 0 : i32
      %dma_wait3A_230 = arith.constant 0 : i32
      %dma_wait3A_231 = tpu.memref_slice %arg12[%dma_wait3A_229, %dma_wait3A_230] : memref<3072x8xf32, #tpu.memory_space<vmem>> -> memref<128x8xf32, #tpu.memory_space<vmem>>
      %dma_wait3A_232 = arith.constant 0 : i32
      %dma_wait3A_233 = tpu.memref_slice %arg9[%add3A_211, %dma_wait3A_232] : memref<100352x8xf32, #tpu.memory_space<vmem_shared>> -> memref<128x8xf32, #tpu.memory_space<vmem_shared>>
      %dma_wait3A_234 = arith.constant 0 : i32
      %dma_wait3A_235 = arith.constant 0 : i32
      %dma_wait3A_236 = tpu.memref_slice %arg12[%dma_wait3A_234, %dma_wait3A_235] : memref<3072x8xf32, #tpu.memory_space<vmem>> -> memref<128x8xf32, #tpu.memory_space<vmem>>
      %dma_wait3A_237 = arith.constant 0 : i32
      %dma_wait3A_238 = tpu.memref_slice %arg9[%add3A_211, %dma_wait3A_237] : memref<100352x8xf32, #tpu.memory_space<vmem_shared>> -> memref<128x8xf32, #tpu.memory_space<vmem_shared>>
      tpu.wait_dma2 semaphore(%run_scoped3A : memref<!tpu.dma_semaphore, #tpu.memory_space<semaphore_mem>>) src(%dma_wait3A_238 : memref<128x8xf32, #tpu.memory_space<vmem_shared>>) dst(%dma_wait3A_236 : memref<128x8xf32, #tpu.memory_space<vmem>>)
      tpu.yield
    }) : () -> ()
    %mul3A_212 = arith.constant 100352 : i32
    %mul3A_213 = arith.muli %arg0, %mul3A_212 : i32
    %mul3A_214 = arith.constant 6272 : i32
    %mul3A_215 = arith.muli %arg1, %mul3A_214 : i32
    %add3A_216 = arith.addi %mul3A_213, %mul3A_215 : i32
    %add3A_217 = arith.constant 6144 : i32
    %add3A_218 = arith.addi %add3A_216, %add3A_217 : i32
    "tpu.region"() ({
      %run_scoped3A = tpu.sem_alloc : memref<!tpu.dma_semaphore, #tpu.memory_space<semaphore_mem>>
      %dma_start3A_219 = arith.constant 0 : i32
      %dma_start3A_220 = arith.constant 0 : i32
      %dma_start3A_221 = tpu.memref_slice %arg12[%dma_start3A_219, %dma_start3A_220] : memref<3072x8xf32, #tpu.memory_space<vmem>> -> memref<128x8xf32, #tpu.memory_space<vmem>>
      %dma_start3A_222 = arith.constant 0 : i32
      %dma_start3A_223 = tpu.memref_slice %arg8[%add3A_218, %dma_start3A_222] : memref<200704x8xf32, #tpu.memory_space<hbm>> -> memref<128x8xf32, #tpu.memory_space<hbm>>
      %dma_start3A_224 = arith.constant 0 : i32
      %dma_start3A_225 = tpu.memref_slice %arg8[%add3A_218, %dma_start3A_224] : memref<200704x8xf32, #tpu.memory_space<hbm>> -> memref<128x8xf32, #tpu.memory_space<hbm>>
      %dma_start3A_226 = arith.constant 0 : i32
      %dma_start3A_227 = arith.constant 0 : i32
      %dma_start3A_228 = tpu.memref_slice %arg12[%dma_start3A_226, %dma_start3A_227] : memref<3072x8xf32, #tpu.memory_space<vmem>> -> memref<128x8xf32, #tpu.memory_space<vmem>>
      tpu.enqueue_dma source(%dma_start3A_228 : memref<128x8xf32, #tpu.memory_space<vmem>>) target(%dma_start3A_225 : memref<128x8xf32, #tpu.memory_space<hbm>>) target_semaphore(%run_scoped3A : memref<!tpu.dma_semaphore, #tpu.memory_space<semaphore_mem>>)
      %dma_wait3A_229 = arith.constant 0 : i32
      %dma_wait3A_230 = arith.constant 0 : i32
      %dma_wait3A_231 = tpu.memref_slice %arg12[%dma_wait3A_229, %dma_wait3A_230] : memref<3072x8xf32, #tpu.memory_space<vmem>> -> memref<128x8xf32, #tpu.memory_space<vmem>>
      %dma_wait3A_232 = arith.constant 0 : i32
      %dma_wait3A_233 = tpu.memref_slice %arg8[%add3A_218, %dma_wait3A_232] : memref<200704x8xf32, #tpu.memory_space<hbm>> -> memref<128x8xf32, #tpu.memory_space<hbm>>
      %dma_wait3A_234 = arith.constant 0 : i32
      %dma_wait3A_235 = tpu.memref_slice %arg8[%add3A_218, %dma_wait3A_234] : memref<200704x8xf32, #tpu.memory_space<hbm>> -> memref<128x8xf32, #tpu.memory_space<hbm>>
      %dma_wait3A_236 = arith.constant 0 : i32
      %dma_wait3A_237 = arith.constant 0 : i32
      %dma_wait3A_238 = tpu.memref_slice %arg12[%dma_wait3A_236, %dma_wait3A_237] : memref<3072x8xf32, #tpu.memory_space<vmem>> -> memref<128x8xf32, #tpu.memory_space<vmem>>
      tpu.wait_dma2 semaphore(%run_scoped3A : memref<!tpu.dma_semaphore, #tpu.memory_space<semaphore_mem>>) src(%dma_wait3A_238 : memref<128x8xf32, #tpu.memory_space<vmem>>) dst(%dma_wait3A_235 : memref<128x8xf32, #tpu.memory_space<hbm>>)
      tpu.yield
    }) : () -> ()
    return
  }
}

#map = affine_map<(d0, d1) -> (0, 0)>
#map1 = affine_map<(d0, d1) -> (0, 0, 0)>
module attributes {stable_mosaic.version = 14 : i64} {
  func.func @body(%arg0: i32, %arg1: i32, %arg2: memref<100352x16xf32, #tpu.memory_space<hbm>>, %arg3: memref<2x25000x128xi32, #tpu.memory_space<hbm>>, %arg4: memref<856x128xi32, #tpu.memory_space<hbm>>, %arg5: memref<856x128xi32, #tpu.memory_space<hbm>>, %arg6: memref<100352x16xf32, #tpu.memory_space<hbm>>, %arg7: memref<512x16xf32, #tpu.memory_space<hbm>>, %arg8: memref<200704x16xf32, #tpu.memory_space<hbm>>, %arg9: memref<100352x16xf32, #tpu.memory_space<vmem_shared>>, %arg10: memref<3x4x128xi32, #tpu.memory_space<vmem>>, %arg11: memref<3x4x128xi32, #tpu.memory_space<vmem>>, %arg12: memref<1536x16xf32, #tpu.memory_space<vmem>>, %arg13: memref<!tpu.dma_semaphore, #tpu.memory_space<semaphore_mem>>, %arg14: memref<!tpu.dma_semaphore, #tpu.memory_space<semaphore_mem>>, %arg15: memref<!tpu.dma_semaphore, #tpu.memory_space<semaphore_mem>>) attributes {dimension_semantics = [#tpu.dimension_semantics<core_parallel>, #tpu.dimension_semantics<subcore_parallel>], iteration_bounds = array<i64: 2, 16>, scalar_prefetch = 0 : i64, scratch_operands = 7 : i64, tpu.core_type = #tpu.core_type<sc_vector_subcore>, window_params = [{transform_indices = #map}, {transform_indices = #map1}, {transform_indices = #map}, {transform_indices = #map}, {transform_indices = #map}, {transform_indices = #map}, {transform_indices = #map}]} {
    %mul3A = arith.constant 16 : i32
    %mul3A_0 = arith.muli %arg0, %mul3A : i32
    %add3A = arith.addi %mul3A_0, %arg1 : i32
    %mul3A_1 = arith.constant 808 : i32
    %mul3A_2 = arith.muli %add3A, %mul3A_1 : i32
    %mul3A_3 = arith.constant 6272 : i32
    %mul3A_4 = arith.muli %arg1, %mul3A_3 : i32
    %add3A_5 = arith.constant 0 : i32
    %add3A_6 = arith.addi %mul3A_4, %add3A_5 : i32
    "tpu.region"() ({
      %run_scoped3A = tpu.sem_alloc : memref<!tpu.dma_semaphore, #tpu.memory_space<semaphore_mem>>
      %dma_start3A_213 = arith.constant 0 : i32
      %dma_start3A_214 = arith.constant 0 : i32
      %dma_start3A_215 = tpu.memref_slice %arg12[%dma_start3A_213, %dma_start3A_214] : memref<1536x16xf32, #tpu.memory_space<vmem>> -> memref<1536x16xf32, #tpu.memory_space<vmem>>
      %dma_start3A_216 = arith.constant 0 : i32
      %dma_start3A_217 = tpu.memref_slice %arg6[%add3A_6, %dma_start3A_216] : memref<100352x16xf32, #tpu.memory_space<hbm>> -> memref<1536x16xf32, #tpu.memory_space<hbm>>
      %dma_start3A_218 = arith.constant 0 : i32
      %dma_start3A_219 = arith.constant 0 : i32
      %dma_start3A_220 = tpu.memref_slice %arg12[%dma_start3A_218, %dma_start3A_219] : memref<1536x16xf32, #tpu.memory_space<vmem>> -> memref<1536x16xf32, #tpu.memory_space<vmem>>
      %dma_start3A_221 = arith.constant 0 : i32
      %dma_start3A_222 = tpu.memref_slice %arg6[%add3A_6, %dma_start3A_221] : memref<100352x16xf32, #tpu.memory_space<hbm>> -> memref<1536x16xf32, #tpu.memory_space<hbm>>
      tpu.enqueue_dma source(%dma_start3A_222 : memref<1536x16xf32, #tpu.memory_space<hbm>>) target(%dma_start3A_220 : memref<1536x16xf32, #tpu.memory_space<vmem>>) target_semaphore(%run_scoped3A : memref<!tpu.dma_semaphore, #tpu.memory_space<semaphore_mem>>)
      %dma_wait3A_223 = arith.constant 0 : i32
      %dma_wait3A_224 = arith.constant 0 : i32
      %dma_wait3A_225 = tpu.memref_slice %arg12[%dma_wait3A_223, %dma_wait3A_224] : memref<1536x16xf32, #tpu.memory_space<vmem>> -> memref<1536x16xf32, #tpu.memory_space<vmem>>
      %dma_wait3A_226 = arith.constant 0 : i32
      %dma_wait3A_227 = tpu.memref_slice %arg6[%add3A_6, %dma_wait3A_226] : memref<100352x16xf32, #tpu.memory_space<hbm>> -> memref<1536x16xf32, #tpu.memory_space<hbm>>
      %dma_wait3A_228 = arith.constant 0 : i32
      %dma_wait3A_229 = arith.constant 0 : i32
      %dma_wait3A_230 = tpu.memref_slice %arg12[%dma_wait3A_228, %dma_wait3A_229] : memref<1536x16xf32, #tpu.memory_space<vmem>> -> memref<1536x16xf32, #tpu.memory_space<vmem>>
      %dma_wait3A_231 = arith.constant 0 : i32
      %dma_wait3A_232 = tpu.memref_slice %arg6[%add3A_6, %dma_wait3A_231] : memref<100352x16xf32, #tpu.memory_space<hbm>> -> memref<1536x16xf32, #tpu.memory_space<hbm>>
      tpu.wait_dma2 semaphore(%run_scoped3A : memref<!tpu.dma_semaphore, #tpu.memory_space<semaphore_mem>>) src(%dma_wait3A_232 : memref<1536x16xf32, #tpu.memory_space<hbm>>) dst(%dma_wait3A_230 : memref<1536x16xf32, #tpu.memory_space<vmem>>)
      tpu.yield
    }) : () -> ()
    %mul3A_7 = arith.constant 6272 : i32
    %mul3A_8 = arith.muli %arg1, %mul3A_7 : i32
    %add3A_9 = arith.constant 0 : i32
    %add3A_10 = arith.addi %mul3A_8, %add3A_9 : i32
    "tpu.region"() ({
      %run_scoped3A = tpu.sem_alloc : memref<!tpu.dma_semaphore, #tpu.memory_space<semaphore_mem>>
      %dma_start3A_213 = arith.constant 0 : i32
      %dma_start3A_214 = arith.constant 0 : i32
      %dma_start3A_215 = tpu.memref_slice %arg12[%dma_start3A_213, %dma_start3A_214] : memref<1536x16xf32, #tpu.memory_space<vmem>> -> memref<1536x16xf32, #tpu.memory_space<vmem>>
      %dma_start3A_216 = arith.constant 0 : i32
      %dma_start3A_217 = tpu.memref_slice %arg9[%add3A_10, %dma_start3A_216] : memref<100352x16xf32, #tpu.memory_space<vmem_shared>> -> memref<1536x16xf32, #tpu.memory_space<vmem_shared>>
      %dma_start3A_218 = arith.constant 0 : i32
      %dma_start3A_219 = tpu.memref_slice %arg9[%add3A_10, %dma_start3A_218] : memref<100352x16xf32, #tpu.memory_space<vmem_shared>> -> memref<1536x16xf32, #tpu.memory_space<vmem_shared>>
      %dma_start3A_220 = arith.constant 0 : i32
      %dma_start3A_221 = arith.constant 0 : i32
      %dma_start3A_222 = tpu.memref_slice %arg12[%dma_start3A_220, %dma_start3A_221] : memref<1536x16xf32, #tpu.memory_space<vmem>> -> memref<1536x16xf32, #tpu.memory_space<vmem>>
      tpu.enqueue_dma source(%dma_start3A_222 : memref<1536x16xf32, #tpu.memory_space<vmem>>) target(%dma_start3A_219 : memref<1536x16xf32, #tpu.memory_space<vmem_shared>>) target_semaphore(%run_scoped3A : memref<!tpu.dma_semaphore, #tpu.memory_space<semaphore_mem>>)
      %dma_wait3A_223 = arith.constant 0 : i32
      %dma_wait3A_224 = arith.constant 0 : i32
      %dma_wait3A_225 = tpu.memref_slice %arg12[%dma_wait3A_223, %dma_wait3A_224] : memref<1536x16xf32, #tpu.memory_space<vmem>> -> memref<1536x16xf32, #tpu.memory_space<vmem>>
      %dma_wait3A_226 = arith.constant 0 : i32
      %dma_wait3A_227 = tpu.memref_slice %arg9[%add3A_10, %dma_wait3A_226] : memref<100352x16xf32, #tpu.memory_space<vmem_shared>> -> memref<1536x16xf32, #tpu.memory_space<vmem_shared>>
      %dma_wait3A_228 = arith.constant 0 : i32
      %dma_wait3A_229 = tpu.memref_slice %arg9[%add3A_10, %dma_wait3A_228] : memref<100352x16xf32, #tpu.memory_space<vmem_shared>> -> memref<1536x16xf32, #tpu.memory_space<vmem_shared>>
      %dma_wait3A_230 = arith.constant 0 : i32
      %dma_wait3A_231 = arith.constant 0 : i32
      %dma_wait3A_232 = tpu.memref_slice %arg12[%dma_wait3A_230, %dma_wait3A_231] : memref<1536x16xf32, #tpu.memory_space<vmem>> -> memref<1536x16xf32, #tpu.memory_space<vmem>>
      tpu.wait_dma2 semaphore(%run_scoped3A : memref<!tpu.dma_semaphore, #tpu.memory_space<semaphore_mem>>) src(%dma_wait3A_232 : memref<1536x16xf32, #tpu.memory_space<vmem>>) dst(%dma_wait3A_229 : memref<1536x16xf32, #tpu.memory_space<vmem_shared>>)
      tpu.yield
    }) : () -> ()
    %mul3A_11 = arith.constant 6272 : i32
    %mul3A_12 = arith.muli %arg1, %mul3A_11 : i32
    %add3A_13 = arith.constant 1536 : i32
    %add3A_14 = arith.addi %mul3A_12, %add3A_13 : i32
    "tpu.region"() ({
      %run_scoped3A = tpu.sem_alloc : memref<!tpu.dma_semaphore, #tpu.memory_space<semaphore_mem>>
      %dma_start3A_213 = arith.constant 0 : i32
      %dma_start3A_214 = arith.constant 0 : i32
      %dma_start3A_215 = tpu.memref_slice %arg12[%dma_start3A_213, %dma_start3A_214] : memref<1536x16xf32, #tpu.memory_space<vmem>> -> memref<1536x16xf32, #tpu.memory_space<vmem>>
      %dma_start3A_216 = arith.constant 0 : i32
      %dma_start3A_217 = tpu.memref_slice %arg6[%add3A_14, %dma_start3A_216] : memref<100352x16xf32, #tpu.memory_space<hbm>> -> memref<1536x16xf32, #tpu.memory_space<hbm>>
      %dma_start3A_218 = arith.constant 0 : i32
      %dma_start3A_219 = arith.constant 0 : i32
      %dma_start3A_220 = tpu.memref_slice %arg12[%dma_start3A_218, %dma_start3A_219] : memref<1536x16xf32, #tpu.memory_space<vmem>> -> memref<1536x16xf32, #tpu.memory_space<vmem>>
      %dma_start3A_221 = arith.constant 0 : i32
      %dma_start3A_222 = tpu.memref_slice %arg6[%add3A_14, %dma_start3A_221] : memref<100352x16xf32, #tpu.memory_space<hbm>> -> memref<1536x16xf32, #tpu.memory_space<hbm>>
      tpu.enqueue_dma source(%dma_start3A_222 : memref<1536x16xf32, #tpu.memory_space<hbm>>) target(%dma_start3A_220 : memref<1536x16xf32, #tpu.memory_space<vmem>>) target_semaphore(%run_scoped3A : memref<!tpu.dma_semaphore, #tpu.memory_space<semaphore_mem>>)
      %dma_wait3A_223 = arith.constant 0 : i32
      %dma_wait3A_224 = arith.constant 0 : i32
      %dma_wait3A_225 = tpu.memref_slice %arg12[%dma_wait3A_223, %dma_wait3A_224] : memref<1536x16xf32, #tpu.memory_space<vmem>> -> memref<1536x16xf32, #tpu.memory_space<vmem>>
      %dma_wait3A_226 = arith.constant 0 : i32
      %dma_wait3A_227 = tpu.memref_slice %arg6[%add3A_14, %dma_wait3A_226] : memref<100352x16xf32, #tpu.memory_space<hbm>> -> memref<1536x16xf32, #tpu.memory_space<hbm>>
      %dma_wait3A_228 = arith.constant 0 : i32
      %dma_wait3A_229 = arith.constant 0 : i32
      %dma_wait3A_230 = tpu.memref_slice %arg12[%dma_wait3A_228, %dma_wait3A_229] : memref<1536x16xf32, #tpu.memory_space<vmem>> -> memref<1536x16xf32, #tpu.memory_space<vmem>>
      %dma_wait3A_231 = arith.constant 0 : i32
      %dma_wait3A_232 = tpu.memref_slice %arg6[%add3A_14, %dma_wait3A_231] : memref<100352x16xf32, #tpu.memory_space<hbm>> -> memref<1536x16xf32, #tpu.memory_space<hbm>>
      tpu.wait_dma2 semaphore(%run_scoped3A : memref<!tpu.dma_semaphore, #tpu.memory_space<semaphore_mem>>) src(%dma_wait3A_232 : memref<1536x16xf32, #tpu.memory_space<hbm>>) dst(%dma_wait3A_230 : memref<1536x16xf32, #tpu.memory_space<vmem>>)
      tpu.yield
    }) : () -> ()
    %mul3A_15 = arith.constant 6272 : i32
    %mul3A_16 = arith.muli %arg1, %mul3A_15 : i32
    %add3A_17 = arith.constant 1536 : i32
    %add3A_18 = arith.addi %mul3A_16, %add3A_17 : i32
    "tpu.region"() ({
      %run_scoped3A = tpu.sem_alloc : memref<!tpu.dma_semaphore, #tpu.memory_space<semaphore_mem>>
      %dma_start3A_213 = arith.constant 0 : i32
      %dma_start3A_214 = arith.constant 0 : i32
      %dma_start3A_215 = tpu.memref_slice %arg12[%dma_start3A_213, %dma_start3A_214] : memref<1536x16xf32, #tpu.memory_space<vmem>> -> memref<1536x16xf32, #tpu.memory_space<vmem>>
      %dma_start3A_216 = arith.constant 0 : i32
      %dma_start3A_217 = tpu.memref_slice %arg9[%add3A_18, %dma_start3A_216] : memref<100352x16xf32, #tpu.memory_space<vmem_shared>> -> memref<1536x16xf32, #tpu.memory_space<vmem_shared>>
      %dma_start3A_218 = arith.constant 0 : i32
      %dma_start3A_219 = tpu.memref_slice %arg9[%add3A_18, %dma_start3A_218] : memref<100352x16xf32, #tpu.memory_space<vmem_shared>> -> memref<1536x16xf32, #tpu.memory_space<vmem_shared>>
      %dma_start3A_220 = arith.constant 0 : i32
      %dma_start3A_221 = arith.constant 0 : i32
      %dma_start3A_222 = tpu.memref_slice %arg12[%dma_start3A_220, %dma_start3A_221] : memref<1536x16xf32, #tpu.memory_space<vmem>> -> memref<1536x16xf32, #tpu.memory_space<vmem>>
      tpu.enqueue_dma source(%dma_start3A_222 : memref<1536x16xf32, #tpu.memory_space<vmem>>) target(%dma_start3A_219 : memref<1536x16xf32, #tpu.memory_space<vmem_shared>>) target_semaphore(%run_scoped3A : memref<!tpu.dma_semaphore, #tpu.memory_space<semaphore_mem>>)
      %dma_wait3A_223 = arith.constant 0 : i32
      %dma_wait3A_224 = arith.constant 0 : i32
      %dma_wait3A_225 = tpu.memref_slice %arg12[%dma_wait3A_223, %dma_wait3A_224] : memref<1536x16xf32, #tpu.memory_space<vmem>> -> memref<1536x16xf32, #tpu.memory_space<vmem>>
      %dma_wait3A_226 = arith.constant 0 : i32
      %dma_wait3A_227 = tpu.memref_slice %arg9[%add3A_18, %dma_wait3A_226] : memref<100352x16xf32, #tpu.memory_space<vmem_shared>> -> memref<1536x16xf32, #tpu.memory_space<vmem_shared>>
      %dma_wait3A_228 = arith.constant 0 : i32
      %dma_wait3A_229 = tpu.memref_slice %arg9[%add3A_18, %dma_wait3A_228] : memref<100352x16xf32, #tpu.memory_space<vmem_shared>> -> memref<1536x16xf32, #tpu.memory_space<vmem_shared>>
      %dma_wait3A_230 = arith.constant 0 : i32
      %dma_wait3A_231 = arith.constant 0 : i32
      %dma_wait3A_232 = tpu.memref_slice %arg12[%dma_wait3A_230, %dma_wait3A_231] : memref<1536x16xf32, #tpu.memory_space<vmem>> -> memref<1536x16xf32, #tpu.memory_space<vmem>>
      tpu.wait_dma2 semaphore(%run_scoped3A : memref<!tpu.dma_semaphore, #tpu.memory_space<semaphore_mem>>) src(%dma_wait3A_232 : memref<1536x16xf32, #tpu.memory_space<vmem>>) dst(%dma_wait3A_229 : memref<1536x16xf32, #tpu.memory_space<vmem_shared>>)
      tpu.yield
    }) : () -> ()
    %mul3A_19 = arith.constant 6272 : i32
    %mul3A_20 = arith.muli %arg1, %mul3A_19 : i32
    %add3A_21 = arith.constant 3072 : i32
    %add3A_22 = arith.addi %mul3A_20, %add3A_21 : i32
    "tpu.region"() ({
      %run_scoped3A = tpu.sem_alloc : memref<!tpu.dma_semaphore, #tpu.memory_space<semaphore_mem>>
      %dma_start3A_213 = arith.constant 0 : i32
      %dma_start3A_214 = arith.constant 0 : i32
      %dma_start3A_215 = tpu.memref_slice %arg12[%dma_start3A_213, %dma_start3A_214] : memref<1536x16xf32, #tpu.memory_space<vmem>> -> memref<1536x16xf32, #tpu.memory_space<vmem>>
      %dma_start3A_216 = arith.constant 0 : i32
      %dma_start3A_217 = tpu.memref_slice %arg6[%add3A_22, %dma_start3A_216] : memref<100352x16xf32, #tpu.memory_space<hbm>> -> memref<1536x16xf32, #tpu.memory_space<hbm>>
      %dma_start3A_218 = arith.constant 0 : i32
      %dma_start3A_219 = arith.constant 0 : i32
      %dma_start3A_220 = tpu.memref_slice %arg12[%dma_start3A_218, %dma_start3A_219] : memref<1536x16xf32, #tpu.memory_space<vmem>> -> memref<1536x16xf32, #tpu.memory_space<vmem>>
      %dma_start3A_221 = arith.constant 0 : i32
      %dma_start3A_222 = tpu.memref_slice %arg6[%add3A_22, %dma_start3A_221] : memref<100352x16xf32, #tpu.memory_space<hbm>> -> memref<1536x16xf32, #tpu.memory_space<hbm>>
      tpu.enqueue_dma source(%dma_start3A_222 : memref<1536x16xf32, #tpu.memory_space<hbm>>) target(%dma_start3A_220 : memref<1536x16xf32, #tpu.memory_space<vmem>>) target_semaphore(%run_scoped3A : memref<!tpu.dma_semaphore, #tpu.memory_space<semaphore_mem>>)
      %dma_wait3A_223 = arith.constant 0 : i32
      %dma_wait3A_224 = arith.constant 0 : i32
      %dma_wait3A_225 = tpu.memref_slice %arg12[%dma_wait3A_223, %dma_wait3A_224] : memref<1536x16xf32, #tpu.memory_space<vmem>> -> memref<1536x16xf32, #tpu.memory_space<vmem>>
      %dma_wait3A_226 = arith.constant 0 : i32
      %dma_wait3A_227 = tpu.memref_slice %arg6[%add3A_22, %dma_wait3A_226] : memref<100352x16xf32, #tpu.memory_space<hbm>> -> memref<1536x16xf32, #tpu.memory_space<hbm>>
      %dma_wait3A_228 = arith.constant 0 : i32
      %dma_wait3A_229 = arith.constant 0 : i32
      %dma_wait3A_230 = tpu.memref_slice %arg12[%dma_wait3A_228, %dma_wait3A_229] : memref<1536x16xf32, #tpu.memory_space<vmem>> -> memref<1536x16xf32, #tpu.memory_space<vmem>>
      %dma_wait3A_231 = arith.constant 0 : i32
      %dma_wait3A_232 = tpu.memref_slice %arg6[%add3A_22, %dma_wait3A_231] : memref<100352x16xf32, #tpu.memory_space<hbm>> -> memref<1536x16xf32, #tpu.memory_space<hbm>>
      tpu.wait_dma2 semaphore(%run_scoped3A : memref<!tpu.dma_semaphore, #tpu.memory_space<semaphore_mem>>) src(%dma_wait3A_232 : memref<1536x16xf32, #tpu.memory_space<hbm>>) dst(%dma_wait3A_230 : memref<1536x16xf32, #tpu.memory_space<vmem>>)
      tpu.yield
    }) : () -> ()
    %mul3A_23 = arith.constant 6272 : i32
    %mul3A_24 = arith.muli %arg1, %mul3A_23 : i32
    %add3A_25 = arith.constant 3072 : i32
    %add3A_26 = arith.addi %mul3A_24, %add3A_25 : i32
    "tpu.region"() ({
      %run_scoped3A = tpu.sem_alloc : memref<!tpu.dma_semaphore, #tpu.memory_space<semaphore_mem>>
      %dma_start3A_213 = arith.constant 0 : i32
      %dma_start3A_214 = arith.constant 0 : i32
      %dma_start3A_215 = tpu.memref_slice %arg12[%dma_start3A_213, %dma_start3A_214] : memref<1536x16xf32, #tpu.memory_space<vmem>> -> memref<1536x16xf32, #tpu.memory_space<vmem>>
      %dma_start3A_216 = arith.constant 0 : i32
      %dma_start3A_217 = tpu.memref_slice %arg9[%add3A_26, %dma_start3A_216] : memref<100352x16xf32, #tpu.memory_space<vmem_shared>> -> memref<1536x16xf32, #tpu.memory_space<vmem_shared>>
      %dma_start3A_218 = arith.constant 0 : i32
      %dma_start3A_219 = tpu.memref_slice %arg9[%add3A_26, %dma_start3A_218] : memref<100352x16xf32, #tpu.memory_space<vmem_shared>> -> memref<1536x16xf32, #tpu.memory_space<vmem_shared>>
      %dma_start3A_220 = arith.constant 0 : i32
      %dma_start3A_221 = arith.constant 0 : i32
      %dma_start3A_222 = tpu.memref_slice %arg12[%dma_start3A_220, %dma_start3A_221] : memref<1536x16xf32, #tpu.memory_space<vmem>> -> memref<1536x16xf32, #tpu.memory_space<vmem>>
      tpu.enqueue_dma source(%dma_start3A_222 : memref<1536x16xf32, #tpu.memory_space<vmem>>) target(%dma_start3A_219 : memref<1536x16xf32, #tpu.memory_space<vmem_shared>>) target_semaphore(%run_scoped3A : memref<!tpu.dma_semaphore, #tpu.memory_space<semaphore_mem>>)
      %dma_wait3A_223 = arith.constant 0 : i32
      %dma_wait3A_224 = arith.constant 0 : i32
      %dma_wait3A_225 = tpu.memref_slice %arg12[%dma_wait3A_223, %dma_wait3A_224] : memref<1536x16xf32, #tpu.memory_space<vmem>> -> memref<1536x16xf32, #tpu.memory_space<vmem>>
      %dma_wait3A_226 = arith.constant 0 : i32
      %dma_wait3A_227 = tpu.memref_slice %arg9[%add3A_26, %dma_wait3A_226] : memref<100352x16xf32, #tpu.memory_space<vmem_shared>> -> memref<1536x16xf32, #tpu.memory_space<vmem_shared>>
      %dma_wait3A_228 = arith.constant 0 : i32
      %dma_wait3A_229 = tpu.memref_slice %arg9[%add3A_26, %dma_wait3A_228] : memref<100352x16xf32, #tpu.memory_space<vmem_shared>> -> memref<1536x16xf32, #tpu.memory_space<vmem_shared>>
      %dma_wait3A_230 = arith.constant 0 : i32
      %dma_wait3A_231 = arith.constant 0 : i32
      %dma_wait3A_232 = tpu.memref_slice %arg12[%dma_wait3A_230, %dma_wait3A_231] : memref<1536x16xf32, #tpu.memory_space<vmem>> -> memref<1536x16xf32, #tpu.memory_space<vmem>>
      tpu.wait_dma2 semaphore(%run_scoped3A : memref<!tpu.dma_semaphore, #tpu.memory_space<semaphore_mem>>) src(%dma_wait3A_232 : memref<1536x16xf32, #tpu.memory_space<vmem>>) dst(%dma_wait3A_229 : memref<1536x16xf32, #tpu.memory_space<vmem_shared>>)
      tpu.yield
    }) : () -> ()
    %mul3A_27 = arith.constant 6272 : i32
    %mul3A_28 = arith.muli %arg1, %mul3A_27 : i32
    %add3A_29 = arith.constant 4608 : i32
    %add3A_30 = arith.addi %mul3A_28, %add3A_29 : i32
    "tpu.region"() ({
      %run_scoped3A = tpu.sem_alloc : memref<!tpu.dma_semaphore, #tpu.memory_space<semaphore_mem>>
      %dma_start3A_213 = arith.constant 0 : i32
      %dma_start3A_214 = arith.constant 0 : i32
      %dma_start3A_215 = tpu.memref_slice %arg12[%dma_start3A_213, %dma_start3A_214] : memref<1536x16xf32, #tpu.memory_space<vmem>> -> memref<1536x16xf32, #tpu.memory_space<vmem>>
      %dma_start3A_216 = arith.constant 0 : i32
      %dma_start3A_217 = tpu.memref_slice %arg6[%add3A_30, %dma_start3A_216] : memref<100352x16xf32, #tpu.memory_space<hbm>> -> memref<1536x16xf32, #tpu.memory_space<hbm>>
      %dma_start3A_218 = arith.constant 0 : i32
      %dma_start3A_219 = arith.constant 0 : i32
      %dma_start3A_220 = tpu.memref_slice %arg12[%dma_start3A_218, %dma_start3A_219] : memref<1536x16xf32, #tpu.memory_space<vmem>> -> memref<1536x16xf32, #tpu.memory_space<vmem>>
      %dma_start3A_221 = arith.constant 0 : i32
      %dma_start3A_222 = tpu.memref_slice %arg6[%add3A_30, %dma_start3A_221] : memref<100352x16xf32, #tpu.memory_space<hbm>> -> memref<1536x16xf32, #tpu.memory_space<hbm>>
      tpu.enqueue_dma source(%dma_start3A_222 : memref<1536x16xf32, #tpu.memory_space<hbm>>) target(%dma_start3A_220 : memref<1536x16xf32, #tpu.memory_space<vmem>>) target_semaphore(%run_scoped3A : memref<!tpu.dma_semaphore, #tpu.memory_space<semaphore_mem>>)
      %dma_wait3A_223 = arith.constant 0 : i32
      %dma_wait3A_224 = arith.constant 0 : i32
      %dma_wait3A_225 = tpu.memref_slice %arg12[%dma_wait3A_223, %dma_wait3A_224] : memref<1536x16xf32, #tpu.memory_space<vmem>> -> memref<1536x16xf32, #tpu.memory_space<vmem>>
      %dma_wait3A_226 = arith.constant 0 : i32
      %dma_wait3A_227 = tpu.memref_slice %arg6[%add3A_30, %dma_wait3A_226] : memref<100352x16xf32, #tpu.memory_space<hbm>> -> memref<1536x16xf32, #tpu.memory_space<hbm>>
      %dma_wait3A_228 = arith.constant 0 : i32
      %dma_wait3A_229 = arith.constant 0 : i32
      %dma_wait3A_230 = tpu.memref_slice %arg12[%dma_wait3A_228, %dma_wait3A_229] : memref<1536x16xf32, #tpu.memory_space<vmem>> -> memref<1536x16xf32, #tpu.memory_space<vmem>>
      %dma_wait3A_231 = arith.constant 0 : i32
      %dma_wait3A_232 = tpu.memref_slice %arg6[%add3A_30, %dma_wait3A_231] : memref<100352x16xf32, #tpu.memory_space<hbm>> -> memref<1536x16xf32, #tpu.memory_space<hbm>>
      tpu.wait_dma2 semaphore(%run_scoped3A : memref<!tpu.dma_semaphore, #tpu.memory_space<semaphore_mem>>) src(%dma_wait3A_232 : memref<1536x16xf32, #tpu.memory_space<hbm>>) dst(%dma_wait3A_230 : memref<1536x16xf32, #tpu.memory_space<vmem>>)
      tpu.yield
    }) : () -> ()
    %mul3A_31 = arith.constant 6272 : i32
    %mul3A_32 = arith.muli %arg1, %mul3A_31 : i32
    %add3A_33 = arith.constant 4608 : i32
    %add3A_34 = arith.addi %mul3A_32, %add3A_33 : i32
    "tpu.region"() ({
      %run_scoped3A = tpu.sem_alloc : memref<!tpu.dma_semaphore, #tpu.memory_space<semaphore_mem>>
      %dma_start3A_213 = arith.constant 0 : i32
      %dma_start3A_214 = arith.constant 0 : i32
      %dma_start3A_215 = tpu.memref_slice %arg12[%dma_start3A_213, %dma_start3A_214] : memref<1536x16xf32, #tpu.memory_space<vmem>> -> memref<1536x16xf32, #tpu.memory_space<vmem>>
      %dma_start3A_216 = arith.constant 0 : i32
      %dma_start3A_217 = tpu.memref_slice %arg9[%add3A_34, %dma_start3A_216] : memref<100352x16xf32, #tpu.memory_space<vmem_shared>> -> memref<1536x16xf32, #tpu.memory_space<vmem_shared>>
      %dma_start3A_218 = arith.constant 0 : i32
      %dma_start3A_219 = tpu.memref_slice %arg9[%add3A_34, %dma_start3A_218] : memref<100352x16xf32, #tpu.memory_space<vmem_shared>> -> memref<1536x16xf32, #tpu.memory_space<vmem_shared>>
      %dma_start3A_220 = arith.constant 0 : i32
      %dma_start3A_221 = arith.constant 0 : i32
      %dma_start3A_222 = tpu.memref_slice %arg12[%dma_start3A_220, %dma_start3A_221] : memref<1536x16xf32, #tpu.memory_space<vmem>> -> memref<1536x16xf32, #tpu.memory_space<vmem>>
      tpu.enqueue_dma source(%dma_start3A_222 : memref<1536x16xf32, #tpu.memory_space<vmem>>) target(%dma_start3A_219 : memref<1536x16xf32, #tpu.memory_space<vmem_shared>>) target_semaphore(%run_scoped3A : memref<!tpu.dma_semaphore, #tpu.memory_space<semaphore_mem>>)
      %dma_wait3A_223 = arith.constant 0 : i32
      %dma_wait3A_224 = arith.constant 0 : i32
      %dma_wait3A_225 = tpu.memref_slice %arg12[%dma_wait3A_223, %dma_wait3A_224] : memref<1536x16xf32, #tpu.memory_space<vmem>> -> memref<1536x16xf32, #tpu.memory_space<vmem>>
      %dma_wait3A_226 = arith.constant 0 : i32
      %dma_wait3A_227 = tpu.memref_slice %arg9[%add3A_34, %dma_wait3A_226] : memref<100352x16xf32, #tpu.memory_space<vmem_shared>> -> memref<1536x16xf32, #tpu.memory_space<vmem_shared>>
      %dma_wait3A_228 = arith.constant 0 : i32
      %dma_wait3A_229 = tpu.memref_slice %arg9[%add3A_34, %dma_wait3A_228] : memref<100352x16xf32, #tpu.memory_space<vmem_shared>> -> memref<1536x16xf32, #tpu.memory_space<vmem_shared>>
      %dma_wait3A_230 = arith.constant 0 : i32
      %dma_wait3A_231 = arith.constant 0 : i32
      %dma_wait3A_232 = tpu.memref_slice %arg12[%dma_wait3A_230, %dma_wait3A_231] : memref<1536x16xf32, #tpu.memory_space<vmem>> -> memref<1536x16xf32, #tpu.memory_space<vmem>>
      tpu.wait_dma2 semaphore(%run_scoped3A : memref<!tpu.dma_semaphore, #tpu.memory_space<semaphore_mem>>) src(%dma_wait3A_232 : memref<1536x16xf32, #tpu.memory_space<vmem>>) dst(%dma_wait3A_229 : memref<1536x16xf32, #tpu.memory_space<vmem_shared>>)
      tpu.yield
    }) : () -> ()
    %mul3A_35 = arith.constant 6272 : i32
    %mul3A_36 = arith.muli %arg1, %mul3A_35 : i32
    %add3A_37 = arith.constant 6144 : i32
    %add3A_38 = arith.addi %mul3A_36, %add3A_37 : i32
    "tpu.region"() ({
      %run_scoped3A = tpu.sem_alloc : memref<!tpu.dma_semaphore, #tpu.memory_space<semaphore_mem>>
      %dma_start3A_213 = arith.constant 0 : i32
      %dma_start3A_214 = arith.constant 0 : i32
      %dma_start3A_215 = tpu.memref_slice %arg12[%dma_start3A_213, %dma_start3A_214] : memref<1536x16xf32, #tpu.memory_space<vmem>> -> memref<128x16xf32, #tpu.memory_space<vmem>>
      %dma_start3A_216 = arith.constant 0 : i32
      %dma_start3A_217 = tpu.memref_slice %arg6[%add3A_38, %dma_start3A_216] : memref<100352x16xf32, #tpu.memory_space<hbm>> -> memref<128x16xf32, #tpu.memory_space<hbm>>
      %dma_start3A_218 = arith.constant 0 : i32
      %dma_start3A_219 = arith.constant 0 : i32
      %dma_start3A_220 = tpu.memref_slice %arg12[%dma_start3A_218, %dma_start3A_219] : memref<1536x16xf32, #tpu.memory_space<vmem>> -> memref<128x16xf32, #tpu.memory_space<vmem>>
      %dma_start3A_221 = arith.constant 0 : i32
      %dma_start3A_222 = tpu.memref_slice %arg6[%add3A_38, %dma_start3A_221] : memref<100352x16xf32, #tpu.memory_space<hbm>> -> memref<128x16xf32, #tpu.memory_space<hbm>>
      tpu.enqueue_dma source(%dma_start3A_222 : memref<128x16xf32, #tpu.memory_space<hbm>>) target(%dma_start3A_220 : memref<128x16xf32, #tpu.memory_space<vmem>>) target_semaphore(%run_scoped3A : memref<!tpu.dma_semaphore, #tpu.memory_space<semaphore_mem>>)
      %dma_wait3A_223 = arith.constant 0 : i32
      %dma_wait3A_224 = arith.constant 0 : i32
      %dma_wait3A_225 = tpu.memref_slice %arg12[%dma_wait3A_223, %dma_wait3A_224] : memref<1536x16xf32, #tpu.memory_space<vmem>> -> memref<128x16xf32, #tpu.memory_space<vmem>>
      %dma_wait3A_226 = arith.constant 0 : i32
      %dma_wait3A_227 = tpu.memref_slice %arg6[%add3A_38, %dma_wait3A_226] : memref<100352x16xf32, #tpu.memory_space<hbm>> -> memref<128x16xf32, #tpu.memory_space<hbm>>
      %dma_wait3A_228 = arith.constant 0 : i32
      %dma_wait3A_229 = arith.constant 0 : i32
      %dma_wait3A_230 = tpu.memref_slice %arg12[%dma_wait3A_228, %dma_wait3A_229] : memref<1536x16xf32, #tpu.memory_space<vmem>> -> memref<128x16xf32, #tpu.memory_space<vmem>>
      %dma_wait3A_231 = arith.constant 0 : i32
      %dma_wait3A_232 = tpu.memref_slice %arg6[%add3A_38, %dma_wait3A_231] : memref<100352x16xf32, #tpu.memory_space<hbm>> -> memref<128x16xf32, #tpu.memory_space<hbm>>
      tpu.wait_dma2 semaphore(%run_scoped3A : memref<!tpu.dma_semaphore, #tpu.memory_space<semaphore_mem>>) src(%dma_wait3A_232 : memref<128x16xf32, #tpu.memory_space<hbm>>) dst(%dma_wait3A_230 : memref<128x16xf32, #tpu.memory_space<vmem>>)
      tpu.yield
    }) : () -> ()
    %mul3A_39 = arith.constant 6272 : i32
    %mul3A_40 = arith.muli %arg1, %mul3A_39 : i32
    %add3A_41 = arith.constant 6144 : i32
    %add3A_42 = arith.addi %mul3A_40, %add3A_41 : i32
    "tpu.region"() ({
      %run_scoped3A = tpu.sem_alloc : memref<!tpu.dma_semaphore, #tpu.memory_space<semaphore_mem>>
      %dma_start3A_213 = arith.constant 0 : i32
      %dma_start3A_214 = arith.constant 0 : i32
      %dma_start3A_215 = tpu.memref_slice %arg12[%dma_start3A_213, %dma_start3A_214] : memref<1536x16xf32, #tpu.memory_space<vmem>> -> memref<128x16xf32, #tpu.memory_space<vmem>>
      %dma_start3A_216 = arith.constant 0 : i32
      %dma_start3A_217 = tpu.memref_slice %arg9[%add3A_42, %dma_start3A_216] : memref<100352x16xf32, #tpu.memory_space<vmem_shared>> -> memref<128x16xf32, #tpu.memory_space<vmem_shared>>
      %dma_start3A_218 = arith.constant 0 : i32
      %dma_start3A_219 = tpu.memref_slice %arg9[%add3A_42, %dma_start3A_218] : memref<100352x16xf32, #tpu.memory_space<vmem_shared>> -> memref<128x16xf32, #tpu.memory_space<vmem_shared>>
      %dma_start3A_220 = arith.constant 0 : i32
      %dma_start3A_221 = arith.constant 0 : i32
      %dma_start3A_222 = tpu.memref_slice %arg12[%dma_start3A_220, %dma_start3A_221] : memref<1536x16xf32, #tpu.memory_space<vmem>> -> memref<128x16xf32, #tpu.memory_space<vmem>>
      tpu.enqueue_dma source(%dma_start3A_222 : memref<128x16xf32, #tpu.memory_space<vmem>>) target(%dma_start3A_219 : memref<128x16xf32, #tpu.memory_space<vmem_shared>>) target_semaphore(%run_scoped3A : memref<!tpu.dma_semaphore, #tpu.memory_space<semaphore_mem>>)
      %dma_wait3A_223 = arith.constant 0 : i32
      %dma_wait3A_224 = arith.constant 0 : i32
      %dma_wait3A_225 = tpu.memref_slice %arg12[%dma_wait3A_223, %dma_wait3A_224] : memref<1536x16xf32, #tpu.memory_space<vmem>> -> memref<128x16xf32, #tpu.memory_space<vmem>>
      %dma_wait3A_226 = arith.constant 0 : i32
      %dma_wait3A_227 = tpu.memref_slice %arg9[%add3A_42, %dma_wait3A_226] : memref<100352x16xf32, #tpu.memory_space<vmem_shared>> -> memref<128x16xf32, #tpu.memory_space<vmem_shared>>
      %dma_wait3A_228 = arith.constant 0 : i32
      %dma_wait3A_229 = tpu.memref_slice %arg9[%add3A_42, %dma_wait3A_228] : memref<100352x16xf32, #tpu.memory_space<vmem_shared>> -> memref<128x16xf32, #tpu.memory_space<vmem_shared>>
      %dma_wait3A_230 = arith.constant 0 : i32
      %dma_wait3A_231 = arith.constant 0 : i32
      %dma_wait3A_232 = tpu.memref_slice %arg12[%dma_wait3A_230, %dma_wait3A_231] : memref<1536x16xf32, #tpu.memory_space<vmem>> -> memref<128x16xf32, #tpu.memory_space<vmem>>
      tpu.wait_dma2 semaphore(%run_scoped3A : memref<!tpu.dma_semaphore, #tpu.memory_space<semaphore_mem>>) src(%dma_wait3A_232 : memref<128x16xf32, #tpu.memory_space<vmem>>) dst(%dma_wait3A_229 : memref<128x16xf32, #tpu.memory_space<vmem_shared>>)
      tpu.yield
    }) : () -> ()
    %barrier3A = arith.constant 0 : index
    tpu.barrier barrier_id(%barrier3A)
    %lt3A = arith.constant 25000 : i32
    %lt3A_43 = arith.cmpi slt, %mul3A_2, %lt3A : i32
    %convert_element_type3A = arith.extui %lt3A_43 : i1 to i32
    %cond3A = arith.constant 0 : i32
    %cond3A_44 = arith.constant 0 : i32
    %cond3A_45 = arith.constant 0 : i32
    %cond3A_46 = arith.cmpi ne, %convert_element_type3A, %cond3A_45 : i32
    scf.if %cond3A_46 {
      %dma_start3A_213 = arith.constant 0 : i32
      %dma_start3A_214 = arith.constant 0 : i32
      %dma_start3A_215 = arith.constant 0 : i32
      %dma_start3A_216 = tpu.memref_slice %arg10[%cond3A, %dma_start3A_214, %dma_start3A_215] : memref<3x4x128xi32, #tpu.memory_space<vmem>> -> memref<1x4x128xi32, #tpu.memory_space<vmem>>
      %dma_start3A_217 = tpu.memref_squeeze %dma_start3A_216 : memref<1x4x128xi32, #tpu.memory_space<vmem>> -> memref<4x128xi32, #tpu.memory_space<vmem>>
      %dma_start3A_218 = arith.constant 0 : i32
      %dma_start3A_219 = tpu.memref_slice %arg3[%dma_start3A_213, %mul3A_2, %dma_start3A_218] : memref<2x25000x128xi32, #tpu.memory_space<hbm>> -> memref<1x4x128xi32, #tpu.memory_space<hbm>>
      %dma_start3A_220 = tpu.memref_squeeze %dma_start3A_219 : memref<1x4x128xi32, #tpu.memory_space<hbm>> -> memref<4x128xi32, #tpu.memory_space<hbm>>
      %dma_start3A_221 = arith.constant 0 : i32
      %dma_start3A_222 = arith.constant 0 : i32
      %dma_start3A_223 = tpu.memref_slice %arg10[%cond3A, %dma_start3A_221, %dma_start3A_222] : memref<3x4x128xi32, #tpu.memory_space<vmem>> -> memref<1x4x128xi32, #tpu.memory_space<vmem>>
      %dma_start3A_224 = tpu.memref_squeeze %dma_start3A_223 : memref<1x4x128xi32, #tpu.memory_space<vmem>> -> memref<4x128xi32, #tpu.memory_space<vmem>>
      %dma_start3A_225 = arith.constant 0 : i32
      %dma_start3A_226 = tpu.memref_slice %arg3[%dma_start3A_213, %mul3A_2, %dma_start3A_225] : memref<2x25000x128xi32, #tpu.memory_space<hbm>> -> memref<1x4x128xi32, #tpu.memory_space<hbm>>
      %dma_start3A_227 = tpu.memref_squeeze %dma_start3A_226 : memref<1x4x128xi32, #tpu.memory_space<hbm>> -> memref<4x128xi32, #tpu.memory_space<hbm>>
      tpu.enqueue_dma source(%dma_start3A_227 : memref<4x128xi32, #tpu.memory_space<hbm>>) target(%dma_start3A_224 : memref<4x128xi32, #tpu.memory_space<vmem>>) target_semaphore(%arg15 : memref<!tpu.dma_semaphore, #tpu.memory_space<semaphore_mem>>)
      %dma_start3A_228 = arith.constant 1 : i32
      %dma_start3A_229 = arith.constant 0 : i32
      %dma_start3A_230 = arith.constant 0 : i32
      %dma_start3A_231 = tpu.memref_slice %arg11[%cond3A_44, %dma_start3A_229, %dma_start3A_230] : memref<3x4x128xi32, #tpu.memory_space<vmem>> -> memref<1x4x128xi32, #tpu.memory_space<vmem>>
      %dma_start3A_232 = tpu.memref_squeeze %dma_start3A_231 : memref<1x4x128xi32, #tpu.memory_space<vmem>> -> memref<4x128xi32, #tpu.memory_space<vmem>>
      %dma_start3A_233 = arith.constant 0 : i32
      %dma_start3A_234 = tpu.memref_slice %arg3[%dma_start3A_228, %mul3A_2, %dma_start3A_233] : memref<2x25000x128xi32, #tpu.memory_space<hbm>> -> memref<1x4x128xi32, #tpu.memory_space<hbm>>
      %dma_start3A_235 = tpu.memref_squeeze %dma_start3A_234 : memref<1x4x128xi32, #tpu.memory_space<hbm>> -> memref<4x128xi32, #tpu.memory_space<hbm>>
      %dma_start3A_236 = arith.constant 0 : i32
      %dma_start3A_237 = arith.constant 0 : i32
      %dma_start3A_238 = tpu.memref_slice %arg11[%cond3A_44, %dma_start3A_236, %dma_start3A_237] : memref<3x4x128xi32, #tpu.memory_space<vmem>> -> memref<1x4x128xi32, #tpu.memory_space<vmem>>
      %dma_start3A_239 = tpu.memref_squeeze %dma_start3A_238 : memref<1x4x128xi32, #tpu.memory_space<vmem>> -> memref<4x128xi32, #tpu.memory_space<vmem>>
      %dma_start3A_240 = arith.constant 0 : i32
      %dma_start3A_241 = tpu.memref_slice %arg3[%dma_start3A_228, %mul3A_2, %dma_start3A_240] : memref<2x25000x128xi32, #tpu.memory_space<hbm>> -> memref<1x4x128xi32, #tpu.memory_space<hbm>>
      %dma_start3A_242 = tpu.memref_squeeze %dma_start3A_241 : memref<1x4x128xi32, #tpu.memory_space<hbm>> -> memref<4x128xi32, #tpu.memory_space<hbm>>
      tpu.enqueue_dma source(%dma_start3A_242 : memref<4x128xi32, #tpu.memory_space<hbm>>) target(%dma_start3A_239 : memref<4x128xi32, #tpu.memory_space<vmem>>) target_semaphore(%arg15 : memref<!tpu.dma_semaphore, #tpu.memory_space<semaphore_mem>>)
    } else {
    }
    %ge3A = arith.constant 25000 : i32
    %ge3A_47 = arith.cmpi sge, %mul3A_2, %ge3A : i32
    %convert_element_type3A_48 = arith.extui %ge3A_47 : i1 to i32
    %cond3A_49 = arith.constant 0 : i32
    %cond3A_50 = arith.constant 0 : i32
    %cond3A_51 = arith.constant 0 : i32
    %cond3A_52 = arith.cmpi ne, %convert_element_type3A_48, %cond3A_51 : i32
    scf.if %cond3A_52 {
      %sub3A = arith.constant 25000 : i32
      %sub3A_213 = arith.subi %mul3A_2, %sub3A : i32
      %dma_start3A_214 = arith.constant 0 : i32
      %dma_start3A_215 = arith.constant 0 : i32
      %dma_start3A_216 = tpu.memref_slice %arg10[%cond3A_49, %dma_start3A_214, %dma_start3A_215] : memref<3x4x128xi32, #tpu.memory_space<vmem>> -> memref<1x4x128xi32, #tpu.memory_space<vmem>>
      %dma_start3A_217 = tpu.memref_squeeze %dma_start3A_216 : memref<1x4x128xi32, #tpu.memory_space<vmem>> -> memref<4x128xi32, #tpu.memory_space<vmem>>
      %dma_start3A_218 = arith.constant 0 : i32
      %dma_start3A_219 = tpu.memref_slice %arg4[%sub3A_213, %dma_start3A_218] : memref<856x128xi32, #tpu.memory_space<hbm>> -> memref<4x128xi32, #tpu.memory_space<hbm>>
      %dma_start3A_220 = arith.constant 0 : i32
      %dma_start3A_221 = arith.constant 0 : i32
      %dma_start3A_222 = tpu.memref_slice %arg10[%cond3A_49, %dma_start3A_220, %dma_start3A_221] : memref<3x4x128xi32, #tpu.memory_space<vmem>> -> memref<1x4x128xi32, #tpu.memory_space<vmem>>
      %dma_start3A_223 = tpu.memref_squeeze %dma_start3A_222 : memref<1x4x128xi32, #tpu.memory_space<vmem>> -> memref<4x128xi32, #tpu.memory_space<vmem>>
      %dma_start3A_224 = arith.constant 0 : i32
      %dma_start3A_225 = tpu.memref_slice %arg4[%sub3A_213, %dma_start3A_224] : memref<856x128xi32, #tpu.memory_space<hbm>> -> memref<4x128xi32, #tpu.memory_space<hbm>>
      tpu.enqueue_dma source(%dma_start3A_225 : memref<4x128xi32, #tpu.memory_space<hbm>>) target(%dma_start3A_223 : memref<4x128xi32, #tpu.memory_space<vmem>>) target_semaphore(%arg15 : memref<!tpu.dma_semaphore, #tpu.memory_space<semaphore_mem>>)
      %sub3A_226 = arith.constant 25000 : i32
      %sub3A_227 = arith.subi %mul3A_2, %sub3A_226 : i32
      %dma_start3A_228 = arith.constant 0 : i32
      %dma_start3A_229 = arith.constant 0 : i32
      %dma_start3A_230 = tpu.memref_slice %arg11[%cond3A_50, %dma_start3A_228, %dma_start3A_229] : memref<3x4x128xi32, #tpu.memory_space<vmem>> -> memref<1x4x128xi32, #tpu.memory_space<vmem>>
      %dma_start3A_231 = tpu.memref_squeeze %dma_start3A_230 : memref<1x4x128xi32, #tpu.memory_space<vmem>> -> memref<4x128xi32, #tpu.memory_space<vmem>>
      %dma_start3A_232 = arith.constant 0 : i32
      %dma_start3A_233 = tpu.memref_slice %arg5[%sub3A_227, %dma_start3A_232] : memref<856x128xi32, #tpu.memory_space<hbm>> -> memref<4x128xi32, #tpu.memory_space<hbm>>
      %dma_start3A_234 = arith.constant 0 : i32
      %dma_start3A_235 = arith.constant 0 : i32
      %dma_start3A_236 = tpu.memref_slice %arg11[%cond3A_50, %dma_start3A_234, %dma_start3A_235] : memref<3x4x128xi32, #tpu.memory_space<vmem>> -> memref<1x4x128xi32, #tpu.memory_space<vmem>>
      %dma_start3A_237 = tpu.memref_squeeze %dma_start3A_236 : memref<1x4x128xi32, #tpu.memory_space<vmem>> -> memref<4x128xi32, #tpu.memory_space<vmem>>
      %dma_start3A_238 = arith.constant 0 : i32
      %dma_start3A_239 = tpu.memref_slice %arg5[%sub3A_227, %dma_start3A_238] : memref<856x128xi32, #tpu.memory_space<hbm>> -> memref<4x128xi32, #tpu.memory_space<hbm>>
      tpu.enqueue_dma source(%dma_start3A_239 : memref<4x128xi32, #tpu.memory_space<hbm>>) target(%dma_start3A_237 : memref<4x128xi32, #tpu.memory_space<vmem>>) target_semaphore(%arg15 : memref<!tpu.dma_semaphore, #tpu.memory_space<semaphore_mem>>)
    } else {
    }
    %dma_wait3A = arith.constant 0 : i32
    %dma_wait3A_53 = arith.constant 0 : i32
    %dma_wait3A_54 = arith.constant 0 : i32
    %dma_wait3A_55 = arith.constant 0 : i32
    %dma_wait3A_56 = tpu.memref_slice %arg10[%dma_wait3A_53, %dma_wait3A_54, %dma_wait3A_55] : memref<3x4x128xi32, #tpu.memory_space<vmem>> -> memref<1x4x128xi32, #tpu.memory_space<vmem>>
    %dma_wait3A_57 = tpu.memref_squeeze %dma_wait3A_56 : memref<1x4x128xi32, #tpu.memory_space<vmem>> -> memref<4x128xi32, #tpu.memory_space<vmem>>
    %dma_wait3A_58 = arith.constant 0 : i32
    %dma_wait3A_59 = arith.constant 0 : i32
    %dma_wait3A_60 = tpu.memref_slice %arg3[%dma_wait3A, %dma_wait3A_58, %dma_wait3A_59] : memref<2x25000x128xi32, #tpu.memory_space<hbm>> -> memref<1x4x128xi32, #tpu.memory_space<hbm>>
    %dma_wait3A_61 = tpu.memref_squeeze %dma_wait3A_60 : memref<1x4x128xi32, #tpu.memory_space<hbm>> -> memref<4x128xi32, #tpu.memory_space<hbm>>
    %dma_wait3A_62 = arith.constant 0 : i32
    %dma_wait3A_63 = arith.constant 0 : i32
    %dma_wait3A_64 = tpu.memref_slice %arg10[%dma_wait3A_53, %dma_wait3A_62, %dma_wait3A_63] : memref<3x4x128xi32, #tpu.memory_space<vmem>> -> memref<1x4x128xi32, #tpu.memory_space<vmem>>
    %dma_wait3A_65 = tpu.memref_squeeze %dma_wait3A_64 : memref<1x4x128xi32, #tpu.memory_space<vmem>> -> memref<4x128xi32, #tpu.memory_space<vmem>>
    %dma_wait3A_66 = arith.constant 0 : i32
    %dma_wait3A_67 = arith.constant 0 : i32
    %dma_wait3A_68 = tpu.memref_slice %arg3[%dma_wait3A, %dma_wait3A_66, %dma_wait3A_67] : memref<2x25000x128xi32, #tpu.memory_space<hbm>> -> memref<1x4x128xi32, #tpu.memory_space<hbm>>
    %dma_wait3A_69 = tpu.memref_squeeze %dma_wait3A_68 : memref<1x4x128xi32, #tpu.memory_space<hbm>> -> memref<4x128xi32, #tpu.memory_space<hbm>>
    tpu.wait_dma2 semaphore(%arg15 : memref<!tpu.dma_semaphore, #tpu.memory_space<semaphore_mem>>) src(%dma_wait3A_69 : memref<4x128xi32, #tpu.memory_space<hbm>>) dst(%dma_wait3A_65 : memref<4x128xi32, #tpu.memory_space<vmem>>)
    %dma_wait3A_70 = arith.constant 0 : i32
    %dma_wait3A_71 = arith.constant 0 : i32
    %dma_wait3A_72 = arith.constant 0 : i32
    %dma_wait3A_73 = arith.constant 0 : i32
    %dma_wait3A_74 = tpu.memref_slice %arg11[%dma_wait3A_71, %dma_wait3A_72, %dma_wait3A_73] : memref<3x4x128xi32, #tpu.memory_space<vmem>> -> memref<1x4x128xi32, #tpu.memory_space<vmem>>
    %dma_wait3A_75 = tpu.memref_squeeze %dma_wait3A_74 : memref<1x4x128xi32, #tpu.memory_space<vmem>> -> memref<4x128xi32, #tpu.memory_space<vmem>>
    %dma_wait3A_76 = arith.constant 0 : i32
    %dma_wait3A_77 = arith.constant 0 : i32
    %dma_wait3A_78 = tpu.memref_slice %arg3[%dma_wait3A_70, %dma_wait3A_76, %dma_wait3A_77] : memref<2x25000x128xi32, #tpu.memory_space<hbm>> -> memref<1x4x128xi32, #tpu.memory_space<hbm>>
    %dma_wait3A_79 = tpu.memref_squeeze %dma_wait3A_78 : memref<1x4x128xi32, #tpu.memory_space<hbm>> -> memref<4x128xi32, #tpu.memory_space<hbm>>
    %dma_wait3A_80 = arith.constant 0 : i32
    %dma_wait3A_81 = arith.constant 0 : i32
    %dma_wait3A_82 = tpu.memref_slice %arg11[%dma_wait3A_71, %dma_wait3A_80, %dma_wait3A_81] : memref<3x4x128xi32, #tpu.memory_space<vmem>> -> memref<1x4x128xi32, #tpu.memory_space<vmem>>
    %dma_wait3A_83 = tpu.memref_squeeze %dma_wait3A_82 : memref<1x4x128xi32, #tpu.memory_space<vmem>> -> memref<4x128xi32, #tpu.memory_space<vmem>>
    %dma_wait3A_84 = arith.constant 0 : i32
    %dma_wait3A_85 = arith.constant 0 : i32
    %dma_wait3A_86 = tpu.memref_slice %arg3[%dma_wait3A_70, %dma_wait3A_84, %dma_wait3A_85] : memref<2x25000x128xi32, #tpu.memory_space<hbm>> -> memref<1x4x128xi32, #tpu.memory_space<hbm>>
    %dma_wait3A_87 = tpu.memref_squeeze %dma_wait3A_86 : memref<1x4x128xi32, #tpu.memory_space<hbm>> -> memref<4x128xi32, #tpu.memory_space<hbm>>
    tpu.wait_dma2 semaphore(%arg15 : memref<!tpu.dma_semaphore, #tpu.memory_space<semaphore_mem>>) src(%dma_wait3A_87 : memref<4x128xi32, #tpu.memory_space<hbm>>) dst(%dma_wait3A_83 : memref<4x128xi32, #tpu.memory_space<vmem>>)
    %add3A_88 = arith.constant 4 : i32
    %add3A_89 = arith.addi %mul3A_2, %add3A_88 : i32
    %lt3A_90 = arith.constant 25000 : i32
    %lt3A_91 = arith.cmpi slt, %add3A_89, %lt3A_90 : i32
    %convert_element_type3A_92 = arith.extui %lt3A_91 : i1 to i32
    %cond3A_93 = arith.constant 1 : i32
    %cond3A_94 = arith.constant 1 : i32
    %cond3A_95 = arith.constant 0 : i32
    %cond3A_96 = arith.cmpi ne, %convert_element_type3A_92, %cond3A_95 : i32
    scf.if %cond3A_96 {
      %dma_start3A_213 = arith.constant 0 : i32
      %dma_start3A_214 = arith.constant 0 : i32
      %dma_start3A_215 = arith.constant 0 : i32
      %dma_start3A_216 = tpu.memref_slice %arg10[%cond3A_93, %dma_start3A_214, %dma_start3A_215] : memref<3x4x128xi32, #tpu.memory_space<vmem>> -> memref<1x4x128xi32, #tpu.memory_space<vmem>>
      %dma_start3A_217 = tpu.memref_squeeze %dma_start3A_216 : memref<1x4x128xi32, #tpu.memory_space<vmem>> -> memref<4x128xi32, #tpu.memory_space<vmem>>
      %dma_start3A_218 = arith.constant 0 : i32
      %dma_start3A_219 = tpu.memref_slice %arg3[%dma_start3A_213, %add3A_89, %dma_start3A_218] : memref<2x25000x128xi32, #tpu.memory_space<hbm>> -> memref<1x4x128xi32, #tpu.memory_space<hbm>>
      %dma_start3A_220 = tpu.memref_squeeze %dma_start3A_219 : memref<1x4x128xi32, #tpu.memory_space<hbm>> -> memref<4x128xi32, #tpu.memory_space<hbm>>
      %dma_start3A_221 = arith.constant 0 : i32
      %dma_start3A_222 = arith.constant 0 : i32
      %dma_start3A_223 = tpu.memref_slice %arg10[%cond3A_93, %dma_start3A_221, %dma_start3A_222] : memref<3x4x128xi32, #tpu.memory_space<vmem>> -> memref<1x4x128xi32, #tpu.memory_space<vmem>>
      %dma_start3A_224 = tpu.memref_squeeze %dma_start3A_223 : memref<1x4x128xi32, #tpu.memory_space<vmem>> -> memref<4x128xi32, #tpu.memory_space<vmem>>
      %dma_start3A_225 = arith.constant 0 : i32
      %dma_start3A_226 = tpu.memref_slice %arg3[%dma_start3A_213, %add3A_89, %dma_start3A_225] : memref<2x25000x128xi32, #tpu.memory_space<hbm>> -> memref<1x4x128xi32, #tpu.memory_space<hbm>>
      %dma_start3A_227 = tpu.memref_squeeze %dma_start3A_226 : memref<1x4x128xi32, #tpu.memory_space<hbm>> -> memref<4x128xi32, #tpu.memory_space<hbm>>
      tpu.enqueue_dma source(%dma_start3A_227 : memref<4x128xi32, #tpu.memory_space<hbm>>) target(%dma_start3A_224 : memref<4x128xi32, #tpu.memory_space<vmem>>) target_semaphore(%arg15 : memref<!tpu.dma_semaphore, #tpu.memory_space<semaphore_mem>>)
      %dma_start3A_228 = arith.constant 1 : i32
      %dma_start3A_229 = arith.constant 0 : i32
      %dma_start3A_230 = arith.constant 0 : i32
      %dma_start3A_231 = tpu.memref_slice %arg11[%cond3A_94, %dma_start3A_229, %dma_start3A_230] : memref<3x4x128xi32, #tpu.memory_space<vmem>> -> memref<1x4x128xi32, #tpu.memory_space<vmem>>
      %dma_start3A_232 = tpu.memref_squeeze %dma_start3A_231 : memref<1x4x128xi32, #tpu.memory_space<vmem>> -> memref<4x128xi32, #tpu.memory_space<vmem>>
      %dma_start3A_233 = arith.constant 0 : i32
      %dma_start3A_234 = tpu.memref_slice %arg3[%dma_start3A_228, %add3A_89, %dma_start3A_233] : memref<2x25000x128xi32, #tpu.memory_space<hbm>> -> memref<1x4x128xi32, #tpu.memory_space<hbm>>
      %dma_start3A_235 = tpu.memref_squeeze %dma_start3A_234 : memref<1x4x128xi32, #tpu.memory_space<hbm>> -> memref<4x128xi32, #tpu.memory_space<hbm>>
      %dma_start3A_236 = arith.constant 0 : i32
      %dma_start3A_237 = arith.constant 0 : i32
      %dma_start3A_238 = tpu.memref_slice %arg11[%cond3A_94, %dma_start3A_236, %dma_start3A_237] : memref<3x4x128xi32, #tpu.memory_space<vmem>> -> memref<1x4x128xi32, #tpu.memory_space<vmem>>
      %dma_start3A_239 = tpu.memref_squeeze %dma_start3A_238 : memref<1x4x128xi32, #tpu.memory_space<vmem>> -> memref<4x128xi32, #tpu.memory_space<vmem>>
      %dma_start3A_240 = arith.constant 0 : i32
      %dma_start3A_241 = tpu.memref_slice %arg3[%dma_start3A_228, %add3A_89, %dma_start3A_240] : memref<2x25000x128xi32, #tpu.memory_space<hbm>> -> memref<1x4x128xi32, #tpu.memory_space<hbm>>
      %dma_start3A_242 = tpu.memref_squeeze %dma_start3A_241 : memref<1x4x128xi32, #tpu.memory_space<hbm>> -> memref<4x128xi32, #tpu.memory_space<hbm>>
      tpu.enqueue_dma source(%dma_start3A_242 : memref<4x128xi32, #tpu.memory_space<hbm>>) target(%dma_start3A_239 : memref<4x128xi32, #tpu.memory_space<vmem>>) target_semaphore(%arg15 : memref<!tpu.dma_semaphore, #tpu.memory_space<semaphore_mem>>)
    } else {
    }
    %ge3A_97 = arith.constant 25000 : i32
    %ge3A_98 = arith.cmpi sge, %add3A_89, %ge3A_97 : i32
    %convert_element_type3A_99 = arith.extui %ge3A_98 : i1 to i32
    %cond3A_100 = arith.constant 1 : i32
    %cond3A_101 = arith.constant 1 : i32
    %cond3A_102 = arith.constant 0 : i32
    %cond3A_103 = arith.cmpi ne, %convert_element_type3A_99, %cond3A_102 : i32
    scf.if %cond3A_103 {
      %sub3A = arith.constant 25000 : i32
      %sub3A_213 = arith.subi %add3A_89, %sub3A : i32
      %dma_start3A_214 = arith.constant 0 : i32
      %dma_start3A_215 = arith.constant 0 : i32
      %dma_start3A_216 = tpu.memref_slice %arg10[%cond3A_100, %dma_start3A_214, %dma_start3A_215] : memref<3x4x128xi32, #tpu.memory_space<vmem>> -> memref<1x4x128xi32, #tpu.memory_space<vmem>>
      %dma_start3A_217 = tpu.memref_squeeze %dma_start3A_216 : memref<1x4x128xi32, #tpu.memory_space<vmem>> -> memref<4x128xi32, #tpu.memory_space<vmem>>
      %dma_start3A_218 = arith.constant 0 : i32
      %dma_start3A_219 = tpu.memref_slice %arg4[%sub3A_213, %dma_start3A_218] : memref<856x128xi32, #tpu.memory_space<hbm>> -> memref<4x128xi32, #tpu.memory_space<hbm>>
      %dma_start3A_220 = arith.constant 0 : i32
      %dma_start3A_221 = arith.constant 0 : i32
      %dma_start3A_222 = tpu.memref_slice %arg10[%cond3A_100, %dma_start3A_220, %dma_start3A_221] : memref<3x4x128xi32, #tpu.memory_space<vmem>> -> memref<1x4x128xi32, #tpu.memory_space<vmem>>
      %dma_start3A_223 = tpu.memref_squeeze %dma_start3A_222 : memref<1x4x128xi32, #tpu.memory_space<vmem>> -> memref<4x128xi32, #tpu.memory_space<vmem>>
      %dma_start3A_224 = arith.constant 0 : i32
      %dma_start3A_225 = tpu.memref_slice %arg4[%sub3A_213, %dma_start3A_224] : memref<856x128xi32, #tpu.memory_space<hbm>> -> memref<4x128xi32, #tpu.memory_space<hbm>>
      tpu.enqueue_dma source(%dma_start3A_225 : memref<4x128xi32, #tpu.memory_space<hbm>>) target(%dma_start3A_223 : memref<4x128xi32, #tpu.memory_space<vmem>>) target_semaphore(%arg15 : memref<!tpu.dma_semaphore, #tpu.memory_space<semaphore_mem>>)
      %sub3A_226 = arith.constant 25000 : i32
      %sub3A_227 = arith.subi %add3A_89, %sub3A_226 : i32
      %dma_start3A_228 = arith.constant 0 : i32
      %dma_start3A_229 = arith.constant 0 : i32
      %dma_start3A_230 = tpu.memref_slice %arg11[%cond3A_101, %dma_start3A_228, %dma_start3A_229] : memref<3x4x128xi32, #tpu.memory_space<vmem>> -> memref<1x4x128xi32, #tpu.memory_space<vmem>>
      %dma_start3A_231 = tpu.memref_squeeze %dma_start3A_230 : memref<1x4x128xi32, #tpu.memory_space<vmem>> -> memref<4x128xi32, #tpu.memory_space<vmem>>
      %dma_start3A_232 = arith.constant 0 : i32
      %dma_start3A_233 = tpu.memref_slice %arg5[%sub3A_227, %dma_start3A_232] : memref<856x128xi32, #tpu.memory_space<hbm>> -> memref<4x128xi32, #tpu.memory_space<hbm>>
      %dma_start3A_234 = arith.constant 0 : i32
      %dma_start3A_235 = arith.constant 0 : i32
      %dma_start3A_236 = tpu.memref_slice %arg11[%cond3A_101, %dma_start3A_234, %dma_start3A_235] : memref<3x4x128xi32, #tpu.memory_space<vmem>> -> memref<1x4x128xi32, #tpu.memory_space<vmem>>
      %dma_start3A_237 = tpu.memref_squeeze %dma_start3A_236 : memref<1x4x128xi32, #tpu.memory_space<vmem>> -> memref<4x128xi32, #tpu.memory_space<vmem>>
      %dma_start3A_238 = arith.constant 0 : i32
      %dma_start3A_239 = tpu.memref_slice %arg5[%sub3A_227, %dma_start3A_238] : memref<856x128xi32, #tpu.memory_space<hbm>> -> memref<4x128xi32, #tpu.memory_space<hbm>>
      tpu.enqueue_dma source(%dma_start3A_239 : memref<4x128xi32, #tpu.memory_space<hbm>>) target(%dma_start3A_237 : memref<4x128xi32, #tpu.memory_space<vmem>>) target_semaphore(%arg15 : memref<!tpu.dma_semaphore, #tpu.memory_space<semaphore_mem>>)
    } else {
    }
    %dma_start3A = arith.constant 0 : i32
    %dma_start3A_104 = arith.constant 0 : i32
    %dma_start3A_105 = arith.constant 0 : i32
    %dma_start3A_106 = arith.constant 0 : i32
    %dma_start3A_107 = tpu.memref_slice %arg12[%dma_start3A_105, %dma_start3A_106] : memref<1536x16xf32, #tpu.memory_space<vmem>> -> memref<128x16xf32, #tpu.memory_space<vmem>>
    %dma_start3A_108 = arith.constant 0 : i32
    %dma_start3A_109 = tpu.memref_slice %arg10[%dma_start3A, %dma_start3A_104, %dma_start3A_108] : memref<3x4x128xi32, #tpu.memory_space<vmem>> -> memref<1x1x128xi32, #tpu.memory_space<vmem>>
    %dma_start3A_110 = tpu.memref_squeeze %dma_start3A_109 : memref<1x1x128xi32, #tpu.memory_space<vmem>> -> memref<128xi32, #tpu.memory_space<vmem>>
    %dma_start3A_111 = arith.constant 0 : i32
    %dma_start3A_112 = arith.constant 0 : i32
    %dma_start3A_113 = tpu.memref_slice %arg2[%dma_start3A_111, %dma_start3A_112] : memref<100352x16xf32, #tpu.memory_space<hbm>> -> memref<100352x16xf32, #tpu.memory_space<hbm>>
    tpu.enqueue_indirect_dma source(%dma_start3A_113 : memref<100352x16xf32, #tpu.memory_space<hbm>>) target(%dma_start3A_107 : memref<128x16xf32, #tpu.memory_space<vmem>>) offsets(%dma_start3A_110 : memref<128xi32, #tpu.memory_space<vmem>>) semaphore(%arg13 : memref<!tpu.dma_semaphore, #tpu.memory_space<semaphore_mem>>)
    %dma_start3A_114 = arith.constant 0 : i32
    %dma_start3A_115 = arith.constant 1 : i32
    %dma_start3A_116 = arith.constant 128 : i32
    %dma_start3A_117 = arith.constant 0 : i32
    %dma_start3A_118 = tpu.memref_slice %arg12[%dma_start3A_116, %dma_start3A_117] : memref<1536x16xf32, #tpu.memory_space<vmem>> -> memref<128x16xf32, #tpu.memory_space<vmem>>
    %dma_start3A_119 = arith.constant 0 : i32
    %dma_start3A_120 = tpu.memref_slice %arg10[%dma_start3A_114, %dma_start3A_115, %dma_start3A_119] : memref<3x4x128xi32, #tpu.memory_space<vmem>> -> memref<1x1x128xi32, #tpu.memory_space<vmem>>
    %dma_start3A_121 = tpu.memref_squeeze %dma_start3A_120 : memref<1x1x128xi32, #tpu.memory_space<vmem>> -> memref<128xi32, #tpu.memory_space<vmem>>
    %dma_start3A_122 = arith.constant 0 : i32
    %dma_start3A_123 = arith.constant 0 : i32
    %dma_start3A_124 = tpu.memref_slice %arg2[%dma_start3A_122, %dma_start3A_123] : memref<100352x16xf32, #tpu.memory_space<hbm>> -> memref<100352x16xf32, #tpu.memory_space<hbm>>
    tpu.enqueue_indirect_dma source(%dma_start3A_124 : memref<100352x16xf32, #tpu.memory_space<hbm>>) target(%dma_start3A_118 : memref<128x16xf32, #tpu.memory_space<vmem>>) offsets(%dma_start3A_121 : memref<128xi32, #tpu.memory_space<vmem>>) semaphore(%arg13 : memref<!tpu.dma_semaphore, #tpu.memory_space<semaphore_mem>>)
    %dma_start3A_125 = arith.constant 0 : i32
    %dma_start3A_126 = arith.constant 2 : i32
    %dma_start3A_127 = arith.constant 256 : i32
    %dma_start3A_128 = arith.constant 0 : i32
    %dma_start3A_129 = tpu.memref_slice %arg12[%dma_start3A_127, %dma_start3A_128] : memref<1536x16xf32, #tpu.memory_space<vmem>> -> memref<128x16xf32, #tpu.memory_space<vmem>>
    %dma_start3A_130 = arith.constant 0 : i32
    %dma_start3A_131 = tpu.memref_slice %arg10[%dma_start3A_125, %dma_start3A_126, %dma_start3A_130] : memref<3x4x128xi32, #tpu.memory_space<vmem>> -> memref<1x1x128xi32, #tpu.memory_space<vmem>>
    %dma_start3A_132 = tpu.memref_squeeze %dma_start3A_131 : memref<1x1x128xi32, #tpu.memory_space<vmem>> -> memref<128xi32, #tpu.memory_space<vmem>>
    %dma_start3A_133 = arith.constant 0 : i32
    %dma_start3A_134 = arith.constant 0 : i32
    %dma_start3A_135 = tpu.memref_slice %arg2[%dma_start3A_133, %dma_start3A_134] : memref<100352x16xf32, #tpu.memory_space<hbm>> -> memref<100352x16xf32, #tpu.memory_space<hbm>>
    tpu.enqueue_indirect_dma source(%dma_start3A_135 : memref<100352x16xf32, #tpu.memory_space<hbm>>) target(%dma_start3A_129 : memref<128x16xf32, #tpu.memory_space<vmem>>) offsets(%dma_start3A_132 : memref<128xi32, #tpu.memory_space<vmem>>) semaphore(%arg13 : memref<!tpu.dma_semaphore, #tpu.memory_space<semaphore_mem>>)
    %dma_start3A_136 = arith.constant 0 : i32
    %dma_start3A_137 = arith.constant 3 : i32
    %dma_start3A_138 = arith.constant 384 : i32
    %dma_start3A_139 = arith.constant 0 : i32
    %dma_start3A_140 = tpu.memref_slice %arg12[%dma_start3A_138, %dma_start3A_139] : memref<1536x16xf32, #tpu.memory_space<vmem>> -> memref<128x16xf32, #tpu.memory_space<vmem>>
    %dma_start3A_141 = arith.constant 0 : i32
    %dma_start3A_142 = tpu.memref_slice %arg10[%dma_start3A_136, %dma_start3A_137, %dma_start3A_141] : memref<3x4x128xi32, #tpu.memory_space<vmem>> -> memref<1x1x128xi32, #tpu.memory_space<vmem>>
    %dma_start3A_143 = tpu.memref_squeeze %dma_start3A_142 : memref<1x1x128xi32, #tpu.memory_space<vmem>> -> memref<128xi32, #tpu.memory_space<vmem>>
    %dma_start3A_144 = arith.constant 0 : i32
    %dma_start3A_145 = arith.constant 0 : i32
    %dma_start3A_146 = tpu.memref_slice %arg2[%dma_start3A_144, %dma_start3A_145] : memref<100352x16xf32, #tpu.memory_space<hbm>> -> memref<100352x16xf32, #tpu.memory_space<hbm>>
    tpu.enqueue_indirect_dma source(%dma_start3A_146 : memref<100352x16xf32, #tpu.memory_space<hbm>>) target(%dma_start3A_140 : memref<128x16xf32, #tpu.memory_space<vmem>>) offsets(%dma_start3A_143 : memref<128xi32, #tpu.memory_space<vmem>>) semaphore(%arg13 : memref<!tpu.dma_semaphore, #tpu.memory_space<semaphore_mem>>)
    %scan3A = arith.constant 0 : i32
    %scan3A_147 = arith.constant 202 : i32
    %scan3A_148 = arith.addi %scan3A, %scan3A_147 : i32
    %scan3A_149 = arith.constant 1 : i32
    scf.for %scan3A_213 = %scan3A to %scan3A_148 step %scan3A_149  : i32 {
      %add3A_214 = arith.constant 3 : i32
      %add3A_215 = arith.addi %scan3A_213, %add3A_214 : i32
      %sub3A = arith.constant 1 : i32
      %sub3A_216 = arith.subi %add3A_215, %sub3A : i32
      %jit3A = arith.constant 3 : i32
      %eq3A = arith.constant 0 : i32
      %eq3A_217 = arith.cmpi eq, %jit3A, %eq3A : i32
      %jit3A_218 = arith.constant 1 : i32
      %select_n3A = arith.select %eq3A_217, %jit3A_218, %jit3A : i32
      %rem3A = arith.remsi %sub3A_216, %select_n3A : i32
      %ne3A = arith.constant 0 : i32
      %ne3A_219 = arith.cmpi ne, %rem3A, %ne3A : i32
      %lt3A_220 = arith.constant 0 : i32
      %lt3A_221 = arith.cmpi slt, %rem3A, %lt3A_220 : i32
      %lt3A_222 = arith.constant 0 : i32
      %lt3A_223 = arith.cmpi slt, %select_n3A, %lt3A_222 : i32
      %ne3A_224 = arith.xori %lt3A_221, %lt3A_223 : i1
      %and3A = arith.andi %ne3A_224, %ne3A_219 : i1
      %add3A_225 = arith.addi %rem3A, %select_n3A : i32
      %select_n3A_226 = arith.select %and3A, %add3A_225, %rem3A : i32
      %jit3A_227 = arith.constant 3 : i32
      %eq3A_228 = arith.constant 0 : i32
      %eq3A_229 = arith.cmpi eq, %jit3A_227, %eq3A_228 : i32
      %jit3A_230 = arith.constant 1 : i32
      %select_n3A_231 = arith.select %eq3A_229, %jit3A_230, %jit3A_227 : i32
      %rem3A_232 = arith.remsi %scan3A_213, %select_n3A_231 : i32
      %ne3A_233 = arith.constant 0 : i32
      %ne3A_234 = arith.cmpi ne, %rem3A_232, %ne3A_233 : i32
      %lt3A_235 = arith.constant 0 : i32
      %lt3A_236 = arith.cmpi slt, %rem3A_232, %lt3A_235 : i32
      %lt3A_237 = arith.constant 0 : i32
      %lt3A_238 = arith.cmpi slt, %select_n3A_231, %lt3A_237 : i32
      %ne3A_239 = arith.xori %lt3A_236, %lt3A_238 : i1
      %and3A_240 = arith.andi %ne3A_239, %ne3A_234 : i1
      %add3A_241 = arith.addi %rem3A_232, %select_n3A_231 : i32
      %select_n3A_242 = arith.select %and3A_240, %add3A_241, %rem3A_232 : i32
      %add3A_243 = arith.constant 1 : i32
      %add3A_244 = arith.addi %scan3A_213, %add3A_243 : i32
      %jit3A_245 = arith.constant 3 : i32
      %eq3A_246 = arith.constant 0 : i32
      %eq3A_247 = arith.cmpi eq, %jit3A_245, %eq3A_246 : i32
      %jit3A_248 = arith.constant 1 : i32
      %select_n3A_249 = arith.select %eq3A_247, %jit3A_248, %jit3A_245 : i32
      %rem3A_250 = arith.remsi %add3A_244, %select_n3A_249 : i32
      %ne3A_251 = arith.constant 0 : i32
      %ne3A_252 = arith.cmpi ne, %rem3A_250, %ne3A_251 : i32
      %lt3A_253 = arith.constant 0 : i32
      %lt3A_254 = arith.cmpi slt, %rem3A_250, %lt3A_253 : i32
      %lt3A_255 = arith.constant 0 : i32
      %lt3A_256 = arith.cmpi slt, %select_n3A_249, %lt3A_255 : i32
      %ne3A_257 = arith.xori %lt3A_254, %lt3A_256 : i1
      %and3A_258 = arith.andi %ne3A_257, %ne3A_252 : i1
      %add3A_259 = arith.addi %rem3A_250, %select_n3A_249 : i32
      %select_n3A_260 = arith.select %and3A_258, %add3A_259, %rem3A_250 : i32
      %add3A_261 = arith.constant 2 : i32
      %add3A_262 = arith.addi %scan3A_213, %add3A_261 : i32
      %jit3A_263 = arith.constant 3 : i32
      %eq3A_264 = arith.constant 0 : i32
      %eq3A_265 = arith.cmpi eq, %jit3A_263, %eq3A_264 : i32
      %jit3A_266 = arith.constant 1 : i32
      %select_n3A_267 = arith.select %eq3A_265, %jit3A_266, %jit3A_263 : i32
      %rem3A_268 = arith.remsi %add3A_262, %select_n3A_267 : i32
      %ne3A_269 = arith.constant 0 : i32
      %ne3A_270 = arith.cmpi ne, %rem3A_268, %ne3A_269 : i32
      %lt3A_271 = arith.constant 0 : i32
      %lt3A_272 = arith.cmpi slt, %rem3A_268, %lt3A_271 : i32
      %lt3A_273 = arith.constant 0 : i32
      %lt3A_274 = arith.cmpi slt, %select_n3A_267, %lt3A_273 : i32
      %ne3A_275 = arith.xori %lt3A_272, %lt3A_274 : i1
      %and3A_276 = arith.andi %ne3A_275, %ne3A_270 : i1
      %add3A_277 = arith.addi %rem3A_268, %select_n3A_267 : i32
      %select_n3A_278 = arith.select %and3A_276, %add3A_277, %rem3A_268 : i32
      %gt3A = arith.constant 0 : i32
      %gt3A_279 = arith.cmpi sgt, %scan3A_213, %gt3A : i32
      %convert_element_type3A_280 = arith.extui %gt3A_279 : i1 to i32
      %cond3A_281 = arith.constant 0 : i32
      %cond3A_282 = arith.cmpi ne, %convert_element_type3A_280, %cond3A_281 : i32
      scf.if %cond3A_282 {
        %mul3A_366 = arith.constant 4 : i32
        %mul3A_367 = arith.muli %select_n3A_226, %mul3A_366 : i32
        %mul3A_368 = arith.constant 128 : i32
        %mul3A_369 = arith.muli %mul3A_367, %mul3A_368 : i32
        %dma_wait3A_370 = arith.constant 0 : i32
        %dma_wait3A_371 = tpu.memref_slice %arg12[%mul3A_369, %dma_wait3A_370] : memref<1536x16xf32, #tpu.memory_space<vmem>> -> memref<512x16xf32, #tpu.memory_space<vmem>>
        %dma_wait3A_372 = arith.constant 0 : i32
        %dma_wait3A_373 = tpu.memref_slice %arg12[%mul3A_369, %dma_wait3A_372] : memref<1536x16xf32, #tpu.memory_space<vmem>> -> memref<512x16xf32, #tpu.memory_space<vmem>>
        tpu.wait_dma2 semaphore(%arg14 : memref<!tpu.dma_semaphore, #tpu.memory_space<semaphore_mem>>) src(%arg7 : memref<512x16xf32, #tpu.memory_space<hbm>>) dst(%dma_wait3A_373 : memref<512x16xf32, #tpu.memory_space<vmem>>)
      } else {
      }
      %mul3A_283 = arith.constant 4 : i32
      %mul3A_284 = arith.muli %select_n3A_242, %mul3A_283 : i32
      %mul3A_285 = arith.constant 128 : i32
      %mul3A_286 = arith.muli %mul3A_284, %mul3A_285 : i32
      %dma_wait3A_287 = arith.constant 0 : i32
      %dma_wait3A_288 = tpu.memref_slice %arg12[%mul3A_286, %dma_wait3A_287] : memref<1536x16xf32, #tpu.memory_space<vmem>> -> memref<512x16xf32, #tpu.memory_space<vmem>>
      %dma_wait3A_289 = arith.constant 0 : i32
      %dma_wait3A_290 = tpu.memref_slice %arg12[%mul3A_286, %dma_wait3A_289] : memref<1536x16xf32, #tpu.memory_space<vmem>> -> memref<512x16xf32, #tpu.memory_space<vmem>>
      tpu.wait_dma2 semaphore(%arg13 : memref<!tpu.dma_semaphore, #tpu.memory_space<semaphore_mem>>) src(%arg7 : memref<512x16xf32, #tpu.memory_space<hbm>>) dst(%dma_wait3A_290 : memref<512x16xf32, #tpu.memory_space<vmem>>)
      %mul3A_291 = arith.constant 4 : i32
      %mul3A_292 = arith.muli %select_n3A_242, %mul3A_291 : i32
      %add3A_293 = arith.constant 0 : i32
      %add3A_294 = arith.addi %mul3A_292, %add3A_293 : i32
      %mul3A_295 = arith.constant 128 : i32
      %mul3A_296 = arith.muli %add3A_294, %mul3A_295 : i32
      %dma_start3A_297 = arith.constant 0 : i32
      %dma_start3A_298 = arith.constant 0 : i32
      %dma_start3A_299 = tpu.memref_slice %arg12[%mul3A_296, %dma_start3A_298] : memref<1536x16xf32, #tpu.memory_space<vmem>> -> memref<128x16xf32, #tpu.memory_space<vmem>>
      %dma_start3A_300 = arith.constant 0 : i32
      %dma_start3A_301 = tpu.memref_slice %arg11[%select_n3A_242, %dma_start3A_297, %dma_start3A_300] : memref<3x4x128xi32, #tpu.memory_space<vmem>> -> memref<1x1x128xi32, #tpu.memory_space<vmem>>
      %dma_start3A_302 = tpu.memref_squeeze %dma_start3A_301 : memref<1x1x128xi32, #tpu.memory_space<vmem>> -> memref<128xi32, #tpu.memory_space<vmem>>
      %dma_start3A_303 = arith.constant 0 : i32
      %dma_start3A_304 = arith.constant 0 : i32
      %dma_start3A_305 = tpu.memref_slice %arg9[%dma_start3A_303, %dma_start3A_304] : memref<100352x16xf32, #tpu.memory_space<vmem_shared>> -> memref<100352x16xf32, #tpu.memory_space<vmem_shared>>
      tpu.enqueue_indirect_dma source(%dma_start3A_299 : memref<128x16xf32, #tpu.memory_space<vmem>>) target(%dma_start3A_305 : memref<100352x16xf32, #tpu.memory_space<vmem_shared>>) offsets(%dma_start3A_302 : memref<128xi32, #tpu.memory_space<vmem>>) semaphore(%arg14 : memref<!tpu.dma_semaphore, #tpu.memory_space<semaphore_mem>>) {add = true}
      %mul3A_306 = arith.constant 4 : i32
      %mul3A_307 = arith.muli %select_n3A_242, %mul3A_306 : i32
      %add3A_308 = arith.constant 1 : i32
      %add3A_309 = arith.addi %mul3A_307, %add3A_308 : i32
      %mul3A_310 = arith.constant 128 : i32
      %mul3A_311 = arith.muli %add3A_309, %mul3A_310 : i32
      %dma_start3A_312 = arith.constant 1 : i32
      %dma_start3A_313 = arith.constant 0 : i32
      %dma_start3A_314 = tpu.memref_slice %arg12[%mul3A_311, %dma_start3A_313] : memref<1536x16xf32, #tpu.memory_space<vmem>> -> memref<128x16xf32, #tpu.memory_space<vmem>>
      %dma_start3A_315 = arith.constant 0 : i32
      %dma_start3A_316 = tpu.memref_slice %arg11[%select_n3A_242, %dma_start3A_312, %dma_start3A_315] : memref<3x4x128xi32, #tpu.memory_space<vmem>> -> memref<1x1x128xi32, #tpu.memory_space<vmem>>
      %dma_start3A_317 = tpu.memref_squeeze %dma_start3A_316 : memref<1x1x128xi32, #tpu.memory_space<vmem>> -> memref<128xi32, #tpu.memory_space<vmem>>
      %dma_start3A_318 = arith.constant 0 : i32
      %dma_start3A_319 = arith.constant 0 : i32
      %dma_start3A_320 = tpu.memref_slice %arg9[%dma_start3A_318, %dma_start3A_319] : memref<100352x16xf32, #tpu.memory_space<vmem_shared>> -> memref<100352x16xf32, #tpu.memory_space<vmem_shared>>
      tpu.enqueue_indirect_dma source(%dma_start3A_314 : memref<128x16xf32, #tpu.memory_space<vmem>>) target(%dma_start3A_320 : memref<100352x16xf32, #tpu.memory_space<vmem_shared>>) offsets(%dma_start3A_317 : memref<128xi32, #tpu.memory_space<vmem>>) semaphore(%arg14 : memref<!tpu.dma_semaphore, #tpu.memory_space<semaphore_mem>>) {add = true}
      %mul3A_321 = arith.constant 4 : i32
      %mul3A_322 = arith.muli %select_n3A_242, %mul3A_321 : i32
      %add3A_323 = arith.constant 2 : i32
      %add3A_324 = arith.addi %mul3A_322, %add3A_323 : i32
      %mul3A_325 = arith.constant 128 : i32
      %mul3A_326 = arith.muli %add3A_324, %mul3A_325 : i32
      %dma_start3A_327 = arith.constant 2 : i32
      %dma_start3A_328 = arith.constant 0 : i32
      %dma_start3A_329 = tpu.memref_slice %arg12[%mul3A_326, %dma_start3A_328] : memref<1536x16xf32, #tpu.memory_space<vmem>> -> memref<128x16xf32, #tpu.memory_space<vmem>>
      %dma_start3A_330 = arith.constant 0 : i32
      %dma_start3A_331 = tpu.memref_slice %arg11[%select_n3A_242, %dma_start3A_327, %dma_start3A_330] : memref<3x4x128xi32, #tpu.memory_space<vmem>> -> memref<1x1x128xi32, #tpu.memory_space<vmem>>
      %dma_start3A_332 = tpu.memref_squeeze %dma_start3A_331 : memref<1x1x128xi32, #tpu.memory_space<vmem>> -> memref<128xi32, #tpu.memory_space<vmem>>
      %dma_start3A_333 = arith.constant 0 : i32
      %dma_start3A_334 = arith.constant 0 : i32
      %dma_start3A_335 = tpu.memref_slice %arg9[%dma_start3A_333, %dma_start3A_334] : memref<100352x16xf32, #tpu.memory_space<vmem_shared>> -> memref<100352x16xf32, #tpu.memory_space<vmem_shared>>
      tpu.enqueue_indirect_dma source(%dma_start3A_329 : memref<128x16xf32, #tpu.memory_space<vmem>>) target(%dma_start3A_335 : memref<100352x16xf32, #tpu.memory_space<vmem_shared>>) offsets(%dma_start3A_332 : memref<128xi32, #tpu.memory_space<vmem>>) semaphore(%arg14 : memref<!tpu.dma_semaphore, #tpu.memory_space<semaphore_mem>>) {add = true}
      %mul3A_336 = arith.constant 4 : i32
      %mul3A_337 = arith.muli %select_n3A_242, %mul3A_336 : i32
      %add3A_338 = arith.constant 3 : i32
      %add3A_339 = arith.addi %mul3A_337, %add3A_338 : i32
      %mul3A_340 = arith.constant 128 : i32
      %mul3A_341 = arith.muli %add3A_339, %mul3A_340 : i32
      %dma_start3A_342 = arith.constant 3 : i32
      %dma_start3A_343 = arith.constant 0 : i32
      %dma_start3A_344 = tpu.memref_slice %arg12[%mul3A_341, %dma_start3A_343] : memref<1536x16xf32, #tpu.memory_space<vmem>> -> memref<128x16xf32, #tpu.memory_space<vmem>>
      %dma_start3A_345 = arith.constant 0 : i32
      %dma_start3A_346 = tpu.memref_slice %arg11[%select_n3A_242, %dma_start3A_342, %dma_start3A_345] : memref<3x4x128xi32, #tpu.memory_space<vmem>> -> memref<1x1x128xi32, #tpu.memory_space<vmem>>
      %dma_start3A_347 = tpu.memref_squeeze %dma_start3A_346 : memref<1x1x128xi32, #tpu.memory_space<vmem>> -> memref<128xi32, #tpu.memory_space<vmem>>
      %dma_start3A_348 = arith.constant 0 : i32
      %dma_start3A_349 = arith.constant 0 : i32
      %dma_start3A_350 = tpu.memref_slice %arg9[%dma_start3A_348, %dma_start3A_349] : memref<100352x16xf32, #tpu.memory_space<vmem_shared>> -> memref<100352x16xf32, #tpu.memory_space<vmem_shared>>
      tpu.enqueue_indirect_dma source(%dma_start3A_344 : memref<128x16xf32, #tpu.memory_space<vmem>>) target(%dma_start3A_350 : memref<100352x16xf32, #tpu.memory_space<vmem_shared>>) offsets(%dma_start3A_347 : memref<128xi32, #tpu.memory_space<vmem>>) semaphore(%arg14 : memref<!tpu.dma_semaphore, #tpu.memory_space<semaphore_mem>>) {add = true}
      %lt3A_351 = arith.constant 201 : i32
      %lt3A_352 = arith.cmpi slt, %scan3A_213, %lt3A_351 : i32
      %convert_element_type3A_353 = arith.extui %lt3A_352 : i1 to i32
      %cond3A_354 = arith.constant 0 : i32
      %cond3A_355 = arith.cmpi ne, %convert_element_type3A_353, %cond3A_354 : i32
      scf.if %cond3A_355 {
        %dma_wait3A_366 = arith.constant 0 : i32
        %dma_wait3A_367 = arith.constant 0 : i32
        %dma_wait3A_368 = arith.constant 0 : i32
        %dma_wait3A_369 = tpu.memref_slice %arg10[%select_n3A_260, %dma_wait3A_367, %dma_wait3A_368] : memref<3x4x128xi32, #tpu.memory_space<vmem>> -> memref<1x4x128xi32, #tpu.memory_space<vmem>>
        %dma_wait3A_370 = tpu.memref_squeeze %dma_wait3A_369 : memref<1x4x128xi32, #tpu.memory_space<vmem>> -> memref<4x128xi32, #tpu.memory_space<vmem>>
        %dma_wait3A_371 = arith.constant 0 : i32
        %dma_wait3A_372 = arith.constant 0 : i32
        %dma_wait3A_373 = tpu.memref_slice %arg3[%dma_wait3A_366, %dma_wait3A_371, %dma_wait3A_372] : memref<2x25000x128xi32, #tpu.memory_space<hbm>> -> memref<1x4x128xi32, #tpu.memory_space<hbm>>
        %dma_wait3A_374 = tpu.memref_squeeze %dma_wait3A_373 : memref<1x4x128xi32, #tpu.memory_space<hbm>> -> memref<4x128xi32, #tpu.memory_space<hbm>>
        %dma_wait3A_375 = arith.constant 0 : i32
        %dma_wait3A_376 = arith.constant 0 : i32
        %dma_wait3A_377 = tpu.memref_slice %arg10[%select_n3A_260, %dma_wait3A_375, %dma_wait3A_376] : memref<3x4x128xi32, #tpu.memory_space<vmem>> -> memref<1x4x128xi32, #tpu.memory_space<vmem>>
        %dma_wait3A_378 = tpu.memref_squeeze %dma_wait3A_377 : memref<1x4x128xi32, #tpu.memory_space<vmem>> -> memref<4x128xi32, #tpu.memory_space<vmem>>
        %dma_wait3A_379 = arith.constant 0 : i32
        %dma_wait3A_380 = arith.constant 0 : i32
        %dma_wait3A_381 = tpu.memref_slice %arg3[%dma_wait3A_366, %dma_wait3A_379, %dma_wait3A_380] : memref<2x25000x128xi32, #tpu.memory_space<hbm>> -> memref<1x4x128xi32, #tpu.memory_space<hbm>>
        %dma_wait3A_382 = tpu.memref_squeeze %dma_wait3A_381 : memref<1x4x128xi32, #tpu.memory_space<hbm>> -> memref<4x128xi32, #tpu.memory_space<hbm>>
        tpu.wait_dma2 semaphore(%arg15 : memref<!tpu.dma_semaphore, #tpu.memory_space<semaphore_mem>>) src(%dma_wait3A_382 : memref<4x128xi32, #tpu.memory_space<hbm>>) dst(%dma_wait3A_378 : memref<4x128xi32, #tpu.memory_space<vmem>>)
        %dma_wait3A_383 = arith.constant 0 : i32
        %dma_wait3A_384 = arith.constant 0 : i32
        %dma_wait3A_385 = arith.constant 0 : i32
        %dma_wait3A_386 = tpu.memref_slice %arg11[%select_n3A_260, %dma_wait3A_384, %dma_wait3A_385] : memref<3x4x128xi32, #tpu.memory_space<vmem>> -> memref<1x4x128xi32, #tpu.memory_space<vmem>>
        %dma_wait3A_387 = tpu.memref_squeeze %dma_wait3A_386 : memref<1x4x128xi32, #tpu.memory_space<vmem>> -> memref<4x128xi32, #tpu.memory_space<vmem>>
        %dma_wait3A_388 = arith.constant 0 : i32
        %dma_wait3A_389 = arith.constant 0 : i32
        %dma_wait3A_390 = tpu.memref_slice %arg3[%dma_wait3A_383, %dma_wait3A_388, %dma_wait3A_389] : memref<2x25000x128xi32, #tpu.memory_space<hbm>> -> memref<1x4x128xi32, #tpu.memory_space<hbm>>
        %dma_wait3A_391 = tpu.memref_squeeze %dma_wait3A_390 : memref<1x4x128xi32, #tpu.memory_space<hbm>> -> memref<4x128xi32, #tpu.memory_space<hbm>>
        %dma_wait3A_392 = arith.constant 0 : i32
        %dma_wait3A_393 = arith.constant 0 : i32
        %dma_wait3A_394 = tpu.memref_slice %arg11[%select_n3A_260, %dma_wait3A_392, %dma_wait3A_393] : memref<3x4x128xi32, #tpu.memory_space<vmem>> -> memref<1x4x128xi32, #tpu.memory_space<vmem>>
        %dma_wait3A_395 = tpu.memref_squeeze %dma_wait3A_394 : memref<1x4x128xi32, #tpu.memory_space<vmem>> -> memref<4x128xi32, #tpu.memory_space<vmem>>
        %dma_wait3A_396 = arith.constant 0 : i32
        %dma_wait3A_397 = arith.constant 0 : i32
        %dma_wait3A_398 = tpu.memref_slice %arg3[%dma_wait3A_383, %dma_wait3A_396, %dma_wait3A_397] : memref<2x25000x128xi32, #tpu.memory_space<hbm>> -> memref<1x4x128xi32, #tpu.memory_space<hbm>>
        %dma_wait3A_399 = tpu.memref_squeeze %dma_wait3A_398 : memref<1x4x128xi32, #tpu.memory_space<hbm>> -> memref<4x128xi32, #tpu.memory_space<hbm>>
        tpu.wait_dma2 semaphore(%arg15 : memref<!tpu.dma_semaphore, #tpu.memory_space<semaphore_mem>>) src(%dma_wait3A_399 : memref<4x128xi32, #tpu.memory_space<hbm>>) dst(%dma_wait3A_395 : memref<4x128xi32, #tpu.memory_space<vmem>>)
      } else {
      }
      %lt3A_356 = arith.constant 200 : i32
      %lt3A_357 = arith.cmpi slt, %scan3A_213, %lt3A_356 : i32
      %convert_element_type3A_358 = arith.extui %lt3A_357 : i1 to i32
      %cond3A_359 = arith.constant 0 : i32
      %cond3A_360 = arith.cmpi ne, %convert_element_type3A_358, %cond3A_359 : i32
      scf.if %cond3A_360 {
        %add3A_366 = arith.constant 2 : i32
        %add3A_367 = arith.addi %scan3A_213, %add3A_366 : i32
        %mul3A_368 = arith.constant 4 : i32
        %mul3A_369 = arith.muli %add3A_367, %mul3A_368 : i32
        %add3A_370 = arith.addi %mul3A_2, %mul3A_369 : i32
        %lt3A_371 = arith.constant 25000 : i32
        %lt3A_372 = arith.cmpi slt, %add3A_370, %lt3A_371 : i32
        %convert_element_type3A_373 = arith.extui %lt3A_372 : i1 to i32
        %cond3A_374 = arith.constant 0 : i32
        %cond3A_375 = arith.cmpi ne, %convert_element_type3A_373, %cond3A_374 : i32
        scf.if %cond3A_375 {
          %dma_start3A_381 = arith.constant 0 : i32
          %dma_start3A_382 = arith.constant 0 : i32
          %dma_start3A_383 = arith.constant 0 : i32
          %dma_start3A_384 = tpu.memref_slice %arg10[%select_n3A_278, %dma_start3A_382, %dma_start3A_383] : memref<3x4x128xi32, #tpu.memory_space<vmem>> -> memref<1x4x128xi32, #tpu.memory_space<vmem>>
          %dma_start3A_385 = tpu.memref_squeeze %dma_start3A_384 : memref<1x4x128xi32, #tpu.memory_space<vmem>> -> memref<4x128xi32, #tpu.memory_space<vmem>>
          %dma_start3A_386 = arith.constant 0 : i32
          %dma_start3A_387 = tpu.memref_slice %arg3[%dma_start3A_381, %add3A_370, %dma_start3A_386] : memref<2x25000x128xi32, #tpu.memory_space<hbm>> -> memref<1x4x128xi32, #tpu.memory_space<hbm>>
          %dma_start3A_388 = tpu.memref_squeeze %dma_start3A_387 : memref<1x4x128xi32, #tpu.memory_space<hbm>> -> memref<4x128xi32, #tpu.memory_space<hbm>>
          %dma_start3A_389 = arith.constant 0 : i32
          %dma_start3A_390 = arith.constant 0 : i32
          %dma_start3A_391 = tpu.memref_slice %arg10[%select_n3A_278, %dma_start3A_389, %dma_start3A_390] : memref<3x4x128xi32, #tpu.memory_space<vmem>> -> memref<1x4x128xi32, #tpu.memory_space<vmem>>
          %dma_start3A_392 = tpu.memref_squeeze %dma_start3A_391 : memref<1x4x128xi32, #tpu.memory_space<vmem>> -> memref<4x128xi32, #tpu.memory_space<vmem>>
          %dma_start3A_393 = arith.constant 0 : i32
          %dma_start3A_394 = tpu.memref_slice %arg3[%dma_start3A_381, %add3A_370, %dma_start3A_393] : memref<2x25000x128xi32, #tpu.memory_space<hbm>> -> memref<1x4x128xi32, #tpu.memory_space<hbm>>
          %dma_start3A_395 = tpu.memref_squeeze %dma_start3A_394 : memref<1x4x128xi32, #tpu.memory_space<hbm>> -> memref<4x128xi32, #tpu.memory_space<hbm>>
          tpu.enqueue_dma source(%dma_start3A_395 : memref<4x128xi32, #tpu.memory_space<hbm>>) target(%dma_start3A_392 : memref<4x128xi32, #tpu.memory_space<vmem>>) target_semaphore(%arg15 : memref<!tpu.dma_semaphore, #tpu.memory_space<semaphore_mem>>)
          %dma_start3A_396 = arith.constant 1 : i32
          %dma_start3A_397 = arith.constant 0 : i32
          %dma_start3A_398 = arith.constant 0 : i32
          %dma_start3A_399 = tpu.memref_slice %arg11[%select_n3A_278, %dma_start3A_397, %dma_start3A_398] : memref<3x4x128xi32, #tpu.memory_space<vmem>> -> memref<1x4x128xi32, #tpu.memory_space<vmem>>
          %dma_start3A_400 = tpu.memref_squeeze %dma_start3A_399 : memref<1x4x128xi32, #tpu.memory_space<vmem>> -> memref<4x128xi32, #tpu.memory_space<vmem>>
          %dma_start3A_401 = arith.constant 0 : i32
          %dma_start3A_402 = tpu.memref_slice %arg3[%dma_start3A_396, %add3A_370, %dma_start3A_401] : memref<2x25000x128xi32, #tpu.memory_space<hbm>> -> memref<1x4x128xi32, #tpu.memory_space<hbm>>
          %dma_start3A_403 = tpu.memref_squeeze %dma_start3A_402 : memref<1x4x128xi32, #tpu.memory_space<hbm>> -> memref<4x128xi32, #tpu.memory_space<hbm>>
          %dma_start3A_404 = arith.constant 0 : i32
          %dma_start3A_405 = arith.constant 0 : i32
          %dma_start3A_406 = tpu.memref_slice %arg11[%select_n3A_278, %dma_start3A_404, %dma_start3A_405] : memref<3x4x128xi32, #tpu.memory_space<vmem>> -> memref<1x4x128xi32, #tpu.memory_space<vmem>>
          %dma_start3A_407 = tpu.memref_squeeze %dma_start3A_406 : memref<1x4x128xi32, #tpu.memory_space<vmem>> -> memref<4x128xi32, #tpu.memory_space<vmem>>
          %dma_start3A_408 = arith.constant 0 : i32
          %dma_start3A_409 = tpu.memref_slice %arg3[%dma_start3A_396, %add3A_370, %dma_start3A_408] : memref<2x25000x128xi32, #tpu.memory_space<hbm>> -> memref<1x4x128xi32, #tpu.memory_space<hbm>>
          %dma_start3A_410 = tpu.memref_squeeze %dma_start3A_409 : memref<1x4x128xi32, #tpu.memory_space<hbm>> -> memref<4x128xi32, #tpu.memory_space<hbm>>
          tpu.enqueue_dma source(%dma_start3A_410 : memref<4x128xi32, #tpu.memory_space<hbm>>) target(%dma_start3A_407 : memref<4x128xi32, #tpu.memory_space<vmem>>) target_semaphore(%arg15 : memref<!tpu.dma_semaphore, #tpu.memory_space<semaphore_mem>>)
        } else {
        }
        %ge3A_376 = arith.constant 25000 : i32
        %ge3A_377 = arith.cmpi sge, %add3A_370, %ge3A_376 : i32
        %convert_element_type3A_378 = arith.extui %ge3A_377 : i1 to i32
        %cond3A_379 = arith.constant 0 : i32
        %cond3A_380 = arith.cmpi ne, %convert_element_type3A_378, %cond3A_379 : i32
        scf.if %cond3A_380 {
          %sub3A_381 = arith.constant 25000 : i32
          %sub3A_382 = arith.subi %add3A_370, %sub3A_381 : i32
          %dma_start3A_383 = arith.constant 0 : i32
          %dma_start3A_384 = arith.constant 0 : i32
          %dma_start3A_385 = tpu.memref_slice %arg10[%select_n3A_278, %dma_start3A_383, %dma_start3A_384] : memref<3x4x128xi32, #tpu.memory_space<vmem>> -> memref<1x4x128xi32, #tpu.memory_space<vmem>>
          %dma_start3A_386 = tpu.memref_squeeze %dma_start3A_385 : memref<1x4x128xi32, #tpu.memory_space<vmem>> -> memref<4x128xi32, #tpu.memory_space<vmem>>
          %dma_start3A_387 = arith.constant 0 : i32
          %dma_start3A_388 = tpu.memref_slice %arg4[%sub3A_382, %dma_start3A_387] : memref<856x128xi32, #tpu.memory_space<hbm>> -> memref<4x128xi32, #tpu.memory_space<hbm>>
          %dma_start3A_389 = arith.constant 0 : i32
          %dma_start3A_390 = arith.constant 0 : i32
          %dma_start3A_391 = tpu.memref_slice %arg10[%select_n3A_278, %dma_start3A_389, %dma_start3A_390] : memref<3x4x128xi32, #tpu.memory_space<vmem>> -> memref<1x4x128xi32, #tpu.memory_space<vmem>>
          %dma_start3A_392 = tpu.memref_squeeze %dma_start3A_391 : memref<1x4x128xi32, #tpu.memory_space<vmem>> -> memref<4x128xi32, #tpu.memory_space<vmem>>
          %dma_start3A_393 = arith.constant 0 : i32
          %dma_start3A_394 = tpu.memref_slice %arg4[%sub3A_382, %dma_start3A_393] : memref<856x128xi32, #tpu.memory_space<hbm>> -> memref<4x128xi32, #tpu.memory_space<hbm>>
          tpu.enqueue_dma source(%dma_start3A_394 : memref<4x128xi32, #tpu.memory_space<hbm>>) target(%dma_start3A_392 : memref<4x128xi32, #tpu.memory_space<vmem>>) target_semaphore(%arg15 : memref<!tpu.dma_semaphore, #tpu.memory_space<semaphore_mem>>)
          %sub3A_395 = arith.constant 25000 : i32
          %sub3A_396 = arith.subi %add3A_370, %sub3A_395 : i32
          %dma_start3A_397 = arith.constant 0 : i32
          %dma_start3A_398 = arith.constant 0 : i32
          %dma_start3A_399 = tpu.memref_slice %arg11[%select_n3A_278, %dma_start3A_397, %dma_start3A_398] : memref<3x4x128xi32, #tpu.memory_space<vmem>> -> memref<1x4x128xi32, #tpu.memory_space<vmem>>
          %dma_start3A_400 = tpu.memref_squeeze %dma_start3A_399 : memref<1x4x128xi32, #tpu.memory_space<vmem>> -> memref<4x128xi32, #tpu.memory_space<vmem>>
          %dma_start3A_401 = arith.constant 0 : i32
          %dma_start3A_402 = tpu.memref_slice %arg5[%sub3A_396, %dma_start3A_401] : memref<856x128xi32, #tpu.memory_space<hbm>> -> memref<4x128xi32, #tpu.memory_space<hbm>>
          %dma_start3A_403 = arith.constant 0 : i32
          %dma_start3A_404 = arith.constant 0 : i32
          %dma_start3A_405 = tpu.memref_slice %arg11[%select_n3A_278, %dma_start3A_403, %dma_start3A_404] : memref<3x4x128xi32, #tpu.memory_space<vmem>> -> memref<1x4x128xi32, #tpu.memory_space<vmem>>
          %dma_start3A_406 = tpu.memref_squeeze %dma_start3A_405 : memref<1x4x128xi32, #tpu.memory_space<vmem>> -> memref<4x128xi32, #tpu.memory_space<vmem>>
          %dma_start3A_407 = arith.constant 0 : i32
          %dma_start3A_408 = tpu.memref_slice %arg5[%sub3A_396, %dma_start3A_407] : memref<856x128xi32, #tpu.memory_space<hbm>> -> memref<4x128xi32, #tpu.memory_space<hbm>>
          tpu.enqueue_dma source(%dma_start3A_408 : memref<4x128xi32, #tpu.memory_space<hbm>>) target(%dma_start3A_406 : memref<4x128xi32, #tpu.memory_space<vmem>>) target_semaphore(%arg15 : memref<!tpu.dma_semaphore, #tpu.memory_space<semaphore_mem>>)
        } else {
        }
      } else {
      }
      %lt3A_361 = arith.constant 201 : i32
      %lt3A_362 = arith.cmpi slt, %scan3A_213, %lt3A_361 : i32
      %convert_element_type3A_363 = arith.extui %lt3A_362 : i1 to i32
      %cond3A_364 = arith.constant 0 : i32
      %cond3A_365 = arith.cmpi ne, %convert_element_type3A_363, %cond3A_364 : i32
      scf.if %cond3A_365 {
        %mul3A_366 = arith.constant 4 : i32
        %mul3A_367 = arith.muli %select_n3A_260, %mul3A_366 : i32
        %add3A_368 = arith.constant 0 : i32
        %add3A_369 = arith.addi %mul3A_367, %add3A_368 : i32
        %mul3A_370 = arith.constant 128 : i32
        %mul3A_371 = arith.muli %add3A_369, %mul3A_370 : i32
        %dma_start3A_372 = arith.constant 0 : i32
        %dma_start3A_373 = arith.constant 0 : i32
        %dma_start3A_374 = tpu.memref_slice %arg12[%mul3A_371, %dma_start3A_373] : memref<1536x16xf32, #tpu.memory_space<vmem>> -> memref<128x16xf32, #tpu.memory_space<vmem>>
        %dma_start3A_375 = arith.constant 0 : i32
        %dma_start3A_376 = tpu.memref_slice %arg10[%select_n3A_260, %dma_start3A_372, %dma_start3A_375] : memref<3x4x128xi32, #tpu.memory_space<vmem>> -> memref<1x1x128xi32, #tpu.memory_space<vmem>>
        %dma_start3A_377 = tpu.memref_squeeze %dma_start3A_376 : memref<1x1x128xi32, #tpu.memory_space<vmem>> -> memref<128xi32, #tpu.memory_space<vmem>>
        %dma_start3A_378 = arith.constant 0 : i32
        %dma_start3A_379 = arith.constant 0 : i32
        %dma_start3A_380 = tpu.memref_slice %arg2[%dma_start3A_378, %dma_start3A_379] : memref<100352x16xf32, #tpu.memory_space<hbm>> -> memref<100352x16xf32, #tpu.memory_space<hbm>>
        tpu.enqueue_indirect_dma source(%dma_start3A_380 : memref<100352x16xf32, #tpu.memory_space<hbm>>) target(%dma_start3A_374 : memref<128x16xf32, #tpu.memory_space<vmem>>) offsets(%dma_start3A_377 : memref<128xi32, #tpu.memory_space<vmem>>) semaphore(%arg13 : memref<!tpu.dma_semaphore, #tpu.memory_space<semaphore_mem>>)
        %mul3A_381 = arith.constant 4 : i32
        %mul3A_382 = arith.muli %select_n3A_260, %mul3A_381 : i32
        %add3A_383 = arith.constant 1 : i32
        %add3A_384 = arith.addi %mul3A_382, %add3A_383 : i32
        %mul3A_385 = arith.constant 128 : i32
        %mul3A_386 = arith.muli %add3A_384, %mul3A_385 : i32
        %dma_start3A_387 = arith.constant 1 : i32
        %dma_start3A_388 = arith.constant 0 : i32
        %dma_start3A_389 = tpu.memref_slice %arg12[%mul3A_386, %dma_start3A_388] : memref<1536x16xf32, #tpu.memory_space<vmem>> -> memref<128x16xf32, #tpu.memory_space<vmem>>
        %dma_start3A_390 = arith.constant 0 : i32
        %dma_start3A_391 = tpu.memref_slice %arg10[%select_n3A_260, %dma_start3A_387, %dma_start3A_390] : memref<3x4x128xi32, #tpu.memory_space<vmem>> -> memref<1x1x128xi32, #tpu.memory_space<vmem>>
        %dma_start3A_392 = tpu.memref_squeeze %dma_start3A_391 : memref<1x1x128xi32, #tpu.memory_space<vmem>> -> memref<128xi32, #tpu.memory_space<vmem>>
        %dma_start3A_393 = arith.constant 0 : i32
        %dma_start3A_394 = arith.constant 0 : i32
        %dma_start3A_395 = tpu.memref_slice %arg2[%dma_start3A_393, %dma_start3A_394] : memref<100352x16xf32, #tpu.memory_space<hbm>> -> memref<100352x16xf32, #tpu.memory_space<hbm>>
        tpu.enqueue_indirect_dma source(%dma_start3A_395 : memref<100352x16xf32, #tpu.memory_space<hbm>>) target(%dma_start3A_389 : memref<128x16xf32, #tpu.memory_space<vmem>>) offsets(%dma_start3A_392 : memref<128xi32, #tpu.memory_space<vmem>>) semaphore(%arg13 : memref<!tpu.dma_semaphore, #tpu.memory_space<semaphore_mem>>)
        %mul3A_396 = arith.constant 4 : i32
        %mul3A_397 = arith.muli %select_n3A_260, %mul3A_396 : i32
        %add3A_398 = arith.constant 2 : i32
        %add3A_399 = arith.addi %mul3A_397, %add3A_398 : i32
        %mul3A_400 = arith.constant 128 : i32
        %mul3A_401 = arith.muli %add3A_399, %mul3A_400 : i32
        %dma_start3A_402 = arith.constant 2 : i32
        %dma_start3A_403 = arith.constant 0 : i32
        %dma_start3A_404 = tpu.memref_slice %arg12[%mul3A_401, %dma_start3A_403] : memref<1536x16xf32, #tpu.memory_space<vmem>> -> memref<128x16xf32, #tpu.memory_space<vmem>>
        %dma_start3A_405 = arith.constant 0 : i32
        %dma_start3A_406 = tpu.memref_slice %arg10[%select_n3A_260, %dma_start3A_402, %dma_start3A_405] : memref<3x4x128xi32, #tpu.memory_space<vmem>> -> memref<1x1x128xi32, #tpu.memory_space<vmem>>
        %dma_start3A_407 = tpu.memref_squeeze %dma_start3A_406 : memref<1x1x128xi32, #tpu.memory_space<vmem>> -> memref<128xi32, #tpu.memory_space<vmem>>
        %dma_start3A_408 = arith.constant 0 : i32
        %dma_start3A_409 = arith.constant 0 : i32
        %dma_start3A_410 = tpu.memref_slice %arg2[%dma_start3A_408, %dma_start3A_409] : memref<100352x16xf32, #tpu.memory_space<hbm>> -> memref<100352x16xf32, #tpu.memory_space<hbm>>
        tpu.enqueue_indirect_dma source(%dma_start3A_410 : memref<100352x16xf32, #tpu.memory_space<hbm>>) target(%dma_start3A_404 : memref<128x16xf32, #tpu.memory_space<vmem>>) offsets(%dma_start3A_407 : memref<128xi32, #tpu.memory_space<vmem>>) semaphore(%arg13 : memref<!tpu.dma_semaphore, #tpu.memory_space<semaphore_mem>>)
        %mul3A_411 = arith.constant 4 : i32
        %mul3A_412 = arith.muli %select_n3A_260, %mul3A_411 : i32
        %add3A_413 = arith.constant 3 : i32
        %add3A_414 = arith.addi %mul3A_412, %add3A_413 : i32
        %mul3A_415 = arith.constant 128 : i32
        %mul3A_416 = arith.muli %add3A_414, %mul3A_415 : i32
        %dma_start3A_417 = arith.constant 3 : i32
        %dma_start3A_418 = arith.constant 0 : i32
        %dma_start3A_419 = tpu.memref_slice %arg12[%mul3A_416, %dma_start3A_418] : memref<1536x16xf32, #tpu.memory_space<vmem>> -> memref<128x16xf32, #tpu.memory_space<vmem>>
        %dma_start3A_420 = arith.constant 0 : i32
        %dma_start3A_421 = tpu.memref_slice %arg10[%select_n3A_260, %dma_start3A_417, %dma_start3A_420] : memref<3x4x128xi32, #tpu.memory_space<vmem>> -> memref<1x1x128xi32, #tpu.memory_space<vmem>>
        %dma_start3A_422 = tpu.memref_squeeze %dma_start3A_421 : memref<1x1x128xi32, #tpu.memory_space<vmem>> -> memref<128xi32, #tpu.memory_space<vmem>>
        %dma_start3A_423 = arith.constant 0 : i32
        %dma_start3A_424 = arith.constant 0 : i32
        %dma_start3A_425 = tpu.memref_slice %arg2[%dma_start3A_423, %dma_start3A_424] : memref<100352x16xf32, #tpu.memory_space<hbm>> -> memref<100352x16xf32, #tpu.memory_space<hbm>>
        tpu.enqueue_indirect_dma source(%dma_start3A_425 : memref<100352x16xf32, #tpu.memory_space<hbm>>) target(%dma_start3A_419 : memref<128x16xf32, #tpu.memory_space<vmem>>) offsets(%dma_start3A_422 : memref<128xi32, #tpu.memory_space<vmem>>) semaphore(%arg13 : memref<!tpu.dma_semaphore, #tpu.memory_space<semaphore_mem>>)
      } else {
      }
    }
    %scan3A_150 = arith.constant 202 : i32
    %dma_wait3A_151 = arith.constant 0 : i32
    %dma_wait3A_152 = arith.constant 0 : i32
    %dma_wait3A_153 = tpu.memref_slice %arg12[%dma_wait3A_151, %dma_wait3A_152] : memref<1536x16xf32, #tpu.memory_space<vmem>> -> memref<512x16xf32, #tpu.memory_space<vmem>>
    %dma_wait3A_154 = arith.constant 0 : i32
    %dma_wait3A_155 = arith.constant 0 : i32
    %dma_wait3A_156 = tpu.memref_slice %arg12[%dma_wait3A_154, %dma_wait3A_155] : memref<1536x16xf32, #tpu.memory_space<vmem>> -> memref<512x16xf32, #tpu.memory_space<vmem>>
    tpu.wait_dma2 semaphore(%arg14 : memref<!tpu.dma_semaphore, #tpu.memory_space<semaphore_mem>>) src(%arg7 : memref<512x16xf32, #tpu.memory_space<hbm>>) dst(%dma_wait3A_156 : memref<512x16xf32, #tpu.memory_space<vmem>>)
    %barrier3A_157 = arith.constant 0 : index
    tpu.barrier barrier_id(%barrier3A_157)
    %mul3A_158 = arith.constant 6272 : i32
    %mul3A_159 = arith.muli %arg1, %mul3A_158 : i32
    %add3A_160 = arith.constant 0 : i32
    %add3A_161 = arith.addi %mul3A_159, %add3A_160 : i32
    "tpu.region"() ({
      %run_scoped3A = tpu.sem_alloc : memref<!tpu.dma_semaphore, #tpu.memory_space<semaphore_mem>>
      %dma_start3A_213 = arith.constant 0 : i32
      %dma_start3A_214 = arith.constant 0 : i32
      %dma_start3A_215 = tpu.memref_slice %arg12[%dma_start3A_213, %dma_start3A_214] : memref<1536x16xf32, #tpu.memory_space<vmem>> -> memref<1536x16xf32, #tpu.memory_space<vmem>>
      %dma_start3A_216 = arith.constant 0 : i32
      %dma_start3A_217 = tpu.memref_slice %arg9[%add3A_161, %dma_start3A_216] : memref<100352x16xf32, #tpu.memory_space<vmem_shared>> -> memref<1536x16xf32, #tpu.memory_space<vmem_shared>>
      %dma_start3A_218 = arith.constant 0 : i32
      %dma_start3A_219 = arith.constant 0 : i32
      %dma_start3A_220 = tpu.memref_slice %arg12[%dma_start3A_218, %dma_start3A_219] : memref<1536x16xf32, #tpu.memory_space<vmem>> -> memref<1536x16xf32, #tpu.memory_space<vmem>>
      %dma_start3A_221 = arith.constant 0 : i32
      %dma_start3A_222 = tpu.memref_slice %arg9[%add3A_161, %dma_start3A_221] : memref<100352x16xf32, #tpu.memory_space<vmem_shared>> -> memref<1536x16xf32, #tpu.memory_space<vmem_shared>>
      tpu.enqueue_dma source(%dma_start3A_222 : memref<1536x16xf32, #tpu.memory_space<vmem_shared>>) target(%dma_start3A_220 : memref<1536x16xf32, #tpu.memory_space<vmem>>) target_semaphore(%run_scoped3A : memref<!tpu.dma_semaphore, #tpu.memory_space<semaphore_mem>>)
      %dma_wait3A_223 = arith.constant 0 : i32
      %dma_wait3A_224 = arith.constant 0 : i32
      %dma_wait3A_225 = tpu.memref_slice %arg12[%dma_wait3A_223, %dma_wait3A_224] : memref<1536x16xf32, #tpu.memory_space<vmem>> -> memref<1536x16xf32, #tpu.memory_space<vmem>>
      %dma_wait3A_226 = arith.constant 0 : i32
      %dma_wait3A_227 = tpu.memref_slice %arg9[%add3A_161, %dma_wait3A_226] : memref<100352x16xf32, #tpu.memory_space<vmem_shared>> -> memref<1536x16xf32, #tpu.memory_space<vmem_shared>>
      %dma_wait3A_228 = arith.constant 0 : i32
      %dma_wait3A_229 = arith.constant 0 : i32
      %dma_wait3A_230 = tpu.memref_slice %arg12[%dma_wait3A_228, %dma_wait3A_229] : memref<1536x16xf32, #tpu.memory_space<vmem>> -> memref<1536x16xf32, #tpu.memory_space<vmem>>
      %dma_wait3A_231 = arith.constant 0 : i32
      %dma_wait3A_232 = tpu.memref_slice %arg9[%add3A_161, %dma_wait3A_231] : memref<100352x16xf32, #tpu.memory_space<vmem_shared>> -> memref<1536x16xf32, #tpu.memory_space<vmem_shared>>
      tpu.wait_dma2 semaphore(%run_scoped3A : memref<!tpu.dma_semaphore, #tpu.memory_space<semaphore_mem>>) src(%dma_wait3A_232 : memref<1536x16xf32, #tpu.memory_space<vmem_shared>>) dst(%dma_wait3A_230 : memref<1536x16xf32, #tpu.memory_space<vmem>>)
      tpu.yield
    }) : () -> ()
    %mul3A_162 = arith.constant 100352 : i32
    %mul3A_163 = arith.muli %arg0, %mul3A_162 : i32
    %mul3A_164 = arith.constant 6272 : i32
    %mul3A_165 = arith.muli %arg1, %mul3A_164 : i32
    %add3A_166 = arith.addi %mul3A_163, %mul3A_165 : i32
    %add3A_167 = arith.constant 0 : i32
    %add3A_168 = arith.addi %add3A_166, %add3A_167 : i32
    "tpu.region"() ({
      %run_scoped3A = tpu.sem_alloc : memref<!tpu.dma_semaphore, #tpu.memory_space<semaphore_mem>>
      %dma_start3A_213 = arith.constant 0 : i32
      %dma_start3A_214 = arith.constant 0 : i32
      %dma_start3A_215 = tpu.memref_slice %arg12[%dma_start3A_213, %dma_start3A_214] : memref<1536x16xf32, #tpu.memory_space<vmem>> -> memref<1536x16xf32, #tpu.memory_space<vmem>>
      %dma_start3A_216 = arith.constant 0 : i32
      %dma_start3A_217 = tpu.memref_slice %arg8[%add3A_168, %dma_start3A_216] : memref<200704x16xf32, #tpu.memory_space<hbm>> -> memref<1536x16xf32, #tpu.memory_space<hbm>>
      %dma_start3A_218 = arith.constant 0 : i32
      %dma_start3A_219 = tpu.memref_slice %arg8[%add3A_168, %dma_start3A_218] : memref<200704x16xf32, #tpu.memory_space<hbm>> -> memref<1536x16xf32, #tpu.memory_space<hbm>>
      %dma_start3A_220 = arith.constant 0 : i32
      %dma_start3A_221 = arith.constant 0 : i32
      %dma_start3A_222 = tpu.memref_slice %arg12[%dma_start3A_220, %dma_start3A_221] : memref<1536x16xf32, #tpu.memory_space<vmem>> -> memref<1536x16xf32, #tpu.memory_space<vmem>>
      tpu.enqueue_dma source(%dma_start3A_222 : memref<1536x16xf32, #tpu.memory_space<vmem>>) target(%dma_start3A_219 : memref<1536x16xf32, #tpu.memory_space<hbm>>) target_semaphore(%run_scoped3A : memref<!tpu.dma_semaphore, #tpu.memory_space<semaphore_mem>>)
      %dma_wait3A_223 = arith.constant 0 : i32
      %dma_wait3A_224 = arith.constant 0 : i32
      %dma_wait3A_225 = tpu.memref_slice %arg12[%dma_wait3A_223, %dma_wait3A_224] : memref<1536x16xf32, #tpu.memory_space<vmem>> -> memref<1536x16xf32, #tpu.memory_space<vmem>>
      %dma_wait3A_226 = arith.constant 0 : i32
      %dma_wait3A_227 = tpu.memref_slice %arg8[%add3A_168, %dma_wait3A_226] : memref<200704x16xf32, #tpu.memory_space<hbm>> -> memref<1536x16xf32, #tpu.memory_space<hbm>>
      %dma_wait3A_228 = arith.constant 0 : i32
      %dma_wait3A_229 = tpu.memref_slice %arg8[%add3A_168, %dma_wait3A_228] : memref<200704x16xf32, #tpu.memory_space<hbm>> -> memref<1536x16xf32, #tpu.memory_space<hbm>>
      %dma_wait3A_230 = arith.constant 0 : i32
      %dma_wait3A_231 = arith.constant 0 : i32
      %dma_wait3A_232 = tpu.memref_slice %arg12[%dma_wait3A_230, %dma_wait3A_231] : memref<1536x16xf32, #tpu.memory_space<vmem>> -> memref<1536x16xf32, #tpu.memory_space<vmem>>
      tpu.wait_dma2 semaphore(%run_scoped3A : memref<!tpu.dma_semaphore, #tpu.memory_space<semaphore_mem>>) src(%dma_wait3A_232 : memref<1536x16xf32, #tpu.memory_space<vmem>>) dst(%dma_wait3A_229 : memref<1536x16xf32, #tpu.memory_space<hbm>>)
      tpu.yield
    }) : () -> ()
    %mul3A_169 = arith.constant 6272 : i32
    %mul3A_170 = arith.muli %arg1, %mul3A_169 : i32
    %add3A_171 = arith.constant 1536 : i32
    %add3A_172 = arith.addi %mul3A_170, %add3A_171 : i32
    "tpu.region"() ({
      %run_scoped3A = tpu.sem_alloc : memref<!tpu.dma_semaphore, #tpu.memory_space<semaphore_mem>>
      %dma_start3A_213 = arith.constant 0 : i32
      %dma_start3A_214 = arith.constant 0 : i32
      %dma_start3A_215 = tpu.memref_slice %arg12[%dma_start3A_213, %dma_start3A_214] : memref<1536x16xf32, #tpu.memory_space<vmem>> -> memref<1536x16xf32, #tpu.memory_space<vmem>>
      %dma_start3A_216 = arith.constant 0 : i32
      %dma_start3A_217 = tpu.memref_slice %arg9[%add3A_172, %dma_start3A_216] : memref<100352x16xf32, #tpu.memory_space<vmem_shared>> -> memref<1536x16xf32, #tpu.memory_space<vmem_shared>>
      %dma_start3A_218 = arith.constant 0 : i32
      %dma_start3A_219 = arith.constant 0 : i32
      %dma_start3A_220 = tpu.memref_slice %arg12[%dma_start3A_218, %dma_start3A_219] : memref<1536x16xf32, #tpu.memory_space<vmem>> -> memref<1536x16xf32, #tpu.memory_space<vmem>>
      %dma_start3A_221 = arith.constant 0 : i32
      %dma_start3A_222 = tpu.memref_slice %arg9[%add3A_172, %dma_start3A_221] : memref<100352x16xf32, #tpu.memory_space<vmem_shared>> -> memref<1536x16xf32, #tpu.memory_space<vmem_shared>>
      tpu.enqueue_dma source(%dma_start3A_222 : memref<1536x16xf32, #tpu.memory_space<vmem_shared>>) target(%dma_start3A_220 : memref<1536x16xf32, #tpu.memory_space<vmem>>) target_semaphore(%run_scoped3A : memref<!tpu.dma_semaphore, #tpu.memory_space<semaphore_mem>>)
      %dma_wait3A_223 = arith.constant 0 : i32
      %dma_wait3A_224 = arith.constant 0 : i32
      %dma_wait3A_225 = tpu.memref_slice %arg12[%dma_wait3A_223, %dma_wait3A_224] : memref<1536x16xf32, #tpu.memory_space<vmem>> -> memref<1536x16xf32, #tpu.memory_space<vmem>>
      %dma_wait3A_226 = arith.constant 0 : i32
      %dma_wait3A_227 = tpu.memref_slice %arg9[%add3A_172, %dma_wait3A_226] : memref<100352x16xf32, #tpu.memory_space<vmem_shared>> -> memref<1536x16xf32, #tpu.memory_space<vmem_shared>>
      %dma_wait3A_228 = arith.constant 0 : i32
      %dma_wait3A_229 = arith.constant 0 : i32
      %dma_wait3A_230 = tpu.memref_slice %arg12[%dma_wait3A_228, %dma_wait3A_229] : memref<1536x16xf32, #tpu.memory_space<vmem>> -> memref<1536x16xf32, #tpu.memory_space<vmem>>
      %dma_wait3A_231 = arith.constant 0 : i32
      %dma_wait3A_232 = tpu.memref_slice %arg9[%add3A_172, %dma_wait3A_231] : memref<100352x16xf32, #tpu.memory_space<vmem_shared>> -> memref<1536x16xf32, #tpu.memory_space<vmem_shared>>
      tpu.wait_dma2 semaphore(%run_scoped3A : memref<!tpu.dma_semaphore, #tpu.memory_space<semaphore_mem>>) src(%dma_wait3A_232 : memref<1536x16xf32, #tpu.memory_space<vmem_shared>>) dst(%dma_wait3A_230 : memref<1536x16xf32, #tpu.memory_space<vmem>>)
      tpu.yield
    }) : () -> ()
    %mul3A_173 = arith.constant 100352 : i32
    %mul3A_174 = arith.muli %arg0, %mul3A_173 : i32
    %mul3A_175 = arith.constant 6272 : i32
    %mul3A_176 = arith.muli %arg1, %mul3A_175 : i32
    %add3A_177 = arith.addi %mul3A_174, %mul3A_176 : i32
    %add3A_178 = arith.constant 1536 : i32
    %add3A_179 = arith.addi %add3A_177, %add3A_178 : i32
    "tpu.region"() ({
      %run_scoped3A = tpu.sem_alloc : memref<!tpu.dma_semaphore, #tpu.memory_space<semaphore_mem>>
      %dma_start3A_213 = arith.constant 0 : i32
      %dma_start3A_214 = arith.constant 0 : i32
      %dma_start3A_215 = tpu.memref_slice %arg12[%dma_start3A_213, %dma_start3A_214] : memref<1536x16xf32, #tpu.memory_space<vmem>> -> memref<1536x16xf32, #tpu.memory_space<vmem>>
      %dma_start3A_216 = arith.constant 0 : i32
      %dma_start3A_217 = tpu.memref_slice %arg8[%add3A_179, %dma_start3A_216] : memref<200704x16xf32, #tpu.memory_space<hbm>> -> memref<1536x16xf32, #tpu.memory_space<hbm>>
      %dma_start3A_218 = arith.constant 0 : i32
      %dma_start3A_219 = tpu.memref_slice %arg8[%add3A_179, %dma_start3A_218] : memref<200704x16xf32, #tpu.memory_space<hbm>> -> memref<1536x16xf32, #tpu.memory_space<hbm>>
      %dma_start3A_220 = arith.constant 0 : i32
      %dma_start3A_221 = arith.constant 0 : i32
      %dma_start3A_222 = tpu.memref_slice %arg12[%dma_start3A_220, %dma_start3A_221] : memref<1536x16xf32, #tpu.memory_space<vmem>> -> memref<1536x16xf32, #tpu.memory_space<vmem>>
      tpu.enqueue_dma source(%dma_start3A_222 : memref<1536x16xf32, #tpu.memory_space<vmem>>) target(%dma_start3A_219 : memref<1536x16xf32, #tpu.memory_space<hbm>>) target_semaphore(%run_scoped3A : memref<!tpu.dma_semaphore, #tpu.memory_space<semaphore_mem>>)
      %dma_wait3A_223 = arith.constant 0 : i32
      %dma_wait3A_224 = arith.constant 0 : i32
      %dma_wait3A_225 = tpu.memref_slice %arg12[%dma_wait3A_223, %dma_wait3A_224] : memref<1536x16xf32, #tpu.memory_space<vmem>> -> memref<1536x16xf32, #tpu.memory_space<vmem>>
      %dma_wait3A_226 = arith.constant 0 : i32
      %dma_wait3A_227 = tpu.memref_slice %arg8[%add3A_179, %dma_wait3A_226] : memref<200704x16xf32, #tpu.memory_space<hbm>> -> memref<1536x16xf32, #tpu.memory_space<hbm>>
      %dma_wait3A_228 = arith.constant 0 : i32
      %dma_wait3A_229 = tpu.memref_slice %arg8[%add3A_179, %dma_wait3A_228] : memref<200704x16xf32, #tpu.memory_space<hbm>> -> memref<1536x16xf32, #tpu.memory_space<hbm>>
      %dma_wait3A_230 = arith.constant 0 : i32
      %dma_wait3A_231 = arith.constant 0 : i32
      %dma_wait3A_232 = tpu.memref_slice %arg12[%dma_wait3A_230, %dma_wait3A_231] : memref<1536x16xf32, #tpu.memory_space<vmem>> -> memref<1536x16xf32, #tpu.memory_space<vmem>>
      tpu.wait_dma2 semaphore(%run_scoped3A : memref<!tpu.dma_semaphore, #tpu.memory_space<semaphore_mem>>) src(%dma_wait3A_232 : memref<1536x16xf32, #tpu.memory_space<vmem>>) dst(%dma_wait3A_229 : memref<1536x16xf32, #tpu.memory_space<hbm>>)
      tpu.yield
    }) : () -> ()
    %mul3A_180 = arith.constant 6272 : i32
    %mul3A_181 = arith.muli %arg1, %mul3A_180 : i32
    %add3A_182 = arith.constant 3072 : i32
    %add3A_183 = arith.addi %mul3A_181, %add3A_182 : i32
    "tpu.region"() ({
      %run_scoped3A = tpu.sem_alloc : memref<!tpu.dma_semaphore, #tpu.memory_space<semaphore_mem>>
      %dma_start3A_213 = arith.constant 0 : i32
      %dma_start3A_214 = arith.constant 0 : i32
      %dma_start3A_215 = tpu.memref_slice %arg12[%dma_start3A_213, %dma_start3A_214] : memref<1536x16xf32, #tpu.memory_space<vmem>> -> memref<1536x16xf32, #tpu.memory_space<vmem>>
      %dma_start3A_216 = arith.constant 0 : i32
      %dma_start3A_217 = tpu.memref_slice %arg9[%add3A_183, %dma_start3A_216] : memref<100352x16xf32, #tpu.memory_space<vmem_shared>> -> memref<1536x16xf32, #tpu.memory_space<vmem_shared>>
      %dma_start3A_218 = arith.constant 0 : i32
      %dma_start3A_219 = arith.constant 0 : i32
      %dma_start3A_220 = tpu.memref_slice %arg12[%dma_start3A_218, %dma_start3A_219] : memref<1536x16xf32, #tpu.memory_space<vmem>> -> memref<1536x16xf32, #tpu.memory_space<vmem>>
      %dma_start3A_221 = arith.constant 0 : i32
      %dma_start3A_222 = tpu.memref_slice %arg9[%add3A_183, %dma_start3A_221] : memref<100352x16xf32, #tpu.memory_space<vmem_shared>> -> memref<1536x16xf32, #tpu.memory_space<vmem_shared>>
      tpu.enqueue_dma source(%dma_start3A_222 : memref<1536x16xf32, #tpu.memory_space<vmem_shared>>) target(%dma_start3A_220 : memref<1536x16xf32, #tpu.memory_space<vmem>>) target_semaphore(%run_scoped3A : memref<!tpu.dma_semaphore, #tpu.memory_space<semaphore_mem>>)
      %dma_wait3A_223 = arith.constant 0 : i32
      %dma_wait3A_224 = arith.constant 0 : i32
      %dma_wait3A_225 = tpu.memref_slice %arg12[%dma_wait3A_223, %dma_wait3A_224] : memref<1536x16xf32, #tpu.memory_space<vmem>> -> memref<1536x16xf32, #tpu.memory_space<vmem>>
      %dma_wait3A_226 = arith.constant 0 : i32
      %dma_wait3A_227 = tpu.memref_slice %arg9[%add3A_183, %dma_wait3A_226] : memref<100352x16xf32, #tpu.memory_space<vmem_shared>> -> memref<1536x16xf32, #tpu.memory_space<vmem_shared>>
      %dma_wait3A_228 = arith.constant 0 : i32
      %dma_wait3A_229 = arith.constant 0 : i32
      %dma_wait3A_230 = tpu.memref_slice %arg12[%dma_wait3A_228, %dma_wait3A_229] : memref<1536x16xf32, #tpu.memory_space<vmem>> -> memref<1536x16xf32, #tpu.memory_space<vmem>>
      %dma_wait3A_231 = arith.constant 0 : i32
      %dma_wait3A_232 = tpu.memref_slice %arg9[%add3A_183, %dma_wait3A_231] : memref<100352x16xf32, #tpu.memory_space<vmem_shared>> -> memref<1536x16xf32, #tpu.memory_space<vmem_shared>>
      tpu.wait_dma2 semaphore(%run_scoped3A : memref<!tpu.dma_semaphore, #tpu.memory_space<semaphore_mem>>) src(%dma_wait3A_232 : memref<1536x16xf32, #tpu.memory_space<vmem_shared>>) dst(%dma_wait3A_230 : memref<1536x16xf32, #tpu.memory_space<vmem>>)
      tpu.yield
    }) : () -> ()
    %mul3A_184 = arith.constant 100352 : i32
    %mul3A_185 = arith.muli %arg0, %mul3A_184 : i32
    %mul3A_186 = arith.constant 6272 : i32
    %mul3A_187 = arith.muli %arg1, %mul3A_186 : i32
    %add3A_188 = arith.addi %mul3A_185, %mul3A_187 : i32
    %add3A_189 = arith.constant 3072 : i32
    %add3A_190 = arith.addi %add3A_188, %add3A_189 : i32
    "tpu.region"() ({
      %run_scoped3A = tpu.sem_alloc : memref<!tpu.dma_semaphore, #tpu.memory_space<semaphore_mem>>
      %dma_start3A_213 = arith.constant 0 : i32
      %dma_start3A_214 = arith.constant 0 : i32
      %dma_start3A_215 = tpu.memref_slice %arg12[%dma_start3A_213, %dma_start3A_214] : memref<1536x16xf32, #tpu.memory_space<vmem>> -> memref<1536x16xf32, #tpu.memory_space<vmem>>
      %dma_start3A_216 = arith.constant 0 : i32
      %dma_start3A_217 = tpu.memref_slice %arg8[%add3A_190, %dma_start3A_216] : memref<200704x16xf32, #tpu.memory_space<hbm>> -> memref<1536x16xf32, #tpu.memory_space<hbm>>
      %dma_start3A_218 = arith.constant 0 : i32
      %dma_start3A_219 = tpu.memref_slice %arg8[%add3A_190, %dma_start3A_218] : memref<200704x16xf32, #tpu.memory_space<hbm>> -> memref<1536x16xf32, #tpu.memory_space<hbm>>
      %dma_start3A_220 = arith.constant 0 : i32
      %dma_start3A_221 = arith.constant 0 : i32
      %dma_start3A_222 = tpu.memref_slice %arg12[%dma_start3A_220, %dma_start3A_221] : memref<1536x16xf32, #tpu.memory_space<vmem>> -> memref<1536x16xf32, #tpu.memory_space<vmem>>
      tpu.enqueue_dma source(%dma_start3A_222 : memref<1536x16xf32, #tpu.memory_space<vmem>>) target(%dma_start3A_219 : memref<1536x16xf32, #tpu.memory_space<hbm>>) target_semaphore(%run_scoped3A : memref<!tpu.dma_semaphore, #tpu.memory_space<semaphore_mem>>)
      %dma_wait3A_223 = arith.constant 0 : i32
      %dma_wait3A_224 = arith.constant 0 : i32
      %dma_wait3A_225 = tpu.memref_slice %arg12[%dma_wait3A_223, %dma_wait3A_224] : memref<1536x16xf32, #tpu.memory_space<vmem>> -> memref<1536x16xf32, #tpu.memory_space<vmem>>
      %dma_wait3A_226 = arith.constant 0 : i32
      %dma_wait3A_227 = tpu.memref_slice %arg8[%add3A_190, %dma_wait3A_226] : memref<200704x16xf32, #tpu.memory_space<hbm>> -> memref<1536x16xf32, #tpu.memory_space<hbm>>
      %dma_wait3A_228 = arith.constant 0 : i32
      %dma_wait3A_229 = tpu.memref_slice %arg8[%add3A_190, %dma_wait3A_228] : memref<200704x16xf32, #tpu.memory_space<hbm>> -> memref<1536x16xf32, #tpu.memory_space<hbm>>
      %dma_wait3A_230 = arith.constant 0 : i32
      %dma_wait3A_231 = arith.constant 0 : i32
      %dma_wait3A_232 = tpu.memref_slice %arg12[%dma_wait3A_230, %dma_wait3A_231] : memref<1536x16xf32, #tpu.memory_space<vmem>> -> memref<1536x16xf32, #tpu.memory_space<vmem>>
      tpu.wait_dma2 semaphore(%run_scoped3A : memref<!tpu.dma_semaphore, #tpu.memory_space<semaphore_mem>>) src(%dma_wait3A_232 : memref<1536x16xf32, #tpu.memory_space<vmem>>) dst(%dma_wait3A_229 : memref<1536x16xf32, #tpu.memory_space<hbm>>)
      tpu.yield
    }) : () -> ()
    %mul3A_191 = arith.constant 6272 : i32
    %mul3A_192 = arith.muli %arg1, %mul3A_191 : i32
    %add3A_193 = arith.constant 4608 : i32
    %add3A_194 = arith.addi %mul3A_192, %add3A_193 : i32
    "tpu.region"() ({
      %run_scoped3A = tpu.sem_alloc : memref<!tpu.dma_semaphore, #tpu.memory_space<semaphore_mem>>
      %dma_start3A_213 = arith.constant 0 : i32
      %dma_start3A_214 = arith.constant 0 : i32
      %dma_start3A_215 = tpu.memref_slice %arg12[%dma_start3A_213, %dma_start3A_214] : memref<1536x16xf32, #tpu.memory_space<vmem>> -> memref<1536x16xf32, #tpu.memory_space<vmem>>
      %dma_start3A_216 = arith.constant 0 : i32
      %dma_start3A_217 = tpu.memref_slice %arg9[%add3A_194, %dma_start3A_216] : memref<100352x16xf32, #tpu.memory_space<vmem_shared>> -> memref<1536x16xf32, #tpu.memory_space<vmem_shared>>
      %dma_start3A_218 = arith.constant 0 : i32
      %dma_start3A_219 = arith.constant 0 : i32
      %dma_start3A_220 = tpu.memref_slice %arg12[%dma_start3A_218, %dma_start3A_219] : memref<1536x16xf32, #tpu.memory_space<vmem>> -> memref<1536x16xf32, #tpu.memory_space<vmem>>
      %dma_start3A_221 = arith.constant 0 : i32
      %dma_start3A_222 = tpu.memref_slice %arg9[%add3A_194, %dma_start3A_221] : memref<100352x16xf32, #tpu.memory_space<vmem_shared>> -> memref<1536x16xf32, #tpu.memory_space<vmem_shared>>
      tpu.enqueue_dma source(%dma_start3A_222 : memref<1536x16xf32, #tpu.memory_space<vmem_shared>>) target(%dma_start3A_220 : memref<1536x16xf32, #tpu.memory_space<vmem>>) target_semaphore(%run_scoped3A : memref<!tpu.dma_semaphore, #tpu.memory_space<semaphore_mem>>)
      %dma_wait3A_223 = arith.constant 0 : i32
      %dma_wait3A_224 = arith.constant 0 : i32
      %dma_wait3A_225 = tpu.memref_slice %arg12[%dma_wait3A_223, %dma_wait3A_224] : memref<1536x16xf32, #tpu.memory_space<vmem>> -> memref<1536x16xf32, #tpu.memory_space<vmem>>
      %dma_wait3A_226 = arith.constant 0 : i32
      %dma_wait3A_227 = tpu.memref_slice %arg9[%add3A_194, %dma_wait3A_226] : memref<100352x16xf32, #tpu.memory_space<vmem_shared>> -> memref<1536x16xf32, #tpu.memory_space<vmem_shared>>
      %dma_wait3A_228 = arith.constant 0 : i32
      %dma_wait3A_229 = arith.constant 0 : i32
      %dma_wait3A_230 = tpu.memref_slice %arg12[%dma_wait3A_228, %dma_wait3A_229] : memref<1536x16xf32, #tpu.memory_space<vmem>> -> memref<1536x16xf32, #tpu.memory_space<vmem>>
      %dma_wait3A_231 = arith.constant 0 : i32
      %dma_wait3A_232 = tpu.memref_slice %arg9[%add3A_194, %dma_wait3A_231] : memref<100352x16xf32, #tpu.memory_space<vmem_shared>> -> memref<1536x16xf32, #tpu.memory_space<vmem_shared>>
      tpu.wait_dma2 semaphore(%run_scoped3A : memref<!tpu.dma_semaphore, #tpu.memory_space<semaphore_mem>>) src(%dma_wait3A_232 : memref<1536x16xf32, #tpu.memory_space<vmem_shared>>) dst(%dma_wait3A_230 : memref<1536x16xf32, #tpu.memory_space<vmem>>)
      tpu.yield
    }) : () -> ()
    %mul3A_195 = arith.constant 100352 : i32
    %mul3A_196 = arith.muli %arg0, %mul3A_195 : i32
    %mul3A_197 = arith.constant 6272 : i32
    %mul3A_198 = arith.muli %arg1, %mul3A_197 : i32
    %add3A_199 = arith.addi %mul3A_196, %mul3A_198 : i32
    %add3A_200 = arith.constant 4608 : i32
    %add3A_201 = arith.addi %add3A_199, %add3A_200 : i32
    "tpu.region"() ({
      %run_scoped3A = tpu.sem_alloc : memref<!tpu.dma_semaphore, #tpu.memory_space<semaphore_mem>>
      %dma_start3A_213 = arith.constant 0 : i32
      %dma_start3A_214 = arith.constant 0 : i32
      %dma_start3A_215 = tpu.memref_slice %arg12[%dma_start3A_213, %dma_start3A_214] : memref<1536x16xf32, #tpu.memory_space<vmem>> -> memref<1536x16xf32, #tpu.memory_space<vmem>>
      %dma_start3A_216 = arith.constant 0 : i32
      %dma_start3A_217 = tpu.memref_slice %arg8[%add3A_201, %dma_start3A_216] : memref<200704x16xf32, #tpu.memory_space<hbm>> -> memref<1536x16xf32, #tpu.memory_space<hbm>>
      %dma_start3A_218 = arith.constant 0 : i32
      %dma_start3A_219 = tpu.memref_slice %arg8[%add3A_201, %dma_start3A_218] : memref<200704x16xf32, #tpu.memory_space<hbm>> -> memref<1536x16xf32, #tpu.memory_space<hbm>>
      %dma_start3A_220 = arith.constant 0 : i32
      %dma_start3A_221 = arith.constant 0 : i32
      %dma_start3A_222 = tpu.memref_slice %arg12[%dma_start3A_220, %dma_start3A_221] : memref<1536x16xf32, #tpu.memory_space<vmem>> -> memref<1536x16xf32, #tpu.memory_space<vmem>>
      tpu.enqueue_dma source(%dma_start3A_222 : memref<1536x16xf32, #tpu.memory_space<vmem>>) target(%dma_start3A_219 : memref<1536x16xf32, #tpu.memory_space<hbm>>) target_semaphore(%run_scoped3A : memref<!tpu.dma_semaphore, #tpu.memory_space<semaphore_mem>>)
      %dma_wait3A_223 = arith.constant 0 : i32
      %dma_wait3A_224 = arith.constant 0 : i32
      %dma_wait3A_225 = tpu.memref_slice %arg12[%dma_wait3A_223, %dma_wait3A_224] : memref<1536x16xf32, #tpu.memory_space<vmem>> -> memref<1536x16xf32, #tpu.memory_space<vmem>>
      %dma_wait3A_226 = arith.constant 0 : i32
      %dma_wait3A_227 = tpu.memref_slice %arg8[%add3A_201, %dma_wait3A_226] : memref<200704x16xf32, #tpu.memory_space<hbm>> -> memref<1536x16xf32, #tpu.memory_space<hbm>>
      %dma_wait3A_228 = arith.constant 0 : i32
      %dma_wait3A_229 = tpu.memref_slice %arg8[%add3A_201, %dma_wait3A_228] : memref<200704x16xf32, #tpu.memory_space<hbm>> -> memref<1536x16xf32, #tpu.memory_space<hbm>>
      %dma_wait3A_230 = arith.constant 0 : i32
      %dma_wait3A_231 = arith.constant 0 : i32
      %dma_wait3A_232 = tpu.memref_slice %arg12[%dma_wait3A_230, %dma_wait3A_231] : memref<1536x16xf32, #tpu.memory_space<vmem>> -> memref<1536x16xf32, #tpu.memory_space<vmem>>
      tpu.wait_dma2 semaphore(%run_scoped3A : memref<!tpu.dma_semaphore, #tpu.memory_space<semaphore_mem>>) src(%dma_wait3A_232 : memref<1536x16xf32, #tpu.memory_space<vmem>>) dst(%dma_wait3A_229 : memref<1536x16xf32, #tpu.memory_space<hbm>>)
      tpu.yield
    }) : () -> ()
    %mul3A_202 = arith.constant 6272 : i32
    %mul3A_203 = arith.muli %arg1, %mul3A_202 : i32
    %add3A_204 = arith.constant 6144 : i32
    %add3A_205 = arith.addi %mul3A_203, %add3A_204 : i32
    "tpu.region"() ({
      %run_scoped3A = tpu.sem_alloc : memref<!tpu.dma_semaphore, #tpu.memory_space<semaphore_mem>>
      %dma_start3A_213 = arith.constant 0 : i32
      %dma_start3A_214 = arith.constant 0 : i32
      %dma_start3A_215 = tpu.memref_slice %arg12[%dma_start3A_213, %dma_start3A_214] : memref<1536x16xf32, #tpu.memory_space<vmem>> -> memref<128x16xf32, #tpu.memory_space<vmem>>
      %dma_start3A_216 = arith.constant 0 : i32
      %dma_start3A_217 = tpu.memref_slice %arg9[%add3A_205, %dma_start3A_216] : memref<100352x16xf32, #tpu.memory_space<vmem_shared>> -> memref<128x16xf32, #tpu.memory_space<vmem_shared>>
      %dma_start3A_218 = arith.constant 0 : i32
      %dma_start3A_219 = arith.constant 0 : i32
      %dma_start3A_220 = tpu.memref_slice %arg12[%dma_start3A_218, %dma_start3A_219] : memref<1536x16xf32, #tpu.memory_space<vmem>> -> memref<128x16xf32, #tpu.memory_space<vmem>>
      %dma_start3A_221 = arith.constant 0 : i32
      %dma_start3A_222 = tpu.memref_slice %arg9[%add3A_205, %dma_start3A_221] : memref<100352x16xf32, #tpu.memory_space<vmem_shared>> -> memref<128x16xf32, #tpu.memory_space<vmem_shared>>
      tpu.enqueue_dma source(%dma_start3A_222 : memref<128x16xf32, #tpu.memory_space<vmem_shared>>) target(%dma_start3A_220 : memref<128x16xf32, #tpu.memory_space<vmem>>) target_semaphore(%run_scoped3A : memref<!tpu.dma_semaphore, #tpu.memory_space<semaphore_mem>>)
      %dma_wait3A_223 = arith.constant 0 : i32
      %dma_wait3A_224 = arith.constant 0 : i32
      %dma_wait3A_225 = tpu.memref_slice %arg12[%dma_wait3A_223, %dma_wait3A_224] : memref<1536x16xf32, #tpu.memory_space<vmem>> -> memref<128x16xf32, #tpu.memory_space<vmem>>
      %dma_wait3A_226 = arith.constant 0 : i32
      %dma_wait3A_227 = tpu.memref_slice %arg9[%add3A_205, %dma_wait3A_226] : memref<100352x16xf32, #tpu.memory_space<vmem_shared>> -> memref<128x16xf32, #tpu.memory_space<vmem_shared>>
      %dma_wait3A_228 = arith.constant 0 : i32
      %dma_wait3A_229 = arith.constant 0 : i32
      %dma_wait3A_230 = tpu.memref_slice %arg12[%dma_wait3A_228, %dma_wait3A_229] : memref<1536x16xf32, #tpu.memory_space<vmem>> -> memref<128x16xf32, #tpu.memory_space<vmem>>
      %dma_wait3A_231 = arith.constant 0 : i32
      %dma_wait3A_232 = tpu.memref_slice %arg9[%add3A_205, %dma_wait3A_231] : memref<100352x16xf32, #tpu.memory_space<vmem_shared>> -> memref<128x16xf32, #tpu.memory_space<vmem_shared>>
      tpu.wait_dma2 semaphore(%run_scoped3A : memref<!tpu.dma_semaphore, #tpu.memory_space<semaphore_mem>>) src(%dma_wait3A_232 : memref<128x16xf32, #tpu.memory_space<vmem_shared>>) dst(%dma_wait3A_230 : memref<128x16xf32, #tpu.memory_space<vmem>>)
      tpu.yield
    }) : () -> ()
    %mul3A_206 = arith.constant 100352 : i32
    %mul3A_207 = arith.muli %arg0, %mul3A_206 : i32
    %mul3A_208 = arith.constant 6272 : i32
    %mul3A_209 = arith.muli %arg1, %mul3A_208 : i32
    %add3A_210 = arith.addi %mul3A_207, %mul3A_209 : i32
    %add3A_211 = arith.constant 6144 : i32
    %add3A_212 = arith.addi %add3A_210, %add3A_211 : i32
    "tpu.region"() ({
      %run_scoped3A = tpu.sem_alloc : memref<!tpu.dma_semaphore, #tpu.memory_space<semaphore_mem>>
      %dma_start3A_213 = arith.constant 0 : i32
      %dma_start3A_214 = arith.constant 0 : i32
      %dma_start3A_215 = tpu.memref_slice %arg12[%dma_start3A_213, %dma_start3A_214] : memref<1536x16xf32, #tpu.memory_space<vmem>> -> memref<128x16xf32, #tpu.memory_space<vmem>>
      %dma_start3A_216 = arith.constant 0 : i32
      %dma_start3A_217 = tpu.memref_slice %arg8[%add3A_212, %dma_start3A_216] : memref<200704x16xf32, #tpu.memory_space<hbm>> -> memref<128x16xf32, #tpu.memory_space<hbm>>
      %dma_start3A_218 = arith.constant 0 : i32
      %dma_start3A_219 = tpu.memref_slice %arg8[%add3A_212, %dma_start3A_218] : memref<200704x16xf32, #tpu.memory_space<hbm>> -> memref<128x16xf32, #tpu.memory_space<hbm>>
      %dma_start3A_220 = arith.constant 0 : i32
      %dma_start3A_221 = arith.constant 0 : i32
      %dma_start3A_222 = tpu.memref_slice %arg12[%dma_start3A_220, %dma_start3A_221] : memref<1536x16xf32, #tpu.memory_space<vmem>> -> memref<128x16xf32, #tpu.memory_space<vmem>>
      tpu.enqueue_dma source(%dma_start3A_222 : memref<128x16xf32, #tpu.memory_space<vmem>>) target(%dma_start3A_219 : memref<128x16xf32, #tpu.memory_space<hbm>>) target_semaphore(%run_scoped3A : memref<!tpu.dma_semaphore, #tpu.memory_space<semaphore_mem>>)
      %dma_wait3A_223 = arith.constant 0 : i32
      %dma_wait3A_224 = arith.constant 0 : i32
      %dma_wait3A_225 = tpu.memref_slice %arg12[%dma_wait3A_223, %dma_wait3A_224] : memref<1536x16xf32, #tpu.memory_space<vmem>> -> memref<128x16xf32, #tpu.memory_space<vmem>>
      %dma_wait3A_226 = arith.constant 0 : i32
      %dma_wait3A_227 = tpu.memref_slice %arg8[%add3A_212, %dma_wait3A_226] : memref<200704x16xf32, #tpu.memory_space<hbm>> -> memref<128x16xf32, #tpu.memory_space<hbm>>
      %dma_wait3A_228 = arith.constant 0 : i32
      %dma_wait3A_229 = tpu.memref_slice %arg8[%add3A_212, %dma_wait3A_228] : memref<200704x16xf32, #tpu.memory_space<hbm>> -> memref<128x16xf32, #tpu.memory_space<hbm>>
      %dma_wait3A_230 = arith.constant 0 : i32
      %dma_wait3A_231 = arith.constant 0 : i32
      %dma_wait3A_232 = tpu.memref_slice %arg12[%dma_wait3A_230, %dma_wait3A_231] : memref<1536x16xf32, #tpu.memory_space<vmem>> -> memref<128x16xf32, #tpu.memory_space<vmem>>
      tpu.wait_dma2 semaphore(%run_scoped3A : memref<!tpu.dma_semaphore, #tpu.memory_space<semaphore_mem>>) src(%dma_wait3A_232 : memref<128x16xf32, #tpu.memory_space<vmem>>) dst(%dma_wait3A_229 : memref<128x16xf32, #tpu.memory_space<hbm>>)
      tpu.yield
    }) : () -> ()
    return
  }
}

#map = affine_map<(d0, d1) -> (0, 0, 0)>
#map1 = affine_map<(d0, d1) -> (0, 0)>
#map2 = affine_map<(d0, d1) -> (0)>
module attributes {stable_mosaic.version = 14 : i64} {
  func.func @body(%arg0: i32, %arg1: i32, %arg2: memref<2x25000x128xi32, #tpu.memory_space<hbm>>, %arg3: memref<856x128xi32, #tpu.memory_space<hbm>>, %arg4: memref<100352xf32, #tpu.memory_space<hbm>>, %arg5: memref<200704xf32, #tpu.memory_space<hbm>>, %arg6: memref<100352xf32, #tpu.memory_space<vmem_shared>>, %arg7: memref<3x8x128xi32, #tpu.memory_space<vmem>>, %arg8: memref<128xf32, #tpu.memory_space<vmem>>, %arg9: memref<6272xf32, #tpu.memory_space<vmem>>, %arg10: memref<!tpu.dma_semaphore, #tpu.memory_space<semaphore_mem>>, %arg11: memref<!tpu.dma_semaphore, #tpu.memory_space<semaphore_mem>>) attributes {dimension_semantics = [#tpu.dimension_semantics<core_parallel>, #tpu.dimension_semantics<subcore_parallel>], iteration_bounds = array<i64: 2, 16>, scalar_prefetch = 0 : i64, scratch_operands = 6 : i64, tpu.core_type = #tpu.core_type<sc_vector_subcore>, window_params = [{transform_indices = #map}, {transform_indices = #map1}, {transform_indices = #map2}, {transform_indices = #map2}]} {
    %mul3A = arith.constant 16 : i32
    %mul3A_0 = arith.muli %arg0, %mul3A : i32
    %add3A = arith.addi %mul3A_0, %arg1 : i32
    %mul3A_1 = arith.constant 808 : i32
    %mul3A_2 = arith.muli %add3A, %mul3A_1 : i32
    %broadcast_in_dim3A = arith.constant 1.000000e+00 : f32
    %broadcast_in_dim3A_3 = vector.broadcast %broadcast_in_dim3A : f32 to vector<16xf32>
    %swap3A = arith.constant 0 : index
    %swap3A_4 = tpu.vector_load %arg8[%swap3A] {strides = array<i32>} : memref<128xf32, #tpu.memory_space<vmem>>, vector<16xf32>,
    %swap3A_5 = vector.shape_cast %swap3A_4 : vector<16xf32> to vector<16xf32>
    %swap3A_6 = vector.shape_cast %broadcast_in_dim3A_3 : vector<16xf32> to vector<16xf32>
    tpu.vector_store %arg8[%swap3A], %swap3A_6 {strides = array<i32>} : memref<128xf32, #tpu.memory_space<vmem>>, vector<16xf32>,
    %broadcast_in_dim3A_7 = arith.constant 1.000000e+00 : f32
    %broadcast_in_dim3A_8 = vector.broadcast %broadcast_in_dim3A_7 : f32 to vector<16xf32>
    %swap3A_9 = arith.constant 16 : index
    %swap3A_10 = tpu.vector_load %arg8[%swap3A_9] {strides = array<i32>} : memref<128xf32, #tpu.memory_space<vmem>>, vector<16xf32>,
    %swap3A_11 = vector.shape_cast %swap3A_10 : vector<16xf32> to vector<16xf32>
    %swap3A_12 = vector.shape_cast %broadcast_in_dim3A_8 : vector<16xf32> to vector<16xf32>
    tpu.vector_store %arg8[%swap3A_9], %swap3A_12 {strides = array<i32>} : memref<128xf32, #tpu.memory_space<vmem>>, vector<16xf32>,
    %broadcast_in_dim3A_13 = arith.constant 1.000000e+00 : f32
    %broadcast_in_dim3A_14 = vector.broadcast %broadcast_in_dim3A_13 : f32 to vector<16xf32>
    %swap3A_15 = arith.constant 32 : index
    %swap3A_16 = tpu.vector_load %arg8[%swap3A_15] {strides = array<i32>} : memref<128xf32, #tpu.memory_space<vmem>>, vector<16xf32>,
    %swap3A_17 = vector.shape_cast %swap3A_16 : vector<16xf32> to vector<16xf32>
    %swap3A_18 = vector.shape_cast %broadcast_in_dim3A_14 : vector<16xf32> to vector<16xf32>
    tpu.vector_store %arg8[%swap3A_15], %swap3A_18 {strides = array<i32>} : memref<128xf32, #tpu.memory_space<vmem>>, vector<16xf32>,
    %broadcast_in_dim3A_19 = arith.constant 1.000000e+00 : f32
    %broadcast_in_dim3A_20 = vector.broadcast %broadcast_in_dim3A_19 : f32 to vector<16xf32>
    %swap3A_21 = arith.constant 48 : index
    %swap3A_22 = tpu.vector_load %arg8[%swap3A_21] {strides = array<i32>} : memref<128xf32, #tpu.memory_space<vmem>>, vector<16xf32>,
    %swap3A_23 = vector.shape_cast %swap3A_22 : vector<16xf32> to vector<16xf32>
    %swap3A_24 = vector.shape_cast %broadcast_in_dim3A_20 : vector<16xf32> to vector<16xf32>
    tpu.vector_store %arg8[%swap3A_21], %swap3A_24 {strides = array<i32>} : memref<128xf32, #tpu.memory_space<vmem>>, vector<16xf32>,
    %broadcast_in_dim3A_25 = arith.constant 1.000000e+00 : f32
    %broadcast_in_dim3A_26 = vector.broadcast %broadcast_in_dim3A_25 : f32 to vector<16xf32>
    %swap3A_27 = arith.constant 64 : index
    %swap3A_28 = tpu.vector_load %arg8[%swap3A_27] {strides = array<i32>} : memref<128xf32, #tpu.memory_space<vmem>>, vector<16xf32>,
    %swap3A_29 = vector.shape_cast %swap3A_28 : vector<16xf32> to vector<16xf32>
    %swap3A_30 = vector.shape_cast %broadcast_in_dim3A_26 : vector<16xf32> to vector<16xf32>
    tpu.vector_store %arg8[%swap3A_27], %swap3A_30 {strides = array<i32>} : memref<128xf32, #tpu.memory_space<vmem>>, vector<16xf32>,
    %broadcast_in_dim3A_31 = arith.constant 1.000000e+00 : f32
    %broadcast_in_dim3A_32 = vector.broadcast %broadcast_in_dim3A_31 : f32 to vector<16xf32>
    %swap3A_33 = arith.constant 80 : index
    %swap3A_34 = tpu.vector_load %arg8[%swap3A_33] {strides = array<i32>} : memref<128xf32, #tpu.memory_space<vmem>>, vector<16xf32>,
    %swap3A_35 = vector.shape_cast %swap3A_34 : vector<16xf32> to vector<16xf32>
    %swap3A_36 = vector.shape_cast %broadcast_in_dim3A_32 : vector<16xf32> to vector<16xf32>
    tpu.vector_store %arg8[%swap3A_33], %swap3A_36 {strides = array<i32>} : memref<128xf32, #tpu.memory_space<vmem>>, vector<16xf32>,
    %broadcast_in_dim3A_37 = arith.constant 1.000000e+00 : f32
    %broadcast_in_dim3A_38 = vector.broadcast %broadcast_in_dim3A_37 : f32 to vector<16xf32>
    %swap3A_39 = arith.constant 96 : index
    %swap3A_40 = tpu.vector_load %arg8[%swap3A_39] {strides = array<i32>} : memref<128xf32, #tpu.memory_space<vmem>>, vector<16xf32>,
    %swap3A_41 = vector.shape_cast %swap3A_40 : vector<16xf32> to vector<16xf32>
    %swap3A_42 = vector.shape_cast %broadcast_in_dim3A_38 : vector<16xf32> to vector<16xf32>
    tpu.vector_store %arg8[%swap3A_39], %swap3A_42 {strides = array<i32>} : memref<128xf32, #tpu.memory_space<vmem>>, vector<16xf32>,
    %broadcast_in_dim3A_43 = arith.constant 1.000000e+00 : f32
    %broadcast_in_dim3A_44 = vector.broadcast %broadcast_in_dim3A_43 : f32 to vector<16xf32>
    %swap3A_45 = arith.constant 112 : index
    %swap3A_46 = tpu.vector_load %arg8[%swap3A_45] {strides = array<i32>} : memref<128xf32, #tpu.memory_space<vmem>>, vector<16xf32>,
    %swap3A_47 = vector.shape_cast %swap3A_46 : vector<16xf32> to vector<16xf32>
    %swap3A_48 = vector.shape_cast %broadcast_in_dim3A_44 : vector<16xf32> to vector<16xf32>
    tpu.vector_store %arg8[%swap3A_45], %swap3A_48 {strides = array<i32>} : memref<128xf32, #tpu.memory_space<vmem>>, vector<16xf32>,
    %mul3A_49 = arith.constant 6272 : i32
    %mul3A_50 = arith.muli %arg1, %mul3A_49 : i32
    "tpu.region"() ({
      %run_scoped3A = tpu.sem_alloc : memref<!tpu.dma_semaphore, #tpu.memory_space<semaphore_mem>>
      %dma_start3A = tpu.memref_slice %arg4[%mul3A_50] : memref<100352xf32, #tpu.memory_space<hbm>> -> memref<6272xf32, #tpu.memory_space<hbm>>
      %dma_start3A_122 = tpu.memref_slice %arg4[%mul3A_50] : memref<100352xf32, #tpu.memory_space<hbm>> -> memref<6272xf32, #tpu.memory_space<hbm>>
      tpu.enqueue_dma source(%dma_start3A_122 : memref<6272xf32, #tpu.memory_space<hbm>>) target(%arg9 : memref<6272xf32, #tpu.memory_space<vmem>>) target_semaphore(%run_scoped3A : memref<!tpu.dma_semaphore, #tpu.memory_space<semaphore_mem>>)
      %dma_wait3A_123 = tpu.memref_slice %arg4[%mul3A_50] : memref<100352xf32, #tpu.memory_space<hbm>> -> memref<6272xf32, #tpu.memory_space<hbm>>
      %dma_wait3A_124 = tpu.memref_slice %arg4[%mul3A_50] : memref<100352xf32, #tpu.memory_space<hbm>> -> memref<6272xf32, #tpu.memory_space<hbm>>
      tpu.wait_dma2 semaphore(%run_scoped3A : memref<!tpu.dma_semaphore, #tpu.memory_space<semaphore_mem>>) src(%dma_wait3A_124 : memref<6272xf32, #tpu.memory_space<hbm>>) dst(%arg9 : memref<6272xf32, #tpu.memory_space<vmem>>)
      tpu.yield
    }) : () -> ()
    %mul3A_51 = arith.constant 6272 : i32
    %mul3A_52 = arith.muli %arg1, %mul3A_51 : i32
    "tpu.region"() ({
      %run_scoped3A = tpu.sem_alloc : memref<!tpu.dma_semaphore, #tpu.memory_space<semaphore_mem>>
      %dma_start3A = tpu.memref_slice %arg6[%mul3A_52] : memref<100352xf32, #tpu.memory_space<vmem_shared>> -> memref<6272xf32, #tpu.memory_space<vmem_shared>>
      %dma_start3A_122 = tpu.memref_slice %arg6[%mul3A_52] : memref<100352xf32, #tpu.memory_space<vmem_shared>> -> memref<6272xf32, #tpu.memory_space<vmem_shared>>
      tpu.enqueue_dma source(%arg9 : memref<6272xf32, #tpu.memory_space<vmem>>) target(%dma_start3A_122 : memref<6272xf32, #tpu.memory_space<vmem_shared>>) target_semaphore(%run_scoped3A : memref<!tpu.dma_semaphore, #tpu.memory_space<semaphore_mem>>)
      %dma_wait3A_123 = tpu.memref_slice %arg6[%mul3A_52] : memref<100352xf32, #tpu.memory_space<vmem_shared>> -> memref<6272xf32, #tpu.memory_space<vmem_shared>>
      %dma_wait3A_124 = tpu.memref_slice %arg6[%mul3A_52] : memref<100352xf32, #tpu.memory_space<vmem_shared>> -> memref<6272xf32, #tpu.memory_space<vmem_shared>>
      tpu.wait_dma2 semaphore(%run_scoped3A : memref<!tpu.dma_semaphore, #tpu.memory_space<semaphore_mem>>) src(%arg9 : memref<6272xf32, #tpu.memory_space<vmem>>) dst(%dma_wait3A_124 : memref<6272xf32, #tpu.memory_space<vmem_shared>>)
      tpu.yield
    }) : () -> ()
    %barrier3A = arith.constant 0 : index
    tpu.barrier barrier_id(%barrier3A)
    %lt3A = arith.constant 25000 : i32
    %lt3A_53 = arith.cmpi slt, %mul3A_2, %lt3A : i32
    %convert_element_type3A = arith.extui %lt3A_53 : i1 to i32
    %cond3A = arith.constant 0 : i32
    %cond3A_54 = arith.constant 0 : i32
    %cond3A_55 = arith.cmpi ne, %convert_element_type3A, %cond3A_54 : i32
    scf.if %cond3A_55 {
      %dma_start3A = arith.constant 1 : i32
      %dma_start3A_122 = arith.constant 0 : i32
      %dma_start3A_123 = arith.constant 0 : i32
      %dma_start3A_124 = tpu.memref_slice %arg7[%cond3A, %dma_start3A_122, %dma_start3A_123] : memref<3x8x128xi32, #tpu.memory_space<vmem>> -> memref<1x8x128xi32, #tpu.memory_space<vmem>>
      %dma_start3A_125 = tpu.memref_squeeze %dma_start3A_124 : memref<1x8x128xi32, #tpu.memory_space<vmem>> -> memref<8x128xi32, #tpu.memory_space<vmem>>
      %dma_start3A_126 = arith.constant 0 : i32
      %dma_start3A_127 = tpu.memref_slice %arg2[%dma_start3A, %mul3A_2, %dma_start3A_126] : memref<2x25000x128xi32, #tpu.memory_space<hbm>> -> memref<1x8x128xi32, #tpu.memory_space<hbm>>
      %dma_start3A_128 = tpu.memref_squeeze %dma_start3A_127 : memref<1x8x128xi32, #tpu.memory_space<hbm>> -> memref<8x128xi32, #tpu.memory_space<hbm>>
      %dma_start3A_129 = arith.constant 0 : i32
      %dma_start3A_130 = arith.constant 0 : i32
      %dma_start3A_131 = tpu.memref_slice %arg7[%cond3A, %dma_start3A_129, %dma_start3A_130] : memref<3x8x128xi32, #tpu.memory_space<vmem>> -> memref<1x8x128xi32, #tpu.memory_space<vmem>>
      %dma_start3A_132 = tpu.memref_squeeze %dma_start3A_131 : memref<1x8x128xi32, #tpu.memory_space<vmem>> -> memref<8x128xi32, #tpu.memory_space<vmem>>
      %dma_start3A_133 = arith.constant 0 : i32
      %dma_start3A_134 = tpu.memref_slice %arg2[%dma_start3A, %mul3A_2, %dma_start3A_133] : memref<2x25000x128xi32, #tpu.memory_space<hbm>> -> memref<1x8x128xi32, #tpu.memory_space<hbm>>
      %dma_start3A_135 = tpu.memref_squeeze %dma_start3A_134 : memref<1x8x128xi32, #tpu.memory_space<hbm>> -> memref<8x128xi32, #tpu.memory_space<hbm>>
      tpu.enqueue_dma source(%dma_start3A_135 : memref<8x128xi32, #tpu.memory_space<hbm>>) target(%dma_start3A_132 : memref<8x128xi32, #tpu.memory_space<vmem>>) target_semaphore(%arg11 : memref<!tpu.dma_semaphore, #tpu.memory_space<semaphore_mem>>)
    } else {
    }
    %ge3A = arith.constant 25000 : i32
    %ge3A_56 = arith.cmpi sge, %mul3A_2, %ge3A : i32
    %convert_element_type3A_57 = arith.extui %ge3A_56 : i1 to i32
    %cond3A_58 = arith.constant 0 : i32
    %cond3A_59 = arith.constant 0 : i32
    %cond3A_60 = arith.cmpi ne, %convert_element_type3A_57, %cond3A_59 : i32
    scf.if %cond3A_60 {
      %sub3A = arith.constant 25000 : i32
      %sub3A_122 = arith.subi %mul3A_2, %sub3A : i32
      %dma_start3A = arith.constant 0 : i32
      %dma_start3A_123 = arith.constant 0 : i32
      %dma_start3A_124 = tpu.memref_slice %arg7[%cond3A_58, %dma_start3A, %dma_start3A_123] : memref<3x8x128xi32, #tpu.memory_space<vmem>> -> memref<1x8x128xi32, #tpu.memory_space<vmem>>
      %dma_start3A_125 = tpu.memref_squeeze %dma_start3A_124 : memref<1x8x128xi32, #tpu.memory_space<vmem>> -> memref<8x128xi32, #tpu.memory_space<vmem>>
      %dma_start3A_126 = arith.constant 0 : i32
      %dma_start3A_127 = tpu.memref_slice %arg3[%sub3A_122, %dma_start3A_126] : memref<856x128xi32, #tpu.memory_space<hbm>> -> memref<8x128xi32, #tpu.memory_space<hbm>>
      %dma_start3A_128 = arith.constant 0 : i32
      %dma_start3A_129 = arith.constant 0 : i32
      %dma_start3A_130 = tpu.memref_slice %arg7[%cond3A_58, %dma_start3A_128, %dma_start3A_129] : memref<3x8x128xi32, #tpu.memory_space<vmem>> -> memref<1x8x128xi32, #tpu.memory_space<vmem>>
      %dma_start3A_131 = tpu.memref_squeeze %dma_start3A_130 : memref<1x8x128xi32, #tpu.memory_space<vmem>> -> memref<8x128xi32, #tpu.memory_space<vmem>>
      %dma_start3A_132 = arith.constant 0 : i32
      %dma_start3A_133 = tpu.memref_slice %arg3[%sub3A_122, %dma_start3A_132] : memref<856x128xi32, #tpu.memory_space<hbm>> -> memref<8x128xi32, #tpu.memory_space<hbm>>
      tpu.enqueue_dma source(%dma_start3A_133 : memref<8x128xi32, #tpu.memory_space<hbm>>) target(%dma_start3A_131 : memref<8x128xi32, #tpu.memory_space<vmem>>) target_semaphore(%arg11 : memref<!tpu.dma_semaphore, #tpu.memory_space<semaphore_mem>>)
    } else {
    }
    %dma_wait3A = arith.constant 0 : i32
    %dma_wait3A_61 = arith.constant 0 : i32
    %dma_wait3A_62 = arith.constant 0 : i32
    %dma_wait3A_63 = arith.constant 0 : i32
    %dma_wait3A_64 = tpu.memref_slice %arg7[%dma_wait3A_61, %dma_wait3A_62, %dma_wait3A_63] : memref<3x8x128xi32, #tpu.memory_space<vmem>> -> memref<1x8x128xi32, #tpu.memory_space<vmem>>
    %dma_wait3A_65 = tpu.memref_squeeze %dma_wait3A_64 : memref<1x8x128xi32, #tpu.memory_space<vmem>> -> memref<8x128xi32, #tpu.memory_space<vmem>>
    %dma_wait3A_66 = arith.constant 0 : i32
    %dma_wait3A_67 = arith.constant 0 : i32
    %dma_wait3A_68 = tpu.memref_slice %arg2[%dma_wait3A, %dma_wait3A_66, %dma_wait3A_67] : memref<2x25000x128xi32, #tpu.memory_space<hbm>> -> memref<1x8x128xi32, #tpu.memory_space<hbm>>
    %dma_wait3A_69 = tpu.memref_squeeze %dma_wait3A_68 : memref<1x8x128xi32, #tpu.memory_space<hbm>> -> memref<8x128xi32, #tpu.memory_space<hbm>>
    %dma_wait3A_70 = arith.constant 0 : i32
    %dma_wait3A_71 = arith.constant 0 : i32
    %dma_wait3A_72 = tpu.memref_slice %arg7[%dma_wait3A_61, %dma_wait3A_70, %dma_wait3A_71] : memref<3x8x128xi32, #tpu.memory_space<vmem>> -> memref<1x8x128xi32, #tpu.memory_space<vmem>>
    %dma_wait3A_73 = tpu.memref_squeeze %dma_wait3A_72 : memref<1x8x128xi32, #tpu.memory_space<vmem>> -> memref<8x128xi32, #tpu.memory_space<vmem>>
    %dma_wait3A_74 = arith.constant 0 : i32
    %dma_wait3A_75 = arith.constant 0 : i32
    %dma_wait3A_76 = tpu.memref_slice %arg2[%dma_wait3A, %dma_wait3A_74, %dma_wait3A_75] : memref<2x25000x128xi32, #tpu.memory_space<hbm>> -> memref<1x8x128xi32, #tpu.memory_space<hbm>>
    %dma_wait3A_77 = tpu.memref_squeeze %dma_wait3A_76 : memref<1x8x128xi32, #tpu.memory_space<hbm>> -> memref<8x128xi32, #tpu.memory_space<hbm>>
    tpu.wait_dma2 semaphore(%arg11 : memref<!tpu.dma_semaphore, #tpu.memory_space<semaphore_mem>>) src(%dma_wait3A_77 : memref<8x128xi32, #tpu.memory_space<hbm>>) dst(%dma_wait3A_73 : memref<8x128xi32, #tpu.memory_space<vmem>>)
    %add3A_78 = arith.constant 8 : i32
    %add3A_79 = arith.addi %mul3A_2, %add3A_78 : i32
    %lt3A_80 = arith.constant 25000 : i32
    %lt3A_81 = arith.cmpi slt, %add3A_79, %lt3A_80 : i32
    %convert_element_type3A_82 = arith.extui %lt3A_81 : i1 to i32
    %cond3A_83 = arith.constant 1 : i32
    %cond3A_84 = arith.constant 0 : i32
    %cond3A_85 = arith.cmpi ne, %convert_element_type3A_82, %cond3A_84 : i32
    scf.if %cond3A_85 {
      %dma_start3A = arith.constant 1 : i32
      %dma_start3A_122 = arith.constant 0 : i32
      %dma_start3A_123 = arith.constant 0 : i32
      %dma_start3A_124 = tpu.memref_slice %arg7[%cond3A_83, %dma_start3A_122, %dma_start3A_123] : memref<3x8x128xi32, #tpu.memory_space<vmem>> -> memref<1x8x128xi32, #tpu.memory_space<vmem>>
      %dma_start3A_125 = tpu.memref_squeeze %dma_start3A_124 : memref<1x8x128xi32, #tpu.memory_space<vmem>> -> memref<8x128xi32, #tpu.memory_space<vmem>>
      %dma_start3A_126 = arith.constant 0 : i32
      %dma_start3A_127 = tpu.memref_slice %arg2[%dma_start3A, %add3A_79, %dma_start3A_126] : memref<2x25000x128xi32, #tpu.memory_space<hbm>> -> memref<1x8x128xi32, #tpu.memory_space<hbm>>
      %dma_start3A_128 = tpu.memref_squeeze %dma_start3A_127 : memref<1x8x128xi32, #tpu.memory_space<hbm>> -> memref<8x128xi32, #tpu.memory_space<hbm>>
      %dma_start3A_129 = arith.constant 0 : i32
      %dma_start3A_130 = arith.constant 0 : i32
      %dma_start3A_131 = tpu.memref_slice %arg7[%cond3A_83, %dma_start3A_129, %dma_start3A_130] : memref<3x8x128xi32, #tpu.memory_space<vmem>> -> memref<1x8x128xi32, #tpu.memory_space<vmem>>
      %dma_start3A_132 = tpu.memref_squeeze %dma_start3A_131 : memref<1x8x128xi32, #tpu.memory_space<vmem>> -> memref<8x128xi32, #tpu.memory_space<vmem>>
      %dma_start3A_133 = arith.constant 0 : i32
      %dma_start3A_134 = tpu.memref_slice %arg2[%dma_start3A, %add3A_79, %dma_start3A_133] : memref<2x25000x128xi32, #tpu.memory_space<hbm>> -> memref<1x8x128xi32, #tpu.memory_space<hbm>>
      %dma_start3A_135 = tpu.memref_squeeze %dma_start3A_134 : memref<1x8x128xi32, #tpu.memory_space<hbm>> -> memref<8x128xi32, #tpu.memory_space<hbm>>
      tpu.enqueue_dma source(%dma_start3A_135 : memref<8x128xi32, #tpu.memory_space<hbm>>) target(%dma_start3A_132 : memref<8x128xi32, #tpu.memory_space<vmem>>) target_semaphore(%arg11 : memref<!tpu.dma_semaphore, #tpu.memory_space<semaphore_mem>>)
    } else {
    }
    %ge3A_86 = arith.constant 25000 : i32
    %ge3A_87 = arith.cmpi sge, %add3A_79, %ge3A_86 : i32
    %convert_element_type3A_88 = arith.extui %ge3A_87 : i1 to i32
    %cond3A_89 = arith.constant 1 : i32
    %cond3A_90 = arith.constant 0 : i32
    %cond3A_91 = arith.cmpi ne, %convert_element_type3A_88, %cond3A_90 : i32
    scf.if %cond3A_91 {
      %sub3A = arith.constant 25000 : i32
      %sub3A_122 = arith.subi %add3A_79, %sub3A : i32
      %dma_start3A = arith.constant 0 : i32
      %dma_start3A_123 = arith.constant 0 : i32
      %dma_start3A_124 = tpu.memref_slice %arg7[%cond3A_89, %dma_start3A, %dma_start3A_123] : memref<3x8x128xi32, #tpu.memory_space<vmem>> -> memref<1x8x128xi32, #tpu.memory_space<vmem>>
      %dma_start3A_125 = tpu.memref_squeeze %dma_start3A_124 : memref<1x8x128xi32, #tpu.memory_space<vmem>> -> memref<8x128xi32, #tpu.memory_space<vmem>>
      %dma_start3A_126 = arith.constant 0 : i32
      %dma_start3A_127 = tpu.memref_slice %arg3[%sub3A_122, %dma_start3A_126] : memref<856x128xi32, #tpu.memory_space<hbm>> -> memref<8x128xi32, #tpu.memory_space<hbm>>
      %dma_start3A_128 = arith.constant 0 : i32
      %dma_start3A_129 = arith.constant 0 : i32
      %dma_start3A_130 = tpu.memref_slice %arg7[%cond3A_89, %dma_start3A_128, %dma_start3A_129] : memref<3x8x128xi32, #tpu.memory_space<vmem>> -> memref<1x8x128xi32, #tpu.memory_space<vmem>>
      %dma_start3A_131 = tpu.memref_squeeze %dma_start3A_130 : memref<1x8x128xi32, #tpu.memory_space<vmem>> -> memref<8x128xi32, #tpu.memory_space<vmem>>
      %dma_start3A_132 = arith.constant 0 : i32
      %dma_start3A_133 = tpu.memref_slice %arg3[%sub3A_122, %dma_start3A_132] : memref<856x128xi32, #tpu.memory_space<hbm>> -> memref<8x128xi32, #tpu.memory_space<hbm>>
      tpu.enqueue_dma source(%dma_start3A_133 : memref<8x128xi32, #tpu.memory_space<hbm>>) target(%dma_start3A_131 : memref<8x128xi32, #tpu.memory_space<vmem>>) target_semaphore(%arg11 : memref<!tpu.dma_semaphore, #tpu.memory_space<semaphore_mem>>)
    } else {
    }
    %scan3A = arith.constant 0 : i32
    %scan3A_92 = arith.constant 101 : i32
    %scan3A_93 = arith.addi %scan3A, %scan3A_92 : i32
    %scan3A_94 = arith.constant 1 : i32
    scf.for %scan3A_122 = %scan3A to %scan3A_93 step %scan3A_94  : i32 {
      %add3A_123 = arith.constant 3 : i32
      %add3A_124 = arith.addi %scan3A_122, %add3A_123 : i32
      %sub3A = arith.constant 1 : i32
      %sub3A_125 = arith.subi %add3A_124, %sub3A : i32
      %jit3A = arith.constant 3 : i32
      %eq3A = arith.constant 0 : i32
      %eq3A_126 = arith.cmpi eq, %jit3A, %eq3A : i32
      %jit3A_127 = arith.constant 1 : i32
      %select_n3A = arith.select %eq3A_126, %jit3A_127, %jit3A : i32
      %rem3A = arith.remsi %sub3A_125, %select_n3A : i32
      %ne3A = arith.constant 0 : i32
      %ne3A_128 = arith.cmpi ne, %rem3A, %ne3A : i32
      %lt3A_129 = arith.constant 0 : i32
      %lt3A_130 = arith.cmpi slt, %rem3A, %lt3A_129 : i32
      %lt3A_131 = arith.constant 0 : i32
      %lt3A_132 = arith.cmpi slt, %select_n3A, %lt3A_131 : i32
      %ne3A_133 = arith.xori %lt3A_130, %lt3A_132 : i1
      %and3A = arith.andi %ne3A_133, %ne3A_128 : i1
      %add3A_134 = arith.addi %rem3A, %select_n3A : i32
      %select_n3A_135 = arith.select %and3A, %add3A_134, %rem3A : i32
      %jit3A_136 = arith.constant 3 : i32
      %eq3A_137 = arith.constant 0 : i32
      %eq3A_138 = arith.cmpi eq, %jit3A_136, %eq3A_137 : i32
      %jit3A_139 = arith.constant 1 : i32
      %select_n3A_140 = arith.select %eq3A_138, %jit3A_139, %jit3A_136 : i32
      %rem3A_141 = arith.remsi %scan3A_122, %select_n3A_140 : i32
      %ne3A_142 = arith.constant 0 : i32
      %ne3A_143 = arith.cmpi ne, %rem3A_141, %ne3A_142 : i32
      %lt3A_144 = arith.constant 0 : i32
      %lt3A_145 = arith.cmpi slt, %rem3A_141, %lt3A_144 : i32
      %lt3A_146 = arith.constant 0 : i32
      %lt3A_147 = arith.cmpi slt, %select_n3A_140, %lt3A_146 : i32
      %ne3A_148 = arith.xori %lt3A_145, %lt3A_147 : i1
      %and3A_149 = arith.andi %ne3A_148, %ne3A_143 : i1
      %add3A_150 = arith.addi %rem3A_141, %select_n3A_140 : i32
      %select_n3A_151 = arith.select %and3A_149, %add3A_150, %rem3A_141 : i32
      %add3A_152 = arith.constant 1 : i32
      %add3A_153 = arith.addi %scan3A_122, %add3A_152 : i32
      %jit3A_154 = arith.constant 3 : i32
      %eq3A_155 = arith.constant 0 : i32
      %eq3A_156 = arith.cmpi eq, %jit3A_154, %eq3A_155 : i32
      %jit3A_157 = arith.constant 1 : i32
      %select_n3A_158 = arith.select %eq3A_156, %jit3A_157, %jit3A_154 : i32
      %rem3A_159 = arith.remsi %add3A_153, %select_n3A_158 : i32
      %ne3A_160 = arith.constant 0 : i32
      %ne3A_161 = arith.cmpi ne, %rem3A_159, %ne3A_160 : i32
      %lt3A_162 = arith.constant 0 : i32
      %lt3A_163 = arith.cmpi slt, %rem3A_159, %lt3A_162 : i32
      %lt3A_164 = arith.constant 0 : i32
      %lt3A_165 = arith.cmpi slt, %select_n3A_158, %lt3A_164 : i32
      %ne3A_166 = arith.xori %lt3A_163, %lt3A_165 : i1
      %and3A_167 = arith.andi %ne3A_166, %ne3A_161 : i1
      %add3A_168 = arith.addi %rem3A_159, %select_n3A_158 : i32
      %select_n3A_169 = arith.select %and3A_167, %add3A_168, %rem3A_159 : i32
      %add3A_170 = arith.constant 2 : i32
      %add3A_171 = arith.addi %scan3A_122, %add3A_170 : i32
      %jit3A_172 = arith.constant 3 : i32
      %eq3A_173 = arith.constant 0 : i32
      %eq3A_174 = arith.cmpi eq, %jit3A_172, %eq3A_173 : i32
      %jit3A_175 = arith.constant 1 : i32
      %select_n3A_176 = arith.select %eq3A_174, %jit3A_175, %jit3A_172 : i32
      %rem3A_177 = arith.remsi %add3A_171, %select_n3A_176 : i32
      %ne3A_178 = arith.constant 0 : i32
      %ne3A_179 = arith.cmpi ne, %rem3A_177, %ne3A_178 : i32
      %lt3A_180 = arith.constant 0 : i32
      %lt3A_181 = arith.cmpi slt, %rem3A_177, %lt3A_180 : i32
      %lt3A_182 = arith.constant 0 : i32
      %lt3A_183 = arith.cmpi slt, %select_n3A_176, %lt3A_182 : i32
      %ne3A_184 = arith.xori %lt3A_181, %lt3A_183 : i1
      %and3A_185 = arith.andi %ne3A_184, %ne3A_179 : i1
      %add3A_186 = arith.addi %rem3A_177, %select_n3A_176 : i32
      %select_n3A_187 = arith.select %and3A_185, %add3A_186, %rem3A_177 : i32
      %gt3A = arith.constant 0 : i32
      %gt3A_188 = arith.cmpi sgt, %scan3A_122, %gt3A : i32
      %convert_element_type3A_189 = arith.extui %gt3A_188 : i1 to i32
      %cond3A_190 = arith.constant 0 : i32
      %cond3A_191 = arith.cmpi ne, %convert_element_type3A_189, %cond3A_190 : i32
      scf.if %cond3A_191 {
        %dma_wait3A_249 = arith.constant 0 : i32
        %dma_wait3A_250 = arith.constant 0 : i32
        %dma_wait3A_251 = arith.constant 0 : i32
        %dma_wait3A_252 = tpu.memref_slice %arg7[%select_n3A_135, %dma_wait3A_250, %dma_wait3A_251] : memref<3x8x128xi32, #tpu.memory_space<vmem>> -> memref<1x8x128xi32, #tpu.memory_space<vmem>>
        %dma_wait3A_253 = tpu.memref_squeeze %dma_wait3A_252 : memref<1x8x128xi32, #tpu.memory_space<vmem>> -> memref<8x128xi32, #tpu.memory_space<vmem>>
        %dma_wait3A_254 = arith.constant 0 : i32
        %dma_wait3A_255 = arith.constant 0 : i32
        %dma_wait3A_256 = tpu.memref_slice %arg2[%dma_wait3A_249, %dma_wait3A_254, %dma_wait3A_255] : memref<2x25000x128xi32, #tpu.memory_space<hbm>> -> memref<1x8x128xi32, #tpu.memory_space<hbm>>
        %dma_wait3A_257 = tpu.memref_squeeze %dma_wait3A_256 : memref<1x8x128xi32, #tpu.memory_space<hbm>> -> memref<8x128xi32, #tpu.memory_space<hbm>>
        %dma_wait3A_258 = arith.constant 0 : i32
        %dma_wait3A_259 = arith.constant 0 : i32
        %dma_wait3A_260 = tpu.memref_slice %arg7[%select_n3A_135, %dma_wait3A_258, %dma_wait3A_259] : memref<3x8x128xi32, #tpu.memory_space<vmem>> -> memref<1x8x128xi32, #tpu.memory_space<vmem>>
        %dma_wait3A_261 = tpu.memref_squeeze %dma_wait3A_260 : memref<1x8x128xi32, #tpu.memory_space<vmem>> -> memref<8x128xi32, #tpu.memory_space<vmem>>
        %dma_wait3A_262 = arith.constant 0 : i32
        %dma_wait3A_263 = arith.constant 0 : i32
        %dma_wait3A_264 = tpu.memref_slice %arg2[%dma_wait3A_249, %dma_wait3A_262, %dma_wait3A_263] : memref<2x25000x128xi32, #tpu.memory_space<hbm>> -> memref<1x8x128xi32, #tpu.memory_space<hbm>>
        %dma_wait3A_265 = tpu.memref_squeeze %dma_wait3A_264 : memref<1x8x128xi32, #tpu.memory_space<hbm>> -> memref<8x128xi32, #tpu.memory_space<hbm>>
        tpu.wait_dma2 semaphore(%arg10 : memref<!tpu.dma_semaphore, #tpu.memory_space<semaphore_mem>>) src(%dma_wait3A_265 : memref<8x128xi32, #tpu.memory_space<hbm>>) dst(%dma_wait3A_261 : memref<8x128xi32, #tpu.memory_space<vmem>>)
      } else {
      }
      %dma_start3A = arith.constant 0 : i32
      %dma_start3A_192 = arith.constant 0 : i32
      %dma_start3A_193 = tpu.memref_slice %arg7[%select_n3A_151, %dma_start3A, %dma_start3A_192] : memref<3x8x128xi32, #tpu.memory_space<vmem>> -> memref<1x1x128xi32, #tpu.memory_space<vmem>>
      %dma_start3A_194 = tpu.memref_squeeze %dma_start3A_193 : memref<1x1x128xi32, #tpu.memory_space<vmem>> -> memref<128xi32, #tpu.memory_space<vmem>>
      %dma_start3A_195 = arith.constant 0 : i32
      %dma_start3A_196 = tpu.memref_slice %arg6[%dma_start3A_195] : memref<100352xf32, #tpu.memory_space<vmem_shared>> -> memref<100352xf32, #tpu.memory_space<vmem_shared>>
      tpu.enqueue_indirect_dma source(%arg8 : memref<128xf32, #tpu.memory_space<vmem>>) target(%dma_start3A_196 : memref<100352xf32, #tpu.memory_space<vmem_shared>>) offsets(%dma_start3A_194 : memref<128xi32, #tpu.memory_space<vmem>>) semaphore(%arg10 : memref<!tpu.dma_semaphore, #tpu.memory_space<semaphore_mem>>) {add = true}
      %dma_start3A_197 = arith.constant 1 : i32
      %dma_start3A_198 = arith.constant 0 : i32
      %dma_start3A_199 = tpu.memref_slice %arg7[%select_n3A_151, %dma_start3A_197, %dma_start3A_198] : memref<3x8x128xi32, #tpu.memory_space<vmem>> -> memref<1x1x128xi32, #tpu.memory_space<vmem>>
      %dma_start3A_200 = tpu.memref_squeeze %dma_start3A_199 : memref<1x1x128xi32, #tpu.memory_space<vmem>> -> memref<128xi32, #tpu.memory_space<vmem>>
      %dma_start3A_201 = arith.constant 0 : i32
      %dma_start3A_202 = tpu.memref_slice %arg6[%dma_start3A_201] : memref<100352xf32, #tpu.memory_space<vmem_shared>> -> memref<100352xf32, #tpu.memory_space<vmem_shared>>
      tpu.enqueue_indirect_dma source(%arg8 : memref<128xf32, #tpu.memory_space<vmem>>) target(%dma_start3A_202 : memref<100352xf32, #tpu.memory_space<vmem_shared>>) offsets(%dma_start3A_200 : memref<128xi32, #tpu.memory_space<vmem>>) semaphore(%arg10 : memref<!tpu.dma_semaphore, #tpu.memory_space<semaphore_mem>>) {add = true}
      %dma_start3A_203 = arith.constant 2 : i32
      %dma_start3A_204 = arith.constant 0 : i32
      %dma_start3A_205 = tpu.memref_slice %arg7[%select_n3A_151, %dma_start3A_203, %dma_start3A_204] : memref<3x8x128xi32, #tpu.memory_space<vmem>> -> memref<1x1x128xi32, #tpu.memory_space<vmem>>
      %dma_start3A_206 = tpu.memref_squeeze %dma_start3A_205 : memref<1x1x128xi32, #tpu.memory_space<vmem>> -> memref<128xi32, #tpu.memory_space<vmem>>
      %dma_start3A_207 = arith.constant 0 : i32
      %dma_start3A_208 = tpu.memref_slice %arg6[%dma_start3A_207] : memref<100352xf32, #tpu.memory_space<vmem_shared>> -> memref<100352xf32, #tpu.memory_space<vmem_shared>>
      tpu.enqueue_indirect_dma source(%arg8 : memref<128xf32, #tpu.memory_space<vmem>>) target(%dma_start3A_208 : memref<100352xf32, #tpu.memory_space<vmem_shared>>) offsets(%dma_start3A_206 : memref<128xi32, #tpu.memory_space<vmem>>) semaphore(%arg10 : memref<!tpu.dma_semaphore, #tpu.memory_space<semaphore_mem>>) {add = true}
      %dma_start3A_209 = arith.constant 3 : i32
      %dma_start3A_210 = arith.constant 0 : i32
      %dma_start3A_211 = tpu.memref_slice %arg7[%select_n3A_151, %dma_start3A_209, %dma_start3A_210] : memref<3x8x128xi32, #tpu.memory_space<vmem>> -> memref<1x1x128xi32, #tpu.memory_space<vmem>>
      %dma_start3A_212 = tpu.memref_squeeze %dma_start3A_211 : memref<1x1x128xi32, #tpu.memory_space<vmem>> -> memref<128xi32, #tpu.memory_space<vmem>>
      %dma_start3A_213 = arith.constant 0 : i32
      %dma_start3A_214 = tpu.memref_slice %arg6[%dma_start3A_213] : memref<100352xf32, #tpu.memory_space<vmem_shared>> -> memref<100352xf32, #tpu.memory_space<vmem_shared>>
      tpu.enqueue_indirect_dma source(%arg8 : memref<128xf32, #tpu.memory_space<vmem>>) target(%dma_start3A_214 : memref<100352xf32, #tpu.memory_space<vmem_shared>>) offsets(%dma_start3A_212 : memref<128xi32, #tpu.memory_space<vmem>>) semaphore(%arg10 : memref<!tpu.dma_semaphore, #tpu.memory_space<semaphore_mem>>) {add = true}
      %dma_start3A_215 = arith.constant 4 : i32
      %dma_start3A_216 = arith.constant 0 : i32
      %dma_start3A_217 = tpu.memref_slice %arg7[%select_n3A_151, %dma_start3A_215, %dma_start3A_216] : memref<3x8x128xi32, #tpu.memory_space<vmem>> -> memref<1x1x128xi32, #tpu.memory_space<vmem>>
      %dma_start3A_218 = tpu.memref_squeeze %dma_start3A_217 : memref<1x1x128xi32, #tpu.memory_space<vmem>> -> memref<128xi32, #tpu.memory_space<vmem>>
      %dma_start3A_219 = arith.constant 0 : i32
      %dma_start3A_220 = tpu.memref_slice %arg6[%dma_start3A_219] : memref<100352xf32, #tpu.memory_space<vmem_shared>> -> memref<100352xf32, #tpu.memory_space<vmem_shared>>
      tpu.enqueue_indirect_dma source(%arg8 : memref<128xf32, #tpu.memory_space<vmem>>) target(%dma_start3A_220 : memref<100352xf32, #tpu.memory_space<vmem_shared>>) offsets(%dma_start3A_218 : memref<128xi32, #tpu.memory_space<vmem>>) semaphore(%arg10 : memref<!tpu.dma_semaphore, #tpu.memory_space<semaphore_mem>>) {add = true}
      %dma_start3A_221 = arith.constant 5 : i32
      %dma_start3A_222 = arith.constant 0 : i32
      %dma_start3A_223 = tpu.memref_slice %arg7[%select_n3A_151, %dma_start3A_221, %dma_start3A_222] : memref<3x8x128xi32, #tpu.memory_space<vmem>> -> memref<1x1x128xi32, #tpu.memory_space<vmem>>
      %dma_start3A_224 = tpu.memref_squeeze %dma_start3A_223 : memref<1x1x128xi32, #tpu.memory_space<vmem>> -> memref<128xi32, #tpu.memory_space<vmem>>
      %dma_start3A_225 = arith.constant 0 : i32
      %dma_start3A_226 = tpu.memref_slice %arg6[%dma_start3A_225] : memref<100352xf32, #tpu.memory_space<vmem_shared>> -> memref<100352xf32, #tpu.memory_space<vmem_shared>>
      tpu.enqueue_indirect_dma source(%arg8 : memref<128xf32, #tpu.memory_space<vmem>>) target(%dma_start3A_226 : memref<100352xf32, #tpu.memory_space<vmem_shared>>) offsets(%dma_start3A_224 : memref<128xi32, #tpu.memory_space<vmem>>) semaphore(%arg10 : memref<!tpu.dma_semaphore, #tpu.memory_space<semaphore_mem>>) {add = true}
      %dma_start3A_227 = arith.constant 6 : i32
      %dma_start3A_228 = arith.constant 0 : i32
      %dma_start3A_229 = tpu.memref_slice %arg7[%select_n3A_151, %dma_start3A_227, %dma_start3A_228] : memref<3x8x128xi32, #tpu.memory_space<vmem>> -> memref<1x1x128xi32, #tpu.memory_space<vmem>>
      %dma_start3A_230 = tpu.memref_squeeze %dma_start3A_229 : memref<1x1x128xi32, #tpu.memory_space<vmem>> -> memref<128xi32, #tpu.memory_space<vmem>>
      %dma_start3A_231 = arith.constant 0 : i32
      %dma_start3A_232 = tpu.memref_slice %arg6[%dma_start3A_231] : memref<100352xf32, #tpu.memory_space<vmem_shared>> -> memref<100352xf32, #tpu.memory_space<vmem_shared>>
      tpu.enqueue_indirect_dma source(%arg8 : memref<128xf32, #tpu.memory_space<vmem>>) target(%dma_start3A_232 : memref<100352xf32, #tpu.memory_space<vmem_shared>>) offsets(%dma_start3A_230 : memref<128xi32, #tpu.memory_space<vmem>>) semaphore(%arg10 : memref<!tpu.dma_semaphore, #tpu.memory_space<semaphore_mem>>) {add = true}
      %dma_start3A_233 = arith.constant 7 : i32
      %dma_start3A_234 = arith.constant 0 : i32
      %dma_start3A_235 = tpu.memref_slice %arg7[%select_n3A_151, %dma_start3A_233, %dma_start3A_234] : memref<3x8x128xi32, #tpu.memory_space<vmem>> -> memref<1x1x128xi32, #tpu.memory_space<vmem>>
      %dma_start3A_236 = tpu.memref_squeeze %dma_start3A_235 : memref<1x1x128xi32, #tpu.memory_space<vmem>> -> memref<128xi32, #tpu.memory_space<vmem>>
      %dma_start3A_237 = arith.constant 0 : i32
      %dma_start3A_238 = tpu.memref_slice %arg6[%dma_start3A_237] : memref<100352xf32, #tpu.memory_space<vmem_shared>> -> memref<100352xf32, #tpu.memory_space<vmem_shared>>
      tpu.enqueue_indirect_dma source(%arg8 : memref<128xf32, #tpu.memory_space<vmem>>) target(%dma_start3A_238 : memref<100352xf32, #tpu.memory_space<vmem_shared>>) offsets(%dma_start3A_236 : memref<128xi32, #tpu.memory_space<vmem>>) semaphore(%arg10 : memref<!tpu.dma_semaphore, #tpu.memory_space<semaphore_mem>>) {add = true}
      %lt3A_239 = arith.constant 100 : i32
      %lt3A_240 = arith.cmpi slt, %scan3A_122, %lt3A_239 : i32
      %convert_element_type3A_241 = arith.extui %lt3A_240 : i1 to i32
      %cond3A_242 = arith.constant 0 : i32
      %cond3A_243 = arith.cmpi ne, %convert_element_type3A_241, %cond3A_242 : i32
      scf.if %cond3A_243 {
        %dma_wait3A_249 = arith.constant 0 : i32
        %dma_wait3A_250 = arith.constant 0 : i32
        %dma_wait3A_251 = arith.constant 0 : i32
        %dma_wait3A_252 = tpu.memref_slice %arg7[%select_n3A_169, %dma_wait3A_250, %dma_wait3A_251] : memref<3x8x128xi32, #tpu.memory_space<vmem>> -> memref<1x8x128xi32, #tpu.memory_space<vmem>>
        %dma_wait3A_253 = tpu.memref_squeeze %dma_wait3A_252 : memref<1x8x128xi32, #tpu.memory_space<vmem>> -> memref<8x128xi32, #tpu.memory_space<vmem>>
        %dma_wait3A_254 = arith.constant 0 : i32
        %dma_wait3A_255 = arith.constant 0 : i32
        %dma_wait3A_256 = tpu.memref_slice %arg2[%dma_wait3A_249, %dma_wait3A_254, %dma_wait3A_255] : memref<2x25000x128xi32, #tpu.memory_space<hbm>> -> memref<1x8x128xi32, #tpu.memory_space<hbm>>
        %dma_wait3A_257 = tpu.memref_squeeze %dma_wait3A_256 : memref<1x8x128xi32, #tpu.memory_space<hbm>> -> memref<8x128xi32, #tpu.memory_space<hbm>>
        %dma_wait3A_258 = arith.constant 0 : i32
        %dma_wait3A_259 = arith.constant 0 : i32
        %dma_wait3A_260 = tpu.memref_slice %arg7[%select_n3A_169, %dma_wait3A_258, %dma_wait3A_259] : memref<3x8x128xi32, #tpu.memory_space<vmem>> -> memref<1x8x128xi32, #tpu.memory_space<vmem>>
        %dma_wait3A_261 = tpu.memref_squeeze %dma_wait3A_260 : memref<1x8x128xi32, #tpu.memory_space<vmem>> -> memref<8x128xi32, #tpu.memory_space<vmem>>
        %dma_wait3A_262 = arith.constant 0 : i32
        %dma_wait3A_263 = arith.constant 0 : i32
        %dma_wait3A_264 = tpu.memref_slice %arg2[%dma_wait3A_249, %dma_wait3A_262, %dma_wait3A_263] : memref<2x25000x128xi32, #tpu.memory_space<hbm>> -> memref<1x8x128xi32, #tpu.memory_space<hbm>>
        %dma_wait3A_265 = tpu.memref_squeeze %dma_wait3A_264 : memref<1x8x128xi32, #tpu.memory_space<hbm>> -> memref<8x128xi32, #tpu.memory_space<hbm>>
        tpu.wait_dma2 semaphore(%arg11 : memref<!tpu.dma_semaphore, #tpu.memory_space<semaphore_mem>>) src(%dma_wait3A_265 : memref<8x128xi32, #tpu.memory_space<hbm>>) dst(%dma_wait3A_261 : memref<8x128xi32, #tpu.memory_space<vmem>>)
      } else {
      }
      %lt3A_244 = arith.constant 99 : i32
      %lt3A_245 = arith.cmpi slt, %scan3A_122, %lt3A_244 : i32
      %convert_element_type3A_246 = arith.extui %lt3A_245 : i1 to i32
      %cond3A_247 = arith.constant 0 : i32
      %cond3A_248 = arith.cmpi ne, %convert_element_type3A_246, %cond3A_247 : i32
      scf.if %cond3A_248 {
        %add3A_249 = arith.constant 2 : i32
        %add3A_250 = arith.addi %scan3A_122, %add3A_249 : i32
        %mul3A_251 = arith.constant 8 : i32
        %mul3A_252 = arith.muli %add3A_250, %mul3A_251 : i32
        %add3A_253 = arith.addi %mul3A_2, %mul3A_252 : i32
        %lt3A_254 = arith.constant 25000 : i32
        %lt3A_255 = arith.cmpi slt, %add3A_253, %lt3A_254 : i32
        %convert_element_type3A_256 = arith.extui %lt3A_255 : i1 to i32
        %cond3A_257 = arith.constant 0 : i32
        %cond3A_258 = arith.cmpi ne, %convert_element_type3A_256, %cond3A_257 : i32
        scf.if %cond3A_258 {
          %dma_start3A_264 = arith.constant 1 : i32
          %dma_start3A_265 = arith.constant 0 : i32
          %dma_start3A_266 = arith.constant 0 : i32
          %dma_start3A_267 = tpu.memref_slice %arg7[%select_n3A_187, %dma_start3A_265, %dma_start3A_266] : memref<3x8x128xi32, #tpu.memory_space<vmem>> -> memref<1x8x128xi32, #tpu.memory_space<vmem>>
          %dma_start3A_268 = tpu.memref_squeeze %dma_start3A_267 : memref<1x8x128xi32, #tpu.memory_space<vmem>> -> memref<8x128xi32, #tpu.memory_space<vmem>>
          %dma_start3A_269 = arith.constant 0 : i32
          %dma_start3A_270 = tpu.memref_slice %arg2[%dma_start3A_264, %add3A_253, %dma_start3A_269] : memref<2x25000x128xi32, #tpu.memory_space<hbm>> -> memref<1x8x128xi32, #tpu.memory_space<hbm>>
          %dma_start3A_271 = tpu.memref_squeeze %dma_start3A_270 : memref<1x8x128xi32, #tpu.memory_space<hbm>> -> memref<8x128xi32, #tpu.memory_space<hbm>>
          %dma_start3A_272 = arith.constant 0 : i32
          %dma_start3A_273 = arith.constant 0 : i32
          %dma_start3A_274 = tpu.memref_slice %arg7[%select_n3A_187, %dma_start3A_272, %dma_start3A_273] : memref<3x8x128xi32, #tpu.memory_space<vmem>> -> memref<1x8x128xi32, #tpu.memory_space<vmem>>
          %dma_start3A_275 = tpu.memref_squeeze %dma_start3A_274 : memref<1x8x128xi32, #tpu.memory_space<vmem>> -> memref<8x128xi32, #tpu.memory_space<vmem>>
          %dma_start3A_276 = arith.constant 0 : i32
          %dma_start3A_277 = tpu.memref_slice %arg2[%dma_start3A_264, %add3A_253, %dma_start3A_276] : memref<2x25000x128xi32, #tpu.memory_space<hbm>> -> memref<1x8x128xi32, #tpu.memory_space<hbm>>
          %dma_start3A_278 = tpu.memref_squeeze %dma_start3A_277 : memref<1x8x128xi32, #tpu.memory_space<hbm>> -> memref<8x128xi32, #tpu.memory_space<hbm>>
          tpu.enqueue_dma source(%dma_start3A_278 : memref<8x128xi32, #tpu.memory_space<hbm>>) target(%dma_start3A_275 : memref<8x128xi32, #tpu.memory_space<vmem>>) target_semaphore(%arg11 : memref<!tpu.dma_semaphore, #tpu.memory_space<semaphore_mem>>)
        } else {
        }
        %ge3A_259 = arith.constant 25000 : i32
        %ge3A_260 = arith.cmpi sge, %add3A_253, %ge3A_259 : i32
        %convert_element_type3A_261 = arith.extui %ge3A_260 : i1 to i32
        %cond3A_262 = arith.constant 0 : i32
        %cond3A_263 = arith.cmpi ne, %convert_element_type3A_261, %cond3A_262 : i32
        scf.if %cond3A_263 {
          %sub3A_264 = arith.constant 25000 : i32
          %sub3A_265 = arith.subi %add3A_253, %sub3A_264 : i32
          %dma_start3A_266 = arith.constant 0 : i32
          %dma_start3A_267 = arith.constant 0 : i32
          %dma_start3A_268 = tpu.memref_slice %arg7[%select_n3A_187, %dma_start3A_266, %dma_start3A_267] : memref<3x8x128xi32, #tpu.memory_space<vmem>> -> memref<1x8x128xi32, #tpu.memory_space<vmem>>
          %dma_start3A_269 = tpu.memref_squeeze %dma_start3A_268 : memref<1x8x128xi32, #tpu.memory_space<vmem>> -> memref<8x128xi32, #tpu.memory_space<vmem>>
          %dma_start3A_270 = arith.constant 0 : i32
          %dma_start3A_271 = tpu.memref_slice %arg3[%sub3A_265, %dma_start3A_270] : memref<856x128xi32, #tpu.memory_space<hbm>> -> memref<8x128xi32, #tpu.memory_space<hbm>>
          %dma_start3A_272 = arith.constant 0 : i32
          %dma_start3A_273 = arith.constant 0 : i32
          %dma_start3A_274 = tpu.memref_slice %arg7[%select_n3A_187, %dma_start3A_272, %dma_start3A_273] : memref<3x8x128xi32, #tpu.memory_space<vmem>> -> memref<1x8x128xi32, #tpu.memory_space<vmem>>
          %dma_start3A_275 = tpu.memref_squeeze %dma_start3A_274 : memref<1x8x128xi32, #tpu.memory_space<vmem>> -> memref<8x128xi32, #tpu.memory_space<vmem>>
          %dma_start3A_276 = arith.constant 0 : i32
          %dma_start3A_277 = tpu.memref_slice %arg3[%sub3A_265, %dma_start3A_276] : memref<856x128xi32, #tpu.memory_space<hbm>> -> memref<8x128xi32, #tpu.memory_space<hbm>>
          tpu.enqueue_dma source(%dma_start3A_277 : memref<8x128xi32, #tpu.memory_space<hbm>>) target(%dma_start3A_275 : memref<8x128xi32, #tpu.memory_space<vmem>>) target_semaphore(%arg11 : memref<!tpu.dma_semaphore, #tpu.memory_space<semaphore_mem>>)
        } else {
        }
      } else {
      }
    }
    %scan3A_95 = arith.constant 101 : i32
    %dma_wait3A_96 = arith.constant 0 : i32
    %dma_wait3A_97 = arith.constant 1 : i32
    %dma_wait3A_98 = arith.constant 0 : i32
    %dma_wait3A_99 = arith.constant 0 : i32
    %dma_wait3A_100 = tpu.memref_slice %arg7[%dma_wait3A_97, %dma_wait3A_98, %dma_wait3A_99] : memref<3x8x128xi32, #tpu.memory_space<vmem>> -> memref<1x8x128xi32, #tpu.memory_space<vmem>>
    %dma_wait3A_101 = tpu.memref_squeeze %dma_wait3A_100 : memref<1x8x128xi32, #tpu.memory_space<vmem>> -> memref<8x128xi32, #tpu.memory_space<vmem>>
    %dma_wait3A_102 = arith.constant 0 : i32
    %dma_wait3A_103 = arith.constant 0 : i32
    %dma_wait3A_104 = tpu.memref_slice %arg2[%dma_wait3A_96, %dma_wait3A_102, %dma_wait3A_103] : memref<2x25000x128xi32, #tpu.memory_space<hbm>> -> memref<1x8x128xi32, #tpu.memory_space<hbm>>
    %dma_wait3A_105 = tpu.memref_squeeze %dma_wait3A_104 : memref<1x8x128xi32, #tpu.memory_space<hbm>> -> memref<8x128xi32, #tpu.memory_space<hbm>>
    %dma_wait3A_106 = arith.constant 0 : i32
    %dma_wait3A_107 = arith.constant 0 : i32
    %dma_wait3A_108 = tpu.memref_slice %arg7[%dma_wait3A_97, %dma_wait3A_106, %dma_wait3A_107] : memref<3x8x128xi32, #tpu.memory_space<vmem>> -> memref<1x8x128xi32, #tpu.memory_space<vmem>>
    %dma_wait3A_109 = tpu.memref_squeeze %dma_wait3A_108 : memref<1x8x128xi32, #tpu.memory_space<vmem>> -> memref<8x128xi32, #tpu.memory_space<vmem>>
    %dma_wait3A_110 = arith.constant 0 : i32
    %dma_wait3A_111 = arith.constant 0 : i32
    %dma_wait3A_112 = tpu.memref_slice %arg2[%dma_wait3A_96, %dma_wait3A_110, %dma_wait3A_111] : memref<2x25000x128xi32, #tpu.memory_space<hbm>> -> memref<1x8x128xi32, #tpu.memory_space<hbm>>
    %dma_wait3A_113 = tpu.memref_squeeze %dma_wait3A_112 : memref<1x8x128xi32, #tpu.memory_space<hbm>> -> memref<8x128xi32, #tpu.memory_space<hbm>>
    tpu.wait_dma2 semaphore(%arg10 : memref<!tpu.dma_semaphore, #tpu.memory_space<semaphore_mem>>) src(%dma_wait3A_113 : memref<8x128xi32, #tpu.memory_space<hbm>>) dst(%dma_wait3A_109 : memref<8x128xi32, #tpu.memory_space<vmem>>)
    %barrier3A_114 = arith.constant 0 : index
    tpu.barrier barrier_id(%barrier3A_114)
    %mul3A_115 = arith.constant 6272 : i32
    %mul3A_116 = arith.muli %arg1, %mul3A_115 : i32
    "tpu.region"() ({
      %run_scoped3A = tpu.sem_alloc : memref<!tpu.dma_semaphore, #tpu.memory_space<semaphore_mem>>
      %dma_start3A = tpu.memref_slice %arg6[%mul3A_116] : memref<100352xf32, #tpu.memory_space<vmem_shared>> -> memref<6272xf32, #tpu.memory_space<vmem_shared>>
      %dma_start3A_122 = tpu.memref_slice %arg6[%mul3A_116] : memref<100352xf32, #tpu.memory_space<vmem_shared>> -> memref<6272xf32, #tpu.memory_space<vmem_shared>>
      tpu.enqueue_dma source(%dma_start3A_122 : memref<6272xf32, #tpu.memory_space<vmem_shared>>) target(%arg9 : memref<6272xf32, #tpu.memory_space<vmem>>) target_semaphore(%run_scoped3A : memref<!tpu.dma_semaphore, #tpu.memory_space<semaphore_mem>>)
      %dma_wait3A_123 = tpu.memref_slice %arg6[%mul3A_116] : memref<100352xf32, #tpu.memory_space<vmem_shared>> -> memref<6272xf32, #tpu.memory_space<vmem_shared>>
      %dma_wait3A_124 = tpu.memref_slice %arg6[%mul3A_116] : memref<100352xf32, #tpu.memory_space<vmem_shared>> -> memref<6272xf32, #tpu.memory_space<vmem_shared>>
      tpu.wait_dma2 semaphore(%run_scoped3A : memref<!tpu.dma_semaphore, #tpu.memory_space<semaphore_mem>>) src(%dma_wait3A_124 : memref<6272xf32, #tpu.memory_space<vmem_shared>>) dst(%arg9 : memref<6272xf32, #tpu.memory_space<vmem>>)
      tpu.yield
    }) : () -> ()
    %mul3A_117 = arith.constant 100352 : i32
    %mul3A_118 = arith.muli %arg0, %mul3A_117 : i32
    %mul3A_119 = arith.constant 6272 : i32
    %mul3A_120 = arith.muli %arg1, %mul3A_119 : i32
    %add3A_121 = arith.addi %mul3A_118, %mul3A_120 : i32
    "tpu.region"() ({
      %run_scoped3A = tpu.sem_alloc : memref<!tpu.dma_semaphore, #tpu.memory_space<semaphore_mem>>
      %dma_start3A = tpu.memref_slice %arg5[%add3A_121] : memref<200704xf32, #tpu.memory_space<hbm>> -> memref<6272xf32, #tpu.memory_space<hbm>>
      %dma_start3A_122 = tpu.memref_slice %arg5[%add3A_121] : memref<200704xf32, #tpu.memory_space<hbm>> -> memref<6272xf32, #tpu.memory_space<hbm>>
      tpu.enqueue_dma source(%arg9 : memref<6272xf32, #tpu.memory_space<vmem>>) target(%dma_start3A_122 : memref<6272xf32, #tpu.memory_space<hbm>>) target_semaphore(%run_scoped3A : memref<!tpu.dma_semaphore, #tpu.memory_space<semaphore_mem>>)
      %dma_wait3A_123 = tpu.memref_slice %arg5[%add3A_121] : memref<200704xf32, #tpu.memory_space<hbm>> -> memref<6272xf32, #tpu.memory_space<hbm>>
      %dma_wait3A_124 = tpu.memref_slice %arg5[%add3A_121] : memref<200704xf32, #tpu.memory_space<hbm>> -> memref<6272xf32, #tpu.memory_space<hbm>>
      tpu.wait_dma2 semaphore(%run_scoped3A : memref<!tpu.dma_semaphore, #tpu.memory_space<semaphore_mem>>) src(%arg9 : memref<6272xf32, #tpu.memory_space<vmem>>) dst(%dma_wait3A_124 : memref<6272xf32, #tpu.memory_space<hbm>>)
      tpu.yield
    }) : () -> ()
    return
  }
}

module attributes {stable_mosaic.version = 14 : i64} {
  func.func @_lin1_body(%arg0: i32, %arg1: memref<1568x144xf32, #tpu.memory_space<vmem>>, %arg2: memref<1568x8xf32, #tpu.memory_space<vmem>>, %arg3: memref<1568x8xf32, #tpu.memory_space<vmem>>, %arg4: memref<144x128xf32, #tpu.memory_space<vmem>>, %arg5: memref<8x128xf32, #tpu.memory_space<vmem>>, %arg6: memref<1568x128xf32, #tpu.memory_space<vmem>>) attributes {dimension_semantics = [#tpu.dimension_semantics<arbitrary>], iteration_bounds = array<i64: 8>, scalar_prefetch = 0 : i64, scratch_operands = 0 : i64, tpu.core_type = #tpu.core_type<tc>, window_params = [{transform_indices = @transform_0, window_bounds = array<i64: 1568, 144>}, {transform_indices = @transform_1, window_bounds = array<i64: 1568, 8>}, {transform_indices = @transform_2, window_bounds = array<i64: 1568, 8>}, {pipeline_mode = #tpu.pipeline_mode<synchronous>, transform_indices = @transform_3, window_bounds = array<i64: 144, 128>}, {pipeline_mode = #tpu.pipeline_mode<synchronous>, transform_indices = @transform_4, window_bounds = array<i64: 8, 128>}, {transform_indices = @transform_5, window_bounds = array<i64: 1568, 128>}]} {
    %get3A = arith.constant 0 : index
    %get3A_0 = arith.constant 0 : index
    %get3A_1 = vector.load %arg2[%get3A, %get3A_0] : memref<1568x8xf32, #tpu.memory_space<vmem>>, vector<1568x8xf32>
    %get3A_2 = arith.constant 0 : index
    %get3A_3 = arith.constant 0 : index
    %get3A_4 = vector.load %arg3[%get3A_2, %get3A_3] : memref<1568x8xf32, #tpu.memory_space<vmem>>, vector<1568x8xf32>
    %add3A = arith.addf %get3A_1, %get3A_4 : vector<1568x8xf32>
    %max3A = arith.constant 1.000000e+00 : f32
    %max3A_5 = vector.broadcast %max3A : f32 to vector<1568x8xf32>
    %max3A_6 = arith.maximumf %add3A, %max3A_5 : vector<1568x8xf32>
    %rsqrt3A = math.rsqrt %max3A_6 : vector<1568x8xf32>
    %get3A_7 = arith.constant 0 : index
    %get3A_8 = arith.constant 0 : index
    %get3A_9 = vector.load %arg5[%get3A_7, %get3A_8] : memref<8x128xf32, #tpu.memory_space<vmem>>, vector<8x128xf32>
    %dot_general3A = arith.constant dense<0.000000e+00> : vector<1568x128xf32>
    %dot_general3A_10 = tpu.matmul %rsqrt3A, %get3A_9, %dot_general3A {dimension_numbers = #tpu.dot_dimension_numbers<[1], [0], [0], [1], [0, 0, 1, 1], [], []>, transpose_lhs_hint = false} : vector<1568x8xf32>, vector<8x128xf32>, vector<1568x128xf32> -> vector<1568x128xf32>
    %get3A_11 = arith.constant 0 : index
    %get3A_12 = arith.constant 0 : index
    %get3A_13 = vector.load %arg1[%get3A_11, %get3A_12] : memref<1568x144xf32, #tpu.memory_space<vmem>>, vector<1568x144xf32>
    %get3A_14 = arith.constant 0 : index
    %get3A_15 = arith.constant 0 : index
    %get3A_16 = vector.load %arg4[%get3A_14, %get3A_15] : memref<144x128xf32, #tpu.memory_space<vmem>>, vector<144x128xf32>
    %dot_general3A_17 = arith.constant dense<0.000000e+00> : vector<1568x128xf32>
    %dot_general3A_18 = tpu.matmul %get3A_13, %get3A_16, %dot_general3A_17 {dimension_numbers = #tpu.dot_dimension_numbers<[1], [0], [0], [1], [0, 0, 1, 1], [], []>, transpose_lhs_hint = false} : vector<1568x144xf32>, vector<144x128xf32>, vector<1568x128xf32> -> vector<1568x128xf32>
    %mul3A = arith.mulf %dot_general3A_18, %dot_general3A_10 : vector<1568x128xf32>
    %swap3A = arith.constant 0 : index
    %swap3A_19 = arith.constant 0 : index
    %swap3A_20 = vector.load %arg6[%swap3A, %swap3A_19] : memref<1568x128xf32, #tpu.memory_space<vmem>>, vector<1568x128xf32>
    tpu.vector_store %arg6[%swap3A, %swap3A_19], %mul3A {strides = array<i32>} : memref<1568x128xf32, #tpu.memory_space<vmem>>, vector<1568x128xf32>,
    return
  }
  func.func @transform_0(%arg0: i32) -> (i32, i32) {
    %c0_i32 = arith.constant 0 : i32
    %c0_i32_0 = arith.constant 0 : i32
    return %arg0, %c0_i32 : i32, i32
  }
  func.func @transform_1(%arg0: i32) -> (i32, i32) {
    %c0_i32 = arith.constant 0 : i32
    %c0_i32_0 = arith.constant 0 : i32
    return %arg0, %c0_i32 : i32, i32
  }
  func.func @transform_2(%arg0: i32) -> (i32, i32) {
    %add3A = arith.constant 8 : i32
    %add3A_0 = arith.addi %arg0, %add3A : i32
    %c0_i32 = arith.constant 0 : i32
    %c0_i32_1 = arith.constant 0 : i32
    return %add3A_0, %c0_i32 : i32, i32
  }
  func.func @transform_3(%arg0: i32) -> (i32, i32) {
    %c0_i32 = arith.constant 0 : i32
    %c0_i32_0 = arith.constant 0 : i32
    %c0_i32_1 = arith.constant 0 : i32
    return %c0_i32, %c0_i32_0 : i32, i32
  }
  func.func @transform_4(%arg0: i32) -> (i32, i32) {
    %c0_i32 = arith.constant 0 : i32
    %c0_i32_0 = arith.constant 0 : i32
    %c0_i32_1 = arith.constant 0 : i32
    return %c0_i32, %c0_i32_0 : i32, i32
  }
  func.func @transform_5(%arg0: i32) -> (i32, i32) {
    %c0_i32 = arith.constant 0 : i32
    %c0_i32_0 = arith.constant 0 : i32
    return %arg0, %c0_i32 : i32, i32
  }
}

module attributes {stable_mosaic.version = 14 : i64} {
  func.func @_lin2_body(%arg0: i32, %arg1: memref<1568x128xf32, #tpu.memory_space<vmem>>, %arg2: memref<1568x128xf32, #tpu.memory_space<vmem>>, %arg3: memref<1568x8xf32, #tpu.memory_space<vmem>>, %arg4: memref<1568x8xf32, #tpu.memory_space<vmem>>, %arg5: memref<128x64xf32, #tpu.memory_space<vmem>>, %arg6: memref<8x128xf32, #tpu.memory_space<vmem>>, %arg7: memref<8x64xf32, #tpu.memory_space<vmem>>, %arg8: memref<1x128xf32, #tpu.memory_space<vmem>>, %arg9: memref<1568x64xf32, #tpu.memory_space<vmem>>) attributes {dimension_semantics = [#tpu.dimension_semantics<arbitrary>], iteration_bounds = array<i64: 8>, scalar_prefetch = 0 : i64, scratch_operands = 0 : i64, tpu.core_type = #tpu.core_type<tc>, window_params = [{transform_indices = @transform_0, window_bounds = array<i64: 1568, 128>}, {transform_indices = @transform_1, window_bounds = array<i64: 1568, 128>}, {transform_indices = @transform_2, window_bounds = array<i64: 1568, 8>}, {transform_indices = @transform_3, window_bounds = array<i64: 1568, 8>}, {pipeline_mode = #tpu.pipeline_mode<synchronous>, transform_indices = @transform_4, window_bounds = array<i64: 128, 64>}, {pipeline_mode = #tpu.pipeline_mode<synchronous>, transform_indices = @transform_5, window_bounds = array<i64: 8, 128>}, {pipeline_mode = #tpu.pipeline_mode<synchronous>, transform_indices = @transform_6, window_bounds = array<i64: 8, 64>}, {pipeline_mode = #tpu.pipeline_mode<synchronous>, transform_indices = @transform_7, window_bounds = array<i64: 1, 128>}, {transform_indices = @transform_8, window_bounds = array<i64: 1568, 64>}]} {
    %get3A = arith.constant 0 : index
    %get3A_0 = arith.constant 0 : index
    %get3A_1 = vector.load %arg3[%get3A, %get3A_0] : memref<1568x8xf32, #tpu.memory_space<vmem>>, vector<1568x8xf32>
    %get3A_2 = arith.constant 0 : index
    %get3A_3 = arith.constant 0 : index
    %get3A_4 = vector.load %arg4[%get3A_2, %get3A_3] : memref<1568x8xf32, #tpu.memory_space<vmem>>, vector<1568x8xf32>
    %add3A = arith.addf %get3A_1, %get3A_4 : vector<1568x8xf32>
    %max3A = arith.constant 1.000000e+00 : f32
    %max3A_5 = vector.broadcast %max3A : f32 to vector<1568x8xf32>
    %max3A_6 = arith.maximumf %add3A, %max3A_5 : vector<1568x8xf32>
    %rsqrt3A = math.rsqrt %max3A_6 : vector<1568x8xf32>
    %get3A_7 = arith.constant 0 : index
    %get3A_8 = arith.constant 0 : index
    %get3A_9 = vector.load %arg6[%get3A_7, %get3A_8] : memref<8x128xf32, #tpu.memory_space<vmem>>, vector<8x128xf32>
    %dot_general3A = arith.constant dense<0.000000e+00> : vector<1568x128xf32>
    %dot_general3A_10 = tpu.matmul %rsqrt3A, %get3A_9, %dot_general3A {dimension_numbers = #tpu.dot_dimension_numbers<[1], [0], [0], [1], [0, 0, 1, 1], [], []>, transpose_lhs_hint = false} : vector<1568x8xf32>, vector<8x128xf32>, vector<1568x128xf32> -> vector<1568x128xf32>
    %get3A_11 = arith.constant 0 : index
    %get3A_12 = arith.constant 0 : index
    %get3A_13 = vector.load %arg1[%get3A_11, %get3A_12] : memref<1568x128xf32, #tpu.memory_space<vmem>>, vector<1568x128xf32>
    %get3A_14 = arith.constant 0 : index
    %get3A_15 = arith.constant 0 : index
    %get3A_16 = vector.load %arg2[%get3A_14, %get3A_15] : memref<1568x128xf32, #tpu.memory_space<vmem>>, vector<1568x128xf32>
    %add3A_17 = arith.addf %get3A_13, %get3A_16 : vector<1568x128xf32>
    %mul3A = arith.mulf %add3A_17, %dot_general3A_10 : vector<1568x128xf32>
    %get3A_18 = arith.constant 0 : index
    %get3A_19 = arith.constant 0 : index
    %get3A_20 = vector.load %arg8[%get3A_18, %get3A_19] : memref<1x128xf32, #tpu.memory_space<vmem>>, vector<1x128xf32>
    %add3A_21 = vector.broadcast %get3A_20 : vector<1x128xf32> to vector<1568x128xf32>
    %add3A_22 = arith.addf %mul3A, %add3A_21 : vector<1568x128xf32>
    %max3A_23 = arith.constant 0.000000e+00 : f32
    %max3A_24 = vector.broadcast %max3A_23 : f32 to vector<1568x128xf32>
    %max3A_25 = arith.maximumf %add3A_22, %max3A_24 : vector<1568x128xf32>
    %get3A_26 = arith.constant 0 : index
    %get3A_27 = arith.constant 0 : index
    %get3A_28 = vector.load %arg5[%get3A_26, %get3A_27] : memref<128x64xf32, #tpu.memory_space<vmem>>, vector<128x64xf32>
    %dot_general3A_29 = arith.constant dense<0.000000e+00> : vector<1568x64xf32>
    %dot_general3A_30 = tpu.matmul %max3A_25, %get3A_28, %dot_general3A_29 {dimension_numbers = #tpu.dot_dimension_numbers<[1], [0], [0], [1], [0, 0, 1, 1], [], []>, transpose_lhs_hint = false} : vector<1568x128xf32>, vector<128x64xf32>, vector<1568x64xf32> -> vector<1568x64xf32>
    %get3A_31 = arith.constant 0 : index
    %get3A_32 = arith.constant 0 : index
    %get3A_33 = vector.load %arg7[%get3A_31, %get3A_32] : memref<8x64xf32, #tpu.memory_space<vmem>>, vector<8x64xf32>
    %dot_general3A_34 = arith.constant dense<0.000000e+00> : vector<1568x64xf32>
    %dot_general3A_35 = tpu.matmul %rsqrt3A, %get3A_33, %dot_general3A_34 {dimension_numbers = #tpu.dot_dimension_numbers<[1], [0], [0], [1], [0, 0, 1, 1], [], []>, transpose_lhs_hint = false} : vector<1568x8xf32>, vector<8x64xf32>, vector<1568x64xf32> -> vector<1568x64xf32>
    %mul3A_36 = arith.mulf %dot_general3A_30, %dot_general3A_35 : vector<1568x64xf32>
    %swap3A = arith.constant 0 : index
    %swap3A_37 = arith.constant 0 : index
    %swap3A_38 = vector.load %arg9[%swap3A, %swap3A_37] : memref<1568x64xf32, #tpu.memory_space<vmem>>, vector<1568x64xf32>
    tpu.vector_store %arg9[%swap3A, %swap3A_37], %mul3A_36 {strides = array<i32>} : memref<1568x64xf32, #tpu.memory_space<vmem>>, vector<1568x64xf32>,
    return
  }
  func.func @transform_0(%arg0: i32) -> (i32, i32) {
    %c0_i32 = arith.constant 0 : i32
    %c0_i32_0 = arith.constant 0 : i32
    return %arg0, %c0_i32 : i32, i32
  }
  func.func @transform_1(%arg0: i32) -> (i32, i32) {
    %add3A = arith.constant 8 : i32
    %add3A_0 = arith.addi %arg0, %add3A : i32
    %c0_i32 = arith.constant 0 : i32
    %c0_i32_1 = arith.constant 0 : i32
    return %add3A_0, %c0_i32 : i32, i32
  }
  func.func @transform_2(%arg0: i32) -> (i32, i32) {
    %c0_i32 = arith.constant 0 : i32
    %c0_i32_0 = arith.constant 0 : i32
    return %arg0, %c0_i32 : i32, i32
  }
  func.func @transform_3(%arg0: i32) -> (i32, i32) {
    %add3A = arith.constant 8 : i32
    %add3A_0 = arith.addi %arg0, %add3A : i32
    %c0_i32 = arith.constant 0 : i32
    %c0_i32_1 = arith.constant 0 : i32
    return %add3A_0, %c0_i32 : i32, i32
  }
  func.func @transform_4(%arg0: i32) -> (i32, i32) {
    %c0_i32 = arith.constant 0 : i32
    %c0_i32_0 = arith.constant 0 : i32
    %c0_i32_1 = arith.constant 0 : i32
    return %c0_i32, %c0_i32_0 : i32, i32
  }
  func.func @transform_5(%arg0: i32) -> (i32, i32) {
    %c0_i32 = arith.constant 0 : i32
    %c0_i32_0 = arith.constant 0 : i32
    %c0_i32_1 = arith.constant 0 : i32
    return %c0_i32, %c0_i32_0 : i32, i32
  }
  func.func @transform_6(%arg0: i32) -> (i32, i32) {
    %c0_i32 = arith.constant 0 : i32
    %c0_i32_0 = arith.constant 0 : i32
    %c0_i32_1 = arith.constant 0 : i32
    return %c0_i32, %c0_i32_0 : i32, i32
  }
  func.func @transform_7(%arg0: i32) -> (i32, i32) {
    %c0_i32 = arith.constant 0 : i32
    %c0_i32_0 = arith.constant 0 : i32
    %c0_i32_1 = arith.constant 0 : i32
    return %c0_i32, %c0_i32_0 : i32, i32
  }
  func.func @transform_8(%arg0: i32) -> (i32, i32) {
    %c0_i32 = arith.constant 0 : i32
    %c0_i32_0 = arith.constant 0 : i32
    return %arg0, %c0_i32 : i32, i32
  }
}

module attributes {stable_mosaic.version = 14 : i64} {
  func.func @_out_body(%arg0: i32, %arg1: memref<784x128xf32, #tpu.memory_space<vmem>>, %arg2: memref<784x128xf32, #tpu.memory_space<vmem>>, %arg3: memref<784x16xf32, #tpu.memory_space<vmem>>, %arg4: memref<784x16xf32, #tpu.memory_space<vmem>>, %arg5: memref<16x128xf32, #tpu.memory_space<vmem>>, %arg6: memref<128x128xf32, #tpu.memory_space<vmem>>, %arg7: memref<128x128xf32, #tpu.memory_space<vmem>>, %arg8: memref<1x128xf32, #tpu.memory_space<vmem>>, %arg9: memref<1x128xf32, #tpu.memory_space<vmem>>, %arg10: memref<784x128xf32, #tpu.memory_space<vmem>>) attributes {dimension_semantics = [#tpu.dimension_semantics<arbitrary>], iteration_bounds = array<i64: 8>, scalar_prefetch = 0 : i64, scratch_operands = 0 : i64, tpu.core_type = #tpu.core_type<tc>, window_params = [{transform_indices = @transform_0, window_bounds = array<i64: 784, 128>}, {transform_indices = @transform_1, window_bounds = array<i64: 784, 128>}, {transform_indices = @transform_2, window_bounds = array<i64: 784, 16>}, {transform_indices = @transform_3, window_bounds = array<i64: 784, 16>}, {pipeline_mode = #tpu.pipeline_mode<synchronous>, transform_indices = @transform_4, window_bounds = array<i64: 16, 128>}, {pipeline_mode = #tpu.pipeline_mode<synchronous>, transform_indices = @transform_5, window_bounds = array<i64: 128, 128>}, {pipeline_mode = #tpu.pipeline_mode<synchronous>, transform_indices = @transform_6, window_bounds = array<i64: 128, 128>}, {pipeline_mode = #tpu.pipeline_mode<synchronous>, transform_indices = @transform_7, window_bounds = array<i64: 1, 128>}, {pipeline_mode = #tpu.pipeline_mode<synchronous>, transform_indices = @transform_8, window_bounds = array<i64: 1, 128>}, {transform_indices = @transform_9, window_bounds = array<i64: 784, 128>}]} {
    %get3A = arith.constant 0 : index
    %get3A_0 = arith.constant 0 : index
    %get3A_1 = vector.load %arg3[%get3A, %get3A_0] : memref<784x16xf32, #tpu.memory_space<vmem>>, vector<784x16xf32>
    %get3A_2 = arith.constant 0 : index
    %get3A_3 = arith.constant 0 : index
    %get3A_4 = vector.load %arg4[%get3A_2, %get3A_3] : memref<784x16xf32, #tpu.memory_space<vmem>>, vector<784x16xf32>
    %add3A = arith.addf %get3A_1, %get3A_4 : vector<784x16xf32>
    %max3A = arith.constant 1.000000e+00 : f32
    %max3A_5 = vector.broadcast %max3A : f32 to vector<784x16xf32>
    %max3A_6 = arith.maximumf %add3A, %max3A_5 : vector<784x16xf32>
    %rsqrt3A = math.rsqrt %max3A_6 : vector<784x16xf32>
    %get3A_7 = arith.constant 0 : index
    %get3A_8 = arith.constant 0 : index
    %get3A_9 = vector.load %arg5[%get3A_7, %get3A_8] : memref<16x128xf32, #tpu.memory_space<vmem>>, vector<16x128xf32>
    %dot_general3A = arith.constant dense<0.000000e+00> : vector<784x128xf32>
    %dot_general3A_10 = tpu.matmul %rsqrt3A, %get3A_9, %dot_general3A {dimension_numbers = #tpu.dot_dimension_numbers<[1], [0], [0], [1], [0, 0, 1, 1], [], []>, transpose_lhs_hint = false} : vector<784x16xf32>, vector<16x128xf32>, vector<784x128xf32> -> vector<784x128xf32>
    %get3A_11 = arith.constant 0 : index
    %get3A_12 = arith.constant 0 : index
    %get3A_13 = vector.load %arg1[%get3A_11, %get3A_12] : memref<784x128xf32, #tpu.memory_space<vmem>>, vector<784x128xf32>
    %get3A_14 = arith.constant 0 : index
    %get3A_15 = arith.constant 0 : index
    %get3A_16 = vector.load %arg2[%get3A_14, %get3A_15] : memref<784x128xf32, #tpu.memory_space<vmem>>, vector<784x128xf32>
    %add3A_17 = arith.addf %get3A_13, %get3A_16 : vector<784x128xf32>
    %mul3A = arith.mulf %add3A_17, %dot_general3A_10 : vector<784x128xf32>
    %get3A_18 = arith.constant 0 : index
    %get3A_19 = arith.constant 0 : index
    %get3A_20 = vector.load %arg8[%get3A_18, %get3A_19] : memref<1x128xf32, #tpu.memory_space<vmem>>, vector<1x128xf32>
    %add3A_21 = vector.broadcast %get3A_20 : vector<1x128xf32> to vector<784x128xf32>
    %add3A_22 = arith.addf %mul3A, %add3A_21 : vector<784x128xf32>
    %get3A_23 = arith.constant 0 : index
    %get3A_24 = arith.constant 0 : index
    %get3A_25 = vector.load %arg7[%get3A_23, %get3A_24] : memref<128x128xf32, #tpu.memory_space<vmem>>, vector<128x128xf32>
    %dot_general3A_26 = arith.constant dense<0.000000e+00> : vector<784x128xf32>
    %dot_general3A_27 = tpu.matmul %add3A_22, %get3A_25, %dot_general3A_26 {dimension_numbers = #tpu.dot_dimension_numbers<[1], [0], [0], [1], [0, 0, 1, 1], [], []>, transpose_lhs_hint = false} : vector<784x128xf32>, vector<128x128xf32>, vector<784x128xf32> -> vector<784x128xf32>
    %max3A_28 = arith.maximumf %add3A_22, %dot_general3A_27 : vector<784x128xf32>
    %sub3A = arith.subf %add3A_22, %max3A_28 : vector<784x128xf32>
    %exp3A = math.exp %sub3A : vector<784x128xf32>
    %get3A_29 = arith.constant 0 : index
    %get3A_30 = arith.constant 0 : index
    %get3A_31 = vector.load %arg9[%get3A_29, %get3A_30] : memref<1x128xf32, #tpu.memory_space<vmem>>, vector<1x128xf32>
    %mul3A_32 = vector.broadcast %get3A_31 : vector<1x128xf32> to vector<784x128xf32>
    %mul3A_33 = arith.mulf %exp3A, %mul3A_32 : vector<784x128xf32>
    %get3A_34 = arith.constant 0 : index
    %get3A_35 = arith.constant 0 : index
    %get3A_36 = vector.load %arg6[%get3A_34, %get3A_35] : memref<128x128xf32, #tpu.memory_space<vmem>>, vector<128x128xf32>
    %dot_general3A_37 = arith.constant dense<0.000000e+00> : vector<784x128xf32>
    %dot_general3A_38 = tpu.matmul %mul3A_33, %get3A_36, %dot_general3A_37 {dimension_numbers = #tpu.dot_dimension_numbers<[1], [0], [0], [1], [0, 0, 1, 1], [], []>, transpose_lhs_hint = false} : vector<784x128xf32>, vector<128x128xf32>, vector<784x128xf32> -> vector<784x128xf32>
    %log3A = math.log %dot_general3A_38 : vector<784x128xf32>
    %sub3A_39 = arith.subf %add3A_22, %max3A_28 : vector<784x128xf32>
    %sub3A_40 = arith.subf %sub3A_39, %log3A : vector<784x128xf32>
    %swap3A = arith.constant 0 : index
    %swap3A_41 = arith.constant 0 : index
    %swap3A_42 = vector.load %arg10[%swap3A, %swap3A_41] : memref<784x128xf32, #tpu.memory_space<vmem>>, vector<784x128xf32>
    tpu.vector_store %arg10[%swap3A, %swap3A_41], %sub3A_40 {strides = array<i32>} : memref<784x128xf32, #tpu.memory_space<vmem>>, vector<784x128xf32>,
    return
  }
  func.func @transform_0(%arg0: i32) -> (i32, i32) {
    %c0_i32 = arith.constant 0 : i32
    %c0_i32_0 = arith.constant 0 : i32
    return %arg0, %c0_i32 : i32, i32
  }
  func.func @transform_1(%arg0: i32) -> (i32, i32) {
    %add3A = arith.constant 8 : i32
    %add3A_0 = arith.addi %arg0, %add3A : i32
    %c0_i32 = arith.constant 0 : i32
    %c0_i32_1 = arith.constant 0 : i32
    return %add3A_0, %c0_i32 : i32, i32
  }
  func.func @transform_2(%arg0: i32) -> (i32, i32) {
    %c0_i32 = arith.constant 0 : i32
    %c0_i32_0 = arith.constant 0 : i32
    return %arg0, %c0_i32 : i32, i32
  }
  func.func @transform_3(%arg0: i32) -> (i32, i32) {
    %add3A = arith.constant 8 : i32
    %add3A_0 = arith.addi %arg0, %add3A : i32
    %c0_i32 = arith.constant 0 : i32
    %c0_i32_1 = arith.constant 0 : i32
    return %add3A_0, %c0_i32 : i32, i32
  }
  func.func @transform_4(%arg0: i32) -> (i32, i32) {
    %c0_i32 = arith.constant 0 : i32
    %c0_i32_0 = arith.constant 0 : i32
    %c0_i32_1 = arith.constant 0 : i32
    return %c0_i32, %c0_i32_0 : i32, i32
  }
  func.func @transform_5(%arg0: i32) -> (i32, i32) {
    %c0_i32 = arith.constant 0 : i32
    %c0_i32_0 = arith.constant 0 : i32
    %c0_i32_1 = arith.constant 0 : i32
    return %c0_i32, %c0_i32_0 : i32, i32
  }
  func.func @transform_6(%arg0: i32) -> (i32, i32) {
    %c0_i32 = arith.constant 0 : i32
    %c0_i32_0 = arith.constant 0 : i32
    %c0_i32_1 = arith.constant 0 : i32
    return %c0_i32, %c0_i32_0 : i32, i32
  }
  func.func @transform_7(%arg0: i32) -> (i32, i32) {
    %c0_i32 = arith.constant 0 : i32
    %c0_i32_0 = arith.constant 0 : i32
    %c0_i32_1 = arith.constant 0 : i32
    return %c0_i32, %c0_i32_0 : i32, i32
  }
  func.func @transform_8(%arg0: i32) -> (i32, i32) {
    %c0_i32 = arith.constant 0 : i32
    %c0_i32_0 = arith.constant 0 : i32
    %c0_i32_1 = arith.constant 0 : i32
    return %c0_i32, %c0_i32_0 : i32, i32
  }
  func.func @transform_9(%arg0: i32) -> (i32, i32) {
    %c0_i32 = arith.constant 0 : i32
    %c0_i32_0 = arith.constant 0 : i32
    return %arg0, %c0_i32 : i32, i32
  }
}

</mosaic_0001>

<sc_bundles>
// kernel: kernel.11.cloned.1.call-start
scs
__scs_entry_jumppad:
0x0: {  	(pc) =	sbr.rel $0x88, $3  }
0x1: {  	(tag) =	ssettag $0x0;
	lr =	simm.s32 $0x1  }
0x2: {  	[smem:$0x3F9B] =	sst lr;
	_ =	strace $0xD0000000  }
0x3: {  	_ = 	snop  }
0x4: {  	_ = 	snop  }
0x5: {  	_ = 	snop  }
0x6: {  	_ = 	snop  }
0x7: {  	_ = 	snop  }
__scs_overlays_trampoline_lowered:
0x8: {  	[smem:$0x3FAA] =	sst s0  }
0x9: {  	[smem:$0x3FAB] =	sst s1  }
0xa: {  	[smem:$0x3FAC] =	sst s2  }
0xb: {  	[smem:$0x3FAD] =	sst s3  }
0xc: {  	[smem:$0x3FAE] =	sst s4  }
0xd: {  	[smem:$0x3FAF] =	sst s5  }
0xe: {  	[smem:$0x3FB0] =	sst s6  }
0xf: {  	[smem:$0x3FB1] =	sst s7  }
0x10: {  	[smem:$0x3FB2] =	sst s8  }
0x11: {  	[smem:$0x3FB3] =	sst s9;
	s0 =	simm.s32 @!p0 $0x0  }
0x12: {  	s1 =	sld [smem:$0x3F99];
	s0 =	simm.s32 @p0 $0x1  }
0x13: {  	[smem:$0x3FB4] =	sst s0;
	s0 =	simm.s32 @!p1 $0x0  }
0x14: {  	s2 =	sld [smem:$0x3F98];
	s0 =	simm.s32 @p1 $0x1  }
0x15: {  	[smem:$0x3FB5] =	sst s0;
	s0 =	simm.s32 @!p2 $0x0  }
0x16: {  	s3 =	sld [smem:$0x3FDB];
	s0 =	simm.s32 @p2 $0x1  }
0x17: {  	s4 =	simm.s32 $0x1BF5;
	[smem:$0x3FB7] =	sst s0  }
0x18: {  	s0 =	sld [smem:$0x3F9A];
	_ =	swait.ge [sflag:s4], $0x0  }
0x19: {  	s7 =	sld [smem:$0x3F9B]  }
0x1a: {  	s8 =	sadd.s32 $0xFFFFE003, lr  }
0x1b: {  	s9 =	sadd.s32 $0xFFFFFEF7, lr;
	s5 =	simm.s32 $0xFFFFFFFF;
	p2 =	slt.u32 s8, $0xFFFFF086  }
0x1c: {  	p1 =	slt.u32 s9, $0xF7A;
	s5 =	simm.s32 @!p2 $0x0  }
0x1d: {  	s5 =	simm.s32 @p1 $0x1;
	p0 =	seq.s32 s7, s2  }
0x1e: {  	s7 =	smul.u32 @!p0 $0xF7A, s2;
	p2 =	seq.s32 @!p0 s5, $0x0  }
0x1f: {  	s9 =	smul.u32 $0xF7A, s1;
	s8 =	simm.s32 @!p0 $0x1BF5;
	p2 =	por !p2, p0  }
0x20: {  	[sflag:s8] =	ssyncset.s32 @!p0 $0xFFFFF086;
	s6 =	sadd.s32 @!p0 s3, s7;
	s7 =	simm.s32 @!p0 $0x108  }
0x21: {  	s3 =	sadd.s32 s3, s9;
	s6 =	sadd.s32 @!p0 $0x88, s6;
	s7 =	simm.s32 @p2 $0x1082  }
0x22: {  	[simem:s7], [sflag:s8] =	dma.local @!p0 [hbm:s6], $0xF7A  }
0x23: {  	s9 =	sor.u32 $0xD0000000, s2;
	s6 =	simm.s32 $0x108;
	_ =	swait.ge @!p0 [sflag:s8], $0x0  }
0x24: {  	s3 =	sadd.s32 $0x88, s3;
	s6 =	simm.s32 @!p1 $0x1082;
	[sflag:s4] =	ssyncset.s32 $0xFFFFF086  }
0x25: {  	[simem:s6], [sflag:s4] =	dma.local [hbm:s3], $0xF7A  }
0x26: {  	[smem:$0x3F9B] =	sst s1;
	(tag) =	ssettag s2;
	_ =	strace s9  }
0x27: {  	s1 =	sld [smem:$0x3FAB]  }
0x28: {  	s2 =	sld [smem:$0x3FAC]  }
0x29: {  	s4 =	sld [smem:$0x3FAE]  }
0x2a: {  	p0 =	seq.s32 s5, $0x0;
	s5 =	sld [smem:$0x3FAF]  }
0x2b: {  	s6 =	sld [smem:$0x3FB0]  }
0x2c: {  	s7 =	sld [smem:$0x3FB1]  }
0x2d: {  	s3 =	simm.s32 $0x108;
	s8 =	sld [smem:$0x3FB2]  }
0x2e: {  	s3 =	simm.s32 @!p0 $0x1082;
	s9 =	sld [smem:$0x3FB3]  }
0x2f: {  	lr =	sadd.s32 s0, s3;
	s0 =	sld [smem:$0x3FAA]  }
0x30: {  	s3 =	sld [smem:$0x3FAD]  }
0x31: {  	[smem:$0x3FB6] =	sst s10  }
0x32: {  	s10 =	sld [smem:$0x3FB4];
	_ =	sdelay $0x3  }
0x33: {  	p0 =	seq.s32 s10, $0x1;
	s10 =	sld [smem:$0x3FB6];
	_ =	sdelay $0x3  }
0x34: {  	[smem:$0x3FB6] =	sst s10  }
0x35: {  	s10 =	sld [smem:$0x3FB5];
	_ =	sdelay $0x3  }
0x36: {  	p1 =	seq.s32 s10, $0x1;
	s10 =	sld [smem:$0x3FB6];
	_ =	sdelay $0x3  }
0x37: {  	[smem:$0x3FB6] =	sst s10  }
0x38: {  	s10 =	sld [smem:$0x3FB7]  }
0x39: {  	_ = 	snop;
	(pc) =	sbr.ind lr, $3  }
0x3a: {  	_ = 	snop  }
0x3b: {  	_ = 	snop  }
0x3c: {  	p2 =	seq.s32 s10, $0x1;
	s10 =	sld [smem:$0x3FB6]  }
0x3d: {  	_ =	shalt  }
0x3e: {  	_ =	shalt  }
0x3f: {  	_ =	shalt  }
0x40: {  	_ =	shalt  }
0x41: {  	_ =	shalt  }
0x42: {  	_ =	shalt  }
0x43: {  	_ =	shalt  }
0x44: {  	_ =	shalt  }
0x45: {  	_ =	shalt  }
0x46: {  	_ =	shalt  }
0x47: {  	_ =	shalt  }
0x48: {  	_ =	shalt  }
0x49: {  	_ =	shalt  }
0x4a: {  	_ =	shalt  }
0x4b: {  	_ =	shalt  }
0x4c: {  	_ =	shalt  }
0x4d: {  	_ =	shalt  }
0x4e: {  	_ =	shalt  }
0x4f: {  	_ =	shalt  }
0x50: {  	_ =	shalt  }
0x51: {  	_ =	shalt  }
0x52: {  	_ =	shalt  }
0x53: {  	_ =	shalt  }
0x54: {  	_ =	shalt  }
0x55: {  	_ =	shalt  }
0x56: {  	_ =	shalt  }
0x57: {  	_ =	shalt  }
0x58: {  	_ =	shalt  }
0x59: {  	_ =	shalt  }
0x5a: {  	_ =	shalt  }
0x5b: {  	_ =	shalt  }
0x5c: {  	_ =	shalt  }
0x5d: {  	_ =	shalt  }
0x5e: {  	_ =	shalt  }
0x5f: {  	_ =	shalt  }
0x60: {  	_ =	shalt  }
0x61: {  	_ =	shalt  }
0x62: {  	_ =	shalt  }
0x63: {  	_ =	shalt  }
0x64: {  	_ =	shalt  }
0x65: {  	_ =	shalt  }
0x66: {  	_ =	shalt  }
0x67: {  	_ =	shalt  }
0x68: {  	_ =	shalt  }
0x69: {  	_ =	shalt  }
0x6a: {  	_ =	shalt  }
0x6b: {  	_ =	shalt  }
0x6c: {  	_ =	shalt  }
0x6d: {  	_ =	shalt  }
0x6e: {  	_ =	shalt  }
0x6f: {  	_ =	shalt  }
0x70: {  	_ =	shalt  }
0x71: {  	_ =	shalt  }
0x72: {  	_ =	shalt  }
0x73: {  	_ =	shalt  }
0x74: {  	_ =	shalt  }
0x75: {  	_ =	shalt  }
0x76: {  	_ =	shalt  }
0x77: {  	_ =	shalt  }
0x78: {  	_ =	shalt  }
0x79: {  	_ =	shalt  }
0x7a: {  	_ =	shalt  }
0x7b: {  	_ =	shalt  }
0x7c: {  	_ =	shalt  }
0x7d: {  	_ =	shalt  }
0x7e: {  	_ =	shalt  }
0x7f: {  	_ =	shalt  }
0x80: {  	_ =	shalt  }
0x81: {  	_ =	shalt  }
0x82: {  	_ =	shalt  }
0x83: {  	_ =	shalt  }
0x84: {  	_ =	shalt  }
0x85: {  	_ =	shalt  }
0x86: {  	_ =	shalt  }
0x87: {  	_ =	shalt  }
.Lfunc_end0:
.L_simem_size_0:
called_computation.1_lowered:
.L_overlay_start_0:
0x88: {  	s2 =	sld [smem:$0x3FD9]  }
0x89: {  	s3 =	sld [smem:$0x3FFE];
	_ =	sdelay $0x1  }
0x8a: {  	s1 =	srdreg.scid  }
0x8b: {  	s0 =	sand.u32 $0x1, s1  }
0x8c: {  	s17 =	sshll.u32 s0, $0xA;
	s2 =	sadd.s32 s3, s2  }
0x8d: {  	s2 =	sadd.s32 s2, s17  }
0x8e: {  	[smem:$0x3FC2] =	sst s2  }
0x8f: {  	_ = 	snop  }
0x90: {  	s2 =	sld [smem:$0x3FD0];
	(tm) =	ssettm $0x1  }
0x91: {  	s18 =	sld [smem:$0x3FFB];
	_ =	sdelay $0x3  }
0x92: {  	_ =	strace s18  }
0x93: {  	s3 =	sld [smem:$0x3FFC];
	_ =	sdelay $0x3  }
0x94: {  	_ =	strace s3  }
0x95: {  	s3 =	sld [smem:$0x3FFD];
	_ =	sdelay $0x3  }
0x96: {  	_ =	strace s3  }
0x97: {  	_ =	strace $0x8FFFFFFF  }
0x98: {  	s19 =	sld [smem:$0x3FDB];
	_ =	sdelay $0x1  }
0x99: {  	s4 =	simm.s32 $_scs_section_size  }
0x9a: {  	s5 =	simm.s32 $_size__tile_overlayer_lowered;
	s6 =	simm.s32 $_tile_overlayer_lowered  }
0x9b: {  	s22 =	simm.s32 $0x1BFF;
	s21 =	sshll.u32 s6, $0x1;
	s3 =	sadd.s32 s4, s19  }
0x9c: {  	s7 =	simm.s32 $0x0;
	s20 =	sshll.u32 s5, $0x1;
	s5 =	sadd.s32 s21, s3  }
0x9d: {  	[timem:s7], [sflag:s22] =	dma.local [hbm:s5], s20  }
0x9e: {  	_ =	swait.ge [sflag:s22], s20  }
0x9f: {  	s4 =	ssub.s32 $0x0, s20;
	[sflag:s22] =	ssyncset.done $0x0  }
0xa0: {  	[sflag:s22] =	ssyncadd.s32 s4;
	_ =	sdelay $0x1  }
0xa1: {  	s23 =	simm.s32 $0x1B8B  }
0xa2: {  	_ =	swait.ge [sflag:s23], $0x1  }
0xa3: {  	[sflag:s23] =	ssyncset.done $0x0  }
0xa4: {  	s25 =	simm.s32 $0x1B8E;
	s24 =	sld [smem:$0x3FFE];
	[sflag:s23] =	ssyncadd.s32 $0xFFFFFFFF  }
0xa5: {  	s26 =	simm.s32 $execute0_lowered;
	[smem:$0x3FD2] =	sst s25  }
0xa6: {  	s5 =	sshll.u32 s26, $0x1;
	_ =	strace $0x80000049;
	[dreg:$0x1] =	wrdreg $0xFFFFFFFF  }
0xa7: {  	s28 =	simm.s32 $_size_execute0_lowered;
	s3 =	sadd.s32 s3, s5;
	[dreg:$0x0] =	wrdreg $0x0  }
0xa8: {  	s5 =	sshll.u32 s28, $0x1;
	[dreg:$0x2] =	wrdreg s3  }
0xa9: {  	[dreg:$0x3] =	wrdreg s5  }
0xaa: {  	[dreg:$0x4] =	wrdreg $0xC0  }
0xab: {  	_ =	task [dreg:s7], $0x5FFFF  }
0xac: {  	[dreg:$0x1] =	wrdreg $0xFFFFFFFF  }
0xad: {  	[dreg:$0x0] =	wrdreg $0x60  }
0xae: {  	[dreg:$0x2] =	wrdreg s24  }
0xaf: {  	[dreg:$0x3] =	wrdreg s2  }
0xb0: {  	[dreg:$0x4] =	wrdreg $0x0  }
0xb1: {  	[dreg:$0x5] =	wrdreg $0x9  }
0xb2: {  	_ =	task.clear_ibuf [dreg:s7], $0x6FFFF;
	_ =	strace $0x90000049  }
0xb3: {  	s29 =	simm.s32 $0x9;
	_ =	strace $0x8000004B  }
0xb4: {  	_ =	swait.ge [sflag:s29], $0x1  }
0xb5: {  	[sflag:s29] =	ssyncadd.s32 $0xFFFFFFFF  }
0xb6: {  	_ =	strace $0x9000004B  }
0xb7: {  	_ =	sfence  }
0xb8: {  	s30 =	sld [smem:$0x0];
	_ =	sdelay $0x2  }
0xb9: {  	s31 =	sshll.u32 s1, $0xD;
	s1 =	sshrl.u32 s1, $0x2  }
0xba: {  	s3 =	sand.u32 $0x4000, s31;
	s1 =	sadd.s32 s1, s30  }
0xbb: {  	s0 =	sor.u32 s3, s0;
	s1 =	sshll.u32 s1, $0x11  }
0xbc: {  	s0 =	sor.u32 s1, s0  }
0xbd: {  	s0 =	sadd.s32 $0x8F2B, s0  }
0xbe: {  	[sflag:s0] =	ssyncadd.remote.s32 $0x1  }
0xbf: {  	_ =	sfence.sel $0xFFFF  }
0xc0: {  	[dreg:$0x0] =	wrdreg $0xFFFFFFFF;
	(pc) =	sbr.abs _section_cstart, $3  }
0xc1: {  	[dreg:$0x1] =	wrdreg $0xFFFFFFFF  }
0xc2: {  	_ =	task.clear_ibuf [dreg:s7], $0x2FFFF;
	_ =	strace $0x9FFFFFFF  }
0xc3: {  	(tm) =	ssettm $0x7FFFFFFF  }
tec
execute0_lowered:
.L_overlay_start_1:
0x0: {  	(tag) =	ssettag $0x1  }
0x1: {  	s0 =	rddreg [dreg:$0x0]  }
0x2: {  	s1 =	rddreg [dreg:$0x1];
	s3 =	srdreg.scid  }
0x3: {  	s17 =	stileid.u32;
	s2 =	rddreg [dreg:$0x2]  }
0x4: {  	s31 =	simm.s32 $0x19400;
	s4 =	sand.u32 $0x1, s3;
	s5 =	smul.u32 $0x1880, s17  }
0x5: {  	s3 =	simm.s32 $0x0;
	s6 =	sadd.s32 $0x3000, s0;
	s10 =	smul.u32 $0x18800, s17  }
0x6: {  	s8 =	sadd.s32 $0x166000, s0;
	s7 =	smul.u32 $0x18800, s4;
	s9 =	ssub.s32 $0x2, s4  }
0x7: {  	s11 =	sshll.u32 s4, $0x4;
	s30 =	smul.u32 $0x194000, s4;
	[smem:$0x7FF] =	sst s3  }
0x8: {  	s21 =	sshrl.u32 s9, $0x1;
	s22 =	sor.u32 s17, s11;
	s23 =	sshrl.u32 s10, $0x3  }
0x9: {  	s24 =	sadd.s32 $0x6000, s10;
	s12 =	sadd.s32 $0xC000, s10;
	s26 =	sadd.s32 $0x12000, s10  }
0xa: {  	s20 =	sadd.s32 $0x18000, s10;
	s5 =	sadd.s32 s5, s7;
	s7 =	ssub.s32 s9, s21  }
0xb: {  	s11 =	sadd.s32 s8, s23;
	s13 =	sshrl.u32 s24, $0x3;
	s15 =	smul.u32 $0x19400, s22  }
0xc: {  	s14 =	sshrl.u32 s12, $0x3;
	s28 =	sshrl.u32 s26, $0x3;
	s16 =	smul.u32 $0x3280, s22  }
0xd: {  	p0 =	seq.s32 s22, $0x1F;
	[dreg:$0x4] =	wrdreg s11;
	s13 =	sadd.s32 s8, s13  }
0xe: {  	s22 =	smul.u32 $0x3280, s17;
	s25 =	sadd.s32 s8, s14;
	[dreg:$0x5] =	wrdreg s13  }
0xf: {  	s23 =	smul.u32 $0x328, s17;
	s14 =	sadd.s32 s8, s28;
	[dreg:$0x6] =	wrdreg s25  }
0x10: {  	s5 =	sshll.u32 s5, $0x1;
	s15 =	sshrl.u32 s15, $0x3;
	[dreg:$0x7] =	wrdreg s14  }
0x11: {  	s29 =	sadd.s32 s16, s6;
	s14 =	sadd.s32 $0x300, s1;
	s5 =	sadd.s32 s5, s0  }
0x12: {  	s18 =	sadd.s32 s6, s15;
	s15 =	sadd.s32 $0xC6900, s0;
	s21 =	sadd.s32 $0x61AC0, s29  }
0x13: {  	s16 =	sadd.s32 $0x40, s29;
	s25 =	sadd.s32 $0x198800, s5;
	s28 =	sadd.s32 $0x199400, s5  }
0x14: {  	s29 =	sadd.s32 $0x19A000, s5;
	s19 =	sadd.s32 $0x61A80, s18;
	s18 =	smov.u32 @p0 s14  }
0x15: {  	s14 =	sadd.s32 $0x340, s1;
	[dreg:$0x8] =	wrdreg s18;
	s19 =	smov.u32 @p0 s15  }
0x16: {  	s18 =	smul.u32 $0x32800, s4;
	s16 =	smov.u32 @p0 s14;
	s14 =	sadd.s32 $0xC6940, s0  }
0x17: {  	s4 =	smul.u32 $0x3280, s4;
	s15 =	sadd.s32 $0xC6600, s0;
	[dreg:$0x9] =	wrdreg s19  }
0x18: {  	[dreg:$0xa] =	wrdreg s16;
	s21 =	smov.u32 @p0 s14;
	s19 =	sshrl.u32 s20, $0x3  }
0x19: {  	s14 =	sadd.s32 $0x135000, s0;
	s16 =	sadd.s32 s10, s2;
	s20 =	sadd.s32 s20, s2  }
0x1a: {  	[dreg:$0xb] =	wrdreg s21;
	s21 =	smul.u32 $0x19400, s17;
	s8 =	sadd.s32 s8, s19  }
0x1b: {  	s6 =	sadd.s32 s18, s6;
	s4 =	sadd.s32 s23, s4;
	s17 =	sadd.s32 s24, s2  }
0x1c: {  	s18 =	sadd.s32 s12, s2;
	s24 =	sadd.s32 $0x197C00, s5;
	[dreg:$0xc] =	wrdreg s8  }
0x1d: {  	s19 =	sadd.s32 s26, s2;
	_ =	strace $0x8000004A;
	[dreg:$0xd] =	wrdreg s24  }
0x1e: {  	s26 =	sadd.s32 $0x197000, s5;
	s12 =	simm.s32 $0x4;
	[dreg:$0xe] =	wrdreg s25  }
0x1f: {  	s5 =	simm.s32 $0x80;
	s6 =	sadd.s32 s22, s6;
	[dreg:$0xf] =	wrdreg s26  }
0x20: {  	s13 =	sadd.s32 $0x8, s4;
	s4 =	simm.s32 $0x3;
	[dreg:$0x10] =	wrdreg s28  }
0x21: {  	s9 =	sadd.s32 s21, s30;
	[dreg:$0x11] =	wrdreg s29;
	s30 =	smax.u32 s7, $0x1  }
0x22: {  	s10 =	sadd.s32 $0x61B00, s6;
	s6 =	simm.s32 $0x1;
	s7 =	simm.s32 $0x2  }
0x23: {  	[dreg:$0x12] =	wrdreg s30;
	s11 =	sadd.s32 $0xFFCF3000, s9;
	s9 =	simm.s32 $0x0  }
.LBB2_1:
0x24: {  	s0 =	rddreg [dreg:$0x4]  }
0x25: {  	[tilespmem:s31], [sflag:$0x4] =	stream.linear.gather [hbm4b:s0+s3], $0x6000, $0x38;
	[tilespmem:$0x1F400] =	vst v63  }
0x26: {  	_ =	swait.ge [sflag:s12], $0x6000  }
0x27: {  	[sflag:s12] =	ssyncset.done $0x0  }
0x28: {  	[sflag:s12] =	ssyncadd.s32 $0xFFFFA000  }
0x29: {  	[spmem:s16] =	stream.linear.scatter [tilespmem:s31], [sflag:$0x4], $0x6000, $0x38;
	[tilespmem:$0x1F400] =	vst v63  }
0x2a: {  	_ =	swait.ge [sflag:s12], $0x6000  }
0x2b: {  	[sflag:s12] =	ssyncset.done $0x0  }
0x2c: {  	s24 =	rddreg [dreg:$0x5];
	[sflag:s12] =	ssyncadd.s32 $0xFFFFA000  }
0x2d: {  	[tilespmem:s31], [sflag:$0x4] =	stream.linear.gather [hbm4b:s24+s3], $0x6000, $0x38;
	[tilespmem:$0x1F400] =	vst v63  }
0x2e: {  	_ =	swait.ge [sflag:s12], $0x6000  }
0x2f: {  	[sflag:s12] =	ssyncset.done $0x0  }
0x30: {  	[sflag:s12] =	ssyncadd.s32 $0xFFFFA000  }
0x31: {  	[spmem:s17] =	stream.linear.scatter [tilespmem:s31], [sflag:$0x4], $0x6000, $0x38;
	[tilespmem:$0x1F400] =	vst v63  }
0x32: {  	_ =	swait.ge [sflag:s12], $0x6000  }
0x33: {  	[sflag:s12] =	ssyncset.done $0x0  }
0x34: {  	s25 =	rddreg [dreg:$0x6];
	[sflag:s12] =	ssyncadd.s32 $0xFFFFA000  }
0x35: {  	[tilespmem:s31], [sflag:$0x4] =	stream.linear.gather [hbm4b:s25+s3], $0x6000, $0x38;
	[tilespmem:$0x1F400] =	vst v63  }
0x36: {  	_ =	swait.ge [sflag:s12], $0x6000  }
0x37: {  	[sflag:s12] =	ssyncset.done $0x0  }
0x38: {  	[sflag:s12] =	ssyncadd.s32 $0xFFFFA000  }
0x39: {  	[spmem:s18] =	stream.linear.scatter [tilespmem:s31], [sflag:$0x4], $0x6000, $0x38;
	[tilespmem:$0x1F400] =	vst v63  }
0x3a: {  	_ =	swait.ge [sflag:s12], $0x6000  }
0x3b: {  	[sflag:s12] =	ssyncset.done $0x0  }
0x3c: {  	s26 =	rddreg [dreg:$0x7];
	[sflag:s12] =	ssyncadd.s32 $0xFFFFA000  }
0x3d: {  	[tilespmem:s31], [sflag:$0x4] =	stream.linear.gather [hbm4b:s26+s3], $0x6000, $0x38;
	[tilespmem:$0x1F400] =	vst v63  }
0x3e: {  	_ =	swait.ge [sflag:s12], $0x6000  }
0x3f: {  	[sflag:s12] =	ssyncset.done $0x0  }
0x40: {  	[sflag:s12] =	ssyncadd.s32 $0xFFFFA000  }
0x41: {  	[spmem:s19] =	stream.linear.scatter [tilespmem:s31], [sflag:$0x4], $0x6000, $0x38;
	[tilespmem:$0x1F400] =	vst v63  }
0x42: {  	_ =	swait.ge [sflag:s12], $0x6000  }
0x43: {  	[sflag:s12] =	ssyncset.done $0x0  }
0x44: {  	s8 =	rddreg [dreg:$0xc];
	[sflag:s12] =	ssyncadd.s32 $0xFFFFA000  }
0x45: {  	[tilespmem:s31], [sflag:$0x4] =	stream.linear.gather [hbm4b:s8+s3], $0x800, $0x38;
	[tilespmem:$0x1F400] =	vst v63  }
0x46: {  	_ =	swait.ge [sflag:s12], $0x800  }
0x47: {  	[sflag:s12] =	ssyncset.done $0x0  }
0x48: {  	[sflag:s12] =	ssyncadd.s32 $0xFFFFF800  }
0x49: {  	[spmem:s20] =	stream.linear.scatter [tilespmem:s31], [sflag:$0x4], $0x800, $0x38;
	[tilespmem:$0x1F400] =	vst v63  }
0x4a: {  	_ =	swait.ge [sflag:s12], $0x800  }
0x4b: {  	[sflag:s12] =	ssyncset.done $0x0  }
0x4c: {  	[sflag:s12] =	ssyncadd.s32 $0xFFFFF800  }
0x4d: {  	[bflag:$0x0] =	sbarrier.arrive $0xFFFF  }
0x4e: {  	s8 =	simm.s32 $0x18800;
	s21 =	rddreg [dreg:$0x8]  }
0x4f: {  	[tilespmem:s8], [sflag:$0x3] =	stream.linear.gather [hbm4b:s21+s3], $0x200, $0x38;
	[tilespmem:$0x1F400] =	vst v63  }
0x50: {  	s22 =	rddreg [dreg:$0x9];
	s21 =	simm.s32 $0x18E00  }
0x51: {  	[tilespmem:s21], [sflag:$0x3] =	stream.linear.gather [hbm4b:s22+s3], $0x200, $0x38;
	[tilespmem:$0x1F400] =	vst v63  }
0x52: {  	_ =	swait.ge [sflag:s4], $0x200  }
0x53: {  	[sflag:s4] =	ssyncset.done $0x0  }
0x54: {  	[sflag:s4] =	ssyncadd.s32 $0xFFFFFE00  }
0x55: {  	_ =	swait.ge [sflag:s4], $0x200  }
0x56: {  	[sflag:s4] =	ssyncset.done $0x0  }
0x57: {  	s24 =	simm.s32 $0x18A00;
	s23 =	rddreg [dreg:$0xa];
	[sflag:s4] =	ssyncadd.s32 $0xFFFFFE00  }
0x58: {  	[tilespmem:s24], [sflag:$0x3] =	stream.linear.gather [hbm4b:s23+s3], $0x200, $0x38;
	[tilespmem:$0x1F400] =	vst v63  }
0x59: {  	s26 =	simm.s32 $0x19000;
	s25 =	rddreg [dreg:$0xb]  }
0x5a: {  	[tilespmem:s26], [sflag:$0x3] =	stream.linear.gather [hbm4b:s25+s3], $0x200, $0x38;
	[tilespmem:$0x1F400] =	vst v63  }
0x5b: {  	s30 =	smov.u32 s13  }
0x5c: {  	[tilespmem:s31], [sflag:$0x1] =	stream.indirect.gather [hbm4b:s14+s5], $0x10, s8, s5, $0xb8;
	[tilespmem:$0x1F400] =	vst v63  }
0x5d: {  	s29 =	smov.u32 s10;
	s21 =	simm.s32 $0x18880;
	s22 =	simm.s32 $0x19C00  }
0x5e: {  	[tilespmem:s22], [sflag:$0x1] =	stream.indirect.gather [hbm4b:s14+s5], $0x10, s21, s5, $0xb8;
	[tilespmem:$0x1F400] =	vst v63  }
0x5f: {  	s28 =	smov.u32 s11;
	s23 =	simm.s32 $0x18900;
	s24 =	simm.s32 $0x1A400  }
0x60: {  	[tilespmem:s24], [sflag:$0x1] =	stream.indirect.gather [hbm4b:s14+s5], $0x10, s23, s5, $0xb8;
	[tilespmem:$0x1F400] =	vst v63  }
0x61: {  	s25 =	simm.s32 $0x18980;
	s26 =	simm.s32 $0x1AC00;
	s8 =	simm.s32 $0x0  }
0x62: {  	[tilespmem:s26], [sflag:$0x1] =	stream.indirect.gather [hbm4b:s14+s5], $0x10, s25, s5, $0xb8;
	[tilespmem:$0x1F400] =	vst v63  }
.LBB2_2:
0x63: {  	s21 =	smul.u32 $0xAB, s8  }
0x64: {  	p0 =	seq.s32 s8, $0x0  }
0x65: {  	s22 =	simm.s32 @!p0 $0x2;
	s21 =	sshrl.u32 s21, $0x9  }
0x66: {  	_ =	swait.ge @!p0 [sflag:s22], $0x2000;
	s21 =	sand.u32 $0x7F, s21  }
0x67: {  	[sflag:s22] =	ssyncset.done @!p0 $0x0;
	s21 =	smul.u32 $0x3, s21  }
0x68: {  	[sflag:s22] =	ssyncadd.s32 @!p0 $0xFFFFE000  }
0x69: {  	s22 =	sadd.s32 $0x2, s8;
	p0 =	seq.s32 s8, $0xC9;
	s21 =	ssub.s32 s8, s21  }
0x6a: {  	_ =	swait.ge [sflag:s6], $0x2000;
	p3 =	sgt.u32 @!p0 s8, $0xC7;
	s21 =	sand.u32 $0xFF, s21  }
0x6b: {  	[sflag:s6] =	ssyncset.done $0x0;
	s23 =	sshll.u32 s21, $0xD;
	s21 =	sshll.u32 s21, $0x9  }
0x6c: {  	[sflag:s6] =	ssyncadd.s32 $0xFFFFE000;
	s24 =	sadd.s32 $0x19400, s23;
	s25 =	sadd.s32 $0x18E00, s21  }
0x6d: {  	[spmem:s2] =	stream.indirect.scatter.add.f32 [tilespmem:s24], [sflag:$0x2], $0x10, s25, s5, $0xb8;
	[tilespmem:$0x1F400] =	vst v63  }
0x6e: {  	p1 =	por p3, p0;
	s0 =	sadd.s32 $0x19C00, s23;
	s26 =	sadd.s32 $0x18E80, s21  }
0x6f: {  	[spmem:s2] =	stream.indirect.scatter.add.f32 [tilespmem:s0], [sflag:$0x2], $0x10, s26, s5, $0xb8;
	[tilespmem:$0x1F400] =	vst v63  }
0x70: {  	s24 =	sand.u32 $0xFF, s22;
	s26 =	sadd.s32 $0x1A400, s23;
	s0 =	sadd.s32 $0x18F00, s21  }
0x71: {  	[spmem:s2] =	stream.indirect.scatter.add.f32 [tilespmem:s26], [sflag:$0x2], $0x10, s0, s5, $0xb8;
	[tilespmem:$0x1F400] =	vst v63  }
0x72: {  	s24 =	smul.u32 $0xAB, s24;
	s23 =	sadd.s32 $0x1AC00, s23;
	s21 =	sadd.s32 $0x18F80, s21  }
0x73: {  	[spmem:s2] =	stream.indirect.scatter.add.f32 [tilespmem:s23], [sflag:$0x2], $0x10, s21, s5, $0xb8;
	[tilespmem:$0x1F400] =	vst v63  }
0x74: {  	s8 =	sadd.s32 $0x1, s8;
	p5 =	sgt.u32 @!p1 s30, $0x61A7;
	s23 =	simm.s32 @!p0 $0x3  }
0x75: {  	p2 =	por @!p0 !p5, p3;
	s24 =	sshrl.u32 s24, $0x9;
	_ =	swait.ge @!p0 [sflag:s23], $0x200  }
0x76: {  	p3 =	por @!p0 p5, p3;
	s24 =	smul.u32 $0x3, s24;
	[sflag:s23] =	ssyncset.done @!p0 $0x0  }
0x77: {  	p4 =	por p2, p0;
	p3 =	por p3, p0;
	[sflag:s23] =	ssyncadd.s32 @!p0 $0xFFFFFE00  }
0x78: {  	s25 =	sand.u32 $0xFF, s8;
	s21 =	ssub.s32 s22, s24;
	_ =	swait.ge @!p0 [sflag:s23], $0x200  }
0x79: {  	s0 =	simm.s32 @!p4 $0x0;
	s21 =	sand.u32 $0xFF, s21;
	[sflag:s23] =	ssyncset.done @!p0 $0x0  }
0x7a: {  	s24 =	sshrl.u32 @!p4 s28, $0x3;
	[sflag:s23] =	ssyncadd.s32 @!p0 $0xFFFFFE00;
	s23 =	sshll.u32 @!p4 s21, $0x9  }
0x7b: {  	s22 =	smul.u32 $0xAB, s25;
	s26 =	sadd.s32 @!p4 s1, s24;
	s25 =	sadd.s32 @!p4 $0x18800, s23  }
0x7c: {  	[tilespmem:s25], [sflag:$0x3] =	stream.linear.gather @!p4 [hbm4b:s26+s0], $0x200, $0x38;
	[tilespmem:$0x1F400] =	vst v63  }
0x7d: {  	p2 =	por !p2, p0;
	s21 =	sshll.u32 @!p3 s21, $0x9;
	s26 =	sshrl.u32 s22, $0x9  }
0x7e: {  	s22 =	sadd.s32 @!p3 $0x18800, s21;
	s25 =	sadd.s32 @!p3 $0xFFF9E580, s29;
	s21 =	smov.u32 @p2 s23  }
0x7f: {  	s0 =	smul.u32 $0x3, s26;
	s26 =	simm.s32 @!p3 $0x0;
	s21 =	sadd.s32 @!p1 $0x18E00, s21  }
0x80: {  	[tilespmem:s22], [sflag:$0x3] =	stream.linear.gather @!p3 [hbm4b:s25+s26], $0x200, $0x38;
	[tilespmem:$0x1F400] =	vst v63  }
0x81: {  	s22 =	sadd.s32 @!p4 s15, s24;
	s24 =	smov.u32 s29;
	s0 =	ssub.s32 s8, s0  }
0x82: {  	s24 =	smov.u32 @p2 s22;
	s22 =	simm.s32 @!p1 $0x0;
	s0 =	sand.u32 $0xFF, s0  }
0x83: {  	[tilespmem:s21], [sflag:$0x3] =	stream.linear.gather @!p1 [hbm4b:s24+s22], $0x200, $0x38;
	[tilespmem:$0x1F400] =	vst v63  }
0x84: {  	s24 =	simm.s32 @!p0 $0x80;
	s21 =	sshll.u32 @!p0 s0, $0xD;
	s0 =	sshll.u32 @!p0 s0, $0x9  }
0x85: {  	p1 =	sne.s32 @!p0 s8, $0xCA;
	s22 =	sadd.s32 @!p0 $0x19400, s21;
	s23 =	sadd.s32 @!p0 $0x18800, s0  }
0x86: {  	[tilespmem:s22], [sflag:$0x1] =	stream.indirect.gather @!p0 [hbm4b:s14+s24], $0x10, s23, s24, $0xb8;
	[tilespmem:$0x1F400] =	vst v63  }
0x87: {  	p1 =	por p0, !p1;
	s22 =	sadd.s32 @!p0 $0x19C00, s21;
	s23 =	sadd.s32 @!p0 $0x18880, s0  }
0x88: {  	[tilespmem:s22], [sflag:$0x1] =	stream.indirect.gather @!p0 [hbm4b:s14+s24], $0x10, s23, s24, $0xb8;
	[tilespmem:$0x1F400] =	vst v63  }
.Ltmp0:
0x89: {  	s30 =	sadd.s32 @!p0 $0x4, s30;
	(pc) =	sbr.rel @!p1 .LBB2_2-.Ltmp0, $4  }
0x8a: {  	s28 =	sadd.s32 @!p0 $0x200, s28;
	s22 =	sadd.s32 @!p0 $0x1A400, s21;
	s23 =	sadd.s32 @!p0 $0x18900, s0  }
0x8b: {  	[tilespmem:s22], [sflag:$0x1] =	stream.indirect.gather @!p0 [hbm4b:s14+s24], $0x10, s23, s24, $0xb8;
	[tilespmem:$0x1F400] =	vst v63  }
0x8c: {  	s29 =	sadd.s32 @!p0 $0x40, s29;
	s21 =	sadd.s32 @!p0 $0x1AC00, s21;
	s0 =	sadd.s32 @!p0 $0x18980, s0  }
0x8d: {  	[tilespmem:s21], [sflag:$0x1] =	stream.indirect.gather @!p0 [hbm4b:s14+s24], $0x10, s0, s24, $0xb8;
	[tilespmem:$0x1F400] =	vst v63  }
0x8e: {  	_ =	swait.ge [sflag:s7], $0x2000  }
0x8f: {  	[sflag:s7] =	ssyncset.done $0x0  }
0x90: {  	[sflag:s7] =	ssyncadd.s32 $0xFFFFE000  }
0x91: {  	[bflag:$0x0] =	sbarrier.arrive $0xFFFF  }
0x92: {  	[tilespmem:s31], [sflag:$0x4] =	stream.linear.gather [spmem:s16], $0x6000, $0x38;
	[tilespmem:$0x1F400] =	vst v63  }
0x93: {  	_ =	swait.ge [sflag:s12], $0x6000  }
0x94: {  	[sflag:s12] =	ssyncset.done $0x0  }
0x95: {  	s0 =	rddreg [dreg:$0xf];
	[sflag:s12] =	ssyncadd.s32 $0xFFFFA000  }
0x96: {  	[hbm4b:s0+s3] =	stream.linear.scatter [tilespmem:s31], [sflag:$0x4], $0x6000, $0x38;
	[tilespmem:$0x1F400] =	vst v63  }
0x97: {  	_ =	swait.ge [sflag:s12], $0x6000  }
0x98: {  	[sflag:s12] =	ssyncset.done $0x0  }
0x99: {  	[sflag:s12] =	ssyncadd.s32 $0xFFFFA000  }
0x9a: {  	[tilespmem:s31], [sflag:$0x4] =	stream.linear.gather [spmem:s17], $0x6000, $0x38;
	[tilespmem:$0x1F400] =	vst v63  }
0x9b: {  	_ =	swait.ge [sflag:s12], $0x6000  }
0x9c: {  	[sflag:s12] =	ssyncset.done $0x0  }
0x9d: {  	s25 =	rddreg [dreg:$0xd];
	[sflag:s12] =	ssyncadd.s32 $0xFFFFA000  }
0x9e: {  	[hbm4b:s25+s3] =	stream.linear.scatter [tilespmem:s31], [sflag:$0x4], $0x6000, $0x38;
	[tilespmem:$0x1F400] =	vst v63  }
0x9f: {  	_ =	swait.ge [sflag:s12], $0x6000  }
0xa0: {  	[sflag:s12] =	ssyncset.done $0x0  }
0xa1: {  	[sflag:s12] =	ssyncadd.s32 $0xFFFFA000  }
0xa2: {  	[tilespmem:s31], [sflag:$0x4] =	stream.linear.gather [spmem:s18], $0x6000, $0x38;
	[tilespmem:$0x1F400] =	vst v63  }
0xa3: {  	_ =	swait.ge [sflag:s12], $0x6000  }
0xa4: {  	[sflag:s12] =	ssyncset.done $0x0  }
0xa5: {  	s26 =	rddreg [dreg:$0xe];
	[sflag:s12] =	ssyncadd.s32 $0xFFFFA000  }
0xa6: {  	[hbm4b:s26+s3] =	stream.linear.scatter [tilespmem:s31], [sflag:$0x4], $0x6000, $0x38;
	[tilespmem:$0x1F400] =	vst v63  }
0xa7: {  	_ =	swait.ge [sflag:s12], $0x6000  }
0xa8: {  	[sflag:s12] =	ssyncset.done $0x0  }
0xa9: {  	[sflag:s12] =	ssyncadd.s32 $0xFFFFA000  }
0xaa: {  	[tilespmem:s31], [sflag:$0x4] =	stream.linear.gather [spmem:s19], $0x6000, $0x38;
	[tilespmem:$0x1F400] =	vst v63  }
0xab: {  	_ =	swait.ge [sflag:s12], $0x6000  }
0xac: {  	[sflag:s12] =	ssyncset.done $0x0  }
0xad: {  	s28 =	rddreg [dreg:$0x10];
	[sflag:s12] =	ssyncadd.s32 $0xFFFFA000  }
0xae: {  	[hbm4b:s28+s3] =	stream.linear.scatter [tilespmem:s31], [sflag:$0x4], $0x6000, $0x38;
	[tilespmem:$0x1F400] =	vst v63  }
0xaf: {  	_ =	swait.ge [sflag:s12], $0x6000  }
0xb0: {  	[sflag:s12] =	ssyncset.done $0x0  }
0xb1: {  	[sflag:s12] =	ssyncadd.s32 $0xFFFFA000  }
0xb2: {  	[tilespmem:s31], [sflag:$0x4] =	stream.linear.gather [spmem:s20], $0x800, $0x38;
	[tilespmem:$0x1F400] =	vst v63  }
0xb3: {  	_ =	swait.ge [sflag:s12], $0x800  }
0xb4: {  	[sflag:s12] =	ssyncset.done $0x0  }
0xb5: {  	s29 =	rddreg [dreg:$0x11];
	[sflag:s12] =	ssyncadd.s32 $0xFFFFF800  }
0xb6: {  	[hbm4b:s29+s3] =	stream.linear.scatter [tilespmem:s31], [sflag:$0x4], $0x800, $0x38;
	[tilespmem:$0x1F400] =	vst v63  }
0xb7: {  	_ =	swait.ge [sflag:s12], $0x800  }
0xb8: {  	s9 =	sadd.s32 $0x1, s9;
	s30 =	rddreg [dreg:$0x12]  }
0xb9: {  	p0 =	sne.s32 s9, s30  }
.Ltmp1:
0xba: {  	_ = 	snop;
	(pc) =	sbr.rel @p0 .LBB2_1-.Ltmp1, $3  }
0xbb: {  	_ =	sdelay $0x1  }
0xbc: {  	[sflag:s12] =	ssyncset.done $0x0  }
0xbd: {  	[sflag:s12] =	ssyncadd.s32 $0xFFFFF800  }
0xbe: {  	_ =	sfence.sel $0x180000  }
0xbf: {  	[bflag:$0x0] =	sbarrier.arrive $0xFFFF  }
0xc0: {  	_ =	strace $0x9000004A  }
0xc1: {  	s0 =	stileid.u32;
	[bflag:$0x2] =	sbarrier.arrive $0xFFFF  }
0xc2: {  	p0 =	sne.s32 s0, $0x0;
	s0 =	rddreg [dreg:$0x3]  }
0xc3: {  	s0 =	sadd.s32 @!p0 $0x100000, s0  }
0xc4: {  	[sflag:s0] =	ssyncadd.tile.s32 @!p0 $0x1;
	_ =	shalt  }
.Lfunc_end2:
_tile_overlayer_lowered:
.L_overlay_start_2:
0xc5: {  	(tag) =	ssettag $0x2  }
0xc6: {  	s0 =	rddreg [dreg:$0x0];
	s2 =	stileid.u32  }
0xc7: {  	s1 =	rddreg [dreg:$0x1];
	p0 =	sne.s32 s2, $0x0  }
0xc8: {  	s3 =	rddreg [dreg:$0x2];
	[bflag:$0x3] =	sbarrier.arrive $0xFFFF;
	s2 =	simm.s32 @!p0 $0x1C04  }
0xc9: {  	[timem:s3], [sflag:s2] =	dma.local @!p0 [hbm:s0], s1  }
0xca: {  	s0 =	simm.s32 @!p0 $0x4  }
0xcb: {  	_ =	swait.ge @!p0 [sflag:s0], s1  }
0xcc: {  	s1 =	ssub.s32 @!p0 $0x0, s1;
	[sflag:s0] =	ssyncset.done @!p0 $0x0  }
0xcd: {  	[sflag:s0] =	ssyncadd.s32 @!p0 s1  }
0xce: {  	[bflag:$0x3] =	sbarrier.arrive $0xFFFF  }
0xcf: {  	_ =	shalt  }

// kernel: kernel.14.cloned.1.call-start
scs
__scs_entry_jumppad:
0x0: {  	(pc) =	sbr.rel $0x88, $3  }
0x1: {  	(tag) =	ssettag $0x0;
	lr =	simm.s32 $0x1  }
0x2: {  	[smem:$0x3F9B] =	sst lr;
	_ =	strace $0xD0000000  }
0x3: {  	_ = 	snop  }
0x4: {  	_ = 	snop  }
0x5: {  	_ = 	snop  }
0x6: {  	_ = 	snop  }
0x7: {  	_ = 	snop  }
__scs_overlays_trampoline_lowered:
0x8: {  	[smem:$0x3FAA] =	sst s0  }
0x9: {  	[smem:$0x3FAB] =	sst s1  }
0xa: {  	[smem:$0x3FAC] =	sst s2  }
0xb: {  	[smem:$0x3FAD] =	sst s3  }
0xc: {  	[smem:$0x3FAE] =	sst s4  }
0xd: {  	[smem:$0x3FAF] =	sst s5  }
0xe: {  	[smem:$0x3FB0] =	sst s6  }
0xf: {  	[smem:$0x3FB1] =	sst s7  }
0x10: {  	[smem:$0x3FB2] =	sst s8  }
0x11: {  	[smem:$0x3FB3] =	sst s9;
	s0 =	simm.s32 @!p0 $0x0  }
0x12: {  	s1 =	sld [smem:$0x3F99];
	s0 =	simm.s32 @p0 $0x1  }
0x13: {  	[smem:$0x3FB4] =	sst s0;
	s0 =	simm.s32 @!p1 $0x0  }
0x14: {  	s2 =	sld [smem:$0x3F98];
	s0 =	simm.s32 @p1 $0x1  }
0x15: {  	[smem:$0x3FB5] =	sst s0;
	s0 =	simm.s32 @!p2 $0x0  }
0x16: {  	s3 =	sld [smem:$0x3FDB];
	s0 =	simm.s32 @p2 $0x1  }
0x17: {  	s4 =	simm.s32 $0x1BF5;
	[smem:$0x3FB7] =	sst s0  }
0x18: {  	s0 =	sld [smem:$0x3F9A];
	_ =	swait.ge [sflag:s4], $0x0  }
0x19: {  	s7 =	sld [smem:$0x3F9B]  }
0x1a: {  	s8 =	sadd.s32 $0xFFFFE003, lr  }
0x1b: {  	s9 =	sadd.s32 $0xFFFFFEF7, lr;
	s5 =	simm.s32 $0xFFFFFFFF;
	p2 =	slt.u32 s8, $0xFFFFF086  }
0x1c: {  	p1 =	slt.u32 s9, $0xF7A;
	s5 =	simm.s32 @!p2 $0x0  }
0x1d: {  	s5 =	simm.s32 @p1 $0x1;
	p0 =	seq.s32 s7, s2  }
0x1e: {  	s7 =	smul.u32 @!p0 $0xF7A, s2;
	p2 =	seq.s32 @!p0 s5, $0x0  }
0x1f: {  	s9 =	smul.u32 $0xF7A, s1;
	s8 =	simm.s32 @!p0 $0x1BF5;
	p2 =	por !p2, p0  }
0x20: {  	[sflag:s8] =	ssyncset.s32 @!p0 $0xFFFFF086;
	s6 =	sadd.s32 @!p0 s3, s7;
	s7 =	simm.s32 @!p0 $0x108  }
0x21: {  	s3 =	sadd.s32 s3, s9;
	s6 =	sadd.s32 @!p0 $0x88, s6;
	s7 =	simm.s32 @p2 $0x1082  }
0x22: {  	[simem:s7], [sflag:s8] =	dma.local @!p0 [hbm:s6], $0xF7A  }
0x23: {  	s9 =	sor.u32 $0xD0000000, s2;
	s6 =	simm.s32 $0x108;
	_ =	swait.ge @!p0 [sflag:s8], $0x0  }
0x24: {  	s3 =	sadd.s32 $0x88, s3;
	s6 =	simm.s32 @!p1 $0x1082;
	[sflag:s4] =	ssyncset.s32 $0xFFFFF086  }
0x25: {  	[simem:s6], [sflag:s4] =	dma.local [hbm:s3], $0xF7A  }
0x26: {  	[smem:$0x3F9B] =	sst s1;
	(tag) =	ssettag s2;
	_ =	strace s9  }
0x27: {  	s1 =	sld [smem:$0x3FAB]  }
0x28: {  	s2 =	sld [smem:$0x3FAC]  }
0x29: {  	s4 =	sld [smem:$0x3FAE]  }
0x2a: {  	p0 =	seq.s32 s5, $0x0;
	s5 =	sld [smem:$0x3FAF]  }
0x2b: {  	s6 =	sld [smem:$0x3FB0]  }
0x2c: {  	s7 =	sld [smem:$0x3FB1]  }
0x2d: {  	s3 =	simm.s32 $0x108;
	s8 =	sld [smem:$0x3FB2]  }
0x2e: {  	s3 =	simm.s32 @!p0 $0x1082;
	s9 =	sld [smem:$0x3FB3]  }
0x2f: {  	lr =	sadd.s32 s0, s3;
	s0 =	sld [smem:$0x3FAA]  }
0x30: {  	s3 =	sld [smem:$0x3FAD]  }
0x31: {  	[smem:$0x3FB6] =	sst s10  }
0x32: {  	s10 =	sld [smem:$0x3FB4];
	_ =	sdelay $0x3  }
0x33: {  	p0 =	seq.s32 s10, $0x1;
	s10 =	sld [smem:$0x3FB6];
	_ =	sdelay $0x3  }
0x34: {  	[smem:$0x3FB6] =	sst s10  }
0x35: {  	s10 =	sld [smem:$0x3FB5];
	_ =	sdelay $0x3  }
0x36: {  	p1 =	seq.s32 s10, $0x1;
	s10 =	sld [smem:$0x3FB6];
	_ =	sdelay $0x3  }
0x37: {  	[smem:$0x3FB6] =	sst s10  }
0x38: {  	s10 =	sld [smem:$0x3FB7]  }
0x39: {  	_ = 	snop;
	(pc) =	sbr.ind lr, $3  }
0x3a: {  	_ = 	snop  }
0x3b: {  	_ = 	snop  }
0x3c: {  	p2 =	seq.s32 s10, $0x1;
	s10 =	sld [smem:$0x3FB6]  }
0x3d: {  	_ =	shalt  }
0x3e: {  	_ =	shalt  }
0x3f: {  	_ =	shalt  }
0x40: {  	_ =	shalt  }
0x41: {  	_ =	shalt  }
0x42: {  	_ =	shalt  }
0x43: {  	_ =	shalt  }
0x44: {  	_ =	shalt  }
0x45: {  	_ =	shalt  }
0x46: {  	_ =	shalt  }
0x47: {  	_ =	shalt  }
0x48: {  	_ =	shalt  }
0x49: {  	_ =	shalt  }
0x4a: {  	_ =	shalt  }
0x4b: {  	_ =	shalt  }
0x4c: {  	_ =	shalt  }
0x4d: {  	_ =	shalt  }
0x4e: {  	_ =	shalt  }
0x4f: {  	_ =	shalt  }
0x50: {  	_ =	shalt  }
0x51: {  	_ =	shalt  }
0x52: {  	_ =	shalt  }
0x53: {  	_ =	shalt  }
0x54: {  	_ =	shalt  }
0x55: {  	_ =	shalt  }
0x56: {  	_ =	shalt  }
0x57: {  	_ =	shalt  }
0x58: {  	_ =	shalt  }
0x59: {  	_ =	shalt  }
0x5a: {  	_ =	shalt  }
0x5b: {  	_ =	shalt  }
0x5c: {  	_ =	shalt  }
0x5d: {  	_ =	shalt  }
0x5e: {  	_ =	shalt  }
0x5f: {  	_ =	shalt  }
0x60: {  	_ =	shalt  }
0x61: {  	_ =	shalt  }
0x62: {  	_ =	shalt  }
0x63: {  	_ =	shalt  }
0x64: {  	_ =	shalt  }
0x65: {  	_ =	shalt  }
0x66: {  	_ =	shalt  }
0x67: {  	_ =	shalt  }
0x68: {  	_ =	shalt  }
0x69: {  	_ =	shalt  }
0x6a: {  	_ =	shalt  }
0x6b: {  	_ =	shalt  }
0x6c: {  	_ =	shalt  }
0x6d: {  	_ =	shalt  }
0x6e: {  	_ =	shalt  }
0x6f: {  	_ =	shalt  }
0x70: {  	_ =	shalt  }
0x71: {  	_ =	shalt  }
0x72: {  	_ =	shalt  }
0x73: {  	_ =	shalt  }
0x74: {  	_ =	shalt  }
0x75: {  	_ =	shalt  }
0x76: {  	_ =	shalt  }
0x77: {  	_ =	shalt  }
0x78: {  	_ =	shalt  }
0x79: {  	_ =	shalt  }
0x7a: {  	_ =	shalt  }
0x7b: {  	_ =	shalt  }
0x7c: {  	_ =	shalt  }
0x7d: {  	_ =	shalt  }
0x7e: {  	_ =	shalt  }
0x7f: {  	_ =	shalt  }
0x80: {  	_ =	shalt  }
0x81: {  	_ =	shalt  }
0x82: {  	_ =	shalt  }
0x83: {  	_ =	shalt  }
0x84: {  	_ =	shalt  }
0x85: {  	_ =	shalt  }
0x86: {  	_ =	shalt  }
0x87: {  	_ =	shalt  }
.Lfunc_end0:
.L_simem_size_0:
called_computation.2_lowered:
.L_overlay_start_0:
0x88: {  	s2 =	sld [smem:$0x3FD9]  }
0x89: {  	s3 =	sld [smem:$0x3FFE];
	_ =	sdelay $0x1  }
0x8a: {  	s1 =	srdreg.scid  }
0x8b: {  	s0 =	sand.u32 $0x1, s1  }
0x8c: {  	s17 =	sshll.u32 s0, $0xA;
	s2 =	sadd.s32 s3, s2  }
0x8d: {  	s2 =	sadd.s32 s2, s17  }
0x8e: {  	[smem:$0x3FC2] =	sst s2  }
0x8f: {  	_ = 	snop  }
0x90: {  	s2 =	sld [smem:$0x3FD0];
	(tm) =	ssettm $0x1  }
0x91: {  	s18 =	sld [smem:$0x3FFB];
	_ =	sdelay $0x3  }
0x92: {  	_ =	strace s18  }
0x93: {  	s3 =	sld [smem:$0x3FFC];
	_ =	sdelay $0x3  }
0x94: {  	_ =	strace s3  }
0x95: {  	s3 =	sld [smem:$0x3FFD];
	_ =	sdelay $0x3  }
0x96: {  	_ =	strace s3  }
0x97: {  	_ =	strace $0x8FFFFFFF  }
0x98: {  	s19 =	sld [smem:$0x3FDB];
	_ =	sdelay $0x1  }
0x99: {  	s4 =	simm.s32 $_scs_section_size  }
0x9a: {  	s5 =	simm.s32 $_size__tile_overlayer_lowered;
	s6 =	simm.s32 $_tile_overlayer_lowered  }
0x9b: {  	s22 =	simm.s32 $0x1BFF;
	s21 =	sshll.u32 s6, $0x1;
	s3 =	sadd.s32 s4, s19  }
0x9c: {  	s7 =	simm.s32 $0x0;
	s20 =	sshll.u32 s5, $0x1;
	s5 =	sadd.s32 s21, s3  }
0x9d: {  	[timem:s7], [sflag:s22] =	dma.local [hbm:s5], s20  }
0x9e: {  	_ =	swait.ge [sflag:s22], s20  }
0x9f: {  	s4 =	ssub.s32 $0x0, s20;
	[sflag:s22] =	ssyncset.done $0x0  }
0xa0: {  	[sflag:s22] =	ssyncadd.s32 s4;
	_ =	sdelay $0x1  }
0xa1: {  	s23 =	simm.s32 $0x1B8B  }
0xa2: {  	_ =	swait.ge [sflag:s23], $0x1  }
0xa3: {  	[sflag:s23] =	ssyncset.done $0x0  }
0xa4: {  	s25 =	simm.s32 $0x1B8E;
	s24 =	sld [smem:$0x3FFE];
	[sflag:s23] =	ssyncadd.s32 $0xFFFFFFFF  }
0xa5: {  	s26 =	simm.s32 $execute0_lowered;
	[smem:$0x3FD2] =	sst s25  }
0xa6: {  	s5 =	sshll.u32 s26, $0x1;
	_ =	strace $0x8000004C;
	[dreg:$0x1] =	wrdreg $0xFFFFFFFF  }
0xa7: {  	s28 =	simm.s32 $_size_execute0_lowered;
	s3 =	sadd.s32 s3, s5;
	[dreg:$0x0] =	wrdreg $0x0  }
0xa8: {  	s5 =	sshll.u32 s28, $0x1;
	[dreg:$0x2] =	wrdreg s3  }
0xa9: {  	[dreg:$0x3] =	wrdreg s5  }
0xaa: {  	[dreg:$0x4] =	wrdreg $0xC0  }
0xab: {  	_ =	task [dreg:s7], $0x5FFFF  }
0xac: {  	[dreg:$0x1] =	wrdreg $0xFFFFFFFF  }
0xad: {  	[dreg:$0x0] =	wrdreg $0x60  }
0xae: {  	[dreg:$0x2] =	wrdreg s24  }
0xaf: {  	[dreg:$0x3] =	wrdreg s2  }
0xb0: {  	[dreg:$0x4] =	wrdreg $0x0  }
0xb1: {  	[dreg:$0x5] =	wrdreg $0x9  }
0xb2: {  	_ =	task.clear_ibuf [dreg:s7], $0x6FFFF;
	_ =	strace $0x9000004C  }
0xb3: {  	s29 =	simm.s32 $0x9;
	_ =	strace $0x8000004E  }
0xb4: {  	_ =	swait.ge [sflag:s29], $0x1  }
0xb5: {  	[sflag:s29] =	ssyncadd.s32 $0xFFFFFFFF  }
0xb6: {  	_ =	strace $0x9000004E  }
0xb7: {  	_ =	sfence  }
0xb8: {  	s30 =	sld [smem:$0x0];
	_ =	sdelay $0x2  }
0xb9: {  	s31 =	sshll.u32 s1, $0xD;
	s1 =	sshrl.u32 s1, $0x2  }
0xba: {  	s3 =	sand.u32 $0x4000, s31;
	s1 =	sadd.s32 s1, s30  }
0xbb: {  	s0 =	sor.u32 s3, s0;
	s1 =	sshll.u32 s1, $0x11  }
0xbc: {  	s0 =	sor.u32 s1, s0  }
0xbd: {  	s0 =	sadd.s32 $0x8F2B, s0  }
0xbe: {  	[sflag:s0] =	ssyncadd.remote.s32 $0x1  }
0xbf: {  	_ =	sfence.sel $0xFFFF  }
0xc0: {  	[dreg:$0x0] =	wrdreg $0xFFFFFFFF;
	(pc) =	sbr.abs _section_cstart, $3  }
0xc1: {  	[dreg:$0x1] =	wrdreg $0xFFFFFFFF  }
0xc2: {  	_ =	task.clear_ibuf [dreg:s7], $0x2FFFF;
	_ =	strace $0x9FFFFFFF  }
0xc3: {  	(tm) =	ssettm $0x7FFFFFFF  }
tec
execute0_lowered:
.L_overlay_start_1:
0x0: {  	(tag) =	ssettag $0x1  }
0x1: {  	s0 =	rddreg [dreg:$0x0]  }
0x2: {  	s1 =	rddreg [dreg:$0x1]  }
0x3: {  	s3 =	rddreg [dreg:$0x2];
	s4 =	simm.s32 $0x0;
	s2 =	srdreg.scid  }
0x4: {  	s23 =	stileid.u32;
	s29 =	simm.s32 $0x3;
	s30 =	simm.s32 $0x1  }
0x5: {  	s31 =	simm.s32 $0x2;
	[smem:$0x7FF] =	sst s4;
	s2 =	sand.u32 $0x1, s2  }
0x6: {  	s7 =	smul.u32 $0x1880, s23;
	s5 =	sadd.s32 $0xD3000, s0;
	s9 =	sadd.s32 $0x3000, s0  }
0x7: {  	s6 =	sadd.s32 $0xC6600, s0;
	s11 =	sadd.s32 $0xEB800, s0;
	s10 =	smul.u32 $0xC400, s23  }
0x8: {  	s17 =	sadd.s32 $0xC6900, s0;
	_ =	strace $0x8000004D;
	s18 =	ssub.s32 $0x2, s2  }
0x9: {  	s8 =	smul.u32 $0x18800, s2;
	s13 =	sshll.u32 s2, $0x4;
	s12 =	sshrl.u32 s18, $0x1  }
0xa: {  	s13 =	sor.u32 s23, s13;
	s19 =	sshrl.u32 s10, $0x3;
	s21 =	sadd.s32 $0x6000, s10  }
0xb: {  	s15 =	sadd.s32 $0xC000, s10;
	s7 =	sadd.s32 s7, s8;
	s20 =	ssub.s32 s18, s12  }
0xc: {  	s8 =	sadd.s32 s11, s19;
	s14 =	sshrl.u32 s21, $0x3;
	s16 =	smul.u32 $0x19400, s13  }
0xd: {  	s24 =	sshrl.u32 s15, $0x3;
	s26 =	smul.u32 $0x3280, s13;
	s12 =	sadd.s32 s15, s3  }
0xe: {  	p0 =	seq.s32 s13, $0x1F;
	s18 =	smul.u32 $0x194000, s2;
	s19 =	sadd.s32 $0x380, s1  }
0xf: {  	s7 =	sadd.s32 s7, s0;
	[dreg:$0x4] =	wrdreg s8;
	s8 =	sadd.s32 s10, s3  }
0x10: {  	s22 =	sadd.s32 s11, s14;
	s10 =	sadd.s32 s21, s3;
	s11 =	sadd.s32 s11, s24  }
0x11: {  	s21 =	smul.u32 $0x32800, s2;
	s0 =	sadd.s32 $0xC6980, s0;
	[dreg:$0x5] =	wrdreg s22  }
0x12: {  	s24 =	smul.u32 $0x328, s23;
	s20 =	smax.u32 s20, $0x1;
	[dreg:$0x6] =	wrdreg s11  }
0x13: {  	s25 =	sshrl.u32 s16, $0x3;
	s11 =	sadd.s32 $0x300, s1;
	s16 =	sadd.s32 s26, s9  }
0x14: {  	s22 =	smul.u32 $0x3280, s23;
	s13 =	sadd.s32 s9, s25;
	s15 =	sadd.s32 $0x80, s16  }
0x15: {  	s16 =	sadd.s32 $0x61B00, s16;
	s21 =	sadd.s32 s21, s9;
	s25 =	sadd.s32 $0x104C00, s7  }
0x16: {  	s14 =	sadd.s32 $0x61A80, s13;
	s13 =	smov.u32 @p0 s11;
	[dreg:$0xc] =	wrdreg s25  }
0x17: {  	s15 =	smov.u32 @p0 s19;
	s16 =	smov.u32 @p0 s0;
	[dreg:$0x7] =	wrdreg s13  }
0x18: {  	s26 =	sadd.s32 s22, s21;
	s25 =	simm.s32 $0x4;
	[dreg:$0x9] =	wrdreg s15  }
0x19: {  	s13 =	smul.u32 $0x19400, s23;
	s14 =	smov.u32 @p0 s17;
	[dreg:$0xa] =	wrdreg s16  }
0x1a: {  	s16 =	sadd.s32 $0x104000, s7;
	s17 =	smul.u32 $0x3280, s2;
	[dreg:$0x8] =	wrdreg s14  }
0x1b: {  	s7 =	sadd.s32 $0x105800, s7;
	s2 =	simm.s32 $0x0;
	[dreg:$0xb] =	wrdreg s16  }
0x1c: {  	[dreg:$0xd] =	wrdreg s7;
	s7 =	sadd.s32 $0x61B80, s26;
	s26 =	simm.s32 $0xC400  }
0x1d: {  	s19 =	sadd.s32 s13, s18;
	s0 =	sadd.s32 s24, s17;
	s24 =	simm.s32 $0xDC00  }
0x1e: {  	s9 =	sadd.s32 $0xFFCF3400, s19;
	s28 =	sadd.s32 $0x10, s0;
	s0 =	simm.s32 $0x80  }
.LBB2_1:
0x1f: {  	s11 =	rddreg [dreg:$0x4]  }
0x20: {  	[tilespmem:s24], [sflag:$0x4] =	stream.linear.gather [hbm4b:s11+s4], $0x6000, $0x38;
	[tilespmem:$0x13C00] =	vst v63  }
0x21: {  	_ =	swait.ge [sflag:s25], $0x6000  }
0x22: {  	[sflag:s25] =	ssyncset.done $0x0  }
0x23: {  	[sflag:s25] =	ssyncadd.s32 $0xFFFFA000  }
0x24: {  	[spmem:s8] =	stream.linear.scatter [tilespmem:s24], [sflag:$0x4], $0x6000, $0x38;
	[tilespmem:$0x13C00] =	vst v63  }
0x25: {  	_ =	swait.ge [sflag:s25], $0x6000  }
0x26: {  	[sflag:s25] =	ssyncset.done $0x0  }
0x27: {  	s22 =	rddreg [dreg:$0x5];
	[sflag:s25] =	ssyncadd.s32 $0xFFFFA000  }
0x28: {  	[tilespmem:s24], [sflag:$0x4] =	stream.linear.gather [hbm4b:s22+s4], $0x6000, $0x38;
	[tilespmem:$0x13C00] =	vst v63  }
0x29: {  	_ =	swait.ge [sflag:s25], $0x6000  }
0x2a: {  	[sflag:s25] =	ssyncset.done $0x0  }
0x2b: {  	[sflag:s25] =	ssyncadd.s32 $0xFFFFA000  }
0x2c: {  	[spmem:s10] =	stream.linear.scatter [tilespmem:s24], [sflag:$0x4], $0x6000, $0x38;
	[tilespmem:$0x13C00] =	vst v63  }
0x2d: {  	_ =	swait.ge [sflag:s25], $0x6000  }
0x2e: {  	[sflag:s25] =	ssyncset.done $0x0  }
0x2f: {  	s23 =	rddreg [dreg:$0x6];
	[sflag:s25] =	ssyncadd.s32 $0xFFFFA000  }
0x30: {  	[tilespmem:s24], [sflag:$0x4] =	stream.linear.gather [hbm4b:s23+s4], $0x400, $0x38;
	[tilespmem:$0x13C00] =	vst v63  }
0x31: {  	_ =	swait.ge [sflag:s25], $0x400  }
0x32: {  	[sflag:s25] =	ssyncset.done $0x0  }
0x33: {  	[sflag:s25] =	ssyncadd.s32 $0xFFFFFC00  }
0x34: {  	[spmem:s12] =	stream.linear.scatter [tilespmem:s24], [sflag:$0x4], $0x400, $0x38;
	[tilespmem:$0x13C00] =	vst v63  }
0x35: {  	_ =	swait.ge [sflag:s25], $0x400  }
0x36: {  	[sflag:s25] =	ssyncset.done $0x0  }
0x37: {  	[sflag:s25] =	ssyncadd.s32 $0xFFFFFC00  }
0x38: {  	[bflag:$0x0] =	sbarrier.arrive $0xFFFF  }
0x39: {  	s13 =	rddreg [dreg:$0x7]  }
0x3a: {  	[tilespmem:s26], [sflag:$0x3] =	stream.linear.gather [hbm4b:s13+s4], $0x400, $0x38;
	[tilespmem:$0x13C00] =	vst v63  }
0x3b: {  	s14 =	rddreg [dreg:$0x8];
	s13 =	simm.s32 $0xD000  }
0x3c: {  	[tilespmem:s13], [sflag:$0x3] =	stream.linear.gather [hbm4b:s14+s4], $0x400, $0x38;
	[tilespmem:$0x13C00] =	vst v63  }
0x3d: {  	_ =	swait.ge [sflag:s29], $0x400  }
0x3e: {  	[sflag:s29] =	ssyncset.done $0x0  }
0x3f: {  	[sflag:s29] =	ssyncadd.s32 $0xFFFFFC00  }
0x40: {  	_ =	swait.ge [sflag:s29], $0x400  }
0x41: {  	[sflag:s29] =	ssyncset.done $0x0  }
0x42: {  	s16 =	simm.s32 $0xC800;
	s15 =	rddreg [dreg:$0x9];
	[sflag:s29] =	ssyncadd.s32 $0xFFFFFC00  }
0x43: {  	[tilespmem:s16], [sflag:$0x3] =	stream.linear.gather [hbm4b:s15+s4], $0x400, $0x38;
	[tilespmem:$0x13C00] =	vst v63  }
0x44: {  	s18 =	simm.s32 $0xD400;
	s17 =	rddreg [dreg:$0xa]  }
0x45: {  	[tilespmem:s18], [sflag:$0x3] =	stream.linear.gather [hbm4b:s17+s4], $0x400, $0x38;
	[tilespmem:$0x13C00] =	vst v63  }
0x46: {  	_ = 	snop  }
0x47: {  	[tilespmem:s24], [sflag:$0x1] =	stream.indirect.gather [hbm4b:s5+s0], $0x8, s26, s0, $0xb8;
	[tilespmem:$0x13C00] =	vst v63  }
0x48: {  	s19 =	simm.s32 $0xC480;
	s21 =	simm.s32 $0xE000  }
0x49: {  	[tilespmem:s21], [sflag:$0x1] =	stream.indirect.gather [hbm4b:s5+s0], $0x8, s19, s0, $0xb8;
	[tilespmem:$0x13C00] =	vst v63  }
0x4a: {  	s22 =	simm.s32 $0xC500;
	s23 =	simm.s32 $0xE400  }
0x4b: {  	[tilespmem:s23], [sflag:$0x1] =	stream.indirect.gather [hbm4b:s5+s0], $0x8, s22, s0, $0xb8;
	[tilespmem:$0x13C00] =	vst v63  }
0x4c: {  	s13 =	simm.s32 $0xC580;
	s14 =	simm.s32 $0xE800  }
0x4d: {  	[tilespmem:s14], [sflag:$0x1] =	stream.indirect.gather [hbm4b:s5+s0], $0x8, s13, s0, $0xb8;
	[tilespmem:$0x13C00] =	vst v63  }
0x4e: {  	s15 =	simm.s32 $0xC600;
	s16 =	simm.s32 $0xEC00  }
0x4f: {  	[tilespmem:s16], [sflag:$0x1] =	stream.indirect.gather [hbm4b:s5+s0], $0x8, s15, s0, $0xb8;
	[tilespmem:$0x13C00] =	vst v63  }
0x50: {  	s17 =	simm.s32 $0xC680;
	s18 =	simm.s32 $0xF000  }
0x51: {  	[tilespmem:s18], [sflag:$0x1] =	stream.indirect.gather [hbm4b:s5+s0], $0x8, s17, s0, $0xb8;
	[tilespmem:$0x13C00] =	vst v63  }
0x52: {  	s19 =	simm.s32 $0xC700;
	s21 =	simm.s32 $0xF400  }
0x53: {  	[tilespmem:s21], [sflag:$0x1] =	stream.indirect.gather [hbm4b:s5+s0], $0x8, s19, s0, $0xb8;
	[tilespmem:$0x13C00] =	vst v63  }
0x54: {  	s11 =	simm.s32 $0x0;
	s22 =	simm.s32 $0xC780;
	s23 =	simm.s32 $0xF800  }
0x55: {  	[tilespmem:s23], [sflag:$0x1] =	stream.indirect.gather [hbm4b:s5+s0], $0x8, s22, s0, $0xb8;
	[tilespmem:$0x13C00] =	vst v63  }
0x56: {  	s21 =	smov.u32 s9;
	s23 =	smov.u32 s28;
	s22 =	smov.u32 s7  }
.LBB2_2:
0x57: {  	s17 =	smul.u32 $0xAB, s11;
	_ =	sdelay $0x1  }
0x58: {  	p0 =	seq.s32 s11, $0x0;
	s14 =	sshrl.u32 s17, $0x9  }
0x59: {  	s15 =	simm.s32 @!p0 $0x2;
	s14 =	sand.u32 $0x7F, s14  }
0x5a: {  	_ =	swait.ge @!p0 [sflag:s15], $0x2000;
	s14 =	smul.u32 $0x3, s14  }
0x5b: {  	[sflag:s15] =	ssyncset.done @!p0 $0x0  }
0x5c: {  	[sflag:s15] =	ssyncadd.s32 @!p0 $0xFFFFE000;
	s14 =	ssub.s32 s11, s14  }
0x5d: {  	_ =	swait.ge [sflag:s30], $0x2000;
	s14 =	sand.u32 $0xFF, s14  }
0x5e: {  	[sflag:s30] =	ssyncset.done $0x0;
	s15 =	sshll.u32 s14, $0xD;
	s14 =	sshll.u32 s14, $0xA  }
0x5f: {  	[sflag:s30] =	ssyncadd.s32 $0xFFFFE000;
	s18 =	sadd.s32 $0xDC00, s15;
	s16 =	sadd.s32 $0xD000, s14  }
0x60: {  	[spmem:s3] =	stream.indirect.scatter.add.f32 [tilespmem:s18], [sflag:$0x2], $0x8, s16, s0, $0xb8;
	[tilespmem:$0x13C00] =	vst v63  }
0x61: {  	s19 =	sadd.s32 $0xE000, s15;
	s13 =	sadd.s32 $0xD080, s14  }
0x62: {  	[spmem:s3] =	stream.indirect.scatter.add.f32 [tilespmem:s19], [sflag:$0x2], $0x8, s13, s0, $0xb8;
	[tilespmem:$0x13C00] =	vst v63  }
0x63: {  	s19 =	sadd.s32 $0xE400, s15;
	s13 =	sadd.s32 $0xD100, s14  }
0x64: {  	[spmem:s3] =	stream.indirect.scatter.add.f32 [tilespmem:s19], [sflag:$0x2], $0x8, s13, s0, $0xb8;
	[tilespmem:$0x13C00] =	vst v63  }
0x65: {  	p0 =	seq.s32 s11, $0x64;
	s19 =	sadd.s32 $0xE800, s15;
	s13 =	sadd.s32 $0xD180, s14  }
0x66: {  	[spmem:s3] =	stream.indirect.scatter.add.f32 [tilespmem:s19], [sflag:$0x2], $0x8, s13, s0, $0xb8;
	[tilespmem:$0x13C00] =	vst v63  }
0x67: {  	p4 =	sgt.u32 @!p0 s11, $0x62;
	s19 =	sadd.s32 $0xEC00, s15;
	s13 =	sadd.s32 $0xD200, s14  }
0x68: {  	[spmem:s3] =	stream.indirect.scatter.add.f32 [tilespmem:s19], [sflag:$0x2], $0x8, s13, s0, $0xb8;
	[tilespmem:$0x13C00] =	vst v63  }
0x69: {  	p1 =	por p4, p0;
	s18 =	sadd.s32 $0xF000, s15;
	s19 =	sadd.s32 $0xD280, s14  }
0x6a: {  	[spmem:s3] =	stream.indirect.scatter.add.f32 [tilespmem:s18], [sflag:$0x2], $0x8, s19, s0, $0xb8;
	[tilespmem:$0x13C00] =	vst v63  }
0x6b: {  	s16 =	sadd.s32 $0x156, s17;
	s13 =	sadd.s32 $0xF400, s15;
	s19 =	sadd.s32 $0xD300, s14  }
0x6c: {  	[spmem:s3] =	stream.indirect.scatter.add.f32 [tilespmem:s13], [sflag:$0x2], $0x8, s19, s0, $0xb8;
	[tilespmem:$0x13C00] =	vst v63  }
0x6d: {  	s16 =	sshrl.u32 s16, $0x9;
	s15 =	sadd.s32 $0xF800, s15;
	s14 =	sadd.s32 $0xD380, s14  }
0x6e: {  	[spmem:s3] =	stream.indirect.scatter.add.f32 [tilespmem:s15], [sflag:$0x2], $0x8, s14, s0, $0xb8;
	[tilespmem:$0x13C00] =	vst v63  }
0x6f: {  	p5 =	sgt.u32 @!p1 s23, $0x61A7;
	s18 =	sand.u32 $0x7F, s16;
	s15 =	simm.s32 @!p0 $0x3  }
0x70: {  	p2 =	por @!p0 !p5, p4;
	s14 =	smul.u32 $0x3, s18;
	_ =	swait.ge @!p0 [sflag:s15], $0x400  }
0x71: {  	p4 =	por @!p0 p5, p4;
	p3 =	por p2, p0;
	[sflag:s15] =	ssyncset.done @!p0 $0x0  }
0x72: {  	p4 =	por p4, p0;
	s14 =	ssub.s32 s11, s14;
	[sflag:s15] =	ssyncadd.s32 @!p0 $0xFFFFFC00  }
0x73: {  	p2 =	por !p2, p0;
	s14 =	sadd.s32 $0x2, s14;
	_ =	swait.ge @!p0 [sflag:s15], $0x400  }
0x74: {  	s16 =	sadd.s32 $0xAB, s17;
	s14 =	sand.u32 $0xFF, s14;
	[sflag:s15] =	ssyncset.done @!p0 $0x0  }
0x75: {  	s17 =	sshrl.u32 @!p3 s21, $0x3;
	[sflag:s15] =	ssyncadd.s32 @!p0 $0xFFFFFC00;
	s15 =	sshll.u32 @!p3 s14, $0xA  }
0x76: {  	s19 =	sadd.s32 @!p3 s1, s17;
	s13 =	simm.s32 @!p3 $0x0;
	s18 =	sadd.s32 @!p3 $0xC400, s15  }
0x77: {  	[tilespmem:s18], [sflag:$0x3] =	stream.linear.gather @!p3 [hbm4b:s19+s13], $0x400, $0x38;
	[tilespmem:$0x13C00] =	vst v63  }
0x78: {  	s11 =	sadd.s32 $0x1, s11;
	s14 =	sshll.u32 @!p4 s14, $0xA;
	s19 =	sshrl.u32 s16, $0x9  }
0x79: {  	s16 =	sadd.s32 @!p4 $0xC400, s14;
	s18 =	sadd.s32 @!p4 $0xFFF9E580, s22;
	s13 =	sand.u32 $0x7F, s19  }
0x7a: {  	s14 =	smov.u32 @p2 s15;
	s19 =	simm.s32 @!p4 $0x0;
	s13 =	smul.u32 $0x3, s13  }
0x7b: {  	[tilespmem:s16], [sflag:$0x3] =	stream.linear.gather @!p4 [hbm4b:s18+s19], $0x400, $0x38;
	[tilespmem:$0x13C00] =	vst v63  }
0x7c: {  	s15 =	simm.s32 @!p1 $0x0;
	s16 =	sadd.s32 @!p3 s6, s17;
	s17 =	smov.u32 s22  }
0x7d: {  	s14 =	sadd.s32 @!p1 $0xD000, s14;
	s17 =	smov.u32 @p2 s16;
	s13 =	ssub.s32 s11, s13  }
0x7e: {  	[tilespmem:s14], [sflag:$0x3] =	stream.linear.gather @!p1 [hbm4b:s17+s15], $0x400, $0x38;
	[tilespmem:$0x13C00] =	vst v63  }
0x7f: {  	s13 =	sand.u32 $0xFF, s13  }
0x80: {  	s14 =	sshll.u32 @!p0 s13, $0xD;
	s13 =	sshll.u32 @!p0 s13, $0xA  }
0x81: {  	s17 =	simm.s32 @!p0 $0x80;
	s15 =	sadd.s32 @!p0 $0xDC00, s14;
	s16 =	sadd.s32 @!p0 $0xC400, s13  }
0x82: {  	[tilespmem:s15], [sflag:$0x1] =	stream.indirect.gather @!p0 [hbm4b:s5+s17], $0x8, s16, s17, $0xb8;
	[tilespmem:$0x13C00] =	vst v63  }
0x83: {  	s15 =	sadd.s32 @!p0 $0xE000, s14;
	s16 =	sadd.s32 @!p0 $0xC480, s13  }
0x84: {  	[tilespmem:s15], [sflag:$0x1] =	stream.indirect.gather @!p0 [hbm4b:s5+s17], $0x8, s16, s17, $0xb8;
	[tilespmem:$0x13C00] =	vst v63  }
0x85: {  	s15 =	sadd.s32 @!p0 $0xE400, s14;
	s16 =	sadd.s32 @!p0 $0xC500, s13  }
0x86: {  	[tilespmem:s15], [sflag:$0x1] =	stream.indirect.gather @!p0 [hbm4b:s5+s17], $0x8, s16, s17, $0xb8;
	[tilespmem:$0x13C00] =	vst v63  }
0x87: {  	s15 =	sadd.s32 @!p0 $0xE800, s14;
	s16 =	sadd.s32 @!p0 $0xC580, s13  }
0x88: {  	[tilespmem:s15], [sflag:$0x1] =	stream.indirect.gather @!p0 [hbm4b:s5+s17], $0x8, s16, s17, $0xb8;
	[tilespmem:$0x13C00] =	vst v63  }
0x89: {  	p1 =	sne.s32 @!p0 s11, $0x65;
	s15 =	sadd.s32 @!p0 $0xEC00, s14;
	s16 =	sadd.s32 @!p0 $0xC600, s13  }
0x8a: {  	[tilespmem:s15], [sflag:$0x1] =	stream.indirect.gather @!p0 [hbm4b:s5+s17], $0x8, s16, s17, $0xb8;
	[tilespmem:$0x13C00] =	vst v63  }
0x8b: {  	p1 =	por p0, !p1;
	s15 =	sadd.s32 @!p0 $0xF000, s14;
	s16 =	sadd.s32 @!p0 $0xC680, s13  }
0x8c: {  	[tilespmem:s15], [sflag:$0x1] =	stream.indirect.gather @!p0 [hbm4b:s5+s17], $0x8, s16, s17, $0xb8;
	[tilespmem:$0x13C00] =	vst v63  }
.Ltmp0:
0x8d: {  	s23 =	sadd.s32 @!p0 $0x8, s23;
	(pc) =	sbr.rel @!p1 .LBB2_2-.Ltmp0, $4  }
0x8e: {  	s21 =	sadd.s32 @!p0 $0x400, s21;
	s15 =	sadd.s32 @!p0 $0xF400, s14;
	s16 =	sadd.s32 @!p0 $0xC700, s13  }
0x8f: {  	[tilespmem:s15], [sflag:$0x1] =	stream.indirect.gather @!p0 [hbm4b:s5+s17], $0x8, s16, s17, $0xb8;
	[tilespmem:$0x13C00] =	vst v63  }
0x90: {  	s22 =	sadd.s32 @!p0 $0x80, s22;
	s14 =	sadd.s32 @!p0 $0xF800, s14;
	s13 =	sadd.s32 @!p0 $0xC780, s13  }
0x91: {  	[tilespmem:s14], [sflag:$0x1] =	stream.indirect.gather @!p0 [hbm4b:s5+s17], $0x8, s13, s17, $0xb8;
	[tilespmem:$0x13C00] =	vst v63  }
0x92: {  	_ =	swait.ge [sflag:s31], $0x2000  }
0x93: {  	[sflag:s31] =	ssyncset.done $0x0  }
0x94: {  	[sflag:s31] =	ssyncadd.s32 $0xFFFFE000  }
0x95: {  	[bflag:$0x0] =	sbarrier.arrive $0xFFFF  }
0x96: {  	[tilespmem:s24], [sflag:$0x4] =	stream.linear.gather [spmem:s8], $0x6000, $0x38;
	[tilespmem:$0x13C00] =	vst v63  }
0x97: {  	_ =	swait.ge [sflag:s25], $0x6000  }
0x98: {  	[sflag:s25] =	ssyncset.done $0x0  }
0x99: {  	s11 =	rddreg [dreg:$0xb];
	[sflag:s25] =	ssyncadd.s32 $0xFFFFA000  }
0x9a: {  	[hbm4b:s11+s4] =	stream.linear.scatter [tilespmem:s24], [sflag:$0x4], $0x6000, $0x38;
	[tilespmem:$0x13C00] =	vst v63  }
0x9b: {  	_ =	swait.ge [sflag:s25], $0x6000  }
0x9c: {  	[sflag:s25] =	ssyncset.done $0x0  }
0x9d: {  	[sflag:s25] =	ssyncadd.s32 $0xFFFFA000  }
0x9e: {  	[tilespmem:s24], [sflag:$0x4] =	stream.linear.gather [spmem:s10], $0x6000, $0x38;
	[tilespmem:$0x13C00] =	vst v63  }
0x9f: {  	_ =	swait.ge [sflag:s25], $0x6000  }
0xa0: {  	[sflag:s25] =	ssyncset.done $0x0  }
0xa1: {  	s22 =	rddreg [dreg:$0xc];
	[sflag:s25] =	ssyncadd.s32 $0xFFFFA000  }
0xa2: {  	[hbm4b:s22+s4] =	stream.linear.scatter [tilespmem:s24], [sflag:$0x4], $0x6000, $0x38;
	[tilespmem:$0x13C00] =	vst v63  }
0xa3: {  	_ =	swait.ge [sflag:s25], $0x6000  }
0xa4: {  	[sflag:s25] =	ssyncset.done $0x0  }
0xa5: {  	[sflag:s25] =	ssyncadd.s32 $0xFFFFA000  }
0xa6: {  	[tilespmem:s24], [sflag:$0x4] =	stream.linear.gather [spmem:s12], $0x400, $0x38;
	[tilespmem:$0x13C00] =	vst v63  }
0xa7: {  	s2 =	sadd.s32 $0x1, s2;
	_ =	swait.ge [sflag:s25], $0x400  }
0xa8: {  	p0 =	sne.s32 s2, s20;
	[sflag:s25] =	ssyncset.done $0x0  }
.Ltmp1:
0xa9: {  	s23 =	rddreg [dreg:$0xd];
	[sflag:s25] =	ssyncadd.s32 $0xFFFFFC00;
	(pc) =	sbr.rel @p0 .LBB2_1-.Ltmp1, $4  }
0xaa: {  	[hbm4b:s23+s4] =	stream.linear.scatter [tilespmem:s24], [sflag:$0x4], $0x400, $0x38;
	[tilespmem:$0x13C00] =	vst v63  }
0xab: {  	_ =	swait.ge [sflag:s25], $0x400  }
0xac: {  	[sflag:s25] =	ssyncset.done $0x0  }
0xad: {  	[sflag:s25] =	ssyncadd.s32 $0xFFFFFC00  }
0xae: {  	_ =	sfence.sel $0x180000  }
0xaf: {  	[bflag:$0x0] =	sbarrier.arrive $0xFFFF  }
0xb0: {  	_ =	strace $0x9000004D  }
0xb1: {  	s0 =	stileid.u32;
	[bflag:$0x2] =	sbarrier.arrive $0xFFFF  }
0xb2: {  	p0 =	sne.s32 s0, $0x0;
	s0 =	rddreg [dreg:$0x3]  }
0xb3: {  	s0 =	sadd.s32 @!p0 $0x100000, s0  }
0xb4: {  	[sflag:s0] =	ssyncadd.tile.s32 @!p0 $0x1;
	_ =	shalt  }
.Lfunc_end2:
_tile_overlayer_lowered:
.L_overlay_start_2:
0xb5: {  	(tag) =	ssettag $0x2  }
0xb6: {  	s0 =	rddreg [dreg:$0x0];
	s2 =	stileid.u32  }
0xb7: {  	s1 =	rddreg [dreg:$0x1];
	p0 =	sne.s32 s2, $0x0  }
0xb8: {  	s3 =	rddreg [dreg:$0x2];
	[bflag:$0x3] =	sbarrier.arrive $0xFFFF;
	s2 =	simm.s32 @!p0 $0x1C04  }
0xb9: {  	[timem:s3], [sflag:s2] =	dma.local @!p0 [hbm:s0], s1  }
0xba: {  	s0 =	simm.s32 @!p0 $0x4  }
0xbb: {  	_ =	swait.ge @!p0 [sflag:s0], s1  }
0xbc: {  	s1 =	ssub.s32 @!p0 $0x0, s1;
	[sflag:s0] =	ssyncset.done @!p0 $0x0  }
0xbd: {  	[sflag:s0] =	ssyncadd.s32 @!p0 s1  }
0xbe: {  	[bflag:$0x3] =	sbarrier.arrive $0xFFFF  }
0xbf: {  	_ =	shalt  }

// kernel: kernel.8.cloned.1.call-start
scs
__scs_entry_jumppad:
0x0: {  	(pc) =	sbr.rel $0x88, $3  }
0x1: {  	(tag) =	ssettag $0x0;
	lr =	simm.s32 $0x1  }
0x2: {  	[smem:$0x3F9B] =	sst lr;
	_ =	strace $0xD0000000  }
0x3: {  	_ = 	snop  }
0x4: {  	_ = 	snop  }
0x5: {  	_ = 	snop  }
0x6: {  	_ = 	snop  }
0x7: {  	_ = 	snop  }
__scs_overlays_trampoline_lowered:
0x8: {  	[smem:$0x3FAA] =	sst s0  }
0x9: {  	[smem:$0x3FAB] =	sst s1  }
0xa: {  	[smem:$0x3FAC] =	sst s2  }
0xb: {  	[smem:$0x3FAD] =	sst s3  }
0xc: {  	[smem:$0x3FAE] =	sst s4  }
0xd: {  	[smem:$0x3FAF] =	sst s5  }
0xe: {  	[smem:$0x3FB0] =	sst s6  }
0xf: {  	[smem:$0x3FB1] =	sst s7  }
0x10: {  	[smem:$0x3FB2] =	sst s8  }
0x11: {  	[smem:$0x3FB3] =	sst s9;
	s0 =	simm.s32 @!p0 $0x0  }
0x12: {  	s1 =	sld [smem:$0x3F99];
	s0 =	simm.s32 @p0 $0x1  }
0x13: {  	[smem:$0x3FB4] =	sst s0;
	s0 =	simm.s32 @!p1 $0x0  }
0x14: {  	s2 =	sld [smem:$0x3F98];
	s0 =	simm.s32 @p1 $0x1  }
0x15: {  	[smem:$0x3FB5] =	sst s0;
	s0 =	simm.s32 @!p2 $0x0  }
0x16: {  	s3 =	sld [smem:$0x3FDB];
	s0 =	simm.s32 @p2 $0x1  }
0x17: {  	s4 =	simm.s32 $0x1BF5;
	[smem:$0x3FB7] =	sst s0  }
0x18: {  	s0 =	sld [smem:$0x3F9A];
	_ =	swait.ge [sflag:s4], $0x0  }
0x19: {  	s7 =	sld [smem:$0x3F9B]  }
0x1a: {  	s8 =	sadd.s32 $0xFFFFE003, lr  }
0x1b: {  	s9 =	sadd.s32 $0xFFFFFEF7, lr;
	s5 =	simm.s32 $0xFFFFFFFF;
	p2 =	slt.u32 s8, $0xFFFFF086  }
0x1c: {  	p1 =	slt.u32 s9, $0xF7A;
	s5 =	simm.s32 @!p2 $0x0  }
0x1d: {  	s5 =	simm.s32 @p1 $0x1;
	p0 =	seq.s32 s7, s2  }
0x1e: {  	s7 =	smul.u32 @!p0 $0xF7A, s2;
	p2 =	seq.s32 @!p0 s5, $0x0  }
0x1f: {  	s9 =	smul.u32 $0xF7A, s1;
	s8 =	simm.s32 @!p0 $0x1BF5;
	p2 =	por !p2, p0  }
0x20: {  	[sflag:s8] =	ssyncset.s32 @!p0 $0xFFFFF086;
	s6 =	sadd.s32 @!p0 s3, s7;
	s7 =	simm.s32 @!p0 $0x108  }
0x21: {  	s3 =	sadd.s32 s3, s9;
	s6 =	sadd.s32 @!p0 $0x88, s6;
	s7 =	simm.s32 @p2 $0x1082  }
0x22: {  	[simem:s7], [sflag:s8] =	dma.local @!p0 [hbm:s6], $0xF7A  }
0x23: {  	s9 =	sor.u32 $0xD0000000, s2;
	s6 =	simm.s32 $0x108;
	_ =	swait.ge @!p0 [sflag:s8], $0x0  }
0x24: {  	s3 =	sadd.s32 $0x88, s3;
	s6 =	simm.s32 @!p1 $0x1082;
	[sflag:s4] =	ssyncset.s32 $0xFFFFF086  }
0x25: {  	[simem:s6], [sflag:s4] =	dma.local [hbm:s3], $0xF7A  }
0x26: {  	[smem:$0x3F9B] =	sst s1;
	(tag) =	ssettag s2;
	_ =	strace s9  }
0x27: {  	s1 =	sld [smem:$0x3FAB]  }
0x28: {  	s2 =	sld [smem:$0x3FAC]  }
0x29: {  	s4 =	sld [smem:$0x3FAE]  }
0x2a: {  	p0 =	seq.s32 s5, $0x0;
	s5 =	sld [smem:$0x3FAF]  }
0x2b: {  	s6 =	sld [smem:$0x3FB0]  }
0x2c: {  	s7 =	sld [smem:$0x3FB1]  }
0x2d: {  	s3 =	simm.s32 $0x108;
	s8 =	sld [smem:$0x3FB2]  }
0x2e: {  	s3 =	simm.s32 @!p0 $0x1082;
	s9 =	sld [smem:$0x3FB3]  }
0x2f: {  	lr =	sadd.s32 s0, s3;
	s0 =	sld [smem:$0x3FAA]  }
0x30: {  	s3 =	sld [smem:$0x3FAD]  }
0x31: {  	[smem:$0x3FB6] =	sst s10  }
0x32: {  	s10 =	sld [smem:$0x3FB4];
	_ =	sdelay $0x3  }
0x33: {  	p0 =	seq.s32 s10, $0x1;
	s10 =	sld [smem:$0x3FB6];
	_ =	sdelay $0x3  }
0x34: {  	[smem:$0x3FB6] =	sst s10  }
0x35: {  	s10 =	sld [smem:$0x3FB5];
	_ =	sdelay $0x3  }
0x36: {  	p1 =	seq.s32 s10, $0x1;
	s10 =	sld [smem:$0x3FB6];
	_ =	sdelay $0x3  }
0x37: {  	[smem:$0x3FB6] =	sst s10  }
0x38: {  	s10 =	sld [smem:$0x3FB7]  }
0x39: {  	_ = 	snop;
	(pc) =	sbr.ind lr, $3  }
0x3a: {  	_ = 	snop  }
0x3b: {  	_ = 	snop  }
0x3c: {  	p2 =	seq.s32 s10, $0x1;
	s10 =	sld [smem:$0x3FB6]  }
0x3d: {  	_ =	shalt  }
0x3e: {  	_ =	shalt  }
0x3f: {  	_ =	shalt  }
0x40: {  	_ =	shalt  }
0x41: {  	_ =	shalt  }
0x42: {  	_ =	shalt  }
0x43: {  	_ =	shalt  }
0x44: {  	_ =	shalt  }
0x45: {  	_ =	shalt  }
0x46: {  	_ =	shalt  }
0x47: {  	_ =	shalt  }
0x48: {  	_ =	shalt  }
0x49: {  	_ =	shalt  }
0x4a: {  	_ =	shalt  }
0x4b: {  	_ =	shalt  }
0x4c: {  	_ =	shalt  }
0x4d: {  	_ =	shalt  }
0x4e: {  	_ =	shalt  }
0x4f: {  	_ =	shalt  }
0x50: {  	_ =	shalt  }
0x51: {  	_ =	shalt  }
0x52: {  	_ =	shalt  }
0x53: {  	_ =	shalt  }
0x54: {  	_ =	shalt  }
0x55: {  	_ =	shalt  }
0x56: {  	_ =	shalt  }
0x57: {  	_ =	shalt  }
0x58: {  	_ =	shalt  }
0x59: {  	_ =	shalt  }
0x5a: {  	_ =	shalt  }
0x5b: {  	_ =	shalt  }
0x5c: {  	_ =	shalt  }
0x5d: {  	_ =	shalt  }
0x5e: {  	_ =	shalt  }
0x5f: {  	_ =	shalt  }
0x60: {  	_ =	shalt  }
0x61: {  	_ =	shalt  }
0x62: {  	_ =	shalt  }
0x63: {  	_ =	shalt  }
0x64: {  	_ =	shalt  }
0x65: {  	_ =	shalt  }
0x66: {  	_ =	shalt  }
0x67: {  	_ =	shalt  }
0x68: {  	_ =	shalt  }
0x69: {  	_ =	shalt  }
0x6a: {  	_ =	shalt  }
0x6b: {  	_ =	shalt  }
0x6c: {  	_ =	shalt  }
0x6d: {  	_ =	shalt  }
0x6e: {  	_ =	shalt  }
0x6f: {  	_ =	shalt  }
0x70: {  	_ =	shalt  }
0x71: {  	_ =	shalt  }
0x72: {  	_ =	shalt  }
0x73: {  	_ =	shalt  }
0x74: {  	_ =	shalt  }
0x75: {  	_ =	shalt  }
0x76: {  	_ =	shalt  }
0x77: {  	_ =	shalt  }
0x78: {  	_ =	shalt  }
0x79: {  	_ =	shalt  }
0x7a: {  	_ =	shalt  }
0x7b: {  	_ =	shalt  }
0x7c: {  	_ =	shalt  }
0x7d: {  	_ =	shalt  }
0x7e: {  	_ =	shalt  }
0x7f: {  	_ =	shalt  }
0x80: {  	_ =	shalt  }
0x81: {  	_ =	shalt  }
0x82: {  	_ =	shalt  }
0x83: {  	_ =	shalt  }
0x84: {  	_ =	shalt  }
0x85: {  	_ =	shalt  }
0x86: {  	_ =	shalt  }
0x87: {  	_ =	shalt  }
.Lfunc_end0:
.L_simem_size_0:
called_computation_lowered:
.L_overlay_start_0:
0x88: {  	s2 =	sld [smem:$0x3FD9]  }
0x89: {  	s3 =	sld [smem:$0x3FFE];
	_ =	sdelay $0x1  }
0x8a: {  	s1 =	srdreg.scid  }
0x8b: {  	s0 =	sand.u32 $0x1, s1  }
0x8c: {  	s16 =	sshll.u32 s0, $0xA;
	s2 =	sadd.s32 s3, s2  }
0x8d: {  	s2 =	sadd.s32 s2, s16  }
0x8e: {  	[smem:$0x3FC2] =	sst s2  }
0x8f: {  	_ = 	snop  }
0x90: {  	(tm) =	ssettm $0x1  }
0x91: {  	s17 =	sld [smem:$0x3FFB];
	_ =	sdelay $0x3  }
0x92: {  	_ =	strace s17  }
0x93: {  	s2 =	sld [smem:$0x3FFC];
	_ =	sdelay $0x3  }
0x94: {  	_ =	strace s2  }
0x95: {  	s2 =	sld [smem:$0x3FFD];
	_ =	sdelay $0x3  }
0x96: {  	_ =	strace s2  }
0x97: {  	_ =	strace $0x8FFFFFFF  }
0x98: {  	s18 =	sld [smem:$0x3FDB];
	_ =	sdelay $0x1  }
0x99: {  	s19 =	simm.s32 $_scs_section_size  }
0x9a: {  	s4 =	simm.s32 $_size__tile_overlayer_lowered;
	s5 =	simm.s32 $_tile_overlayer_lowered  }
0x9b: {  	s22 =	simm.s32 $0x1BFF;
	s21 =	sshll.u32 s5, $0x1;
	s2 =	sadd.s32 s19, s18  }
0x9c: {  	s6 =	simm.s32 $0x0;
	s20 =	sshll.u32 s4, $0x1;
	s4 =	sadd.s32 s21, s2  }
0x9d: {  	[timem:s6], [sflag:s22] =	dma.local [hbm:s4], s20  }
0x9e: {  	_ =	swait.ge [sflag:s22], s20  }
0x9f: {  	s3 =	ssub.s32 $0x0, s20;
	[sflag:s22] =	ssyncset.done $0x0  }
0xa0: {  	[sflag:s22] =	ssyncadd.s32 s3;
	_ =	sdelay $0x1  }
0xa1: {  	s23 =	simm.s32 $0x1B8B  }
0xa2: {  	_ =	swait.ge [sflag:s23], $0x1  }
0xa3: {  	[sflag:s23] =	ssyncset.done $0x0  }
0xa4: {  	s25 =	simm.s32 $0x1B8E;
	s24 =	sld [smem:$0x3FFE];
	[sflag:s23] =	ssyncadd.s32 $0xFFFFFFFF  }
0xa5: {  	s26 =	simm.s32 $execute0_lowered;
	[smem:$0x3FD2] =	sst s25  }
0xa6: {  	s4 =	sshll.u32 s26, $0x1;
	_ =	strace $0x80000046;
	[dreg:$0x1] =	wrdreg $0xFFFFFFFF  }
0xa7: {  	s28 =	simm.s32 $_size_execute0_lowered;
	s2 =	sadd.s32 s2, s4;
	[dreg:$0x0] =	wrdreg $0x0  }
0xa8: {  	s4 =	sshll.u32 s28, $0x1;
	[dreg:$0x2] =	wrdreg s2  }
0xa9: {  	[dreg:$0x3] =	wrdreg s4  }
0xaa: {  	[dreg:$0x4] =	wrdreg $0xC0  }
0xab: {  	_ =	task [dreg:s6], $0x5FFFF  }
0xac: {  	[dreg:$0x1] =	wrdreg $0xFFFFFFFF  }
0xad: {  	[dreg:$0x0] =	wrdreg $0x60  }
0xae: {  	[dreg:$0x2] =	wrdreg s24  }
0xaf: {  	[dreg:$0x3] =	wrdreg $0x0  }
0xb0: {  	[dreg:$0x4] =	wrdreg $0x9  }
0xb1: {  	_ =	task.clear_ibuf [dreg:s6], $0x5FFFF;
	_ =	strace $0x90000046  }
0xb2: {  	s29 =	simm.s32 $0x9;
	_ =	strace $0x80000048  }
0xb3: {  	_ =	swait.ge [sflag:s29], $0x1  }
0xb4: {  	[sflag:s29] =	ssyncadd.s32 $0xFFFFFFFF  }
0xb5: {  	_ =	strace $0x90000048  }
0xb6: {  	_ =	sfence  }
0xb7: {  	s30 =	sld [smem:$0x0];
	_ =	sdelay $0x2  }
0xb8: {  	s31 =	sshll.u32 s1, $0xD;
	s1 =	sshrl.u32 s1, $0x2  }
0xb9: {  	s3 =	sand.u32 $0x4000, s31;
	s1 =	sadd.s32 s1, s30  }
0xba: {  	s0 =	sor.u32 s3, s0;
	s1 =	sshll.u32 s1, $0x11  }
0xbb: {  	s0 =	sor.u32 s1, s0  }
0xbc: {  	s0 =	sadd.s32 $0x8F2B, s0  }
0xbd: {  	[sflag:s0] =	ssyncadd.remote.s32 $0x1  }
0xbe: {  	_ =	sfence.sel $0xFFFF  }
0xbf: {  	[dreg:$0x0] =	wrdreg $0xFFFFFFFF;
	(pc) =	sbr.abs _section_cstart, $3  }
0xc0: {  	[dreg:$0x1] =	wrdreg $0xFFFFFFFF  }
0xc1: {  	_ =	task.clear_ibuf [dreg:s6], $0x2FFFF;
	_ =	strace $0x9FFFFFFF  }
0xc2: {  	(tm) =	ssettm $0x7FFFFFFF  }
0xc3: {  	_ =	shalt  }
tec
execute0_lowered:
.L_overlay_start_1:
0x0: {  	(tag) =	ssettag $0x1  }
0x1: {  	s9 =	rddreg [dreg:$0x0];
	s1 =	stileid.u32  }
0x2: {  	s2 =	rddreg [dreg:$0x1];
	s6 =	smul.u32 $0x1880, s1  }
0x3: {  	s0 =	rddreg [dreg:$0x2];
	s3 =	simm.s32 $0x0;
	s26 =	smul.u32 $0x19400, s1  }
0x4: {  	s4 =	srdreg.scid;
	s21 =	simm.s32 $0x1;
	s28 =	smul.u32 $0x3280, s1  }
0x5: {  	s22 =	simm.s32 $0x0;
	s10 =	sand.u32 $0x1, s4;
	s29 =	smul.u32 $0x328, s1  }
0x6: {  	[smem:$0x7FF] =	sst s3;
	s11 =	sadd.s32 $0x3000, s9;
	s7 =	smul.u32 $0x18800, s10  }
0x7: {  	s4 =	sadd.s32 $0xC6600, s9;
	s18 =	sadd.s32 $0xC6900, s9;
	s24 =	smul.u32 $0x194000, s10  }
0x8: {  	s19 =	sadd.s32 $0xC6980, s9;
	_ =	strace $0x80000047;
	s17 =	smul.u32 $0x32800, s10  }
0x9: {  	s8 =	sshll.u32 s10, $0x4;
	s12 =	ssub.s32 $0x2, s10;
	s20 =	smul.u32 $0x3280, s10  }
0xa: {  	s5 =	sshrl.u32 s6, $0x3;
	s8 =	sor.u32 s1, s8;
	s13 =	sshrl.u32 s12, $0x1  }
0xb: {  	s5 =	sadd.s32 s5, s9;
	s7 =	sadd.s32 s6, s7;
	s14 =	smul.u32 $0x19400, s8  }
0xc: {  	s12 =	ssub.s32 s12, s13;
	s23 =	smul.u32 $0x3280, s8;
	s6 =	sadd.s32 s6, s2  }
0xd: {  	p0 =	seq.s32 s8, $0x1F;
	s13 =	sadd.s32 s26, s24;
	s31 =	sadd.s32 s29, s20  }
0xe: {  	s20 =	simm.s32 $0x2480;
	s7 =	sshrl.u32 s7, $0x3;
	s5 =	sadd.s32 $0xC9C00, s5  }
0xf: {  	s10 =	smax.u32 s12, $0x1;
	s15 =	sadd.s32 s7, s9;
	s25 =	sshrl.u32 s14, $0x3  }
0x10: {  	s16 =	sadd.s32 s23, s11;
	s14 =	simm.s32 $0x2500;
	s8 =	sadd.s32 s11, s25  }
0x11: {  	s9 =	sadd.s32 $0xCCE00, s15;
	s11 =	sadd.s32 s17, s11;
	s15 =	simm.s32 $0x3  }
0x12: {  	s17 =	simm.s32 $0x2;
	s7 =	sadd.s32 $0x61A80, s8;
	s8 =	sadd.s32 $0x61B00, s16  }
0x13: {  	s30 =	sadd.s32 s28, s11;
	s11 =	sadd.s32 $0xFFCF3400, s13;
	s13 =	sadd.s32 $0x10, s31  }
0x14: {  	s16 =	simm.s32 $0x1880;
	s7 =	smov.u32 @p0 s18;
	s8 =	smov.u32 @p0 s19  }
0x15: {  	v0 =	vimm.f32 $1.000000000e+00;
	s12 =	sadd.s32 $0x61B80, s30;
	s18 =	simm.s32 $0x1C80;
	s19 =	simm.s32 $0x80  }
.LBB2_1:
0x16: {  	[tilespmem:$0x2480] =	vst v0  }
0x17: {  	[tilespmem:$0x2490] =	vst v0  }
0x18: {  	[tilespmem:$0x24A0] =	vst v0  }
0x19: {  	[tilespmem:$0x24B0] =	vst v0  }
0x1a: {  	[tilespmem:$0x24C0] =	vst v0  }
0x1b: {  	[tilespmem:$0x24D0] =	vst v0  }
0x1c: {  	[tilespmem:$0x24E0] =	vst v0  }
0x1d: {  	[tilespmem:$0x24F0] =	vst v0  }
0x1e: {  	[tilespmem:s14], [sflag:$0x3] =	stream.linear.gather [hbm4b:s5+s3], $0x1880, $0x38;
	[tilespmem:$0x3D80] =	vst v63  }
0x1f: {  	_ =	swait.ge [sflag:s15], $0x1880  }
0x20: {  	[sflag:s15] =	ssyncset.done $0x0  }
0x21: {  	[sflag:s15] =	ssyncadd.s32 $0xFFFFE780  }
0x22: {  	[spmem:s6] =	stream.linear.scatter [tilespmem:s14], [sflag:$0x3], $0x1880, $0x38;
	[tilespmem:$0x3D80] =	vst v63  }
0x23: {  	_ =	swait.ge [sflag:s15], $0x1880  }
0x24: {  	[sflag:s15] =	ssyncset.done $0x0  }
0x25: {  	[sflag:s15] =	ssyncadd.s32 $0xFFFFE780  }
0x26: {  	[bflag:$0x0] =	sbarrier.arrive $0xFFFF  }
0x27: {  	[tilespmem:s16], [sflag:$0x2] =	stream.linear.gather [hbm4b:s7+s3], $0x400, $0x38;
	[tilespmem:$0x3D80] =	vst v63  }
0x28: {  	_ =	swait.ge [sflag:s17], $0x400  }
0x29: {  	s23 =	smov.u32 s13;
	s24 =	smov.u32 s12;
	[sflag:s17] =	ssyncset.done $0x0  }
0x2a: {  	s25 =	smov.u32 s11;
	s26 =	simm.s32 $0x0;
	[sflag:s17] =	ssyncadd.s32 $0xFFFFFC00  }
0x2b: {  	[tilespmem:s18], [sflag:$0x2] =	stream.linear.gather [hbm4b:s8+s3], $0x400, $0x38;
	[tilespmem:$0x3D80] =	vst v63  }
.LBB2_2:
0x2c: {  	s28 =	smul.u32 $0xAB, s26;
	_ =	sdelay $0x1  }
0x2d: {  	s29 =	sshrl.u32 s28, $0x9  }
0x2e: {  	s29 =	sand.u32 $0x7F, s29  }
0x2f: {  	s29 =	smul.u32 $0x3, s29  }
0x30: {  	p0 =	seq.s32 s26, $0x0  }
0x31: {  	s30 =	simm.s32 @!p0 $0x1;
	s29 =	ssub.s32 s26, s29  }
0x32: {  	_ =	swait.ge @!p0 [sflag:s30], $0x400;
	s29 =	sand.u32 $0xFF, s29  }
0x33: {  	[sflag:s30] =	ssyncset.done @!p0 $0x0;
	s29 =	sshll.u32 s29, $0xA  }
0x34: {  	[sflag:s30] =	ssyncadd.s32 @!p0 $0xFFFFFC00;
	s31 =	sadd.s32 $0x1880, s29  }
0x35: {  	[spmem:s2] =	stream.indirect.scatter.add.f32 [tilespmem:s20], [sflag:$0x1], $0x1, s31, s19, $0xb8;
	[tilespmem:$0x3D80] =	vst v63  }
0x36: {  	s31 =	sadd.s32 $0x1900, s29  }
0x37: {  	[spmem:s2] =	stream.indirect.scatter.add.f32 [tilespmem:s20], [sflag:$0x1], $0x1, s31, s19, $0xb8;
	[tilespmem:$0x3D80] =	vst v63  }
0x38: {  	s31 =	sadd.s32 $0x1980, s29  }
0x39: {  	[spmem:s2] =	stream.indirect.scatter.add.f32 [tilespmem:s20], [sflag:$0x1], $0x1, s31, s19, $0xb8;
	[tilespmem:$0x3D80] =	vst v63  }
0x3a: {  	s31 =	sadd.s32 $0x1A00, s29  }
0x3b: {  	[spmem:s2] =	stream.indirect.scatter.add.f32 [tilespmem:s20], [sflag:$0x1], $0x1, s31, s19, $0xb8;
	[tilespmem:$0x3D80] =	vst v63  }
0x3c: {  	s31 =	sadd.s32 $0x1A80, s29  }
0x3d: {  	[spmem:s2] =	stream.indirect.scatter.add.f32 [tilespmem:s20], [sflag:$0x1], $0x1, s31, s19, $0xb8;
	[tilespmem:$0x3D80] =	vst v63  }
0x3e: {  	s28 =	sadd.s32 $0x156, s28;
	s31 =	sadd.s32 $0x1B00, s29  }
0x3f: {  	[spmem:s2] =	stream.indirect.scatter.add.f32 [tilespmem:s20], [sflag:$0x1], $0x1, s31, s19, $0xb8;
	[tilespmem:$0x3D80] =	vst v63  }
0x40: {  	s28 =	sshrl.u32 s28, $0x9;
	s31 =	sadd.s32 $0x1B80, s29  }
0x41: {  	[spmem:s2] =	stream.indirect.scatter.add.f32 [tilespmem:s20], [sflag:$0x1], $0x1, s31, s19, $0xb8;
	[tilespmem:$0x3D80] =	vst v63  }
0x42: {  	s28 =	sand.u32 $0x7F, s28;
	p0 =	seq.s32 s26, $0x64;
	s29 =	sadd.s32 $0x1C00, s29  }
0x43: {  	[spmem:s2] =	stream.indirect.scatter.add.f32 [tilespmem:s20], [sflag:$0x1], $0x1, s29, s19, $0xb8;
	[tilespmem:$0x3D80] =	vst v63  }
0x44: {  	s28 =	smul.u32 $0x3, s28;
	p1 =	sgt.u32 @!p0 s26, $0x62;
	s29 =	simm.s32 @!p0 $0x2  }
0x45: {  	p2 =	por p1, p0;
	_ =	swait.ge @!p0 [sflag:s29], $0x400  }
0x46: {  	s28 =	ssub.s32 s26, s28;
	p3 =	slt.u32 @!p2 s23, $0x61A8;
	[sflag:s29] =	ssyncset.done @!p0 $0x0  }
0x47: {  	p1 =	por @!p0 !p3, p1;
	[sflag:s29] =	ssyncadd.s32 @!p0 $0xFFFFFC00;
	s29 =	sshrl.u32 @!p2 s25, $0x3  }
0x48: {  	s26 =	sadd.s32 @!p0 $0x1, s26;
	p1 =	por !p1, p0;
	s29 =	sadd.s32 @!p2 s4, s29  }
0x49: {  	s29 =	smov.u32 @p1 s24;
	p1 =	sne.s32 @!p0 s26, $0x65  }
0x4a: {  	p1 =	por p0, !p1  }
.Ltmp0:
0x4b: {  	s28 =	sadd.s32 $0x2, s28;
	(pc) =	sbr.rel @!p1 .LBB2_2-.Ltmp0, $4  }
0x4c: {  	s28 =	sand.u32 $0xFF, s28  }
0x4d: {  	s30 =	simm.s32 @!p2 $0x0;
	s23 =	sadd.s32 @!p0 $0x8, s23;
	s28 =	sshll.u32 @!p2 s28, $0xA  }
0x4e: {  	s28 =	sadd.s32 @!p2 $0x1880, s28;
	s25 =	sadd.s32 @!p0 $0x400, s25;
	s24 =	sadd.s32 @!p0 $0x80, s24  }
0x4f: {  	[tilespmem:s28], [sflag:$0x2] =	stream.linear.gather @!p2 [hbm4b:s29+s30], $0x400, $0x38;
	[tilespmem:$0x3D80] =	vst v63  }
0x50: {  	_ =	swait.ge [sflag:s21], $0x400  }
0x51: {  	[sflag:s21] =	ssyncset.done $0x0  }
0x52: {  	[sflag:s21] =	ssyncadd.s32 $0xFFFFFC00  }
0x53: {  	[bflag:$0x0] =	sbarrier.arrive $0xFFFF  }
0x54: {  	[tilespmem:s14], [sflag:$0x3] =	stream.linear.gather [spmem:s6], $0x1880, $0x38;
	[tilespmem:$0x3D80] =	vst v63  }
0x55: {  	s22 =	sadd.s32 $0x1, s22;
	_ =	swait.ge [sflag:s15], $0x1880  }
0x56: {  	p0 =	sne.s32 s22, s10;
	[sflag:s15] =	ssyncset.done $0x0  }
.Ltmp1:
0x57: {  	[sflag:s15] =	ssyncadd.s32 $0xFFFFE780;
	(pc) =	sbr.rel @p0 .LBB2_1-.Ltmp1, $4  }
0x58: {  	[hbm4b:s9+s3] =	stream.linear.scatter [tilespmem:s14], [sflag:$0x3], $0x1880, $0x38;
	[tilespmem:$0x3D80] =	vst v63  }
0x59: {  	_ =	swait.ge [sflag:s15], $0x1880  }
0x5a: {  	[sflag:s15] =	ssyncset.done $0x0  }
0x5b: {  	[sflag:s15] =	ssyncadd.s32 $0xFFFFE780  }
0x5c: {  	_ =	sfence.sel $0x180000  }
0x5d: {  	[bflag:$0x0] =	sbarrier.arrive $0xFFFF  }
0x5e: {  	p0 =	sne.s32 s1, $0x0;
	_ =	strace $0x90000047  }
0x5f: {  	s0 =	sadd.s32 @!p0 $0x100000, s0;
	[bflag:$0x2] =	sbarrier.arrive $0xFFFF  }
0x60: {  	[sflag:s0] =	ssyncadd.tile.s32 @!p0 $0x1;
	_ =	shalt  }
.Lfunc_end2:
_tile_overlayer_lowered:
.L_overlay_start_2:
0x61: {  	(tag) =	ssettag $0x2  }
0x62: {  	s0 =	rddreg [dreg:$0x0];
	s2 =	stileid.u32  }
0x63: {  	s1 =	rddreg [dreg:$0x1];
	p0 =	sne.s32 s2, $0x0  }
0x64: {  	s3 =	rddreg [dreg:$0x2];
	[bflag:$0x3] =	sbarrier.arrive $0xFFFF;
	s2 =	simm.s32 @!p0 $0x1C03  }
0x65: {  	[timem:s3], [sflag:s2] =	dma.local @!p0 [hbm:s0], s1  }
0x66: {  	s0 =	simm.s32 @!p0 $0x3  }
0x67: {  	_ =	swait.ge @!p0 [sflag:s0], s1  }
0x68: {  	s1 =	ssub.s32 @!p0 $0x0, s1;
	[sflag:s0] =	ssyncset.done @!p0 $0x0  }
0x69: {  	[sflag:s0] =	ssyncadd.s32 @!p0 s1  }
0x6a: {  	[bflag:$0x3] =	sbarrier.arrive $0xFFFF  }
0x6b: {  	_ =	shalt  }

</sc_bundles>
